<compile_context>
chip_gen: v7x
topology: tpu7x:2x2x1
jax: 0.10.2.dev20260603
libtpu: 0.0.44.dev20260713+nightly
codegen_flags: <defaults>
</compile_context>

<pallas_src>
import jax
import jax.numpy as jnp
from jax import lax
from jax.experimental import pallas as pl
from jax.experimental.pallas import tpu as pltpu
from jax.experimental.pallas import tpu_sc as plsc

N = 10000
D = 128
E = 320000
MU = 0.5
SIGMA = 1.0

N_PAD = 10240
NW = 32
G = 32
NG0 = 640
NG1 = 0
E_PAD = 16 * (NG0 + NG1) * G
IC = 32
RPS = N_PAD // 16
HW = 8


def _build_sc_agg(with_deg: bool):
    mesh = plsc.VectorSubcoreMesh(core_axis_name="c", subcore_axis_name="s")
    out_type = [jax.ShapeDtypeStruct((2, N_PAD, D), jnp.float32)]
    scratch = [
        pltpu.VMEM((IC, G), jnp.int32),
        pltpu.VMEM((IC, G), jnp.int32),
        pltpu.VMEM((G, D), jnp.float32),
        pltpu.VMEM((G, D), jnp.float32),
        pltpu.VMEM((G, D), jnp.float32),
        pltpu.VMEM((G, D), jnp.float32),
        pltpu.VMEM((16, D), jnp.float32),
        pltpu.VMEM_SHARED((N_PAD, D), jnp.float32),
        pltpu.SemaphoreType.DMA,
        pltpu.SemaphoreType.DMA,
        pltpu.SemaphoreType.DMA,
        pltpu.SemaphoreType.DMA,
    ]
    if with_deg:
        out_type.append(jax.ShapeDtypeStruct((2, N_PAD), jnp.float32))
        scratch += [
            pltpu.VMEM((G,), jnp.float32),
            pltpu.VMEM((RPS,), jnp.float32),
            pltpu.VMEM_SHARED((N_PAD,), jnp.float32),
        ]

    def body(x_hbm, src_hbm, dst_hbm, *refs):
        if with_deg:
            (agg_hbm, deg_hbm, src_v, dst_v, r0, r1, r2, r3, zb_v,
             acc, s0, s1, s2, s3, ones_v, zd_v, dacc) = refs
        else:
            (agg_hbm, src_v, dst_v, r0, r1, r2, r3, zb_v, acc,
             s0, s1, s2, s3) = refs
        rows = (r0, r1, r2, r3)
        sems = (s0, s1, s2, s3)
        cid = lax.axis_index("c")
        sid = lax.axis_index("s")
        gb = (1 - cid) * (sid * NG0) + cid * (16 * NG0 + sid * NG1)
        nout = (1 - cid) * (NG0 // IC) + cid * (NG1 // IC)
        base = sid * RPS

        zeros16 = jnp.zeros((16,), jnp.float32)
        for r in range(16):
            for c in range(D // 16):
                zb_v[r, pl.ds(c * 16, 16)] = zeros16
        if with_deg:
            ones16 = jnp.ones((16,), jnp.float32)
            for r in range(G // 16):
                ones_v[pl.ds(r * 16, 16)] = ones16
            for r in range(RPS // 16):
                zd_v[pl.ds(r * 16, 16)] = zeros16

        def zloop(r, carry):
            pltpu.sync_copy(zb_v, acc.at[pl.ds(base + r * 16, 16), :])
            return carry
        lax.fori_loop(0, RPS // 16, zloop, 0)
        if with_deg:
            pltpu.sync_copy(zd_v, dacc.at[pl.ds(base, RPS)])
        plsc.subcore_barrier()

        def fire(b, g):
            pltpu.async_copy(x_hbm.at[src_v.at[g]], rows[b], sems[b])

        def wait(b, g):
            pltpu.make_async_copy(
                x_hbm.at[src_v.at[g]], rows[b], sems[b]).wait()

        def scat(b, g):
            pltpu.sync_copy(rows[b], acc.at[dst_v.at[g]], add=True)
            if with_deg:
                pltpu.sync_copy(ones_v, dacc.at[dst_v.at[g]], add=True)

        def oloop(o, carry):
            pltpu.sync_copy(src_hbm.at[pl.ds(gb + o * IC, IC), :], src_v)
            pltpu.sync_copy(dst_hbm.at[pl.ds(gb + o * IC, IC), :], dst_v)
            for b in range(3):
                fire(b, b)

            def eloop(j, c2):
                g4 = 4 * j
                for b in range(4):
                    g = g4 + b

                    @pl.when(g + 3 < IC)
                    def _(b=b, g=g):
                        fire((b + 3) % 4, g + 3)
                    wait(b, g)
                    scat(b, g)
                return c2
            lax.fori_loop(0, IC // 4, eloop, 0)
            return carry
        lax.fori_loop(0, nout, oloop, 0)
        plsc.subcore_barrier()

        pltpu.sync_copy(acc.at[pl.ds(base, RPS), :],
                        agg_hbm.at[cid, pl.ds(base, RPS), :])
        if with_deg:
            pltpu.sync_copy(dacc.at[pl.ds(base, RPS)],
                            deg_hbm.at[cid, pl.ds(base, RPS)])

    return pl.kernel(body, out_type=tuple(out_type), mesh=mesh,
                     scratch_types=scratch)


_SC_AGG_DEG = _build_sc_agg(True)
_SC_AGG = _build_sc_agg(False)

_TCB = 1024


def _tc_layer(x_pad, aggp, degp3, w_s, w_n, b):
    def body(x_ref, a_ref, d_ref, ws_ref, wn_ref, b_ref, o_ref):
        dg = jnp.maximum(d_ref[0] + d_ref[1], 1.0)
        agg = (a_ref[0] + a_ref[1]) / dg
        h = jnp.dot(x_ref[...], ws_ref[...], preferred_element_type=jnp.float32)
        h = h + jnp.dot(agg, wn_ref[...], preferred_element_type=jnp.float32)
        o_ref[...] = jnp.maximum(h + b_ref[...], 0.0)

    return pl.pallas_call(
        body,
        grid=(N_PAD // _TCB,),
        in_specs=[
            pl.BlockSpec((_TCB, D), lambda i: (i, 0)),
            pl.BlockSpec((2, _TCB, D), lambda i: (0, i, 0)),
            pl.BlockSpec((2, _TCB, 1), lambda i: (0, i, 0)),
            pl.BlockSpec((D, D), lambda i: (0, 0)),
            pl.BlockSpec((D, D), lambda i: (0, 0)),
            pl.BlockSpec((1, D), lambda i: (0, 0)),
        ],
        out_specs=pl.BlockSpec((_TCB, D), lambda i: (i, 0)),
        out_shape=jax.ShapeDtypeStruct((N_PAD, D), jnp.float32),
    )(x_pad, aggp, degp3, w_s, w_n, b)


def _tc_layer_head(h1, aggp, degp3, w_s, w_n, b, w_out, b_out):
    def body(x_ref, a_ref, d_ref, ws_ref, wn_ref, b_ref, wo_ref, bo_ref, o_ref):
        dg = jnp.maximum(d_ref[0] + d_ref[1], 1.0)
        agg = (a_ref[0] + a_ref[1]) / dg
        h = jnp.dot(x_ref[...], ws_ref[...], preferred_element_type=jnp.float32)
        h = h + jnp.dot(agg, wn_ref[...], preferred_element_type=jnp.float32)
        h2 = jnp.maximum(h + b_ref[...], 0.0)
        y = jnp.dot(h2, wo_ref[...], preferred_element_type=jnp.float32)
        z = (y + bo_ref[...] - MU) / SIGMA
        o_ref[...] = jnp.exp(-0.5 * z * z)

    return pl.pallas_call(
        body,
        grid=(N_PAD // _TCB,),
        in_specs=[
            pl.BlockSpec((_TCB, D), lambda i: (i, 0)),
            pl.BlockSpec((2, _TCB, D), lambda i: (0, i, 0)),
            pl.BlockSpec((2, _TCB, 1), lambda i: (0, i, 0)),
            pl.BlockSpec((D, D), lambda i: (0, 0)),
            pl.BlockSpec((D, D), lambda i: (0, 0)),
            pl.BlockSpec((1, D), lambda i: (0, 0)),
            pl.BlockSpec((D, HW), lambda i: (0, 0)),
            pl.BlockSpec((1, HW), lambda i: (0, 0)),
        ],
        out_specs=pl.BlockSpec((_TCB, HW), lambda i: (i, 0)),
        out_shape=jax.ShapeDtypeStruct((N_PAD, HW), jnp.float32),
    )(h1, aggp, degp3, w_s, w_n, b, w_out, b_out)


def kernel(x, edge_index, W1_self, W1_nbr, b1, W2_self, W2_nbr, b2, W_out, b_out):
    src = edge_index[0]
    dst = edge_index[1]
    pad_e = E_PAD - E
    srcr = jnp.concatenate(
        [src, jnp.zeros((pad_e,), jnp.int32)]).reshape(E_PAD // G, G)
    dstr = jnp.concatenate(
        [dst, jnp.full((pad_e,), N_PAD - 1, jnp.int32)]).reshape(E_PAD // G, G)
    x_pad = jnp.pad(x, ((0, N_PAD - N), (0, 0)))

    agg1p, degp = _SC_AGG_DEG(x_pad, srcr, dstr)
    degp3 = degp.reshape(2, N_PAD, 1)
    h1 = _tc_layer(x_pad, agg1p, degp3, W1_self, W1_nbr, b1.reshape(1, D))
    (agg2p,) = _SC_AGG(h1, srcr, dstr)
    out_w = _tc_layer_head(
        h1, agg2p, degp3, W2_self, W2_nbr, b2.reshape(1, D),
        jnp.pad(W_out, ((0, 0), (0, HW - 1))),
        jnp.pad(b_out, (0, HW - 1)).reshape(1, HW))
    return out_w[:N, :1]

# --- scband reference (transcript-rebuilt; emitter-appended) ---
"""Pipeline reference for scband-rcmodel-61684320305700 (READ-ONLY COPY).

The authoritative reference and input builder live on the scoring server;
editing this copy changes nothing except your own understanding.
"""

import jax, jax.numpy as jnp
import numpy as np

N = 10000
E = 320000
D = 128
MU = 0.5
SIGMA = 1.0


def setup_inputs(seed: int = 0) -> dict:
    key = jax.random.key(seed)
    ks = jax.random.split(key, 10)
    x = jax.random.normal(ks[0], (N, D), dtype=jnp.float32)
    edge_index = jax.random.randint(ks[1], (2, E), 0, N, dtype=jnp.int32)
    s = 1.0 / np.sqrt(D)
    W1_self = jax.random.normal(ks[2], (D, D), dtype=jnp.float32) * s
    W1_nbr = jax.random.normal(ks[3], (D, D), dtype=jnp.float32) * s
    b1 = jnp.zeros((D,), dtype=jnp.float32)
    W2_self = jax.random.normal(ks[4], (D, D), dtype=jnp.float32) * s
    W2_nbr = jax.random.normal(ks[5], (D, D), dtype=jnp.float32) * s
    b2 = jnp.zeros((D,), dtype=jnp.float32)
    W_out = jax.random.normal(ks[6], (D, 1), dtype=jnp.float32) * s
    b_out = jnp.zeros((1,), dtype=jnp.float32)
    return {"x": x, "edge_index": edge_index, "W1_self": W1_self, "W1_nbr": W1_nbr,
            "b1": b1, "W2_self": W2_self, "W2_nbr": W2_nbr, "b2": b2,
            "W_out": W_out, "b_out": b_out}


def reference(x, edge_index, W1_self, W1_nbr, b1, W2_self, W2_nbr, b2, W_out, b_out):
    # GNN (2-layer mean-aggregation message passing) wrapped by RCModel
    src = edge_index[0]
    dst = edge_index[1]
    # in-degree for mean aggregation (shared across layers)
    deg = jax.ops.segment_sum(jnp.ones((E,), dtype=x.dtype), dst, num_segments=N)
    deg = jnp.maximum(deg, 1.0)[:, None]
    # layer 1: gather messages from src, scatter-add to dst, mean-normalize
    agg1 = jax.ops.segment_sum(x[src], dst, num_segments=N) / deg
    h = jax.nn.relu(x @ W1_self + agg1 @ W1_nbr + b1)
    # layer 2
    agg2 = jax.ops.segment_sum(h[src], dst, num_segments=N) / deg
    h = jax.nn.relu(h @ W2_self + agg2 @ W2_nbr + b2)
    # per-node scalar output head
    gnn_out = h @ W_out + b_out  # [N, 1]
    # RCModel gaussian filter_function
    return jnp.exp(-0.5 * ((gnn_out - MU) / SIGMA) ** 2)

if __name__ == "__main__":
    import jax
    _d = setup_inputs()
    print(jax.jit(kernel)(*tuple(_d.values())))

</pallas_src>

<mosaic_0001>
#map = affine_map<(d0, d1) -> (0, 0)>
#map1 = affine_map<(d0, d1) -> (0, 0, 0)>
module attributes {stable_mosaic.version = 14 : i64} {
  func.func @body(%arg0: i32, %arg1: i32, %arg2: memref<10240x128xf32, #tpu.memory_space<hbm>>, %arg3: memref<10240x32xi32, #tpu.memory_space<hbm>>, %arg4: memref<10240x32xi32, #tpu.memory_space<hbm>>, %arg5: memref<2x10240x128xf32, #tpu.memory_space<hbm>>, %arg6: memref<32x32xi32, #tpu.memory_space<vmem>>, %arg7: memref<32x32xi32, #tpu.memory_space<vmem>>, %arg8: memref<32x128xf32, #tpu.memory_space<vmem>>, %arg9: memref<32x128xf32, #tpu.memory_space<vmem>>, %arg10: memref<32x128xf32, #tpu.memory_space<vmem>>, %arg11: memref<32x128xf32, #tpu.memory_space<vmem>>, %arg12: memref<16x128xf32, #tpu.memory_space<vmem>>, %arg13: memref<10240x128xf32, #tpu.memory_space<vmem_shared>>, %arg14: memref<!tpu.dma_semaphore, #tpu.memory_space<semaphore_mem>>, %arg15: memref<!tpu.dma_semaphore, #tpu.memory_space<semaphore_mem>>, %arg16: memref<!tpu.dma_semaphore, #tpu.memory_space<semaphore_mem>>, %arg17: memref<!tpu.dma_semaphore, #tpu.memory_space<semaphore_mem>>) attributes {dimension_semantics = [#tpu.dimension_semantics<core_parallel>, #tpu.dimension_semantics<subcore_parallel>], iteration_bounds = array<i64: 2, 16>, scalar_prefetch = 0 : i64, scratch_operands = 12 : i64, tpu.core_type = #tpu.core_type<sc_vector_subcore>, window_params = [{transform_indices = #map}, {transform_indices = #map}, {transform_indices = #map}, {transform_indices = #map1}]} {
    %sub3A = arith.constant 1 : i32
    %sub3A_0 = arith.subi %sub3A, %arg0 : i32
    %mul3A = arith.constant 640 : i32
    %mul3A_1 = arith.muli %arg1, %mul3A : i32
    %mul3A_2 = arith.muli %sub3A_0, %mul3A_1 : i32
    %mul3A_3 = arith.constant 0 : i32
    %mul3A_4 = arith.muli %arg1, %mul3A_3 : i32
    %add3A = arith.constant 10240 : i32
    %add3A_5 = arith.addi %add3A, %mul3A_4 : i32
    %mul3A_6 = arith.muli %arg0, %add3A_5 : i32
    %add3A_7 = arith.addi %mul3A_2, %mul3A_6 : i32
    %sub3A_8 = arith.constant 1 : i32
    %sub3A_9 = arith.subi %sub3A_8, %arg0 : i32
    %mul3A_10 = arith.constant 20 : i32
    %mul3A_11 = arith.muli %sub3A_9, %mul3A_10 : i32
    %mul3A_12 = arith.constant 0 : i32
    %mul3A_13 = arith.muli %arg0, %mul3A_12 : i32
    %add3A_14 = arith.addi %mul3A_11, %mul3A_13 : i32
    %mul3A_15 = arith.constant 640 : i32
    %mul3A_16 = arith.muli %arg1, %mul3A_15 : i32
    %broadcast_in_dim3A = arith.constant 0.000000e+00 : f32
    %broadcast_in_dim3A_17 = vector.broadcast %broadcast_in_dim3A : f32 to vector<16xf32>
    %swap3A = arith.constant 0 : i32
    %swap3A_18 = arith.index_cast %swap3A : i32 to index
    %swap3A_19 = arith.constant 0 : index
    %swap3A_20 = tpu.vector_load %arg12[%swap3A_18, %swap3A_19] {strides = array<i32>} : memref<16x128xf32, #tpu.memory_space<vmem>>, vector<1x16xf32>,
    %swap3A_21 = vector.shape_cast %swap3A_20 : vector<1x16xf32> to vector<16xf32>
    %swap3A_22 = vector.shape_cast %broadcast_in_dim3A_17 : vector<16xf32> to vector<1x16xf32>
    tpu.vector_store %arg12[%swap3A_18, %swap3A_19], %swap3A_22 {strides = array<i32>} : memref<16x128xf32, #tpu.memory_space<vmem>>, vector<1x16xf32>,
    %swap3A_23 = arith.constant 0 : i32
    %swap3A_24 = arith.index_cast %swap3A_23 : i32 to index
    %swap3A_25 = arith.constant 16 : index
    %swap3A_26 = tpu.vector_load %arg12[%swap3A_24, %swap3A_25] {strides = array<i32>} : memref<16x128xf32, #tpu.memory_space<vmem>>, vector<1x16xf32>,
    %swap3A_27 = vector.shape_cast %swap3A_26 : vector<1x16xf32> to vector<16xf32>
    %swap3A_28 = vector.shape_cast %broadcast_in_dim3A_17 : vector<16xf32> to vector<1x16xf32>
    tpu.vector_store %arg12[%swap3A_24, %swap3A_25], %swap3A_28 {strides = array<i32>} : memref<16x128xf32, #tpu.memory_space<vmem>>, vector<1x16xf32>,
    %swap3A_29 = arith.constant 0 : i32
    %swap3A_30 = arith.index_cast %swap3A_29 : i32 to index
    %swap3A_31 = arith.constant 32 : index
    %swap3A_32 = tpu.vector_load %arg12[%swap3A_30, %swap3A_31] {strides = array<i32>} : memref<16x128xf32, #tpu.memory_space<vmem>>, vector<1x16xf32>,
    %swap3A_33 = vector.shape_cast %swap3A_32 : vector<1x16xf32> to vector<16xf32>
    %swap3A_34 = vector.shape_cast %broadcast_in_dim3A_17 : vector<16xf32> to vector<1x16xf32>
    tpu.vector_store %arg12[%swap3A_30, %swap3A_31], %swap3A_34 {strides = array<i32>} : memref<16x128xf32, #tpu.memory_space<vmem>>, vector<1x16xf32>,
    %swap3A_35 = arith.constant 0 : i32
    %swap3A_36 = arith.index_cast %swap3A_35 : i32 to index
    %swap3A_37 = arith.constant 48 : index
    %swap3A_38 = tpu.vector_load %arg12[%swap3A_36, %swap3A_37] {strides = array<i32>} : memref<16x128xf32, #tpu.memory_space<vmem>>, vector<1x16xf32>,
    %swap3A_39 = vector.shape_cast %swap3A_38 : vector<1x16xf32> to vector<16xf32>
    %swap3A_40 = vector.shape_cast %broadcast_in_dim3A_17 : vector<16xf32> to vector<1x16xf32>
    tpu.vector_store %arg12[%swap3A_36, %swap3A_37], %swap3A_40 {strides = array<i32>} : memref<16x128xf32, #tpu.memory_space<vmem>>, vector<1x16xf32>,
    %swap3A_41 = arith.constant 0 : i32
    %swap3A_42 = arith.index_cast %swap3A_41 : i32 to index
    %swap3A_43 = arith.constant 64 : index
    %swap3A_44 = tpu.vector_load %arg12[%swap3A_42, %swap3A_43] {strides = array<i32>} : memref<16x128xf32, #tpu.memory_space<vmem>>, vector<1x16xf32>,
    %swap3A_45 = vector.shape_cast %swap3A_44 : vector<1x16xf32> to vector<16xf32>
    %swap3A_46 = vector.shape_cast %broadcast_in_dim3A_17 : vector<16xf32> to vector<1x16xf32>
    tpu.vector_store %arg12[%swap3A_42, %swap3A_43], %swap3A_46 {strides = array<i32>} : memref<16x128xf32, #tpu.memory_space<vmem>>, vector<1x16xf32>,
    %swap3A_47 = arith.constant 0 : i32
    %swap3A_48 = arith.index_cast %swap3A_47 : i32 to index
    %swap3A_49 = arith.constant 80 : index
    %swap3A_50 = tpu.vector_load %arg12[%swap3A_48, %swap3A_49] {strides = array<i32>} : memref<16x128xf32, #tpu.memory_space<vmem>>, vector<1x16xf32>,
    %swap3A_51 = vector.shape_cast %swap3A_50 : vector<1x16xf32> to vector<16xf32>
    %swap3A_52 = vector.shape_cast %broadcast_in_dim3A_17 : vector<16xf32> to vector<1x16xf32>
    tpu.vector_store %arg12[%swap3A_48, %swap3A_49], %swap3A_52 {strides = array<i32>} : memref<16x128xf32, #tpu.memory_space<vmem>>, vector<1x16xf32>,
    %swap3A_53 = arith.constant 0 : i32
    %swap3A_54 = arith.index_cast %swap3A_53 : i32 to index
    %swap3A_55 = arith.constant 96 : index
    %swap3A_56 = tpu.vector_load %arg12[%swap3A_54, %swap3A_55] {strides = array<i32>} : memref<16x128xf32, #tpu.memory_space<vmem>>, vector<1x16xf32>,
    %swap3A_57 = vector.shape_cast %swap3A_56 : vector<1x16xf32> to vector<16xf32>
    %swap3A_58 = vector.shape_cast %broadcast_in_dim3A_17 : vector<16xf32> to vector<1x16xf32>
    tpu.vector_store %arg12[%swap3A_54, %swap3A_55], %swap3A_58 {strides = array<i32>} : memref<16x128xf32, #tpu.memory_space<vmem>>, vector<1x16xf32>,
    %swap3A_59 = arith.constant 0 : i32
    %swap3A_60 = arith.index_cast %swap3A_59 : i32 to index
    %swap3A_61 = arith.constant 112 : index
    %swap3A_62 = tpu.vector_load %arg12[%swap3A_60, %swap3A_61] {strides = array<i32>} : memref<16x128xf32, #tpu.memory_space<vmem>>, vector<1x16xf32>,
    %swap3A_63 = vector.shape_cast %swap3A_62 : vector<1x16xf32> to vector<16xf32>
    %swap3A_64 = vector.shape_cast %broadcast_in_dim3A_17 : vector<16xf32> to vector<1x16xf32>
    tpu.vector_store %arg12[%swap3A_60, %swap3A_61], %swap3A_64 {strides = array<i32>} : memref<16x128xf32, #tpu.memory_space<vmem>>, vector<1x16xf32>,
    %swap3A_65 = arith.constant 1 : i32
    %swap3A_66 = arith.index_cast %swap3A_65 : i32 to index
    %swap3A_67 = arith.constant 0 : index
    %swap3A_68 = tpu.vector_load %arg12[%swap3A_66, %swap3A_67] {strides = array<i32>} : memref<16x128xf32, #tpu.memory_space<vmem>>, vector<1x16xf32>,
    %swap3A_69 = vector.shape_cast %swap3A_68 : vector<1x16xf32> to vector<16xf32>
    %swap3A_70 = vector.shape_cast %broadcast_in_dim3A_17 : vector<16xf32> to vector<1x16xf32>
    tpu.vector_store %arg12[%swap3A_66, %swap3A_67], %swap3A_70 {strides = array<i32>} : memref<16x128xf32, #tpu.memory_space<vmem>>, vector<1x16xf32>,
    %swap3A_71 = arith.constant 1 : i32
    %swap3A_72 = arith.index_cast %swap3A_71 : i32 to index
    %swap3A_73 = arith.constant 16 : index
    %swap3A_74 = tpu.vector_load %arg12[%swap3A_72, %swap3A_73] {strides = array<i32>} : memref<16x128xf32, #tpu.memory_space<vmem>>, vector<1x16xf32>,
    %swap3A_75 = vector.shape_cast %swap3A_74 : vector<1x16xf32> to vector<16xf32>
    %swap3A_76 = vector.shape_cast %broadcast_in_dim3A_17 : vector<16xf32> to vector<1x16xf32>
    tpu.vector_store %arg12[%swap3A_72, %swap3A_73], %swap3A_76 {strides = array<i32>} : memref<16x128xf32, #tpu.memory_space<vmem>>, vector<1x16xf32>,
    %swap3A_77 = arith.constant 1 : i32
    %swap3A_78 = arith.index_cast %swap3A_77 : i32 to index
    %swap3A_79 = arith.constant 32 : index
    %swap3A_80 = tpu.vector_load %arg12[%swap3A_78, %swap3A_79] {strides = array<i32>} : memref<16x128xf32, #tpu.memory_space<vmem>>, vector<1x16xf32>,
    %swap3A_81 = vector.shape_cast %swap3A_80 : vector<1x16xf32> to vector<16xf32>
    %swap3A_82 = vector.shape_cast %broadcast_in_dim3A_17 : vector<16xf32> to vector<1x16xf32>
    tpu.vector_store %arg12[%swap3A_78, %swap3A_79], %swap3A_82 {strides = array<i32>} : memref<16x128xf32, #tpu.memory_space<vmem>>, vector<1x16xf32>,
    %swap3A_83 = arith.constant 1 : i32
    %swap3A_84 = arith.index_cast %swap3A_83 : i32 to index
    %swap3A_85 = arith.constant 48 : index
    %swap3A_86 = tpu.vector_load %arg12[%swap3A_84, %swap3A_85] {strides = array<i32>} : memref<16x128xf32, #tpu.memory_space<vmem>>, vector<1x16xf32>,
    %swap3A_87 = vector.shape_cast %swap3A_86 : vector<1x16xf32> to vector<16xf32>
    %swap3A_88 = vector.shape_cast %broadcast_in_dim3A_17 : vector<16xf32> to vector<1x16xf32>
    tpu.vector_store %arg12[%swap3A_84, %swap3A_85], %swap3A_88 {strides = array<i32>} : memref<16x128xf32, #tpu.memory_space<vmem>>, vector<1x16xf32>,
    %swap3A_89 = arith.constant 1 : i32
    %swap3A_90 = arith.index_cast %swap3A_89 : i32 to index
    %swap3A_91 = arith.constant 64 : index
    %swap3A_92 = tpu.vector_load %arg12[%swap3A_90, %swap3A_91] {strides = array<i32>} : memref<16x128xf32, #tpu.memory_space<vmem>>, vector<1x16xf32>,
    %swap3A_93 = vector.shape_cast %swap3A_92 : vector<1x16xf32> to vector<16xf32>
    %swap3A_94 = vector.shape_cast %broadcast_in_dim3A_17 : vector<16xf32> to vector<1x16xf32>
    tpu.vector_store %arg12[%swap3A_90, %swap3A_91], %swap3A_94 {strides = array<i32>} : memref<16x128xf32, #tpu.memory_space<vmem>>, vector<1x16xf32>,
    %swap3A_95 = arith.constant 1 : i32
    %swap3A_96 = arith.index_cast %swap3A_95 : i32 to index
    %swap3A_97 = arith.constant 80 : index
    %swap3A_98 = tpu.vector_load %arg12[%swap3A_96, %swap3A_97] {strides = array<i32>} : memref<16x128xf32, #tpu.memory_space<vmem>>, vector<1x16xf32>,
    %swap3A_99 = vector.shape_cast %swap3A_98 : vector<1x16xf32> to vector<16xf32>
    %swap3A_100 = vector.shape_cast %broadcast_in_dim3A_17 : vector<16xf32> to vector<1x16xf32>
    tpu.vector_store %arg12[%swap3A_96, %swap3A_97], %swap3A_100 {strides = array<i32>} : memref<16x128xf32, #tpu.memory_space<vmem>>, vector<1x16xf32>,
    %swap3A_101 = arith.constant 1 : i32
    %swap3A_102 = arith.index_cast %swap3A_101 : i32 to index
    %swap3A_103 = arith.constant 96 : index
    %swap3A_104 = tpu.vector_load %arg12[%swap3A_102, %swap3A_103] {strides = array<i32>} : memref<16x128xf32, #tpu.memory_space<vmem>>, vector<1x16xf32>,
    %swap3A_105 = vector.shape_cast %swap3A_104 : vector<1x16xf32> to vector<16xf32>
    %swap3A_106 = vector.shape_cast %broadcast_in_dim3A_17 : vector<16xf32> to vector<1x16xf32>
    tpu.vector_store %arg12[%swap3A_102, %swap3A_103], %swap3A_106 {strides = array<i32>} : memref<16x128xf32, #tpu.memory_space<vmem>>, vector<1x16xf32>,
    %swap3A_107 = arith.constant 1 : i32
    %swap3A_108 = arith.index_cast %swap3A_107 : i32 to index
    %swap3A_109 = arith.constant 112 : index
    %swap3A_110 = tpu.vector_load %arg12[%swap3A_108, %swap3A_109] {strides = array<i32>} : memref<16x128xf32, #tpu.memory_space<vmem>>, vector<1x16xf32>,
    %swap3A_111 = vector.shape_cast %swap3A_110 : vector<1x16xf32> to vector<16xf32>
    %swap3A_112 = vector.shape_cast %broadcast_in_dim3A_17 : vector<16xf32> to vector<1x16xf32>
    tpu.vector_store %arg12[%swap3A_108, %swap3A_109], %swap3A_112 {strides = array<i32>} : memref<16x128xf32, #tpu.memory_space<vmem>>, vector<1x16xf32>,
    %swap3A_113 = arith.constant 2 : i32
    %swap3A_114 = arith.index_cast %swap3A_113 : i32 to index
    %swap3A_115 = arith.constant 0 : index
    %swap3A_116 = tpu.vector_load %arg12[%swap3A_114, %swap3A_115] {strides = array<i32>} : memref<16x128xf32, #tpu.memory_space<vmem>>, vector<1x16xf32>,
    %swap3A_117 = vector.shape_cast %swap3A_116 : vector<1x16xf32> to vector<16xf32>
    %swap3A_118 = vector.shape_cast %broadcast_in_dim3A_17 : vector<16xf32> to vector<1x16xf32>
    tpu.vector_store %arg12[%swap3A_114, %swap3A_115], %swap3A_118 {strides = array<i32>} : memref<16x128xf32, #tpu.memory_space<vmem>>, vector<1x16xf32>,
    %swap3A_119 = arith.constant 2 : i32
    %swap3A_120 = arith.index_cast %swap3A_119 : i32 to index
    %swap3A_121 = arith.constant 16 : index
    %swap3A_122 = tpu.vector_load %arg12[%swap3A_120, %swap3A_121] {strides = array<i32>} : memref<16x128xf32, #tpu.memory_space<vmem>>, vector<1x16xf32>,
    %swap3A_123 = vector.shape_cast %swap3A_122 : vector<1x16xf32> to vector<16xf32>
    %swap3A_124 = vector.shape_cast %broadcast_in_dim3A_17 : vector<16xf32> to vector<1x16xf32>
    tpu.vector_store %arg12[%swap3A_120, %swap3A_121], %swap3A_124 {strides = array<i32>} : memref<16x128xf32, #tpu.memory_space<vmem>>, vector<1x16xf32>,
    %swap3A_125 = arith.constant 2 : i32
    %swap3A_126 = arith.index_cast %swap3A_125 : i32 to index
    %swap3A_127 = arith.constant 32 : index
    %swap3A_128 = tpu.vector_load %arg12[%swap3A_126, %swap3A_127] {strides = array<i32>} : memref<16x128xf32, #tpu.memory_space<vmem>>, vector<1x16xf32>,
    %swap3A_129 = vector.shape_cast %swap3A_128 : vector<1x16xf32> to vector<16xf32>
    %swap3A_130 = vector.shape_cast %broadcast_in_dim3A_17 : vector<16xf32> to vector<1x16xf32>
    tpu.vector_store %arg12[%swap3A_126, %swap3A_127], %swap3A_130 {strides = array<i32>} : memref<16x128xf32, #tpu.memory_space<vmem>>, vector<1x16xf32>,
    %swap3A_131 = arith.constant 2 : i32
    %swap3A_132 = arith.index_cast %swap3A_131 : i32 to index
    %swap3A_133 = arith.constant 48 : index
    %swap3A_134 = tpu.vector_load %arg12[%swap3A_132, %swap3A_133] {strides = array<i32>} : memref<16x128xf32, #tpu.memory_space<vmem>>, vector<1x16xf32>,
    %swap3A_135 = vector.shape_cast %swap3A_134 : vector<1x16xf32> to vector<16xf32>
    %swap3A_136 = vector.shape_cast %broadcast_in_dim3A_17 : vector<16xf32> to vector<1x16xf32>
    tpu.vector_store %arg12[%swap3A_132, %swap3A_133], %swap3A_136 {strides = array<i32>} : memref<16x128xf32, #tpu.memory_space<vmem>>, vector<1x16xf32>,
    %swap3A_137 = arith.constant 2 : i32
    %swap3A_138 = arith.index_cast %swap3A_137 : i32 to index
    %swap3A_139 = arith.constant 64 : index
    %swap3A_140 = tpu.vector_load %arg12[%swap3A_138, %swap3A_139] {strides = array<i32>} : memref<16x128xf32, #tpu.memory_space<vmem>>, vector<1x16xf32>,
    %swap3A_141 = vector.shape_cast %swap3A_140 : vector<1x16xf32> to vector<16xf32>
    %swap3A_142 = vector.shape_cast %broadcast_in_dim3A_17 : vector<16xf32> to vector<1x16xf32>
    tpu.vector_store %arg12[%swap3A_138, %swap3A_139], %swap3A_142 {strides = array<i32>} : memref<16x128xf32, #tpu.memory_space<vmem>>, vector<1x16xf32>,
    %swap3A_143 = arith.constant 2 : i32
    %swap3A_144 = arith.index_cast %swap3A_143 : i32 to index
    %swap3A_145 = arith.constant 80 : index
    %swap3A_146 = tpu.vector_load %arg12[%swap3A_144, %swap3A_145] {strides = array<i32>} : memref<16x128xf32, #tpu.memory_space<vmem>>, vector<1x16xf32>,
    %swap3A_147 = vector.shape_cast %swap3A_146 : vector<1x16xf32> to vector<16xf32>
    %swap3A_148 = vector.shape_cast %broadcast_in_dim3A_17 : vector<16xf32> to vector<1x16xf32>
    tpu.vector_store %arg12[%swap3A_144, %swap3A_145], %swap3A_148 {strides = array<i32>} : memref<16x128xf32, #tpu.memory_space<vmem>>, vector<1x16xf32>,
    %swap3A_149 = arith.constant 2 : i32
    %swap3A_150 = arith.index_cast %swap3A_149 : i32 to index
    %swap3A_151 = arith.constant 96 : index
    %swap3A_152 = tpu.vector_load %arg12[%swap3A_150, %swap3A_151] {strides = array<i32>} : memref<16x128xf32, #tpu.memory_space<vmem>>, vector<1x16xf32>,
    %swap3A_153 = vector.shape_cast %swap3A_152 : vector<1x16xf32> to vector<16xf32>
    %swap3A_154 = vector.shape_cast %broadcast_in_dim3A_17 : vector<16xf32> to vector<1x16xf32>
    tpu.vector_store %arg12[%swap3A_150, %swap3A_151], %swap3A_154 {strides = array<i32>} : memref<16x128xf32, #tpu.memory_space<vmem>>, vector<1x16xf32>,
    %swap3A_155 = arith.constant 2 : i32
    %swap3A_156 = arith.index_cast %swap3A_155 : i32 to index
    %swap3A_157 = arith.constant 112 : index
    %swap3A_158 = tpu.vector_load %arg12[%swap3A_156, %swap3A_157] {strides = array<i32>} : memref<16x128xf32, #tpu.memory_space<vmem>>, vector<1x16xf32>,
    %swap3A_159 = vector.shape_cast %swap3A_158 : vector<1x16xf32> to vector<16xf32>
    %swap3A_160 = vector.shape_cast %broadcast_in_dim3A_17 : vector<16xf32> to vector<1x16xf32>
    tpu.vector_store %arg12[%swap3A_156, %swap3A_157], %swap3A_160 {strides = array<i32>} : memref<16x128xf32, #tpu.memory_space<vmem>>, vector<1x16xf32>,
    %swap3A_161 = arith.constant 3 : i32
    %swap3A_162 = arith.index_cast %swap3A_161 : i32 to index
    %swap3A_163 = arith.constant 0 : index
    %swap3A_164 = tpu.vector_load %arg12[%swap3A_162, %swap3A_163] {strides = array<i32>} : memref<16x128xf32, #tpu.memory_space<vmem>>, vector<1x16xf32>,
    %swap3A_165 = vector.shape_cast %swap3A_164 : vector<1x16xf32> to vector<16xf32>
    %swap3A_166 = vector.shape_cast %broadcast_in_dim3A_17 : vector<16xf32> to vector<1x16xf32>
    tpu.vector_store %arg12[%swap3A_162, %swap3A_163], %swap3A_166 {strides = array<i32>} : memref<16x128xf32, #tpu.memory_space<vmem>>, vector<1x16xf32>,
    %swap3A_167 = arith.constant 3 : i32
    %swap3A_168 = arith.index_cast %swap3A_167 : i32 to index
    %swap3A_169 = arith.constant 16 : index
    %swap3A_170 = tpu.vector_load %arg12[%swap3A_168, %swap3A_169] {strides = array<i32>} : memref<16x128xf32, #tpu.memory_space<vmem>>, vector<1x16xf32>,
    %swap3A_171 = vector.shape_cast %swap3A_170 : vector<1x16xf32> to vector<16xf32>
    %swap3A_172 = vector.shape_cast %broadcast_in_dim3A_17 : vector<16xf32> to vector<1x16xf32>
    tpu.vector_store %arg12[%swap3A_168, %swap3A_169], %swap3A_172 {strides = array<i32>} : memref<16x128xf32, #tpu.memory_space<vmem>>, vector<1x16xf32>,
    %swap3A_173 = arith.constant 3 : i32
    %swap3A_174 = arith.index_cast %swap3A_173 : i32 to index
    %swap3A_175 = arith.constant 32 : index
    %swap3A_176 = tpu.vector_load %arg12[%swap3A_174, %swap3A_175] {strides = array<i32>} : memref<16x128xf32, #tpu.memory_space<vmem>>, vector<1x16xf32>,
    %swap3A_177 = vector.shape_cast %swap3A_176 : vector<1x16xf32> to vector<16xf32>
    %swap3A_178 = vector.shape_cast %broadcast_in_dim3A_17 : vector<16xf32> to vector<1x16xf32>
    tpu.vector_store %arg12[%swap3A_174, %swap3A_175], %swap3A_178 {strides = array<i32>} : memref<16x128xf32, #tpu.memory_space<vmem>>, vector<1x16xf32>,
    %swap3A_179 = arith.constant 3 : i32
    %swap3A_180 = arith.index_cast %swap3A_179 : i32 to index
    %swap3A_181 = arith.constant 48 : index
    %swap3A_182 = tpu.vector_load %arg12[%swap3A_180, %swap3A_181] {strides = array<i32>} : memref<16x128xf32, #tpu.memory_space<vmem>>, vector<1x16xf32>,
    %swap3A_183 = vector.shape_cast %swap3A_182 : vector<1x16xf32> to vector<16xf32>
    %swap3A_184 = vector.shape_cast %broadcast_in_dim3A_17 : vector<16xf32> to vector<1x16xf32>
    tpu.vector_store %arg12[%swap3A_180, %swap3A_181], %swap3A_184 {strides = array<i32>} : memref<16x128xf32, #tpu.memory_space<vmem>>, vector<1x16xf32>,
    %swap3A_185 = arith.constant 3 : i32
    %swap3A_186 = arith.index_cast %swap3A_185 : i32 to index
    %swap3A_187 = arith.constant 64 : index
    %swap3A_188 = tpu.vector_load %arg12[%swap3A_186, %swap3A_187] {strides = array<i32>} : memref<16x128xf32, #tpu.memory_space<vmem>>, vector<1x16xf32>,
    %swap3A_189 = vector.shape_cast %swap3A_188 : vector<1x16xf32> to vector<16xf32>
    %swap3A_190 = vector.shape_cast %broadcast_in_dim3A_17 : vector<16xf32> to vector<1x16xf32>
    tpu.vector_store %arg12[%swap3A_186, %swap3A_187], %swap3A_190 {strides = array<i32>} : memref<16x128xf32, #tpu.memory_space<vmem>>, vector<1x16xf32>,
    %swap3A_191 = arith.constant 3 : i32
    %swap3A_192 = arith.index_cast %swap3A_191 : i32 to index
    %swap3A_193 = arith.constant 80 : index
    %swap3A_194 = tpu.vector_load %arg12[%swap3A_192, %swap3A_193] {strides = array<i32>} : memref<16x128xf32, #tpu.memory_space<vmem>>, vector<1x16xf32>,
    %swap3A_195 = vector.shape_cast %swap3A_194 : vector<1x16xf32> to vector<16xf32>
    %swap3A_196 = vector.shape_cast %broadcast_in_dim3A_17 : vector<16xf32> to vector<1x16xf32>
    tpu.vector_store %arg12[%swap3A_192, %swap3A_193], %swap3A_196 {strides = array<i32>} : memref<16x128xf32, #tpu.memory_space<vmem>>, vector<1x16xf32>,
    %swap3A_197 = arith.constant 3 : i32
    %swap3A_198 = arith.index_cast %swap3A_197 : i32 to index
    %swap3A_199 = arith.constant 96 : index
    %swap3A_200 = tpu.vector_load %arg12[%swap3A_198, %swap3A_199] {strides = array<i32>} : memref<16x128xf32, #tpu.memory_space<vmem>>, vector<1x16xf32>,
    %swap3A_201 = vector.shape_cast %swap3A_200 : vector<1x16xf32> to vector<16xf32>
    %swap3A_202 = vector.shape_cast %broadcast_in_dim3A_17 : vector<16xf32> to vector<1x16xf32>
    tpu.vector_store %arg12[%swap3A_198, %swap3A_199], %swap3A_202 {strides = array<i32>} : memref<16x128xf32, #tpu.memory_space<vmem>>, vector<1x16xf32>,
    %swap3A_203 = arith.constant 3 : i32
    %swap3A_204 = arith.index_cast %swap3A_203 : i32 to index
    %swap3A_205 = arith.constant 112 : index
    %swap3A_206 = tpu.vector_load %arg12[%swap3A_204, %swap3A_205] {strides = array<i32>} : memref<16x128xf32, #tpu.memory_space<vmem>>, vector<1x16xf32>,
    %swap3A_207 = vector.shape_cast %swap3A_206 : vector<1x16xf32> to vector<16xf32>
    %swap3A_208 = vector.shape_cast %broadcast_in_dim3A_17 : vector<16xf32> to vector<1x16xf32>
    tpu.vector_store %arg12[%swap3A_204, %swap3A_205], %swap3A_208 {strides = array<i32>} : memref<16x128xf32, #tpu.memory_space<vmem>>, vector<1x16xf32>,
    %swap3A_209 = arith.constant 4 : i32
    %swap3A_210 = arith.index_cast %swap3A_209 : i32 to index
    %swap3A_211 = arith.constant 0 : index
    %swap3A_212 = tpu.vector_load %arg12[%swap3A_210, %swap3A_211] {strides = array<i32>} : memref<16x128xf32, #tpu.memory_space<vmem>>, vector<1x16xf32>,
    %swap3A_213 = vector.shape_cast %swap3A_212 : vector<1x16xf32> to vector<16xf32>
    %swap3A_214 = vector.shape_cast %broadcast_in_dim3A_17 : vector<16xf32> to vector<1x16xf32>
    tpu.vector_store %arg12[%swap3A_210, %swap3A_211], %swap3A_214 {strides = array<i32>} : memref<16x128xf32, #tpu.memory_space<vmem>>, vector<1x16xf32>,
    %swap3A_215 = arith.constant 4 : i32
    %swap3A_216 = arith.index_cast %swap3A_215 : i32 to index
    %swap3A_217 = arith.constant 16 : index
    %swap3A_218 = tpu.vector_load %arg12[%swap3A_216, %swap3A_217] {strides = array<i32>} : memref<16x128xf32, #tpu.memory_space<vmem>>, vector<1x16xf32>,
    %swap3A_219 = vector.shape_cast %swap3A_218 : vector<1x16xf32> to vector<16xf32>
    %swap3A_220 = vector.shape_cast %broadcast_in_dim3A_17 : vector<16xf32> to vector<1x16xf32>
    tpu.vector_store %arg12[%swap3A_216, %swap3A_217], %swap3A_220 {strides = array<i32>} : memref<16x128xf32, #tpu.memory_space<vmem>>, vector<1x16xf32>,
    %swap3A_221 = arith.constant 4 : i32
    %swap3A_222 = arith.index_cast %swap3A_221 : i32 to index
    %swap3A_223 = arith.constant 32 : index
    %swap3A_224 = tpu.vector_load %arg12[%swap3A_222, %swap3A_223] {strides = array<i32>} : memref<16x128xf32, #tpu.memory_space<vmem>>, vector<1x16xf32>,
    %swap3A_225 = vector.shape_cast %swap3A_224 : vector<1x16xf32> to vector<16xf32>
    %swap3A_226 = vector.shape_cast %broadcast_in_dim3A_17 : vector<16xf32> to vector<1x16xf32>
    tpu.vector_store %arg12[%swap3A_222, %swap3A_223], %swap3A_226 {strides = array<i32>} : memref<16x128xf32, #tpu.memory_space<vmem>>, vector<1x16xf32>,
    %swap3A_227 = arith.constant 4 : i32
    %swap3A_228 = arith.index_cast %swap3A_227 : i32 to index
    %swap3A_229 = arith.constant 48 : index
    %swap3A_230 = tpu.vector_load %arg12[%swap3A_228, %swap3A_229] {strides = array<i32>} : memref<16x128xf32, #tpu.memory_space<vmem>>, vector<1x16xf32>,
    %swap3A_231 = vector.shape_cast %swap3A_230 : vector<1x16xf32> to vector<16xf32>
    %swap3A_232 = vector.shape_cast %broadcast_in_dim3A_17 : vector<16xf32> to vector<1x16xf32>
    tpu.vector_store %arg12[%swap3A_228, %swap3A_229], %swap3A_232 {strides = array<i32>} : memref<16x128xf32, #tpu.memory_space<vmem>>, vector<1x16xf32>,
    %swap3A_233 = arith.constant 4 : i32
    %swap3A_234 = arith.index_cast %swap3A_233 : i32 to index
    %swap3A_235 = arith.constant 64 : index
    %swap3A_236 = tpu.vector_load %arg12[%swap3A_234, %swap3A_235] {strides = array<i32>} : memref<16x128xf32, #tpu.memory_space<vmem>>, vector<1x16xf32>,
    %swap3A_237 = vector.shape_cast %swap3A_236 : vector<1x16xf32> to vector<16xf32>
    %swap3A_238 = vector.shape_cast %broadcast_in_dim3A_17 : vector<16xf32> to vector<1x16xf32>
    tpu.vector_store %arg12[%swap3A_234, %swap3A_235], %swap3A_238 {strides = array<i32>} : memref<16x128xf32, #tpu.memory_space<vmem>>, vector<1x16xf32>,
    %swap3A_239 = arith.constant 4 : i32
    %swap3A_240 = arith.index_cast %swap3A_239 : i32 to index
    %swap3A_241 = arith.constant 80 : index
    %swap3A_242 = tpu.vector_load %arg12[%swap3A_240, %swap3A_241] {strides = array<i32>} : memref<16x128xf32, #tpu.memory_space<vmem>>, vector<1x16xf32>,
    %swap3A_243 = vector.shape_cast %swap3A_242 : vector<1x16xf32> to vector<16xf32>
    %swap3A_244 = vector.shape_cast %broadcast_in_dim3A_17 : vector<16xf32> to vector<1x16xf32>
    tpu.vector_store %arg12[%swap3A_240, %swap3A_241], %swap3A_244 {strides = array<i32>} : memref<16x128xf32, #tpu.memory_space<vmem>>, vector<1x16xf32>,
    %swap3A_245 = arith.constant 4 : i32
    %swap3A_246 = arith.index_cast %swap3A_245 : i32 to index
    %swap3A_247 = arith.constant 96 : index
    %swap3A_248 = tpu.vector_load %arg12[%swap3A_246, %swap3A_247] {strides = array<i32>} : memref<16x128xf32, #tpu.memory_space<vmem>>, vector<1x16xf32>,
    %swap3A_249 = vector.shape_cast %swap3A_248 : vector<1x16xf32> to vector<16xf32>
    %swap3A_250 = vector.shape_cast %broadcast_in_dim3A_17 : vector<16xf32> to vector<1x16xf32>
    tpu.vector_store %arg12[%swap3A_246, %swap3A_247], %swap3A_250 {strides = array<i32>} : memref<16x128xf32, #tpu.memory_space<vmem>>, vector<1x16xf32>,
    %swap3A_251 = arith.constant 4 : i32
    %swap3A_252 = arith.index_cast %swap3A_251 : i32 to index
    %swap3A_253 = arith.constant 112 : index
    %swap3A_254 = tpu.vector_load %arg12[%swap3A_252, %swap3A_253] {strides = array<i32>} : memref<16x128xf32, #tpu.memory_space<vmem>>, vector<1x16xf32>,
    %swap3A_255 = vector.shape_cast %swap3A_254 : vector<1x16xf32> to vector<16xf32>
    %swap3A_256 = vector.shape_cast %broadcast_in_dim3A_17 : vector<16xf32> to vector<1x16xf32>
    tpu.vector_store %arg12[%swap3A_252, %swap3A_253], %swap3A_256 {strides = array<i32>} : memref<16x128xf32, #tpu.memory_space<vmem>>, vector<1x16xf32>,
    %swap3A_257 = arith.constant 5 : i32
    %swap3A_258 = arith.index_cast %swap3A_257 : i32 to index
    %swap3A_259 = arith.constant 0 : index
    %swap3A_260 = tpu.vector_load %arg12[%swap3A_258, %swap3A_259] {strides = array<i32>} : memref<16x128xf32, #tpu.memory_space<vmem>>, vector<1x16xf32>,
    %swap3A_261 = vector.shape_cast %swap3A_260 : vector<1x16xf32> to vector<16xf32>
    %swap3A_262 = vector.shape_cast %broadcast_in_dim3A_17 : vector<16xf32> to vector<1x16xf32>
    tpu.vector_store %arg12[%swap3A_258, %swap3A_259], %swap3A_262 {strides = array<i32>} : memref<16x128xf32, #tpu.memory_space<vmem>>, vector<1x16xf32>,
    %swap3A_263 = arith.constant 5 : i32
    %swap3A_264 = arith.index_cast %swap3A_263 : i32 to index
    %swap3A_265 = arith.constant 16 : index
    %swap3A_266 = tpu.vector_load %arg12[%swap3A_264, %swap3A_265] {strides = array<i32>} : memref<16x128xf32, #tpu.memory_space<vmem>>, vector<1x16xf32>,
    %swap3A_267 = vector.shape_cast %swap3A_266 : vector<1x16xf32> to vector<16xf32>
    %swap3A_268 = vector.shape_cast %broadcast_in_dim3A_17 : vector<16xf32> to vector<1x16xf32>
    tpu.vector_store %arg12[%swap3A_264, %swap3A_265], %swap3A_268 {strides = array<i32>} : memref<16x128xf32, #tpu.memory_space<vmem>>, vector<1x16xf32>,
    %swap3A_269 = arith.constant 5 : i32
    %swap3A_270 = arith.index_cast %swap3A_269 : i32 to index
    %swap3A_271 = arith.constant 32 : index
    %swap3A_272 = tpu.vector_load %arg12[%swap3A_270, %swap3A_271] {strides = array<i32>} : memref<16x128xf32, #tpu.memory_space<vmem>>, vector<1x16xf32>,
    %swap3A_273 = vector.shape_cast %swap3A_272 : vector<1x16xf32> to vector<16xf32>
    %swap3A_274 = vector.shape_cast %broadcast_in_dim3A_17 : vector<16xf32> to vector<1x16xf32>
    tpu.vector_store %arg12[%swap3A_270, %swap3A_271], %swap3A_274 {strides = array<i32>} : memref<16x128xf32, #tpu.memory_space<vmem>>, vector<1x16xf32>,
    %swap3A_275 = arith.constant 5 : i32
    %swap3A_276 = arith.index_cast %swap3A_275 : i32 to index
    %swap3A_277 = arith.constant 48 : index
    %swap3A_278 = tpu.vector_load %arg12[%swap3A_276, %swap3A_277] {strides = array<i32>} : memref<16x128xf32, #tpu.memory_space<vmem>>, vector<1x16xf32>,
    %swap3A_279 = vector.shape_cast %swap3A_278 : vector<1x16xf32> to vector<16xf32>
    %swap3A_280 = vector.shape_cast %broadcast_in_dim3A_17 : vector<16xf32> to vector<1x16xf32>
    tpu.vector_store %arg12[%swap3A_276, %swap3A_277], %swap3A_280 {strides = array<i32>} : memref<16x128xf32, #tpu.memory_space<vmem>>, vector<1x16xf32>,
    %swap3A_281 = arith.constant 5 : i32
    %swap3A_282 = arith.index_cast %swap3A_281 : i32 to index
    %swap3A_283 = arith.constant 64 : index
    %swap3A_284 = tpu.vector_load %arg12[%swap3A_282, %swap3A_283] {strides = array<i32>} : memref<16x128xf32, #tpu.memory_space<vmem>>, vector<1x16xf32>,
    %swap3A_285 = vector.shape_cast %swap3A_284 : vector<1x16xf32> to vector<16xf32>
    %swap3A_286 = vector.shape_cast %broadcast_in_dim3A_17 : vector<16xf32> to vector<1x16xf32>
    tpu.vector_store %arg12[%swap3A_282, %swap3A_283], %swap3A_286 {strides = array<i32>} : memref<16x128xf32, #tpu.memory_space<vmem>>, vector<1x16xf32>,
    %swap3A_287 = arith.constant 5 : i32
    %swap3A_288 = arith.index_cast %swap3A_287 : i32 to index
    %swap3A_289 = arith.constant 80 : index
    %swap3A_290 = tpu.vector_load %arg12[%swap3A_288, %swap3A_289] {strides = array<i32>} : memref<16x128xf32, #tpu.memory_space<vmem>>, vector<1x16xf32>,
    %swap3A_291 = vector.shape_cast %swap3A_290 : vector<1x16xf32> to vector<16xf32>
    %swap3A_292 = vector.shape_cast %broadcast_in_dim3A_17 : vector<16xf32> to vector<1x16xf32>
    tpu.vector_store %arg12[%swap3A_288, %swap3A_289], %swap3A_292 {strides = array<i32>} : memref<16x128xf32, #tpu.memory_space<vmem>>, vector<1x16xf32>,
    %swap3A_293 = arith.constant 5 : i32
    %swap3A_294 = arith.index_cast %swap3A_293 : i32 to index
    %swap3A_295 = arith.constant 96 : index
    %swap3A_296 = tpu.vector_load %arg12[%swap3A_294, %swap3A_295] {strides = array<i32>} : memref<16x128xf32, #tpu.memory_space<vmem>>, vector<1x16xf32>,
    %swap3A_297 = vector.shape_cast %swap3A_296 : vector<1x16xf32> to vector<16xf32>
    %swap3A_298 = vector.shape_cast %broadcast_in_dim3A_17 : vector<16xf32> to vector<1x16xf32>
    tpu.vector_store %arg12[%swap3A_294, %swap3A_295], %swap3A_298 {strides = array<i32>} : memref<16x128xf32, #tpu.memory_space<vmem>>, vector<1x16xf32>,
    %swap3A_299 = arith.constant 5 : i32
    %swap3A_300 = arith.index_cast %swap3A_299 : i32 to index
    %swap3A_301 = arith.constant 112 : index
    %swap3A_302 = tpu.vector_load %arg12[%swap3A_300, %swap3A_301] {strides = array<i32>} : memref<16x128xf32, #tpu.memory_space<vmem>>, vector<1x16xf32>,
    %swap3A_303 = vector.shape_cast %swap3A_302 : vector<1x16xf32> to vector<16xf32>
    %swap3A_304 = vector.shape_cast %broadcast_in_dim3A_17 : vector<16xf32> to vector<1x16xf32>
    tpu.vector_store %arg12[%swap3A_300, %swap3A_301], %swap3A_304 {strides = array<i32>} : memref<16x128xf32, #tpu.memory_space<vmem>>, vector<1x16xf32>,
    %swap3A_305 = arith.constant 6 : i32
    %swap3A_306 = arith.index_cast %swap3A_305 : i32 to index
    %swap3A_307 = arith.constant 0 : index
    %swap3A_308 = tpu.vector_load %arg12[%swap3A_306, %swap3A_307] {strides = array<i32>} : memref<16x128xf32, #tpu.memory_space<vmem>>, vector<1x16xf32>,
    %swap3A_309 = vector.shape_cast %swap3A_308 : vector<1x16xf32> to vector<16xf32>
    %swap3A_310 = vector.shape_cast %broadcast_in_dim3A_17 : vector<16xf32> to vector<1x16xf32>
    tpu.vector_store %arg12[%swap3A_306, %swap3A_307], %swap3A_310 {strides = array<i32>} : memref<16x128xf32, #tpu.memory_space<vmem>>, vector<1x16xf32>,
    %swap3A_311 = arith.constant 6 : i32
    %swap3A_312 = arith.index_cast %swap3A_311 : i32 to index
    %swap3A_313 = arith.constant 16 : index
    %swap3A_314 = tpu.vector_load %arg12[%swap3A_312, %swap3A_313] {strides = array<i32>} : memref<16x128xf32, #tpu.memory_space<vmem>>, vector<1x16xf32>,
    %swap3A_315 = vector.shape_cast %swap3A_314 : vector<1x16xf32> to vector<16xf32>
    %swap3A_316 = vector.shape_cast %broadcast_in_dim3A_17 : vector<16xf32> to vector<1x16xf32>
    tpu.vector_store %arg12[%swap3A_312, %swap3A_313], %swap3A_316 {strides = array<i32>} : memref<16x128xf32, #tpu.memory_space<vmem>>, vector<1x16xf32>,
    %swap3A_317 = arith.constant 6 : i32
    %swap3A_318 = arith.index_cast %swap3A_317 : i32 to index
    %swap3A_319 = arith.constant 32 : index
    %swap3A_320 = tpu.vector_load %arg12[%swap3A_318, %swap3A_319] {strides = array<i32>} : memref<16x128xf32, #tpu.memory_space<vmem>>, vector<1x16xf32>,
    %swap3A_321 = vector.shape_cast %swap3A_320 : vector<1x16xf32> to vector<16xf32>
    %swap3A_322 = vector.shape_cast %broadcast_in_dim3A_17 : vector<16xf32> to vector<1x16xf32>
    tpu.vector_store %arg12[%swap3A_318, %swap3A_319], %swap3A_322 {strides = array<i32>} : memref<16x128xf32, #tpu.memory_space<vmem>>, vector<1x16xf32>,
    %swap3A_323 = arith.constant 6 : i32
    %swap3A_324 = arith.index_cast %swap3A_323 : i32 to index
    %swap3A_325 = arith.constant 48 : index
    %swap3A_326 = tpu.vector_load %arg12[%swap3A_324, %swap3A_325] {strides = array<i32>} : memref<16x128xf32, #tpu.memory_space<vmem>>, vector<1x16xf32>,
    %swap3A_327 = vector.shape_cast %swap3A_326 : vector<1x16xf32> to vector<16xf32>
    %swap3A_328 = vector.shape_cast %broadcast_in_dim3A_17 : vector<16xf32> to vector<1x16xf32>
    tpu.vector_store %arg12[%swap3A_324, %swap3A_325], %swap3A_328 {strides = array<i32>} : memref<16x128xf32, #tpu.memory_space<vmem>>, vector<1x16xf32>,
    %swap3A_329 = arith.constant 6 : i32
    %swap3A_330 = arith.index_cast %swap3A_329 : i32 to index
    %swap3A_331 = arith.constant 64 : index
    %swap3A_332 = tpu.vector_load %arg12[%swap3A_330, %swap3A_331] {strides = array<i32>} : memref<16x128xf32, #tpu.memory_space<vmem>>, vector<1x16xf32>,
    %swap3A_333 = vector.shape_cast %swap3A_332 : vector<1x16xf32> to vector<16xf32>
    %swap3A_334 = vector.shape_cast %broadcast_in_dim3A_17 : vector<16xf32> to vector<1x16xf32>
    tpu.vector_store %arg12[%swap3A_330, %swap3A_331], %swap3A_334 {strides = array<i32>} : memref<16x128xf32, #tpu.memory_space<vmem>>, vector<1x16xf32>,
    %swap3A_335 = arith.constant 6 : i32
    %swap3A_336 = arith.index_cast %swap3A_335 : i32 to index
    %swap3A_337 = arith.constant 80 : index
    %swap3A_338 = tpu.vector_load %arg12[%swap3A_336, %swap3A_337] {strides = array<i32>} : memref<16x128xf32, #tpu.memory_space<vmem>>, vector<1x16xf32>,
    %swap3A_339 = vector.shape_cast %swap3A_338 : vector<1x16xf32> to vector<16xf32>
    %swap3A_340 = vector.shape_cast %broadcast_in_dim3A_17 : vector<16xf32> to vector<1x16xf32>
    tpu.vector_store %arg12[%swap3A_336, %swap3A_337], %swap3A_340 {strides = array<i32>} : memref<16x128xf32, #tpu.memory_space<vmem>>, vector<1x16xf32>,
    %swap3A_341 = arith.constant 6 : i32
    %swap3A_342 = arith.index_cast %swap3A_341 : i32 to index
    %swap3A_343 = arith.constant 96 : index
    %swap3A_344 = tpu.vector_load %arg12[%swap3A_342, %swap3A_343] {strides = array<i32>} : memref<16x128xf32, #tpu.memory_space<vmem>>, vector<1x16xf32>,
    %swap3A_345 = vector.shape_cast %swap3A_344 : vector<1x16xf32> to vector<16xf32>
    %swap3A_346 = vector.shape_cast %broadcast_in_dim3A_17 : vector<16xf32> to vector<1x16xf32>
    tpu.vector_store %arg12[%swap3A_342, %swap3A_343], %swap3A_346 {strides = array<i32>} : memref<16x128xf32, #tpu.memory_space<vmem>>, vector<1x16xf32>,
    %swap3A_347 = arith.constant 6 : i32
    %swap3A_348 = arith.index_cast %swap3A_347 : i32 to index
    %swap3A_349 = arith.constant 112 : index
    %swap3A_350 = tpu.vector_load %arg12[%swap3A_348, %swap3A_349] {strides = array<i32>} : memref<16x128xf32, #tpu.memory_space<vmem>>, vector<1x16xf32>,
    %swap3A_351 = vector.shape_cast %swap3A_350 : vector<1x16xf32> to vector<16xf32>
    %swap3A_352 = vector.shape_cast %broadcast_in_dim3A_17 : vector<16xf32> to vector<1x16xf32>
    tpu.vector_store %arg12[%swap3A_348, %swap3A_349], %swap3A_352 {strides = array<i32>} : memref<16x128xf32, #tpu.memory_space<vmem>>, vector<1x16xf32>,
    %swap3A_353 = arith.constant 7 : i32
    %swap3A_354 = arith.index_cast %swap3A_353 : i32 to index
    %swap3A_355 = arith.constant 0 : index
    %swap3A_356 = tpu.vector_load %arg12[%swap3A_354, %swap3A_355] {strides = array<i32>} : memref<16x128xf32, #tpu.memory_space<vmem>>, vector<1x16xf32>,
    %swap3A_357 = vector.shape_cast %swap3A_356 : vector<1x16xf32> to vector<16xf32>
    %swap3A_358 = vector.shape_cast %broadcast_in_dim3A_17 : vector<16xf32> to vector<1x16xf32>
    tpu.vector_store %arg12[%swap3A_354, %swap3A_355], %swap3A_358 {strides = array<i32>} : memref<16x128xf32, #tpu.memory_space<vmem>>, vector<1x16xf32>,
    %swap3A_359 = arith.constant 7 : i32
    %swap3A_360 = arith.index_cast %swap3A_359 : i32 to index
    %swap3A_361 = arith.constant 16 : index
    %swap3A_362 = tpu.vector_load %arg12[%swap3A_360, %swap3A_361] {strides = array<i32>} : memref<16x128xf32, #tpu.memory_space<vmem>>, vector<1x16xf32>,
    %swap3A_363 = vector.shape_cast %swap3A_362 : vector<1x16xf32> to vector<16xf32>
    %swap3A_364 = vector.shape_cast %broadcast_in_dim3A_17 : vector<16xf32> to vector<1x16xf32>
    tpu.vector_store %arg12[%swap3A_360, %swap3A_361], %swap3A_364 {strides = array<i32>} : memref<16x128xf32, #tpu.memory_space<vmem>>, vector<1x16xf32>,
    %swap3A_365 = arith.constant 7 : i32
    %swap3A_366 = arith.index_cast %swap3A_365 : i32 to index
    %swap3A_367 = arith.constant 32 : index
    %swap3A_368 = tpu.vector_load %arg12[%swap3A_366, %swap3A_367] {strides = array<i32>} : memref<16x128xf32, #tpu.memory_space<vmem>>, vector<1x16xf32>,
    %swap3A_369 = vector.shape_cast %swap3A_368 : vector<1x16xf32> to vector<16xf32>
    %swap3A_370 = vector.shape_cast %broadcast_in_dim3A_17 : vector<16xf32> to vector<1x16xf32>
    tpu.vector_store %arg12[%swap3A_366, %swap3A_367], %swap3A_370 {strides = array<i32>} : memref<16x128xf32, #tpu.memory_space<vmem>>, vector<1x16xf32>,
    %swap3A_371 = arith.constant 7 : i32
    %swap3A_372 = arith.index_cast %swap3A_371 : i32 to index
    %swap3A_373 = arith.constant 48 : index
    %swap3A_374 = tpu.vector_load %arg12[%swap3A_372, %swap3A_373] {strides = array<i32>} : memref<16x128xf32, #tpu.memory_space<vmem>>, vector<1x16xf32>,
    %swap3A_375 = vector.shape_cast %swap3A_374 : vector<1x16xf32> to vector<16xf32>
    %swap3A_376 = vector.shape_cast %broadcast_in_dim3A_17 : vector<16xf32> to vector<1x16xf32>
    tpu.vector_store %arg12[%swap3A_372, %swap3A_373], %swap3A_376 {strides = array<i32>} : memref<16x128xf32, #tpu.memory_space<vmem>>, vector<1x16xf32>,
    %swap3A_377 = arith.constant 7 : i32
    %swap3A_378 = arith.index_cast %swap3A_377 : i32 to index
    %swap3A_379 = arith.constant 64 : index
    %swap3A_380 = tpu.vector_load %arg12[%swap3A_378, %swap3A_379] {strides = array<i32>} : memref<16x128xf32, #tpu.memory_space<vmem>>, vector<1x16xf32>,
    %swap3A_381 = vector.shape_cast %swap3A_380 : vector<1x16xf32> to vector<16xf32>
    %swap3A_382 = vector.shape_cast %broadcast_in_dim3A_17 : vector<16xf32> to vector<1x16xf32>
    tpu.vector_store %arg12[%swap3A_378, %swap3A_379], %swap3A_382 {strides = array<i32>} : memref<16x128xf32, #tpu.memory_space<vmem>>, vector<1x16xf32>,
    %swap3A_383 = arith.constant 7 : i32
    %swap3A_384 = arith.index_cast %swap3A_383 : i32 to index
    %swap3A_385 = arith.constant 80 : index
    %swap3A_386 = tpu.vector_load %arg12[%swap3A_384, %swap3A_385] {strides = array<i32>} : memref<16x128xf32, #tpu.memory_space<vmem>>, vector<1x16xf32>,
    %swap3A_387 = vector.shape_cast %swap3A_386 : vector<1x16xf32> to vector<16xf32>
    %swap3A_388 = vector.shape_cast %broadcast_in_dim3A_17 : vector<16xf32> to vector<1x16xf32>
    tpu.vector_store %arg12[%swap3A_384, %swap3A_385], %swap3A_388 {strides = array<i32>} : memref<16x128xf32, #tpu.memory_space<vmem>>, vector<1x16xf32>,
    %swap3A_389 = arith.constant 7 : i32
    %swap3A_390 = arith.index_cast %swap3A_389 : i32 to index
    %swap3A_391 = arith.constant 96 : index
    %swap3A_392 = tpu.vector_load %arg12[%swap3A_390, %swap3A_391] {strides = array<i32>} : memref<16x128xf32, #tpu.memory_space<vmem>>, vector<1x16xf32>,
    %swap3A_393 = vector.shape_cast %swap3A_392 : vector<1x16xf32> to vector<16xf32>
    %swap3A_394 = vector.shape_cast %broadcast_in_dim3A_17 : vector<16xf32> to vector<1x16xf32>
    tpu.vector_store %arg12[%swap3A_390, %swap3A_391], %swap3A_394 {strides = array<i32>} : memref<16x128xf32, #tpu.memory_space<vmem>>, vector<1x16xf32>,
    %swap3A_395 = arith.constant 7 : i32
    %swap3A_396 = arith.index_cast %swap3A_395 : i32 to index
    %swap3A_397 = arith.constant 112 : index
    %swap3A_398 = tpu.vector_load %arg12[%swap3A_396, %swap3A_397] {strides = array<i32>} : memref<16x128xf32, #tpu.memory_space<vmem>>, vector<1x16xf32>,
    %swap3A_399 = vector.shape_cast %swap3A_398 : vector<1x16xf32> to vector<16xf32>
    %swap3A_400 = vector.shape_cast %broadcast_in_dim3A_17 : vector<16xf32> to vector<1x16xf32>
    tpu.vector_store %arg12[%swap3A_396, %swap3A_397], %swap3A_400 {strides = array<i32>} : memref<16x128xf32, #tpu.memory_space<vmem>>, vector<1x16xf32>,
    %swap3A_401 = arith.constant 8 : i32
    %swap3A_402 = arith.index_cast %swap3A_401 : i32 to index
    %swap3A_403 = arith.constant 0 : index
    %swap3A_404 = tpu.vector_load %arg12[%swap3A_402, %swap3A_403] {strides = array<i32>} : memref<16x128xf32, #tpu.memory_space<vmem>>, vector<1x16xf32>,
    %swap3A_405 = vector.shape_cast %swap3A_404 : vector<1x16xf32> to vector<16xf32>
    %swap3A_406 = vector.shape_cast %broadcast_in_dim3A_17 : vector<16xf32> to vector<1x16xf32>
    tpu.vector_store %arg12[%swap3A_402, %swap3A_403], %swap3A_406 {strides = array<i32>} : memref<16x128xf32, #tpu.memory_space<vmem>>, vector<1x16xf32>,
    %swap3A_407 = arith.constant 8 : i32
    %swap3A_408 = arith.index_cast %swap3A_407 : i32 to index
    %swap3A_409 = arith.constant 16 : index
    %swap3A_410 = tpu.vector_load %arg12[%swap3A_408, %swap3A_409] {strides = array<i32>} : memref<16x128xf32, #tpu.memory_space<vmem>>, vector<1x16xf32>,
    %swap3A_411 = vector.shape_cast %swap3A_410 : vector<1x16xf32> to vector<16xf32>
    %swap3A_412 = vector.shape_cast %broadcast_in_dim3A_17 : vector<16xf32> to vector<1x16xf32>
    tpu.vector_store %arg12[%swap3A_408, %swap3A_409], %swap3A_412 {strides = array<i32>} : memref<16x128xf32, #tpu.memory_space<vmem>>, vector<1x16xf32>,
    %swap3A_413 = arith.constant 8 : i32
    %swap3A_414 = arith.index_cast %swap3A_413 : i32 to index
    %swap3A_415 = arith.constant 32 : index
    %swap3A_416 = tpu.vector_load %arg12[%swap3A_414, %swap3A_415] {strides = array<i32>} : memref<16x128xf32, #tpu.memory_space<vmem>>, vector<1x16xf32>,
    %swap3A_417 = vector.shape_cast %swap3A_416 : vector<1x16xf32> to vector<16xf32>
    %swap3A_418 = vector.shape_cast %broadcast_in_dim3A_17 : vector<16xf32> to vector<1x16xf32>
    tpu.vector_store %arg12[%swap3A_414, %swap3A_415], %swap3A_418 {strides = array<i32>} : memref<16x128xf32, #tpu.memory_space<vmem>>, vector<1x16xf32>,
    %swap3A_419 = arith.constant 8 : i32
    %swap3A_420 = arith.index_cast %swap3A_419 : i32 to index
    %swap3A_421 = arith.constant 48 : index
    %swap3A_422 = tpu.vector_load %arg12[%swap3A_420, %swap3A_421] {strides = array<i32>} : memref<16x128xf32, #tpu.memory_space<vmem>>, vector<1x16xf32>,
    %swap3A_423 = vector.shape_cast %swap3A_422 : vector<1x16xf32> to vector<16xf32>
    %swap3A_424 = vector.shape_cast %broadcast_in_dim3A_17 : vector<16xf32> to vector<1x16xf32>
    tpu.vector_store %arg12[%swap3A_420, %swap3A_421], %swap3A_424 {strides = array<i32>} : memref<16x128xf32, #tpu.memory_space<vmem>>, vector<1x16xf32>,
    %swap3A_425 = arith.constant 8 : i32
    %swap3A_426 = arith.index_cast %swap3A_425 : i32 to index
    %swap3A_427 = arith.constant 64 : index
    %swap3A_428 = tpu.vector_load %arg12[%swap3A_426, %swap3A_427] {strides = array<i32>} : memref<16x128xf32, #tpu.memory_space<vmem>>, vector<1x16xf32>,
    %swap3A_429 = vector.shape_cast %swap3A_428 : vector<1x16xf32> to vector<16xf32>
    %swap3A_430 = vector.shape_cast %broadcast_in_dim3A_17 : vector<16xf32> to vector<1x16xf32>
    tpu.vector_store %arg12[%swap3A_426, %swap3A_427], %swap3A_430 {strides = array<i32>} : memref<16x128xf32, #tpu.memory_space<vmem>>, vector<1x16xf32>,
    %swap3A_431 = arith.constant 8 : i32
    %swap3A_432 = arith.index_cast %swap3A_431 : i32 to index
    %swap3A_433 = arith.constant 80 : index
    %swap3A_434 = tpu.vector_load %arg12[%swap3A_432, %swap3A_433] {strides = array<i32>} : memref<16x128xf32, #tpu.memory_space<vmem>>, vector<1x16xf32>,
    %swap3A_435 = vector.shape_cast %swap3A_434 : vector<1x16xf32> to vector<16xf32>
    %swap3A_436 = vector.shape_cast %broadcast_in_dim3A_17 : vector<16xf32> to vector<1x16xf32>
    tpu.vector_store %arg12[%swap3A_432, %swap3A_433], %swap3A_436 {strides = array<i32>} : memref<16x128xf32, #tpu.memory_space<vmem>>, vector<1x16xf32>,
    %swap3A_437 = arith.constant 8 : i32
    %swap3A_438 = arith.index_cast %swap3A_437 : i32 to index
    %swap3A_439 = arith.constant 96 : index
    %swap3A_440 = tpu.vector_load %arg12[%swap3A_438, %swap3A_439] {strides = array<i32>} : memref<16x128xf32, #tpu.memory_space<vmem>>, vector<1x16xf32>,
    %swap3A_441 = vector.shape_cast %swap3A_440 : vector<1x16xf32> to vector<16xf32>
    %swap3A_442 = vector.shape_cast %broadcast_in_dim3A_17 : vector<16xf32> to vector<1x16xf32>
    tpu.vector_store %arg12[%swap3A_438, %swap3A_439], %swap3A_442 {strides = array<i32>} : memref<16x128xf32, #tpu.memory_space<vmem>>, vector<1x16xf32>,
    %swap3A_443 = arith.constant 8 : i32
    %swap3A_444 = arith.index_cast %swap3A_443 : i32 to index
    %swap3A_445 = arith.constant 112 : index
    %swap3A_446 = tpu.vector_load %arg12[%swap3A_444, %swap3A_445] {strides = array<i32>} : memref<16x128xf32, #tpu.memory_space<vmem>>, vector<1x16xf32>,
    %swap3A_447 = vector.shape_cast %swap3A_446 : vector<1x16xf32> to vector<16xf32>
    %swap3A_448 = vector.shape_cast %broadcast_in_dim3A_17 : vector<16xf32> to vector<1x16xf32>
    tpu.vector_store %arg12[%swap3A_444, %swap3A_445], %swap3A_448 {strides = array<i32>} : memref<16x128xf32, #tpu.memory_space<vmem>>, vector<1x16xf32>,
    %swap3A_449 = arith.constant 9 : i32
    %swap3A_450 = arith.index_cast %swap3A_449 : i32 to index
    %swap3A_451 = arith.constant 0 : index
    %swap3A_452 = tpu.vector_load %arg12[%swap3A_450, %swap3A_451] {strides = array<i32>} : memref<16x128xf32, #tpu.memory_space<vmem>>, vector<1x16xf32>,
    %swap3A_453 = vector.shape_cast %swap3A_452 : vector<1x16xf32> to vector<16xf32>
    %swap3A_454 = vector.shape_cast %broadcast_in_dim3A_17 : vector<16xf32> to vector<1x16xf32>
    tpu.vector_store %arg12[%swap3A_450, %swap3A_451], %swap3A_454 {strides = array<i32>} : memref<16x128xf32, #tpu.memory_space<vmem>>, vector<1x16xf32>,
    %swap3A_455 = arith.constant 9 : i32
    %swap3A_456 = arith.index_cast %swap3A_455 : i32 to index
    %swap3A_457 = arith.constant 16 : index
    %swap3A_458 = tpu.vector_load %arg12[%swap3A_456, %swap3A_457] {strides = array<i32>} : memref<16x128xf32, #tpu.memory_space<vmem>>, vector<1x16xf32>,
    %swap3A_459 = vector.shape_cast %swap3A_458 : vector<1x16xf32> to vector<16xf32>
    %swap3A_460 = vector.shape_cast %broadcast_in_dim3A_17 : vector<16xf32> to vector<1x16xf32>
    tpu.vector_store %arg12[%swap3A_456, %swap3A_457], %swap3A_460 {strides = array<i32>} : memref<16x128xf32, #tpu.memory_space<vmem>>, vector<1x16xf32>,
    %swap3A_461 = arith.constant 9 : i32
    %swap3A_462 = arith.index_cast %swap3A_461 : i32 to index
    %swap3A_463 = arith.constant 32 : index
    %swap3A_464 = tpu.vector_load %arg12[%swap3A_462, %swap3A_463] {strides = array<i32>} : memref<16x128xf32, #tpu.memory_space<vmem>>, vector<1x16xf32>,
    %swap3A_465 = vector.shape_cast %swap3A_464 : vector<1x16xf32> to vector<16xf32>
    %swap3A_466 = vector.shape_cast %broadcast_in_dim3A_17 : vector<16xf32> to vector<1x16xf32>
    tpu.vector_store %arg12[%swap3A_462, %swap3A_463], %swap3A_466 {strides = array<i32>} : memref<16x128xf32, #tpu.memory_space<vmem>>, vector<1x16xf32>,
    %swap3A_467 = arith.constant 9 : i32
    %swap3A_468 = arith.index_cast %swap3A_467 : i32 to index
    %swap3A_469 = arith.constant 48 : index
    %swap3A_470 = tpu.vector_load %arg12[%swap3A_468, %swap3A_469] {strides = array<i32>} : memref<16x128xf32, #tpu.memory_space<vmem>>, vector<1x16xf32>,
    %swap3A_471 = vector.shape_cast %swap3A_470 : vector<1x16xf32> to vector<16xf32>
    %swap3A_472 = vector.shape_cast %broadcast_in_dim3A_17 : vector<16xf32> to vector<1x16xf32>
    tpu.vector_store %arg12[%swap3A_468, %swap3A_469], %swap3A_472 {strides = array<i32>} : memref<16x128xf32, #tpu.memory_space<vmem>>, vector<1x16xf32>,
    %swap3A_473 = arith.constant 9 : i32
    %swap3A_474 = arith.index_cast %swap3A_473 : i32 to index
    %swap3A_475 = arith.constant 64 : index
    %swap3A_476 = tpu.vector_load %arg12[%swap3A_474, %swap3A_475] {strides = array<i32>} : memref<16x128xf32, #tpu.memory_space<vmem>>, vector<1x16xf32>,
    %swap3A_477 = vector.shape_cast %swap3A_476 : vector<1x16xf32> to vector<16xf32>
    %swap3A_478 = vector.shape_cast %broadcast_in_dim3A_17 : vector<16xf32> to vector<1x16xf32>
    tpu.vector_store %arg12[%swap3A_474, %swap3A_475], %swap3A_478 {strides = array<i32>} : memref<16x128xf32, #tpu.memory_space<vmem>>, vector<1x16xf32>,
    %swap3A_479 = arith.constant 9 : i32
    %swap3A_480 = arith.index_cast %swap3A_479 : i32 to index
    %swap3A_481 = arith.constant 80 : index
    %swap3A_482 = tpu.vector_load %arg12[%swap3A_480, %swap3A_481] {strides = array<i32>} : memref<16x128xf32, #tpu.memory_space<vmem>>, vector<1x16xf32>,
    %swap3A_483 = vector.shape_cast %swap3A_482 : vector<1x16xf32> to vector<16xf32>
    %swap3A_484 = vector.shape_cast %broadcast_in_dim3A_17 : vector<16xf32> to vector<1x16xf32>
    tpu.vector_store %arg12[%swap3A_480, %swap3A_481], %swap3A_484 {strides = array<i32>} : memref<16x128xf32, #tpu.memory_space<vmem>>, vector<1x16xf32>,
    %swap3A_485 = arith.constant 9 : i32
    %swap3A_486 = arith.index_cast %swap3A_485 : i32 to index
    %swap3A_487 = arith.constant 96 : index
    %swap3A_488 = tpu.vector_load %arg12[%swap3A_486, %swap3A_487] {strides = array<i32>} : memref<16x128xf32, #tpu.memory_space<vmem>>, vector<1x16xf32>,
    %swap3A_489 = vector.shape_cast %swap3A_488 : vector<1x16xf32> to vector<16xf32>
    %swap3A_490 = vector.shape_cast %broadcast_in_dim3A_17 : vector<16xf32> to vector<1x16xf32>
    tpu.vector_store %arg12[%swap3A_486, %swap3A_487], %swap3A_490 {strides = array<i32>} : memref<16x128xf32, #tpu.memory_space<vmem>>, vector<1x16xf32>,
    %swap3A_491 = arith.constant 9 : i32
    %swap3A_492 = arith.index_cast %swap3A_491 : i32 to index
    %swap3A_493 = arith.constant 112 : index
    %swap3A_494 = tpu.vector_load %arg12[%swap3A_492, %swap3A_493] {strides = array<i32>} : memref<16x128xf32, #tpu.memory_space<vmem>>, vector<1x16xf32>,
    %swap3A_495 = vector.shape_cast %swap3A_494 : vector<1x16xf32> to vector<16xf32>
    %swap3A_496 = vector.shape_cast %broadcast_in_dim3A_17 : vector<16xf32> to vector<1x16xf32>
    tpu.vector_store %arg12[%swap3A_492, %swap3A_493], %swap3A_496 {strides = array<i32>} : memref<16x128xf32, #tpu.memory_space<vmem>>, vector<1x16xf32>,
    %swap3A_497 = arith.constant 10 : i32
    %swap3A_498 = arith.index_cast %swap3A_497 : i32 to index
    %swap3A_499 = arith.constant 0 : index
    %swap3A_500 = tpu.vector_load %arg12[%swap3A_498, %swap3A_499] {strides = array<i32>} : memref<16x128xf32, #tpu.memory_space<vmem>>, vector<1x16xf32>,
    %swap3A_501 = vector.shape_cast %swap3A_500 : vector<1x16xf32> to vector<16xf32>
    %swap3A_502 = vector.shape_cast %broadcast_in_dim3A_17 : vector<16xf32> to vector<1x16xf32>
    tpu.vector_store %arg12[%swap3A_498, %swap3A_499], %swap3A_502 {strides = array<i32>} : memref<16x128xf32, #tpu.memory_space<vmem>>, vector<1x16xf32>,
    %swap3A_503 = arith.constant 10 : i32
    %swap3A_504 = arith.index_cast %swap3A_503 : i32 to index
    %swap3A_505 = arith.constant 16 : index
    %swap3A_506 = tpu.vector_load %arg12[%swap3A_504, %swap3A_505] {strides = array<i32>} : memref<16x128xf32, #tpu.memory_space<vmem>>, vector<1x16xf32>,
    %swap3A_507 = vector.shape_cast %swap3A_506 : vector<1x16xf32> to vector<16xf32>
    %swap3A_508 = vector.shape_cast %broadcast_in_dim3A_17 : vector<16xf32> to vector<1x16xf32>
    tpu.vector_store %arg12[%swap3A_504, %swap3A_505], %swap3A_508 {strides = array<i32>} : memref<16x128xf32, #tpu.memory_space<vmem>>, vector<1x16xf32>,
    %swap3A_509 = arith.constant 10 : i32
    %swap3A_510 = arith.index_cast %swap3A_509 : i32 to index
    %swap3A_511 = arith.constant 32 : index
    %swap3A_512 = tpu.vector_load %arg12[%swap3A_510, %swap3A_511] {strides = array<i32>} : memref<16x128xf32, #tpu.memory_space<vmem>>, vector<1x16xf32>,
    %swap3A_513 = vector.shape_cast %swap3A_512 : vector<1x16xf32> to vector<16xf32>
    %swap3A_514 = vector.shape_cast %broadcast_in_dim3A_17 : vector<16xf32> to vector<1x16xf32>
    tpu.vector_store %arg12[%swap3A_510, %swap3A_511], %swap3A_514 {strides = array<i32>} : memref<16x128xf32, #tpu.memory_space<vmem>>, vector<1x16xf32>,
    %swap3A_515 = arith.constant 10 : i32
    %swap3A_516 = arith.index_cast %swap3A_515 : i32 to index
    %swap3A_517 = arith.constant 48 : index
    %swap3A_518 = tpu.vector_load %arg12[%swap3A_516, %swap3A_517] {strides = array<i32>} : memref<16x128xf32, #tpu.memory_space<vmem>>, vector<1x16xf32>,
    %swap3A_519 = vector.shape_cast %swap3A_518 : vector<1x16xf32> to vector<16xf32>
    %swap3A_520 = vector.shape_cast %broadcast_in_dim3A_17 : vector<16xf32> to vector<1x16xf32>
    tpu.vector_store %arg12[%swap3A_516, %swap3A_517], %swap3A_520 {strides = array<i32>} : memref<16x128xf32, #tpu.memory_space<vmem>>, vector<1x16xf32>,
    %swap3A_521 = arith.constant 10 : i32
    %swap3A_522 = arith.index_cast %swap3A_521 : i32 to index
    %swap3A_523 = arith.constant 64 : index
    %swap3A_524 = tpu.vector_load %arg12[%swap3A_522, %swap3A_523] {strides = array<i32>} : memref<16x128xf32, #tpu.memory_space<vmem>>, vector<1x16xf32>,
    %swap3A_525 = vector.shape_cast %swap3A_524 : vector<1x16xf32> to vector<16xf32>
    %swap3A_526 = vector.shape_cast %broadcast_in_dim3A_17 : vector<16xf32> to vector<1x16xf32>
    tpu.vector_store %arg12[%swap3A_522, %swap3A_523], %swap3A_526 {strides = array<i32>} : memref<16x128xf32, #tpu.memory_space<vmem>>, vector<1x16xf32>,
    %swap3A_527 = arith.constant 10 : i32
    %swap3A_528 = arith.index_cast %swap3A_527 : i32 to index
    %swap3A_529 = arith.constant 80 : index
    %swap3A_530 = tpu.vector_load %arg12[%swap3A_528, %swap3A_529] {strides = array<i32>} : memref<16x128xf32, #tpu.memory_space<vmem>>, vector<1x16xf32>,
    %swap3A_531 = vector.shape_cast %swap3A_530 : vector<1x16xf32> to vector<16xf32>
    %swap3A_532 = vector.shape_cast %broadcast_in_dim3A_17 : vector<16xf32> to vector<1x16xf32>
    tpu.vector_store %arg12[%swap3A_528, %swap3A_529], %swap3A_532 {strides = array<i32>} : memref<16x128xf32, #tpu.memory_space<vmem>>, vector<1x16xf32>,
    %swap3A_533 = arith.constant 10 : i32
    %swap3A_534 = arith.index_cast %swap3A_533 : i32 to index
    %swap3A_535 = arith.constant 96 : index
    %swap3A_536 = tpu.vector_load %arg12[%swap3A_534, %swap3A_535] {strides = array<i32>} : memref<16x128xf32, #tpu.memory_space<vmem>>, vector<1x16xf32>,
    %swap3A_537 = vector.shape_cast %swap3A_536 : vector<1x16xf32> to vector<16xf32>
    %swap3A_538 = vector.shape_cast %broadcast_in_dim3A_17 : vector<16xf32> to vector<1x16xf32>
    tpu.vector_store %arg12[%swap3A_534, %swap3A_535], %swap3A_538 {strides = array<i32>} : memref<16x128xf32, #tpu.memory_space<vmem>>, vector<1x16xf32>,
    %swap3A_539 = arith.constant 10 : i32
    %swap3A_540 = arith.index_cast %swap3A_539 : i32 to index
    %swap3A_541 = arith.constant 112 : index
    %swap3A_542 = tpu.vector_load %arg12[%swap3A_540, %swap3A_541] {strides = array<i32>} : memref<16x128xf32, #tpu.memory_space<vmem>>, vector<1x16xf32>,
    %swap3A_543 = vector.shape_cast %swap3A_542 : vector<1x16xf32> to vector<16xf32>
    %swap3A_544 = vector.shape_cast %broadcast_in_dim3A_17 : vector<16xf32> to vector<1x16xf32>
    tpu.vector_store %arg12[%swap3A_540, %swap3A_541], %swap3A_544 {strides = array<i32>} : memref<16x128xf32, #tpu.memory_space<vmem>>, vector<1x16xf32>,
    %swap3A_545 = arith.constant 11 : i32
    %swap3A_546 = arith.index_cast %swap3A_545 : i32 to index
    %swap3A_547 = arith.constant 0 : index
    %swap3A_548 = tpu.vector_load %arg12[%swap3A_546, %swap3A_547] {strides = array<i32>} : memref<16x128xf32, #tpu.memory_space<vmem>>, vector<1x16xf32>,
    %swap3A_549 = vector.shape_cast %swap3A_548 : vector<1x16xf32> to vector<16xf32>
    %swap3A_550 = vector.shape_cast %broadcast_in_dim3A_17 : vector<16xf32> to vector<1x16xf32>
    tpu.vector_store %arg12[%swap3A_546, %swap3A_547], %swap3A_550 {strides = array<i32>} : memref<16x128xf32, #tpu.memory_space<vmem>>, vector<1x16xf32>,
    %swap3A_551 = arith.constant 11 : i32
    %swap3A_552 = arith.index_cast %swap3A_551 : i32 to index
    %swap3A_553 = arith.constant 16 : index
    %swap3A_554 = tpu.vector_load %arg12[%swap3A_552, %swap3A_553] {strides = array<i32>} : memref<16x128xf32, #tpu.memory_space<vmem>>, vector<1x16xf32>,
    %swap3A_555 = vector.shape_cast %swap3A_554 : vector<1x16xf32> to vector<16xf32>
    %swap3A_556 = vector.shape_cast %broadcast_in_dim3A_17 : vector<16xf32> to vector<1x16xf32>
    tpu.vector_store %arg12[%swap3A_552, %swap3A_553], %swap3A_556 {strides = array<i32>} : memref<16x128xf32, #tpu.memory_space<vmem>>, vector<1x16xf32>,
    %swap3A_557 = arith.constant 11 : i32
    %swap3A_558 = arith.index_cast %swap3A_557 : i32 to index
    %swap3A_559 = arith.constant 32 : index
    %swap3A_560 = tpu.vector_load %arg12[%swap3A_558, %swap3A_559] {strides = array<i32>} : memref<16x128xf32, #tpu.memory_space<vmem>>, vector<1x16xf32>,
    %swap3A_561 = vector.shape_cast %swap3A_560 : vector<1x16xf32> to vector<16xf32>
    %swap3A_562 = vector.shape_cast %broadcast_in_dim3A_17 : vector<16xf32> to vector<1x16xf32>
    tpu.vector_store %arg12[%swap3A_558, %swap3A_559], %swap3A_562 {strides = array<i32>} : memref<16x128xf32, #tpu.memory_space<vmem>>, vector<1x16xf32>,
    %swap3A_563 = arith.constant 11 : i32
    %swap3A_564 = arith.index_cast %swap3A_563 : i32 to index
    %swap3A_565 = arith.constant 48 : index
    %swap3A_566 = tpu.vector_load %arg12[%swap3A_564, %swap3A_565] {strides = array<i32>} : memref<16x128xf32, #tpu.memory_space<vmem>>, vector<1x16xf32>,
    %swap3A_567 = vector.shape_cast %swap3A_566 : vector<1x16xf32> to vector<16xf32>
    %swap3A_568 = vector.shape_cast %broadcast_in_dim3A_17 : vector<16xf32> to vector<1x16xf32>
    tpu.vector_store %arg12[%swap3A_564, %swap3A_565], %swap3A_568 {strides = array<i32>} : memref<16x128xf32, #tpu.memory_space<vmem>>, vector<1x16xf32>,
    %swap3A_569 = arith.constant 11 : i32
    %swap3A_570 = arith.index_cast %swap3A_569 : i32 to index
    %swap3A_571 = arith.constant 64 : index
    %swap3A_572 = tpu.vector_load %arg12[%swap3A_570, %swap3A_571] {strides = array<i32>} : memref<16x128xf32, #tpu.memory_space<vmem>>, vector<1x16xf32>,
    %swap3A_573 = vector.shape_cast %swap3A_572 : vector<1x16xf32> to vector<16xf32>
    %swap3A_574 = vector.shape_cast %broadcast_in_dim3A_17 : vector<16xf32> to vector<1x16xf32>
    tpu.vector_store %arg12[%swap3A_570, %swap3A_571], %swap3A_574 {strides = array<i32>} : memref<16x128xf32, #tpu.memory_space<vmem>>, vector<1x16xf32>,
    %swap3A_575 = arith.constant 11 : i32
    %swap3A_576 = arith.index_cast %swap3A_575 : i32 to index
    %swap3A_577 = arith.constant 80 : index
    %swap3A_578 = tpu.vector_load %arg12[%swap3A_576, %swap3A_577] {strides = array<i32>} : memref<16x128xf32, #tpu.memory_space<vmem>>, vector<1x16xf32>,
    %swap3A_579 = vector.shape_cast %swap3A_578 : vector<1x16xf32> to vector<16xf32>
    %swap3A_580 = vector.shape_cast %broadcast_in_dim3A_17 : vector<16xf32> to vector<1x16xf32>
    tpu.vector_store %arg12[%swap3A_576, %swap3A_577], %swap3A_580 {strides = array<i32>} : memref<16x128xf32, #tpu.memory_space<vmem>>, vector<1x16xf32>,
    %swap3A_581 = arith.constant 11 : i32
    %swap3A_582 = arith.index_cast %swap3A_581 : i32 to index
    %swap3A_583 = arith.constant 96 : index
    %swap3A_584 = tpu.vector_load %arg12[%swap3A_582, %swap3A_583] {strides = array<i32>} : memref<16x128xf32, #tpu.memory_space<vmem>>, vector<1x16xf32>,
    %swap3A_585 = vector.shape_cast %swap3A_584 : vector<1x16xf32> to vector<16xf32>
    %swap3A_586 = vector.shape_cast %broadcast_in_dim3A_17 : vector<16xf32> to vector<1x16xf32>
    tpu.vector_store %arg12[%swap3A_582, %swap3A_583], %swap3A_586 {strides = array<i32>} : memref<16x128xf32, #tpu.memory_space<vmem>>, vector<1x16xf32>,
    %swap3A_587 = arith.constant 11 : i32
    %swap3A_588 = arith.index_cast %swap3A_587 : i32 to index
    %swap3A_589 = arith.constant 112 : index
    %swap3A_590 = tpu.vector_load %arg12[%swap3A_588, %swap3A_589] {strides = array<i32>} : memref<16x128xf32, #tpu.memory_space<vmem>>, vector<1x16xf32>,
    %swap3A_591 = vector.shape_cast %swap3A_590 : vector<1x16xf32> to vector<16xf32>
    %swap3A_592 = vector.shape_cast %broadcast_in_dim3A_17 : vector<16xf32> to vector<1x16xf32>
    tpu.vector_store %arg12[%swap3A_588, %swap3A_589], %swap3A_592 {strides = array<i32>} : memref<16x128xf32, #tpu.memory_space<vmem>>, vector<1x16xf32>,
    %swap3A_593 = arith.constant 12 : i32
    %swap3A_594 = arith.index_cast %swap3A_593 : i32 to index
    %swap3A_595 = arith.constant 0 : index
    %swap3A_596 = tpu.vector_load %arg12[%swap3A_594, %swap3A_595] {strides = array<i32>} : memref<16x128xf32, #tpu.memory_space<vmem>>, vector<1x16xf32>,
    %swap3A_597 = vector.shape_cast %swap3A_596 : vector<1x16xf32> to vector<16xf32>
    %swap3A_598 = vector.shape_cast %broadcast_in_dim3A_17 : vector<16xf32> to vector<1x16xf32>
    tpu.vector_store %arg12[%swap3A_594, %swap3A_595], %swap3A_598 {strides = array<i32>} : memref<16x128xf32, #tpu.memory_space<vmem>>, vector<1x16xf32>,
    %swap3A_599 = arith.constant 12 : i32
    %swap3A_600 = arith.index_cast %swap3A_599 : i32 to index
    %swap3A_601 = arith.constant 16 : index
    %swap3A_602 = tpu.vector_load %arg12[%swap3A_600, %swap3A_601] {strides = array<i32>} : memref<16x128xf32, #tpu.memory_space<vmem>>, vector<1x16xf32>,
    %swap3A_603 = vector.shape_cast %swap3A_602 : vector<1x16xf32> to vector<16xf32>
    %swap3A_604 = vector.shape_cast %broadcast_in_dim3A_17 : vector<16xf32> to vector<1x16xf32>
    tpu.vector_store %arg12[%swap3A_600, %swap3A_601], %swap3A_604 {strides = array<i32>} : memref<16x128xf32, #tpu.memory_space<vmem>>, vector<1x16xf32>,
    %swap3A_605 = arith.constant 12 : i32
    %swap3A_606 = arith.index_cast %swap3A_605 : i32 to index
    %swap3A_607 = arith.constant 32 : index
    %swap3A_608 = tpu.vector_load %arg12[%swap3A_606, %swap3A_607] {strides = array<i32>} : memref<16x128xf32, #tpu.memory_space<vmem>>, vector<1x16xf32>,
    %swap3A_609 = vector.shape_cast %swap3A_608 : vector<1x16xf32> to vector<16xf32>
    %swap3A_610 = vector.shape_cast %broadcast_in_dim3A_17 : vector<16xf32> to vector<1x16xf32>
    tpu.vector_store %arg12[%swap3A_606, %swap3A_607], %swap3A_610 {strides = array<i32>} : memref<16x128xf32, #tpu.memory_space<vmem>>, vector<1x16xf32>,
    %swap3A_611 = arith.constant 12 : i32
    %swap3A_612 = arith.index_cast %swap3A_611 : i32 to index
    %swap3A_613 = arith.constant 48 : index
    %swap3A_614 = tpu.vector_load %arg12[%swap3A_612, %swap3A_613] {strides = array<i32>} : memref<16x128xf32, #tpu.memory_space<vmem>>, vector<1x16xf32>,
    %swap3A_615 = vector.shape_cast %swap3A_614 : vector<1x16xf32> to vector<16xf32>
    %swap3A_616 = vector.shape_cast %broadcast_in_dim3A_17 : vector<16xf32> to vector<1x16xf32>
    tpu.vector_store %arg12[%swap3A_612, %swap3A_613], %swap3A_616 {strides = array<i32>} : memref<16x128xf32, #tpu.memory_space<vmem>>, vector<1x16xf32>,
    %swap3A_617 = arith.constant 12 : i32
    %swap3A_618 = arith.index_cast %swap3A_617 : i32 to index
    %swap3A_619 = arith.constant 64 : index
    %swap3A_620 = tpu.vector_load %arg12[%swap3A_618, %swap3A_619] {strides = array<i32>} : memref<16x128xf32, #tpu.memory_space<vmem>>, vector<1x16xf32>,
    %swap3A_621 = vector.shape_cast %swap3A_620 : vector<1x16xf32> to vector<16xf32>
    %swap3A_622 = vector.shape_cast %broadcast_in_dim3A_17 : vector<16xf32> to vector<1x16xf32>
    tpu.vector_store %arg12[%swap3A_618, %swap3A_619], %swap3A_622 {strides = array<i32>} : memref<16x128xf32, #tpu.memory_space<vmem>>, vector<1x16xf32>,
    %swap3A_623 = arith.constant 12 : i32
    %swap3A_624 = arith.index_cast %swap3A_623 : i32 to index
    %swap3A_625 = arith.constant 80 : index
    %swap3A_626 = tpu.vector_load %arg12[%swap3A_624, %swap3A_625] {strides = array<i32>} : memref<16x128xf32, #tpu.memory_space<vmem>>, vector<1x16xf32>,
    %swap3A_627 = vector.shape_cast %swap3A_626 : vector<1x16xf32> to vector<16xf32>
    %swap3A_628 = vector.shape_cast %broadcast_in_dim3A_17 : vector<16xf32> to vector<1x16xf32>
    tpu.vector_store %arg12[%swap3A_624, %swap3A_625], %swap3A_628 {strides = array<i32>} : memref<16x128xf32, #tpu.memory_space<vmem>>, vector<1x16xf32>,
    %swap3A_629 = arith.constant 12 : i32
    %swap3A_630 = arith.index_cast %swap3A_629 : i32 to index
    %swap3A_631 = arith.constant 96 : index
    %swap3A_632 = tpu.vector_load %arg12[%swap3A_630, %swap3A_631] {strides = array<i32>} : memref<16x128xf32, #tpu.memory_space<vmem>>, vector<1x16xf32>,
    %swap3A_633 = vector.shape_cast %swap3A_632 : vector<1x16xf32> to vector<16xf32>
    %swap3A_634 = vector.shape_cast %broadcast_in_dim3A_17 : vector<16xf32> to vector<1x16xf32>
    tpu.vector_store %arg12[%swap3A_630, %swap3A_631], %swap3A_634 {strides = array<i32>} : memref<16x128xf32, #tpu.memory_space<vmem>>, vector<1x16xf32>,
    %swap3A_635 = arith.constant 12 : i32
    %swap3A_636 = arith.index_cast %swap3A_635 : i32 to index
    %swap3A_637 = arith.constant 112 : index
    %swap3A_638 = tpu.vector_load %arg12[%swap3A_636, %swap3A_637] {strides = array<i32>} : memref<16x128xf32, #tpu.memory_space<vmem>>, vector<1x16xf32>,
    %swap3A_639 = vector.shape_cast %swap3A_638 : vector<1x16xf32> to vector<16xf32>
    %swap3A_640 = vector.shape_cast %broadcast_in_dim3A_17 : vector<16xf32> to vector<1x16xf32>
    tpu.vector_store %arg12[%swap3A_636, %swap3A_637], %swap3A_640 {strides = array<i32>} : memref<16x128xf32, #tpu.memory_space<vmem>>, vector<1x16xf32>,
    %swap3A_641 = arith.constant 13 : i32
    %swap3A_642 = arith.index_cast %swap3A_641 : i32 to index
    %swap3A_643 = arith.constant 0 : index
    %swap3A_644 = tpu.vector_load %arg12[%swap3A_642, %swap3A_643] {strides = array<i32>} : memref<16x128xf32, #tpu.memory_space<vmem>>, vector<1x16xf32>,
    %swap3A_645 = vector.shape_cast %swap3A_644 : vector<1x16xf32> to vector<16xf32>
    %swap3A_646 = vector.shape_cast %broadcast_in_dim3A_17 : vector<16xf32> to vector<1x16xf32>
    tpu.vector_store %arg12[%swap3A_642, %swap3A_643], %swap3A_646 {strides = array<i32>} : memref<16x128xf32, #tpu.memory_space<vmem>>, vector<1x16xf32>,
    %swap3A_647 = arith.constant 13 : i32
    %swap3A_648 = arith.index_cast %swap3A_647 : i32 to index
    %swap3A_649 = arith.constant 16 : index
    %swap3A_650 = tpu.vector_load %arg12[%swap3A_648, %swap3A_649] {strides = array<i32>} : memref<16x128xf32, #tpu.memory_space<vmem>>, vector<1x16xf32>,
    %swap3A_651 = vector.shape_cast %swap3A_650 : vector<1x16xf32> to vector<16xf32>
    %swap3A_652 = vector.shape_cast %broadcast_in_dim3A_17 : vector<16xf32> to vector<1x16xf32>
    tpu.vector_store %arg12[%swap3A_648, %swap3A_649], %swap3A_652 {strides = array<i32>} : memref<16x128xf32, #tpu.memory_space<vmem>>, vector<1x16xf32>,
    %swap3A_653 = arith.constant 13 : i32
    %swap3A_654 = arith.index_cast %swap3A_653 : i32 to index
    %swap3A_655 = arith.constant 32 : index
    %swap3A_656 = tpu.vector_load %arg12[%swap3A_654, %swap3A_655] {strides = array<i32>} : memref<16x128xf32, #tpu.memory_space<vmem>>, vector<1x16xf32>,
    %swap3A_657 = vector.shape_cast %swap3A_656 : vector<1x16xf32> to vector<16xf32>
    %swap3A_658 = vector.shape_cast %broadcast_in_dim3A_17 : vector<16xf32> to vector<1x16xf32>
    tpu.vector_store %arg12[%swap3A_654, %swap3A_655], %swap3A_658 {strides = array<i32>} : memref<16x128xf32, #tpu.memory_space<vmem>>, vector<1x16xf32>,
    %swap3A_659 = arith.constant 13 : i32
    %swap3A_660 = arith.index_cast %swap3A_659 : i32 to index
    %swap3A_661 = arith.constant 48 : index
    %swap3A_662 = tpu.vector_load %arg12[%swap3A_660, %swap3A_661] {strides = array<i32>} : memref<16x128xf32, #tpu.memory_space<vmem>>, vector<1x16xf32>,
    %swap3A_663 = vector.shape_cast %swap3A_662 : vector<1x16xf32> to vector<16xf32>
    %swap3A_664 = vector.shape_cast %broadcast_in_dim3A_17 : vector<16xf32> to vector<1x16xf32>
    tpu.vector_store %arg12[%swap3A_660, %swap3A_661], %swap3A_664 {strides = array<i32>} : memref<16x128xf32, #tpu.memory_space<vmem>>, vector<1x16xf32>,
    %swap3A_665 = arith.constant 13 : i32
    %swap3A_666 = arith.index_cast %swap3A_665 : i32 to index
    %swap3A_667 = arith.constant 64 : index
    %swap3A_668 = tpu.vector_load %arg12[%swap3A_666, %swap3A_667] {strides = array<i32>} : memref<16x128xf32, #tpu.memory_space<vmem>>, vector<1x16xf32>,
    %swap3A_669 = vector.shape_cast %swap3A_668 : vector<1x16xf32> to vector<16xf32>
    %swap3A_670 = vector.shape_cast %broadcast_in_dim3A_17 : vector<16xf32> to vector<1x16xf32>
    tpu.vector_store %arg12[%swap3A_666, %swap3A_667], %swap3A_670 {strides = array<i32>} : memref<16x128xf32, #tpu.memory_space<vmem>>, vector<1x16xf32>,
    %swap3A_671 = arith.constant 13 : i32
    %swap3A_672 = arith.index_cast %swap3A_671 : i32 to index
    %swap3A_673 = arith.constant 80 : index
    %swap3A_674 = tpu.vector_load %arg12[%swap3A_672, %swap3A_673] {strides = array<i32>} : memref<16x128xf32, #tpu.memory_space<vmem>>, vector<1x16xf32>,
    %swap3A_675 = vector.shape_cast %swap3A_674 : vector<1x16xf32> to vector<16xf32>
    %swap3A_676 = vector.shape_cast %broadcast_in_dim3A_17 : vector<16xf32> to vector<1x16xf32>
    tpu.vector_store %arg12[%swap3A_672, %swap3A_673], %swap3A_676 {strides = array<i32>} : memref<16x128xf32, #tpu.memory_space<vmem>>, vector<1x16xf32>,
    %swap3A_677 = arith.constant 13 : i32
    %swap3A_678 = arith.index_cast %swap3A_677 : i32 to index
    %swap3A_679 = arith.constant 96 : index
    %swap3A_680 = tpu.vector_load %arg12[%swap3A_678, %swap3A_679] {strides = array<i32>} : memref<16x128xf32, #tpu.memory_space<vmem>>, vector<1x16xf32>,
    %swap3A_681 = vector.shape_cast %swap3A_680 : vector<1x16xf32> to vector<16xf32>
    %swap3A_682 = vector.shape_cast %broadcast_in_dim3A_17 : vector<16xf32> to vector<1x16xf32>
    tpu.vector_store %arg12[%swap3A_678, %swap3A_679], %swap3A_682 {strides = array<i32>} : memref<16x128xf32, #tpu.memory_space<vmem>>, vector<1x16xf32>,
    %swap3A_683 = arith.constant 13 : i32
    %swap3A_684 = arith.index_cast %swap3A_683 : i32 to index
    %swap3A_685 = arith.constant 112 : index
    %swap3A_686 = tpu.vector_load %arg12[%swap3A_684, %swap3A_685] {strides = array<i32>} : memref<16x128xf32, #tpu.memory_space<vmem>>, vector<1x16xf32>,
    %swap3A_687 = vector.shape_cast %swap3A_686 : vector<1x16xf32> to vector<16xf32>
    %swap3A_688 = vector.shape_cast %broadcast_in_dim3A_17 : vector<16xf32> to vector<1x16xf32>
    tpu.vector_store %arg12[%swap3A_684, %swap3A_685], %swap3A_688 {strides = array<i32>} : memref<16x128xf32, #tpu.memory_space<vmem>>, vector<1x16xf32>,
    %swap3A_689 = arith.constant 14 : i32
    %swap3A_690 = arith.index_cast %swap3A_689 : i32 to index
    %swap3A_691 = arith.constant 0 : index
    %swap3A_692 = tpu.vector_load %arg12[%swap3A_690, %swap3A_691] {strides = array<i32>} : memref<16x128xf32, #tpu.memory_space<vmem>>, vector<1x16xf32>,
    %swap3A_693 = vector.shape_cast %swap3A_692 : vector<1x16xf32> to vector<16xf32>
    %swap3A_694 = vector.shape_cast %broadcast_in_dim3A_17 : vector<16xf32> to vector<1x16xf32>
    tpu.vector_store %arg12[%swap3A_690, %swap3A_691], %swap3A_694 {strides = array<i32>} : memref<16x128xf32, #tpu.memory_space<vmem>>, vector<1x16xf32>,
    %swap3A_695 = arith.constant 14 : i32
    %swap3A_696 = arith.index_cast %swap3A_695 : i32 to index
    %swap3A_697 = arith.constant 16 : index
    %swap3A_698 = tpu.vector_load %arg12[%swap3A_696, %swap3A_697] {strides = array<i32>} : memref<16x128xf32, #tpu.memory_space<vmem>>, vector<1x16xf32>,
    %swap3A_699 = vector.shape_cast %swap3A_698 : vector<1x16xf32> to vector<16xf32>
    %swap3A_700 = vector.shape_cast %broadcast_in_dim3A_17 : vector<16xf32> to vector<1x16xf32>
    tpu.vector_store %arg12[%swap3A_696, %swap3A_697], %swap3A_700 {strides = array<i32>} : memref<16x128xf32, #tpu.memory_space<vmem>>, vector<1x16xf32>,
    %swap3A_701 = arith.constant 14 : i32
    %swap3A_702 = arith.index_cast %swap3A_701 : i32 to index
    %swap3A_703 = arith.constant 32 : index
    %swap3A_704 = tpu.vector_load %arg12[%swap3A_702, %swap3A_703] {strides = array<i32>} : memref<16x128xf32, #tpu.memory_space<vmem>>, vector<1x16xf32>,
    %swap3A_705 = vector.shape_cast %swap3A_704 : vector<1x16xf32> to vector<16xf32>
    %swap3A_706 = vector.shape_cast %broadcast_in_dim3A_17 : vector<16xf32> to vector<1x16xf32>
    tpu.vector_store %arg12[%swap3A_702, %swap3A_703], %swap3A_706 {strides = array<i32>} : memref<16x128xf32, #tpu.memory_space<vmem>>, vector<1x16xf32>,
    %swap3A_707 = arith.constant 14 : i32
    %swap3A_708 = arith.index_cast %swap3A_707 : i32 to index
    %swap3A_709 = arith.constant 48 : index
    %swap3A_710 = tpu.vector_load %arg12[%swap3A_708, %swap3A_709] {strides = array<i32>} : memref<16x128xf32, #tpu.memory_space<vmem>>, vector<1x16xf32>,
    %swap3A_711 = vector.shape_cast %swap3A_710 : vector<1x16xf32> to vector<16xf32>
    %swap3A_712 = vector.shape_cast %broadcast_in_dim3A_17 : vector<16xf32> to vector<1x16xf32>
    tpu.vector_store %arg12[%swap3A_708, %swap3A_709], %swap3A_712 {strides = array<i32>} : memref<16x128xf32, #tpu.memory_space<vmem>>, vector<1x16xf32>,
    %swap3A_713 = arith.constant 14 : i32
    %swap3A_714 = arith.index_cast %swap3A_713 : i32 to index
    %swap3A_715 = arith.constant 64 : index
    %swap3A_716 = tpu.vector_load %arg12[%swap3A_714, %swap3A_715] {strides = array<i32>} : memref<16x128xf32, #tpu.memory_space<vmem>>, vector<1x16xf32>,
    %swap3A_717 = vector.shape_cast %swap3A_716 : vector<1x16xf32> to vector<16xf32>
    %swap3A_718 = vector.shape_cast %broadcast_in_dim3A_17 : vector<16xf32> to vector<1x16xf32>
    tpu.vector_store %arg12[%swap3A_714, %swap3A_715], %swap3A_718 {strides = array<i32>} : memref<16x128xf32, #tpu.memory_space<vmem>>, vector<1x16xf32>,
    %swap3A_719 = arith.constant 14 : i32
    %swap3A_720 = arith.index_cast %swap3A_719 : i32 to index
    %swap3A_721 = arith.constant 80 : index
    %swap3A_722 = tpu.vector_load %arg12[%swap3A_720, %swap3A_721] {strides = array<i32>} : memref<16x128xf32, #tpu.memory_space<vmem>>, vector<1x16xf32>,
    %swap3A_723 = vector.shape_cast %swap3A_722 : vector<1x16xf32> to vector<16xf32>
    %swap3A_724 = vector.shape_cast %broadcast_in_dim3A_17 : vector<16xf32> to vector<1x16xf32>
    tpu.vector_store %arg12[%swap3A_720, %swap3A_721], %swap3A_724 {strides = array<i32>} : memref<16x128xf32, #tpu.memory_space<vmem>>, vector<1x16xf32>,
    %swap3A_725 = arith.constant 14 : i32
    %swap3A_726 = arith.index_cast %swap3A_725 : i32 to index
    %swap3A_727 = arith.constant 96 : index
    %swap3A_728 = tpu.vector_load %arg12[%swap3A_726, %swap3A_727] {strides = array<i32>} : memref<16x128xf32, #tpu.memory_space<vmem>>, vector<1x16xf32>,
    %swap3A_729 = vector.shape_cast %swap3A_728 : vector<1x16xf32> to vector<16xf32>
    %swap3A_730 = vector.shape_cast %broadcast_in_dim3A_17 : vector<16xf32> to vector<1x16xf32>
    tpu.vector_store %arg12[%swap3A_726, %swap3A_727], %swap3A_730 {strides = array<i32>} : memref<16x128xf32, #tpu.memory_space<vmem>>, vector<1x16xf32>,
    %swap3A_731 = arith.constant 14 : i32
    %swap3A_732 = arith.index_cast %swap3A_731 : i32 to index
    %swap3A_733 = arith.constant 112 : index
    %swap3A_734 = tpu.vector_load %arg12[%swap3A_732, %swap3A_733] {strides = array<i32>} : memref<16x128xf32, #tpu.memory_space<vmem>>, vector<1x16xf32>,
    %swap3A_735 = vector.shape_cast %swap3A_734 : vector<1x16xf32> to vector<16xf32>
    %swap3A_736 = vector.shape_cast %broadcast_in_dim3A_17 : vector<16xf32> to vector<1x16xf32>
    tpu.vector_store %arg12[%swap3A_732, %swap3A_733], %swap3A_736 {strides = array<i32>} : memref<16x128xf32, #tpu.memory_space<vmem>>, vector<1x16xf32>,
    %swap3A_737 = arith.constant 15 : i32
    %swap3A_738 = arith.index_cast %swap3A_737 : i32 to index
    %swap3A_739 = arith.constant 0 : index
    %swap3A_740 = tpu.vector_load %arg12[%swap3A_738, %swap3A_739] {strides = array<i32>} : memref<16x128xf32, #tpu.memory_space<vmem>>, vector<1x16xf32>,
    %swap3A_741 = vector.shape_cast %swap3A_740 : vector<1x16xf32> to vector<16xf32>
    %swap3A_742 = vector.shape_cast %broadcast_in_dim3A_17 : vector<16xf32> to vector<1x16xf32>
    tpu.vector_store %arg12[%swap3A_738, %swap3A_739], %swap3A_742 {strides = array<i32>} : memref<16x128xf32, #tpu.memory_space<vmem>>, vector<1x16xf32>,
    %swap3A_743 = arith.constant 15 : i32
    %swap3A_744 = arith.index_cast %swap3A_743 : i32 to index
    %swap3A_745 = arith.constant 16 : index
    %swap3A_746 = tpu.vector_load %arg12[%swap3A_744, %swap3A_745] {strides = array<i32>} : memref<16x128xf32, #tpu.memory_space<vmem>>, vector<1x16xf32>,
    %swap3A_747 = vector.shape_cast %swap3A_746 : vector<1x16xf32> to vector<16xf32>
    %swap3A_748 = vector.shape_cast %broadcast_in_dim3A_17 : vector<16xf32> to vector<1x16xf32>
    tpu.vector_store %arg12[%swap3A_744, %swap3A_745], %swap3A_748 {strides = array<i32>} : memref<16x128xf32, #tpu.memory_space<vmem>>, vector<1x16xf32>,
    %swap3A_749 = arith.constant 15 : i32
    %swap3A_750 = arith.index_cast %swap3A_749 : i32 to index
    %swap3A_751 = arith.constant 32 : index
    %swap3A_752 = tpu.vector_load %arg12[%swap3A_750, %swap3A_751] {strides = array<i32>} : memref<16x128xf32, #tpu.memory_space<vmem>>, vector<1x16xf32>,
    %swap3A_753 = vector.shape_cast %swap3A_752 : vector<1x16xf32> to vector<16xf32>
    %swap3A_754 = vector.shape_cast %broadcast_in_dim3A_17 : vector<16xf32> to vector<1x16xf32>
    tpu.vector_store %arg12[%swap3A_750, %swap3A_751], %swap3A_754 {strides = array<i32>} : memref<16x128xf32, #tpu.memory_space<vmem>>, vector<1x16xf32>,
    %swap3A_755 = arith.constant 15 : i32
    %swap3A_756 = arith.index_cast %swap3A_755 : i32 to index
    %swap3A_757 = arith.constant 48 : index
    %swap3A_758 = tpu.vector_load %arg12[%swap3A_756, %swap3A_757] {strides = array<i32>} : memref<16x128xf32, #tpu.memory_space<vmem>>, vector<1x16xf32>,
    %swap3A_759 = vector.shape_cast %swap3A_758 : vector<1x16xf32> to vector<16xf32>
    %swap3A_760 = vector.shape_cast %broadcast_in_dim3A_17 : vector<16xf32> to vector<1x16xf32>
    tpu.vector_store %arg12[%swap3A_756, %swap3A_757], %swap3A_760 {strides = array<i32>} : memref<16x128xf32, #tpu.memory_space<vmem>>, vector<1x16xf32>,
    %swap3A_761 = arith.constant 15 : i32
    %swap3A_762 = arith.index_cast %swap3A_761 : i32 to index
    %swap3A_763 = arith.constant 64 : index
    %swap3A_764 = tpu.vector_load %arg12[%swap3A_762, %swap3A_763] {strides = array<i32>} : memref<16x128xf32, #tpu.memory_space<vmem>>, vector<1x16xf32>,
    %swap3A_765 = vector.shape_cast %swap3A_764 : vector<1x16xf32> to vector<16xf32>
    %swap3A_766 = vector.shape_cast %broadcast_in_dim3A_17 : vector<16xf32> to vector<1x16xf32>
    tpu.vector_store %arg12[%swap3A_762, %swap3A_763], %swap3A_766 {strides = array<i32>} : memref<16x128xf32, #tpu.memory_space<vmem>>, vector<1x16xf32>,
    %swap3A_767 = arith.constant 15 : i32
    %swap3A_768 = arith.index_cast %swap3A_767 : i32 to index
    %swap3A_769 = arith.constant 80 : index
    %swap3A_770 = tpu.vector_load %arg12[%swap3A_768, %swap3A_769] {strides = array<i32>} : memref<16x128xf32, #tpu.memory_space<vmem>>, vector<1x16xf32>,
    %swap3A_771 = vector.shape_cast %swap3A_770 : vector<1x16xf32> to vector<16xf32>
    %swap3A_772 = vector.shape_cast %broadcast_in_dim3A_17 : vector<16xf32> to vector<1x16xf32>
    tpu.vector_store %arg12[%swap3A_768, %swap3A_769], %swap3A_772 {strides = array<i32>} : memref<16x128xf32, #tpu.memory_space<vmem>>, vector<1x16xf32>,
    %swap3A_773 = arith.constant 15 : i32
    %swap3A_774 = arith.index_cast %swap3A_773 : i32 to index
    %swap3A_775 = arith.constant 96 : index
    %swap3A_776 = tpu.vector_load %arg12[%swap3A_774, %swap3A_775] {strides = array<i32>} : memref<16x128xf32, #tpu.memory_space<vmem>>, vector<1x16xf32>,
    %swap3A_777 = vector.shape_cast %swap3A_776 : vector<1x16xf32> to vector<16xf32>
    %swap3A_778 = vector.shape_cast %broadcast_in_dim3A_17 : vector<16xf32> to vector<1x16xf32>
    tpu.vector_store %arg12[%swap3A_774, %swap3A_775], %swap3A_778 {strides = array<i32>} : memref<16x128xf32, #tpu.memory_space<vmem>>, vector<1x16xf32>,
    %swap3A_779 = arith.constant 15 : i32
    %swap3A_780 = arith.index_cast %swap3A_779 : i32 to index
    %swap3A_781 = arith.constant 112 : index
    %swap3A_782 = tpu.vector_load %arg12[%swap3A_780, %swap3A_781] {strides = array<i32>} : memref<16x128xf32, #tpu.memory_space<vmem>>, vector<1x16xf32>,
    %swap3A_783 = vector.shape_cast %swap3A_782 : vector<1x16xf32> to vector<16xf32>
    %swap3A_784 = vector.shape_cast %broadcast_in_dim3A_17 : vector<16xf32> to vector<1x16xf32>
    tpu.vector_store %arg12[%swap3A_780, %swap3A_781], %swap3A_784 {strides = array<i32>} : memref<16x128xf32, #tpu.memory_space<vmem>>, vector<1x16xf32>,
    %scan3A = arith.constant 0 : i32
    %scan3A_785 = arith.constant 0 : i32
    %scan3A_786 = arith.constant 40 : i32
    %scan3A_787 = arith.addi %scan3A_785, %scan3A_786 : i32
    %scan3A_788 = arith.constant 1 : i32
    scf.for %scan3A_800 = %scan3A_785 to %scan3A_787 step %scan3A_788  : i32 {
      %mul3A_801 = arith.constant 16 : i32
      %mul3A_802 = arith.muli %scan3A_800, %mul3A_801 : i32
      %add3A_803 = arith.addi %mul3A_16, %mul3A_802 : i32
      "tpu.region"() ({
        %run_scoped3A = tpu.sem_alloc : memref<!tpu.dma_semaphore, #tpu.memory_space<semaphore_mem>>
        %dma_start3A = arith.constant 0 : i32
        %dma_start3A_804 = tpu.memref_slice %arg13[%add3A_803, %dma_start3A] : memref<10240x128xf32, #tpu.memory_space<vmem_shared>> -> memref<16x128xf32, #tpu.memory_space<vmem_shared>>
        %dma_start3A_805 = arith.constant 0 : i32
        %dma_start3A_806 = tpu.memref_slice %arg13[%add3A_803, %dma_start3A_805] : memref<10240x128xf32, #tpu.memory_space<vmem_shared>> -> memref<16x128xf32, #tpu.memory_space<vmem_shared>>
        tpu.enqueue_dma source(%arg12 : memref<16x128xf32, #tpu.memory_space<vmem>>) target(%dma_start3A_806 : memref<16x128xf32, #tpu.memory_space<vmem_shared>>) target_semaphore(%run_scoped3A : memref<!tpu.dma_semaphore, #tpu.memory_space<semaphore_mem>>)
        %dma_wait3A = arith.constant 0 : i32
        %dma_wait3A_807 = tpu.memref_slice %arg13[%add3A_803, %dma_wait3A] : memref<10240x128xf32, #tpu.memory_space<vmem_shared>> -> memref<16x128xf32, #tpu.memory_space<vmem_shared>>
        %dma_wait3A_808 = arith.constant 0 : i32
        %dma_wait3A_809 = tpu.memref_slice %arg13[%add3A_803, %dma_wait3A_808] : memref<10240x128xf32, #tpu.memory_space<vmem_shared>> -> memref<16x128xf32, #tpu.memory_space<vmem_shared>>
        tpu.wait_dma2 semaphore(%run_scoped3A : memref<!tpu.dma_semaphore, #tpu.memory_space<semaphore_mem>>) src(%arg12 : memref<16x128xf32, #tpu.memory_space<vmem>>) dst(%dma_wait3A_809 : memref<16x128xf32, #tpu.memory_space<vmem_shared>>)
        tpu.yield
      }) : () -> ()
    }
    %scan3A_789 = arith.constant 40 : i32
    %barrier3A = arith.constant 0 : index
    tpu.barrier barrier_id(%barrier3A)
    %while3A = arith.constant 0 : i32
    %while3A_790 = arith.constant 0 : i32
    %while3A_791 = arith.subi %add3A_14, %while3A_790 : i32
    %while3A_792 = arith.addi %while3A_790, %while3A_791 : i32
    %while3A_793 = arith.constant 1 : i32
    %while3A_794 = arith.divsi %while3A_791, %while3A_793 : i32
    %while3A_795 = arith.muli %while3A_794, %while3A_793 : i32
    %while3A_796 = arith.addi %while3A_790, %while3A_795 : i32
    %while3A_797 = arith.constant 1 : i32
    scf.for %while3A_800 = %while3A_790 to %while3A_796 step %while3A_797  : i32 {
      %mul3A_801 = arith.constant 32 : i32
      %mul3A_802 = arith.muli %while3A_800, %mul3A_801 : i32
      %add3A_803 = arith.addi %add3A_7, %mul3A_802 : i32
      "tpu.region"() ({
        %run_scoped3A = tpu.sem_alloc : memref<!tpu.dma_semaphore, #tpu.memory_space<semaphore_mem>>
        %dma_start3A_833 = arith.constant 0 : i32
        %dma_start3A_834 = tpu.memref_slice %arg3[%add3A_803, %dma_start3A_833] : memref<10240x32xi32, #tpu.memory_space<hbm>> -> memref<32x32xi32, #tpu.memory_space<hbm>>
        %dma_start3A_835 = arith.constant 0 : i32
        %dma_start3A_836 = tpu.memref_slice %arg3[%add3A_803, %dma_start3A_835] : memref<10240x32xi32, #tpu.memory_space<hbm>> -> memref<32x32xi32, #tpu.memory_space<hbm>>
        tpu.enqueue_dma source(%dma_start3A_836 : memref<32x32xi32, #tpu.memory_space<hbm>>) target(%arg6 : memref<32x32xi32, #tpu.memory_space<vmem>>) target_semaphore(%run_scoped3A : memref<!tpu.dma_semaphore, #tpu.memory_space<semaphore_mem>>)
        %dma_wait3A = arith.constant 0 : i32
        %dma_wait3A_837 = tpu.memref_slice %arg3[%add3A_803, %dma_wait3A] : memref<10240x32xi32, #tpu.memory_space<hbm>> -> memref<32x32xi32, #tpu.memory_space<hbm>>
        %dma_wait3A_838 = arith.constant 0 : i32
        %dma_wait3A_839 = tpu.memref_slice %arg3[%add3A_803, %dma_wait3A_838] : memref<10240x32xi32, #tpu.memory_space<hbm>> -> memref<32x32xi32, #tpu.memory_space<hbm>>
        tpu.wait_dma2 semaphore(%run_scoped3A : memref<!tpu.dma_semaphore, #tpu.memory_space<semaphore_mem>>) src(%dma_wait3A_839 : memref<32x32xi32, #tpu.memory_space<hbm>>) dst(%arg6 : memref<32x32xi32, #tpu.memory_space<vmem>>)
        tpu.yield
      }) : () -> ()
      %mul3A_804 = arith.constant 32 : i32
      %mul3A_805 = arith.muli %while3A_800, %mul3A_804 : i32
      %add3A_806 = arith.addi %add3A_7, %mul3A_805 : i32
      "tpu.region"() ({
        %run_scoped3A = tpu.sem_alloc : memref<!tpu.dma_semaphore, #tpu.memory_space<semaphore_mem>>
        %dma_start3A_833 = arith.constant 0 : i32
        %dma_start3A_834 = tpu.memref_slice %arg4[%add3A_806, %dma_start3A_833] : memref<10240x32xi32, #tpu.memory_space<hbm>> -> memref<32x32xi32, #tpu.memory_space<hbm>>
        %dma_start3A_835 = arith.constant 0 : i32
        %dma_start3A_836 = tpu.memref_slice %arg4[%add3A_806, %dma_start3A_835] : memref<10240x32xi32, #tpu.memory_space<hbm>> -> memref<32x32xi32, #tpu.memory_space<hbm>>
        tpu.enqueue_dma source(%dma_start3A_836 : memref<32x32xi32, #tpu.memory_space<hbm>>) target(%arg7 : memref<32x32xi32, #tpu.memory_space<vmem>>) target_semaphore(%run_scoped3A : memref<!tpu.dma_semaphore, #tpu.memory_space<semaphore_mem>>)
        %dma_wait3A = arith.constant 0 : i32
        %dma_wait3A_837 = tpu.memref_slice %arg4[%add3A_806, %dma_wait3A] : memref<10240x32xi32, #tpu.memory_space<hbm>> -> memref<32x32xi32, #tpu.memory_space<hbm>>
        %dma_wait3A_838 = arith.constant 0 : i32
        %dma_wait3A_839 = tpu.memref_slice %arg4[%add3A_806, %dma_wait3A_838] : memref<10240x32xi32, #tpu.memory_space<hbm>> -> memref<32x32xi32, #tpu.memory_space<hbm>>
        tpu.wait_dma2 semaphore(%run_scoped3A : memref<!tpu.dma_semaphore, #tpu.memory_space<semaphore_mem>>) src(%dma_wait3A_839 : memref<32x32xi32, #tpu.memory_space<hbm>>) dst(%arg7 : memref<32x32xi32, #tpu.memory_space<vmem>>)
        tpu.yield
      }) : () -> ()
      %dma_start3A = arith.constant 0 : i32
      %dma_start3A_807 = arith.constant 0 : i32
      %dma_start3A_808 = tpu.memref_slice %arg6[%dma_start3A, %dma_start3A_807] : memref<32x32xi32, #tpu.memory_space<vmem>> -> memref<1x32xi32, #tpu.memory_space<vmem>>
      %dma_start3A_809 = tpu.memref_squeeze %dma_start3A_808 : memref<1x32xi32, #tpu.memory_space<vmem>> -> memref<32xi32, #tpu.memory_space<vmem>>
      %dma_start3A_810 = arith.constant 0 : i32
      %dma_start3A_811 = arith.constant 0 : i32
      %dma_start3A_812 = tpu.memref_slice %arg2[%dma_start3A_810, %dma_start3A_811] : memref<10240x128xf32, #tpu.memory_space<hbm>> -> memref<10240x128xf32, #tpu.memory_space<hbm>>
      tpu.enqueue_indirect_dma source(%dma_start3A_812 : memref<10240x128xf32, #tpu.memory_space<hbm>>) target(%arg8 : memref<32x128xf32, #tpu.memory_space<vmem>>) offsets(%dma_start3A_809 : memref<32xi32, #tpu.memory_space<vmem>>) semaphore(%arg14 : memref<!tpu.dma_semaphore, #tpu.memory_space<semaphore_mem>>)
      %dma_start3A_813 = arith.constant 1 : i32
      %dma_start3A_814 = arith.constant 0 : i32
      %dma_start3A_815 = tpu.memref_slice %arg6[%dma_start3A_813, %dma_start3A_814] : memref<32x32xi32, #tpu.memory_space<vmem>> -> memref<1x32xi32, #tpu.memory_space<vmem>>
      %dma_start3A_816 = tpu.memref_squeeze %dma_start3A_815 : memref<1x32xi32, #tpu.memory_space<vmem>> -> memref<32xi32, #tpu.memory_space<vmem>>
      %dma_start3A_817 = arith.constant 0 : i32
      %dma_start3A_818 = arith.constant 0 : i32
      %dma_start3A_819 = tpu.memref_slice %arg2[%dma_start3A_817, %dma_start3A_818] : memref<10240x128xf32, #tpu.memory_space<hbm>> -> memref<10240x128xf32, #tpu.memory_space<hbm>>
      tpu.enqueue_indirect_dma source(%dma_start3A_819 : memref<10240x128xf32, #tpu.memory_space<hbm>>) target(%arg9 : memref<32x128xf32, #tpu.memory_space<vmem>>) offsets(%dma_start3A_816 : memref<32xi32, #tpu.memory_space<vmem>>) semaphore(%arg15 : memref<!tpu.dma_semaphore, #tpu.memory_space<semaphore_mem>>)
      %dma_start3A_820 = arith.constant 2 : i32
      %dma_start3A_821 = arith.constant 0 : i32
      %dma_start3A_822 = tpu.memref_slice %arg6[%dma_start3A_820, %dma_start3A_821] : memref<32x32xi32, #tpu.memory_space<vmem>> -> memref<1x32xi32, #tpu.memory_space<vmem>>
      %dma_start3A_823 = tpu.memref_squeeze %dma_start3A_822 : memref<1x32xi32, #tpu.memory_space<vmem>> -> memref<32xi32, #tpu.memory_space<vmem>>
      %dma_start3A_824 = arith.constant 0 : i32
      %dma_start3A_825 = arith.constant 0 : i32
      %dma_start3A_826 = tpu.memref_slice %arg2[%dma_start3A_824, %dma_start3A_825] : memref<10240x128xf32, #tpu.memory_space<hbm>> -> memref<10240x128xf32, #tpu.memory_space<hbm>>
      tpu.enqueue_indirect_dma source(%dma_start3A_826 : memref<10240x128xf32, #tpu.memory_space<hbm>>) target(%arg10 : memref<32x128xf32, #tpu.memory_space<vmem>>) offsets(%dma_start3A_823 : memref<32xi32, #tpu.memory_space<vmem>>) semaphore(%arg16 : memref<!tpu.dma_semaphore, #tpu.memory_space<semaphore_mem>>)
      %scan3A_827 = arith.constant 0 : i32
      %scan3A_828 = arith.constant 0 : i32
      %scan3A_829 = arith.constant 8 : i32
      %scan3A_830 = arith.addi %scan3A_828, %scan3A_829 : i32
      %scan3A_831 = arith.constant 1 : i32
      scf.for %scan3A_833 = %scan3A_828 to %scan3A_830 step %scan3A_831  : i32 {
        %mul3A_834 = arith.constant 4 : i32
        %mul3A_835 = arith.muli %mul3A_834, %scan3A_833 : i32
        %add3A_836 = arith.constant 0 : i32
        %add3A_837 = arith.addi %mul3A_835, %add3A_836 : i32
        %add3A_838 = arith.constant 3 : i32
        %add3A_839 = arith.addi %add3A_837, %add3A_838 : i32
        %lt3A = arith.constant 32 : i32
        %lt3A_840 = arith.cmpi slt, %add3A_839, %lt3A : i32
        %convert_element_type3A = arith.extui %lt3A_840 : i1 to i32
        %cond3A = arith.constant 0 : i32
        %cond3A_841 = arith.cmpi ne, %convert_element_type3A, %cond3A : i32
        scf.if %cond3A_841 {
          %add3A_892 = arith.constant 3 : i32
          %add3A_893 = arith.addi %add3A_837, %add3A_892 : i32
          %dma_start3A_894 = arith.constant 0 : i32
          %dma_start3A_895 = tpu.memref_slice %arg6[%add3A_893, %dma_start3A_894] : memref<32x32xi32, #tpu.memory_space<vmem>> -> memref<1x32xi32, #tpu.memory_space<vmem>>
          %dma_start3A_896 = tpu.memref_squeeze %dma_start3A_895 : memref<1x32xi32, #tpu.memory_space<vmem>> -> memref<32xi32, #tpu.memory_space<vmem>>
          %dma_start3A_897 = arith.constant 0 : i32
          %dma_start3A_898 = arith.constant 0 : i32
          %dma_start3A_899 = tpu.memref_slice %arg2[%dma_start3A_897, %dma_start3A_898] : memref<10240x128xf32, #tpu.memory_space<hbm>> -> memref<10240x128xf32, #tpu.memory_space<hbm>>
          tpu.enqueue_indirect_dma source(%dma_start3A_899 : memref<10240x128xf32, #tpu.memory_space<hbm>>) target(%arg11 : memref<32x128xf32, #tpu.memory_space<vmem>>) offsets(%dma_start3A_896 : memref<32xi32, #tpu.memory_space<vmem>>) semaphore(%arg17 : memref<!tpu.dma_semaphore, #tpu.memory_space<semaphore_mem>>)
        } else {
        }
        %dma_wait3A = arith.constant 0 : i32
        %dma_wait3A_842 = tpu.memref_slice %arg6[%add3A_837, %dma_wait3A] : memref<32x32xi32, #tpu.memory_space<vmem>> -> memref<1x32xi32, #tpu.memory_space<vmem>>
        %dma_wait3A_843 = tpu.memref_squeeze %dma_wait3A_842 : memref<1x32xi32, #tpu.memory_space<vmem>> -> memref<32xi32, #tpu.memory_space<vmem>>
        %dma_wait3A_844 = arith.constant 0 : i32
        %dma_wait3A_845 = arith.constant 0 : i32
        %dma_wait3A_846 = tpu.memref_slice %arg2[%dma_wait3A_844, %dma_wait3A_845] : memref<10240x128xf32, #tpu.memory_space<hbm>> -> memref<10240x128xf32, #tpu.memory_space<hbm>>
        tpu.wait_indirect_dma semaphore(%arg14 : memref<!tpu.dma_semaphore, #tpu.memory_space<semaphore_mem>>) src(%dma_wait3A_846 : memref<10240x128xf32, #tpu.memory_space<hbm>>) dst(%arg8 : memref<32x128xf32, #tpu.memory_space<vmem>>)
        "tpu.region"() ({
          %run_scoped3A = tpu.sem_alloc : memref<!tpu.dma_semaphore, #tpu.memory_space<semaphore_mem>>
          %dma_start3A_892 = arith.constant 0 : i32
          %dma_start3A_893 = tpu.memref_slice %arg7[%add3A_837, %dma_start3A_892] : memref<32x32xi32, #tpu.memory_space<vmem>> -> memref<1x32xi32, #tpu.memory_space<vmem>>
          %dma_start3A_894 = tpu.memref_squeeze %dma_start3A_893 : memref<1x32xi32, #tpu.memory_space<vmem>> -> memref<32xi32, #tpu.memory_space<vmem>>
          %dma_start3A_895 = arith.constant 0 : i32
          %dma_start3A_896 = arith.constant 0 : i32
          %dma_start3A_897 = tpu.memref_slice %arg13[%dma_start3A_895, %dma_start3A_896] : memref<10240x128xf32, #tpu.memory_space<vmem_shared>> -> memref<10240x128xf32, #tpu.memory_space<vmem_shared>>
          tpu.enqueue_indirect_dma source(%arg8 : memref<32x128xf32, #tpu.memory_space<vmem>>) target(%dma_start3A_897 : memref<10240x128xf32, #tpu.memory_space<vmem_shared>>) offsets(%dma_start3A_894 : memref<32xi32, #tpu.memory_space<vmem>>) semaphore(%run_scoped3A : memref<!tpu.dma_semaphore, #tpu.memory_space<semaphore_mem>>) {add = true}
          %dma_wait3A_898 = arith.constant 0 : i32
          %dma_wait3A_899 = tpu.memref_slice %arg7[%add3A_837, %dma_wait3A_898] : memref<32x32xi32, #tpu.memory_space<vmem>> -> memref<1x32xi32, #tpu.memory_space<vmem>>
          %dma_wait3A_900 = tpu.memref_squeeze %dma_wait3A_899 : memref<1x32xi32, #tpu.memory_space<vmem>> -> memref<32xi32, #tpu.memory_space<vmem>>
          %dma_wait3A_901 = arith.constant 0 : i32
          %dma_wait3A_902 = arith.constant 0 : i32
          %dma_wait3A_903 = tpu.memref_slice %arg13[%dma_wait3A_901, %dma_wait3A_902] : memref<10240x128xf32, #tpu.memory_space<vmem_shared>> -> memref<10240x128xf32, #tpu.memory_space<vmem_shared>>
          tpu.wait_indirect_dma semaphore(%run_scoped3A : memref<!tpu.dma_semaphore, #tpu.memory_space<semaphore_mem>>) src(%arg8 : memref<32x128xf32, #tpu.memory_space<vmem>>) dst(%dma_wait3A_903 : memref<10240x128xf32, #tpu.memory_space<vmem_shared>>)
          tpu.yield
        }) : () -> ()
        %add3A_847 = arith.constant 1 : i32
        %add3A_848 = arith.addi %mul3A_835, %add3A_847 : i32
        %add3A_849 = arith.constant 3 : i32
        %add3A_850 = arith.addi %add3A_848, %add3A_849 : i32
        %lt3A_851 = arith.constant 32 : i32
        %lt3A_852 = arith.cmpi slt, %add3A_850, %lt3A_851 : i32
        %convert_element_type3A_853 = arith.extui %lt3A_852 : i1 to i32
        %cond3A_854 = arith.constant 0 : i32
        %cond3A_855 = arith.cmpi ne, %convert_element_type3A_853, %cond3A_854 : i32
        scf.if %cond3A_855 {
          %add3A_892 = arith.constant 3 : i32
          %add3A_893 = arith.addi %add3A_848, %add3A_892 : i32
          %dma_start3A_894 = arith.constant 0 : i32
          %dma_start3A_895 = tpu.memref_slice %arg6[%add3A_893, %dma_start3A_894] : memref<32x32xi32, #tpu.memory_space<vmem>> -> memref<1x32xi32, #tpu.memory_space<vmem>>
          %dma_start3A_896 = tpu.memref_squeeze %dma_start3A_895 : memref<1x32xi32, #tpu.memory_space<vmem>> -> memref<32xi32, #tpu.memory_space<vmem>>
          %dma_start3A_897 = arith.constant 0 : i32
          %dma_start3A_898 = arith.constant 0 : i32
          %dma_start3A_899 = tpu.memref_slice %arg2[%dma_start3A_897, %dma_start3A_898] : memref<10240x128xf32, #tpu.memory_space<hbm>> -> memref<10240x128xf32, #tpu.memory_space<hbm>>
          tpu.enqueue_indirect_dma source(%dma_start3A_899 : memref<10240x128xf32, #tpu.memory_space<hbm>>) target(%arg8 : memref<32x128xf32, #tpu.memory_space<vmem>>) offsets(%dma_start3A_896 : memref<32xi32, #tpu.memory_space<vmem>>) semaphore(%arg14 : memref<!tpu.dma_semaphore, #tpu.memory_space<semaphore_mem>>)
        } else {
        }
        %dma_wait3A_856 = arith.constant 0 : i32
        %dma_wait3A_857 = tpu.memref_slice %arg6[%add3A_848, %dma_wait3A_856] : memref<32x32xi32, #tpu.memory_space<vmem>> -> memref<1x32xi32, #tpu.memory_space<vmem>>
        %dma_wait3A_858 = tpu.memref_squeeze %dma_wait3A_857 : memref<1x32xi32, #tpu.memory_space<vmem>> -> memref<32xi32, #tpu.memory_space<vmem>>
        %dma_wait3A_859 = arith.constant 0 : i32
        %dma_wait3A_860 = arith.constant 0 : i32
        %dma_wait3A_861 = tpu.memref_slice %arg2[%dma_wait3A_859, %dma_wait3A_860] : memref<10240x128xf32, #tpu.memory_space<hbm>> -> memref<10240x128xf32, #tpu.memory_space<hbm>>
        tpu.wait_indirect_dma semaphore(%arg15 : memref<!tpu.dma_semaphore, #tpu.memory_space<semaphore_mem>>) src(%dma_wait3A_861 : memref<10240x128xf32, #tpu.memory_space<hbm>>) dst(%arg9 : memref<32x128xf32, #tpu.memory_space<vmem>>)
        "tpu.region"() ({
          %run_scoped3A = tpu.sem_alloc : memref<!tpu.dma_semaphore, #tpu.memory_space<semaphore_mem>>
          %dma_start3A_892 = arith.constant 0 : i32
          %dma_start3A_893 = tpu.memref_slice %arg7[%add3A_848, %dma_start3A_892] : memref<32x32xi32, #tpu.memory_space<vmem>> -> memref<1x32xi32, #tpu.memory_space<vmem>>
          %dma_start3A_894 = tpu.memref_squeeze %dma_start3A_893 : memref<1x32xi32, #tpu.memory_space<vmem>> -> memref<32xi32, #tpu.memory_space<vmem>>
          %dma_start3A_895 = arith.constant 0 : i32
          %dma_start3A_896 = arith.constant 0 : i32
          %dma_start3A_897 = tpu.memref_slice %arg13[%dma_start3A_895, %dma_start3A_896] : memref<10240x128xf32, #tpu.memory_space<vmem_shared>> -> memref<10240x128xf32, #tpu.memory_space<vmem_shared>>
          tpu.enqueue_indirect_dma source(%arg9 : memref<32x128xf32, #tpu.memory_space<vmem>>) target(%dma_start3A_897 : memref<10240x128xf32, #tpu.memory_space<vmem_shared>>) offsets(%dma_start3A_894 : memref<32xi32, #tpu.memory_space<vmem>>) semaphore(%run_scoped3A : memref<!tpu.dma_semaphore, #tpu.memory_space<semaphore_mem>>) {add = true}
          %dma_wait3A_898 = arith.constant 0 : i32
          %dma_wait3A_899 = tpu.memref_slice %arg7[%add3A_848, %dma_wait3A_898] : memref<32x32xi32, #tpu.memory_space<vmem>> -> memref<1x32xi32, #tpu.memory_space<vmem>>
          %dma_wait3A_900 = tpu.memref_squeeze %dma_wait3A_899 : memref<1x32xi32, #tpu.memory_space<vmem>> -> memref<32xi32, #tpu.memory_space<vmem>>
          %dma_wait3A_901 = arith.constant 0 : i32
          %dma_wait3A_902 = arith.constant 0 : i32
          %dma_wait3A_903 = tpu.memref_slice %arg13[%dma_wait3A_901, %dma_wait3A_902] : memref<10240x128xf32, #tpu.memory_space<vmem_shared>> -> memref<10240x128xf32, #tpu.memory_space<vmem_shared>>
          tpu.wait_indirect_dma semaphore(%run_scoped3A : memref<!tpu.dma_semaphore, #tpu.memory_space<semaphore_mem>>) src(%arg9 : memref<32x128xf32, #tpu.memory_space<vmem>>) dst(%dma_wait3A_903 : memref<10240x128xf32, #tpu.memory_space<vmem_shared>>)
          tpu.yield
        }) : () -> ()
        %add3A_862 = arith.constant 2 : i32
        %add3A_863 = arith.addi %mul3A_835, %add3A_862 : i32
        %add3A_864 = arith.constant 3 : i32
        %add3A_865 = arith.addi %add3A_863, %add3A_864 : i32
        %lt3A_866 = arith.constant 32 : i32
        %lt3A_867 = arith.cmpi slt, %add3A_865, %lt3A_866 : i32
        %convert_element_type3A_868 = arith.extui %lt3A_867 : i1 to i32
        %cond3A_869 = arith.constant 0 : i32
        %cond3A_870 = arith.cmpi ne, %convert_element_type3A_868, %cond3A_869 : i32
        scf.if %cond3A_870 {
          %add3A_892 = arith.constant 3 : i32
          %add3A_893 = arith.addi %add3A_863, %add3A_892 : i32
          %dma_start3A_894 = arith.constant 0 : i32
          %dma_start3A_895 = tpu.memref_slice %arg6[%add3A_893, %dma_start3A_894] : memref<32x32xi32, #tpu.memory_space<vmem>> -> memref<1x32xi32, #tpu.memory_space<vmem>>
          %dma_start3A_896 = tpu.memref_squeeze %dma_start3A_895 : memref<1x32xi32, #tpu.memory_space<vmem>> -> memref<32xi32, #tpu.memory_space<vmem>>
          %dma_start3A_897 = arith.constant 0 : i32
          %dma_start3A_898 = arith.constant 0 : i32
          %dma_start3A_899 = tpu.memref_slice %arg2[%dma_start3A_897, %dma_start3A_898] : memref<10240x128xf32, #tpu.memory_space<hbm>> -> memref<10240x128xf32, #tpu.memory_space<hbm>>
          tpu.enqueue_indirect_dma source(%dma_start3A_899 : memref<10240x128xf32, #tpu.memory_space<hbm>>) target(%arg9 : memref<32x128xf32, #tpu.memory_space<vmem>>) offsets(%dma_start3A_896 : memref<32xi32, #tpu.memory_space<vmem>>) semaphore(%arg15 : memref<!tpu.dma_semaphore, #tpu.memory_space<semaphore_mem>>)
        } else {
        }
        %dma_wait3A_871 = arith.constant 0 : i32
        %dma_wait3A_872 = tpu.memref_slice %arg6[%add3A_863, %dma_wait3A_871] : memref<32x32xi32, #tpu.memory_space<vmem>> -> memref<1x32xi32, #tpu.memory_space<vmem>>
        %dma_wait3A_873 = tpu.memref_squeeze %dma_wait3A_872 : memref<1x32xi32, #tpu.memory_space<vmem>> -> memref<32xi32, #tpu.memory_space<vmem>>
        %dma_wait3A_874 = arith.constant 0 : i32
        %dma_wait3A_875 = arith.constant 0 : i32
        %dma_wait3A_876 = tpu.memref_slice %arg2[%dma_wait3A_874, %dma_wait3A_875] : memref<10240x128xf32, #tpu.memory_space<hbm>> -> memref<10240x128xf32, #tpu.memory_space<hbm>>
        tpu.wait_indirect_dma semaphore(%arg16 : memref<!tpu.dma_semaphore, #tpu.memory_space<semaphore_mem>>) src(%dma_wait3A_876 : memref<10240x128xf32, #tpu.memory_space<hbm>>) dst(%arg10 : memref<32x128xf32, #tpu.memory_space<vmem>>)
        "tpu.region"() ({
          %run_scoped3A = tpu.sem_alloc : memref<!tpu.dma_semaphore, #tpu.memory_space<semaphore_mem>>
          %dma_start3A_892 = arith.constant 0 : i32
          %dma_start3A_893 = tpu.memref_slice %arg7[%add3A_863, %dma_start3A_892] : memref<32x32xi32, #tpu.memory_space<vmem>> -> memref<1x32xi32, #tpu.memory_space<vmem>>
          %dma_start3A_894 = tpu.memref_squeeze %dma_start3A_893 : memref<1x32xi32, #tpu.memory_space<vmem>> -> memref<32xi32, #tpu.memory_space<vmem>>
          %dma_start3A_895 = arith.constant 0 : i32
          %dma_start3A_896 = arith.constant 0 : i32
          %dma_start3A_897 = tpu.memref_slice %arg13[%dma_start3A_895, %dma_start3A_896] : memref<10240x128xf32, #tpu.memory_space<vmem_shared>> -> memref<10240x128xf32, #tpu.memory_space<vmem_shared>>
          tpu.enqueue_indirect_dma source(%arg10 : memref<32x128xf32, #tpu.memory_space<vmem>>) target(%dma_start3A_897 : memref<10240x128xf32, #tpu.memory_space<vmem_shared>>) offsets(%dma_start3A_894 : memref<32xi32, #tpu.memory_space<vmem>>) semaphore(%run_scoped3A : memref<!tpu.dma_semaphore, #tpu.memory_space<semaphore_mem>>) {add = true}
          %dma_wait3A_898 = arith.constant 0 : i32
          %dma_wait3A_899 = tpu.memref_slice %arg7[%add3A_863, %dma_wait3A_898] : memref<32x32xi32, #tpu.memory_space<vmem>> -> memref<1x32xi32, #tpu.memory_space<vmem>>
          %dma_wait3A_900 = tpu.memref_squeeze %dma_wait3A_899 : memref<1x32xi32, #tpu.memory_space<vmem>> -> memref<32xi32, #tpu.memory_space<vmem>>
          %dma_wait3A_901 = arith.constant 0 : i32
          %dma_wait3A_902 = arith.constant 0 : i32
          %dma_wait3A_903 = tpu.memref_slice %arg13[%dma_wait3A_901, %dma_wait3A_902] : memref<10240x128xf32, #tpu.memory_space<vmem_shared>> -> memref<10240x128xf32, #tpu.memory_space<vmem_shared>>
          tpu.wait_indirect_dma semaphore(%run_scoped3A : memref<!tpu.dma_semaphore, #tpu.memory_space<semaphore_mem>>) src(%arg10 : memref<32x128xf32, #tpu.memory_space<vmem>>) dst(%dma_wait3A_903 : memref<10240x128xf32, #tpu.memory_space<vmem_shared>>)
          tpu.yield
        }) : () -> ()
        %add3A_877 = arith.constant 3 : i32
        %add3A_878 = arith.addi %mul3A_835, %add3A_877 : i32
        %add3A_879 = arith.constant 3 : i32
        %add3A_880 = arith.addi %add3A_878, %add3A_879 : i32
        %lt3A_881 = arith.constant 32 : i32
        %lt3A_882 = arith.cmpi slt, %add3A_880, %lt3A_881 : i32
        %convert_element_type3A_883 = arith.extui %lt3A_882 : i1 to i32
        %cond3A_884 = arith.constant 0 : i32
        %cond3A_885 = arith.cmpi ne, %convert_element_type3A_883, %cond3A_884 : i32
        scf.if %cond3A_885 {
          %add3A_892 = arith.constant 3 : i32
          %add3A_893 = arith.addi %add3A_878, %add3A_892 : i32
          %dma_start3A_894 = arith.constant 0 : i32
          %dma_start3A_895 = tpu.memref_slice %arg6[%add3A_893, %dma_start3A_894] : memref<32x32xi32, #tpu.memory_space<vmem>> -> memref<1x32xi32, #tpu.memory_space<vmem>>
          %dma_start3A_896 = tpu.memref_squeeze %dma_start3A_895 : memref<1x32xi32, #tpu.memory_space<vmem>> -> memref<32xi32, #tpu.memory_space<vmem>>
          %dma_start3A_897 = arith.constant 0 : i32
          %dma_start3A_898 = arith.constant 0 : i32
          %dma_start3A_899 = tpu.memref_slice %arg2[%dma_start3A_897, %dma_start3A_898] : memref<10240x128xf32, #tpu.memory_space<hbm>> -> memref<10240x128xf32, #tpu.memory_space<hbm>>
          tpu.enqueue_indirect_dma source(%dma_start3A_899 : memref<10240x128xf32, #tpu.memory_space<hbm>>) target(%arg10 : memref<32x128xf32, #tpu.memory_space<vmem>>) offsets(%dma_start3A_896 : memref<32xi32, #tpu.memory_space<vmem>>) semaphore(%arg16 : memref<!tpu.dma_semaphore, #tpu.memory_space<semaphore_mem>>)
        } else {
        }
        %dma_wait3A_886 = arith.constant 0 : i32
        %dma_wait3A_887 = tpu.memref_slice %arg6[%add3A_878, %dma_wait3A_886] : memref<32x32xi32, #tpu.memory_space<vmem>> -> memref<1x32xi32, #tpu.memory_space<vmem>>
        %dma_wait3A_888 = tpu.memref_squeeze %dma_wait3A_887 : memref<1x32xi32, #tpu.memory_space<vmem>> -> memref<32xi32, #tpu.memory_space<vmem>>
        %dma_wait3A_889 = arith.constant 0 : i32
        %dma_wait3A_890 = arith.constant 0 : i32
        %dma_wait3A_891 = tpu.memref_slice %arg2[%dma_wait3A_889, %dma_wait3A_890] : memref<10240x128xf32, #tpu.memory_space<hbm>> -> memref<10240x128xf32, #tpu.memory_space<hbm>>
        tpu.wait_indirect_dma semaphore(%arg17 : memref<!tpu.dma_semaphore, #tpu.memory_space<semaphore_mem>>) src(%dma_wait3A_891 : memref<10240x128xf32, #tpu.memory_space<hbm>>) dst(%arg11 : memref<32x128xf32, #tpu.memory_space<vmem>>)
        "tpu.region"() ({
          %run_scoped3A = tpu.sem_alloc : memref<!tpu.dma_semaphore, #tpu.memory_space<semaphore_mem>>
          %dma_start3A_892 = arith.constant 0 : i32
          %dma_start3A_893 = tpu.memref_slice %arg7[%add3A_878, %dma_start3A_892] : memref<32x32xi32, #tpu.memory_space<vmem>> -> memref<1x32xi32, #tpu.memory_space<vmem>>
          %dma_start3A_894 = tpu.memref_squeeze %dma_start3A_893 : memref<1x32xi32, #tpu.memory_space<vmem>> -> memref<32xi32, #tpu.memory_space<vmem>>
          %dma_start3A_895 = arith.constant 0 : i32
          %dma_start3A_896 = arith.constant 0 : i32
          %dma_start3A_897 = tpu.memref_slice %arg13[%dma_start3A_895, %dma_start3A_896] : memref<10240x128xf32, #tpu.memory_space<vmem_shared>> -> memref<10240x128xf32, #tpu.memory_space<vmem_shared>>
          tpu.enqueue_indirect_dma source(%arg11 : memref<32x128xf32, #tpu.memory_space<vmem>>) target(%dma_start3A_897 : memref<10240x128xf32, #tpu.memory_space<vmem_shared>>) offsets(%dma_start3A_894 : memref<32xi32, #tpu.memory_space<vmem>>) semaphore(%run_scoped3A : memref<!tpu.dma_semaphore, #tpu.memory_space<semaphore_mem>>) {add = true}
          %dma_wait3A_898 = arith.constant 0 : i32
          %dma_wait3A_899 = tpu.memref_slice %arg7[%add3A_878, %dma_wait3A_898] : memref<32x32xi32, #tpu.memory_space<vmem>> -> memref<1x32xi32, #tpu.memory_space<vmem>>
          %dma_wait3A_900 = tpu.memref_squeeze %dma_wait3A_899 : memref<1x32xi32, #tpu.memory_space<vmem>> -> memref<32xi32, #tpu.memory_space<vmem>>
          %dma_wait3A_901 = arith.constant 0 : i32
          %dma_wait3A_902 = arith.constant 0 : i32
          %dma_wait3A_903 = tpu.memref_slice %arg13[%dma_wait3A_901, %dma_wait3A_902] : memref<10240x128xf32, #tpu.memory_space<vmem_shared>> -> memref<10240x128xf32, #tpu.memory_space<vmem_shared>>
          tpu.wait_indirect_dma semaphore(%run_scoped3A : memref<!tpu.dma_semaphore, #tpu.memory_space<semaphore_mem>>) src(%arg11 : memref<32x128xf32, #tpu.memory_space<vmem>>) dst(%dma_wait3A_903 : memref<10240x128xf32, #tpu.memory_space<vmem_shared>>)
          tpu.yield
        }) : () -> ()
      }
      %scan3A_832 = arith.constant 8 : i32
    }
    %while3A_798 = arith.constant 1 : i32
    scf.for %while3A_800 = %while3A_796 to %while3A_792 step %while3A_798  : i32 {
      %mul3A_801 = arith.constant 32 : i32
      %mul3A_802 = arith.muli %while3A_800, %mul3A_801 : i32
      %add3A_803 = arith.addi %add3A_7, %mul3A_802 : i32
      "tpu.region"() ({
        %run_scoped3A = tpu.sem_alloc : memref<!tpu.dma_semaphore, #tpu.memory_space<semaphore_mem>>
        %dma_start3A_833 = arith.constant 0 : i32
        %dma_start3A_834 = tpu.memref_slice %arg3[%add3A_803, %dma_start3A_833] : memref<10240x32xi32, #tpu.memory_space<hbm>> -> memref<32x32xi32, #tpu.memory_space<hbm>>
        %dma_start3A_835 = arith.constant 0 : i32
        %dma_start3A_836 = tpu.memref_slice %arg3[%add3A_803, %dma_start3A_835] : memref<10240x32xi32, #tpu.memory_space<hbm>> -> memref<32x32xi32, #tpu.memory_space<hbm>>
        tpu.enqueue_dma source(%dma_start3A_836 : memref<32x32xi32, #tpu.memory_space<hbm>>) target(%arg6 : memref<32x32xi32, #tpu.memory_space<vmem>>) target_semaphore(%run_scoped3A : memref<!tpu.dma_semaphore, #tpu.memory_space<semaphore_mem>>)
        %dma_wait3A = arith.constant 0 : i32
        %dma_wait3A_837 = tpu.memref_slice %arg3[%add3A_803, %dma_wait3A] : memref<10240x32xi32, #tpu.memory_space<hbm>> -> memref<32x32xi32, #tpu.memory_space<hbm>>
        %dma_wait3A_838 = arith.constant 0 : i32
        %dma_wait3A_839 = tpu.memref_slice %arg3[%add3A_803, %dma_wait3A_838] : memref<10240x32xi32, #tpu.memory_space<hbm>> -> memref<32x32xi32, #tpu.memory_space<hbm>>
        tpu.wait_dma2 semaphore(%run_scoped3A : memref<!tpu.dma_semaphore, #tpu.memory_space<semaphore_mem>>) src(%dma_wait3A_839 : memref<32x32xi32, #tpu.memory_space<hbm>>) dst(%arg6 : memref<32x32xi32, #tpu.memory_space<vmem>>)
        tpu.yield
      }) : () -> ()
      %mul3A_804 = arith.constant 32 : i32
      %mul3A_805 = arith.muli %while3A_800, %mul3A_804 : i32
      %add3A_806 = arith.addi %add3A_7, %mul3A_805 : i32
      "tpu.region"() ({
        %run_scoped3A = tpu.sem_alloc : memref<!tpu.dma_semaphore, #tpu.memory_space<semaphore_mem>>
        %dma_start3A_833 = arith.constant 0 : i32
        %dma_start3A_834 = tpu.memref_slice %arg4[%add3A_806, %dma_start3A_833] : memref<10240x32xi32, #tpu.memory_space<hbm>> -> memref<32x32xi32, #tpu.memory_space<hbm>>
        %dma_start3A_835 = arith.constant 0 : i32
        %dma_start3A_836 = tpu.memref_slice %arg4[%add3A_806, %dma_start3A_835] : memref<10240x32xi32, #tpu.memory_space<hbm>> -> memref<32x32xi32, #tpu.memory_space<hbm>>
        tpu.enqueue_dma source(%dma_start3A_836 : memref<32x32xi32, #tpu.memory_space<hbm>>) target(%arg7 : memref<32x32xi32, #tpu.memory_space<vmem>>) target_semaphore(%run_scoped3A : memref<!tpu.dma_semaphore, #tpu.memory_space<semaphore_mem>>)
        %dma_wait3A = arith.constant 0 : i32
        %dma_wait3A_837 = tpu.memref_slice %arg4[%add3A_806, %dma_wait3A] : memref<10240x32xi32, #tpu.memory_space<hbm>> -> memref<32x32xi32, #tpu.memory_space<hbm>>
        %dma_wait3A_838 = arith.constant 0 : i32
        %dma_wait3A_839 = tpu.memref_slice %arg4[%add3A_806, %dma_wait3A_838] : memref<10240x32xi32, #tpu.memory_space<hbm>> -> memref<32x32xi32, #tpu.memory_space<hbm>>
        tpu.wait_dma2 semaphore(%run_scoped3A : memref<!tpu.dma_semaphore, #tpu.memory_space<semaphore_mem>>) src(%dma_wait3A_839 : memref<32x32xi32, #tpu.memory_space<hbm>>) dst(%arg7 : memref<32x32xi32, #tpu.memory_space<vmem>>)
        tpu.yield
      }) : () -> ()
      %dma_start3A = arith.constant 0 : i32
      %dma_start3A_807 = arith.constant 0 : i32
      %dma_start3A_808 = tpu.memref_slice %arg6[%dma_start3A, %dma_start3A_807] : memref<32x32xi32, #tpu.memory_space<vmem>> -> memref<1x32xi32, #tpu.memory_space<vmem>>
      %dma_start3A_809 = tpu.memref_squeeze %dma_start3A_808 : memref<1x32xi32, #tpu.memory_space<vmem>> -> memref<32xi32, #tpu.memory_space<vmem>>
      %dma_start3A_810 = arith.constant 0 : i32
      %dma_start3A_811 = arith.constant 0 : i32
      %dma_start3A_812 = tpu.memref_slice %arg2[%dma_start3A_810, %dma_start3A_811] : memref<10240x128xf32, #tpu.memory_space<hbm>> -> memref<10240x128xf32, #tpu.memory_space<hbm>>
      tpu.enqueue_indirect_dma source(%dma_start3A_812 : memref<10240x128xf32, #tpu.memory_space<hbm>>) target(%arg8 : memref<32x128xf32, #tpu.memory_space<vmem>>) offsets(%dma_start3A_809 : memref<32xi32, #tpu.memory_space<vmem>>) semaphore(%arg14 : memref<!tpu.dma_semaphore, #tpu.memory_space<semaphore_mem>>)
      %dma_start3A_813 = arith.constant 1 : i32
      %dma_start3A_814 = arith.constant 0 : i32
      %dma_start3A_815 = tpu.memref_slice %arg6[%dma_start3A_813, %dma_start3A_814] : memref<32x32xi32, #tpu.memory_space<vmem>> -> memref<1x32xi32, #tpu.memory_space<vmem>>
      %dma_start3A_816 = tpu.memref_squeeze %dma_start3A_815 : memref<1x32xi32, #tpu.memory_space<vmem>> -> memref<32xi32, #tpu.memory_space<vmem>>
      %dma_start3A_817 = arith.constant 0 : i32
      %dma_start3A_818 = arith.constant 0 : i32
      %dma_start3A_819 = tpu.memref_slice %arg2[%dma_start3A_817, %dma_start3A_818] : memref<10240x128xf32, #tpu.memory_space<hbm>> -> memref<10240x128xf32, #tpu.memory_space<hbm>>
      tpu.enqueue_indirect_dma source(%dma_start3A_819 : memref<10240x128xf32, #tpu.memory_space<hbm>>) target(%arg9 : memref<32x128xf32, #tpu.memory_space<vmem>>) offsets(%dma_start3A_816 : memref<32xi32, #tpu.memory_space<vmem>>) semaphore(%arg15 : memref<!tpu.dma_semaphore, #tpu.memory_space<semaphore_mem>>)
      %dma_start3A_820 = arith.constant 2 : i32
      %dma_start3A_821 = arith.constant 0 : i32
      %dma_start3A_822 = tpu.memref_slice %arg6[%dma_start3A_820, %dma_start3A_821] : memref<32x32xi32, #tpu.memory_space<vmem>> -> memref<1x32xi32, #tpu.memory_space<vmem>>
      %dma_start3A_823 = tpu.memref_squeeze %dma_start3A_822 : memref<1x32xi32, #tpu.memory_space<vmem>> -> memref<32xi32, #tpu.memory_space<vmem>>
      %dma_start3A_824 = arith.constant 0 : i32
      %dma_start3A_825 = arith.constant 0 : i32
      %dma_start3A_826 = tpu.memref_slice %arg2[%dma_start3A_824, %dma_start3A_825] : memref<10240x128xf32, #tpu.memory_space<hbm>> -> memref<10240x128xf32, #tpu.memory_space<hbm>>
      tpu.enqueue_indirect_dma source(%dma_start3A_826 : memref<10240x128xf32, #tpu.memory_space<hbm>>) target(%arg10 : memref<32x128xf32, #tpu.memory_space<vmem>>) offsets(%dma_start3A_823 : memref<32xi32, #tpu.memory_space<vmem>>) semaphore(%arg16 : memref<!tpu.dma_semaphore, #tpu.memory_space<semaphore_mem>>)
      %scan3A_827 = arith.constant 0 : i32
      %scan3A_828 = arith.constant 0 : i32
      %scan3A_829 = arith.constant 8 : i32
      %scan3A_830 = arith.addi %scan3A_828, %scan3A_829 : i32
      %scan3A_831 = arith.constant 1 : i32
      scf.for %scan3A_833 = %scan3A_828 to %scan3A_830 step %scan3A_831  : i32 {
        %mul3A_834 = arith.constant 4 : i32
        %mul3A_835 = arith.muli %mul3A_834, %scan3A_833 : i32
        %add3A_836 = arith.constant 0 : i32
        %add3A_837 = arith.addi %mul3A_835, %add3A_836 : i32
        %add3A_838 = arith.constant 3 : i32
        %add3A_839 = arith.addi %add3A_837, %add3A_838 : i32
        %lt3A = arith.constant 32 : i32
        %lt3A_840 = arith.cmpi slt, %add3A_839, %lt3A : i32
        %convert_element_type3A = arith.extui %lt3A_840 : i1 to i32
        %cond3A = arith.constant 0 : i32
        %cond3A_841 = arith.cmpi ne, %convert_element_type3A, %cond3A : i32
        scf.if %cond3A_841 {
          %add3A_892 = arith.constant 3 : i32
          %add3A_893 = arith.addi %add3A_837, %add3A_892 : i32
          %dma_start3A_894 = arith.constant 0 : i32
          %dma_start3A_895 = tpu.memref_slice %arg6[%add3A_893, %dma_start3A_894] : memref<32x32xi32, #tpu.memory_space<vmem>> -> memref<1x32xi32, #tpu.memory_space<vmem>>
          %dma_start3A_896 = tpu.memref_squeeze %dma_start3A_895 : memref<1x32xi32, #tpu.memory_space<vmem>> -> memref<32xi32, #tpu.memory_space<vmem>>
          %dma_start3A_897 = arith.constant 0 : i32
          %dma_start3A_898 = arith.constant 0 : i32
          %dma_start3A_899 = tpu.memref_slice %arg2[%dma_start3A_897, %dma_start3A_898] : memref<10240x128xf32, #tpu.memory_space<hbm>> -> memref<10240x128xf32, #tpu.memory_space<hbm>>
          tpu.enqueue_indirect_dma source(%dma_start3A_899 : memref<10240x128xf32, #tpu.memory_space<hbm>>) target(%arg11 : memref<32x128xf32, #tpu.memory_space<vmem>>) offsets(%dma_start3A_896 : memref<32xi32, #tpu.memory_space<vmem>>) semaphore(%arg17 : memref<!tpu.dma_semaphore, #tpu.memory_space<semaphore_mem>>)
        } else {
        }
        %dma_wait3A = arith.constant 0 : i32
        %dma_wait3A_842 = tpu.memref_slice %arg6[%add3A_837, %dma_wait3A] : memref<32x32xi32, #tpu.memory_space<vmem>> -> memref<1x32xi32, #tpu.memory_space<vmem>>
        %dma_wait3A_843 = tpu.memref_squeeze %dma_wait3A_842 : memref<1x32xi32, #tpu.memory_space<vmem>> -> memref<32xi32, #tpu.memory_space<vmem>>
        %dma_wait3A_844 = arith.constant 0 : i32
        %dma_wait3A_845 = arith.constant 0 : i32
        %dma_wait3A_846 = tpu.memref_slice %arg2[%dma_wait3A_844, %dma_wait3A_845] : memref<10240x128xf32, #tpu.memory_space<hbm>> -> memref<10240x128xf32, #tpu.memory_space<hbm>>
        tpu.wait_indirect_dma semaphore(%arg14 : memref<!tpu.dma_semaphore, #tpu.memory_space<semaphore_mem>>) src(%dma_wait3A_846 : memref<10240x128xf32, #tpu.memory_space<hbm>>) dst(%arg8 : memref<32x128xf32, #tpu.memory_space<vmem>>)
        "tpu.region"() ({
          %run_scoped3A = tpu.sem_alloc : memref<!tpu.dma_semaphore, #tpu.memory_space<semaphore_mem>>
          %dma_start3A_892 = arith.constant 0 : i32
          %dma_start3A_893 = tpu.memref_slice %arg7[%add3A_837, %dma_start3A_892] : memref<32x32xi32, #tpu.memory_space<vmem>> -> memref<1x32xi32, #tpu.memory_space<vmem>>
          %dma_start3A_894 = tpu.memref_squeeze %dma_start3A_893 : memref<1x32xi32, #tpu.memory_space<vmem>> -> memref<32xi32, #tpu.memory_space<vmem>>
          %dma_start3A_895 = arith.constant 0 : i32
          %dma_start3A_896 = arith.constant 0 : i32
          %dma_start3A_897 = tpu.memref_slice %arg13[%dma_start3A_895, %dma_start3A_896] : memref<10240x128xf32, #tpu.memory_space<vmem_shared>> -> memref<10240x128xf32, #tpu.memory_space<vmem_shared>>
          tpu.enqueue_indirect_dma source(%arg8 : memref<32x128xf32, #tpu.memory_space<vmem>>) target(%dma_start3A_897 : memref<10240x128xf32, #tpu.memory_space<vmem_shared>>) offsets(%dma_start3A_894 : memref<32xi32, #tpu.memory_space<vmem>>) semaphore(%run_scoped3A : memref<!tpu.dma_semaphore, #tpu.memory_space<semaphore_mem>>) {add = true}
          %dma_wait3A_898 = arith.constant 0 : i32
          %dma_wait3A_899 = tpu.memref_slice %arg7[%add3A_837, %dma_wait3A_898] : memref<32x32xi32, #tpu.memory_space<vmem>> -> memref<1x32xi32, #tpu.memory_space<vmem>>
          %dma_wait3A_900 = tpu.memref_squeeze %dma_wait3A_899 : memref<1x32xi32, #tpu.memory_space<vmem>> -> memref<32xi32, #tpu.memory_space<vmem>>
          %dma_wait3A_901 = arith.constant 0 : i32
          %dma_wait3A_902 = arith.constant 0 : i32
          %dma_wait3A_903 = tpu.memref_slice %arg13[%dma_wait3A_901, %dma_wait3A_902] : memref<10240x128xf32, #tpu.memory_space<vmem_shared>> -> memref<10240x128xf32, #tpu.memory_space<vmem_shared>>
          tpu.wait_indirect_dma semaphore(%run_scoped3A : memref<!tpu.dma_semaphore, #tpu.memory_space<semaphore_mem>>) src(%arg8 : memref<32x128xf32, #tpu.memory_space<vmem>>) dst(%dma_wait3A_903 : memref<10240x128xf32, #tpu.memory_space<vmem_shared>>)
          tpu.yield
        }) : () -> ()
        %add3A_847 = arith.constant 1 : i32
        %add3A_848 = arith.addi %mul3A_835, %add3A_847 : i32
        %add3A_849 = arith.constant 3 : i32
        %add3A_850 = arith.addi %add3A_848, %add3A_849 : i32
        %lt3A_851 = arith.constant 32 : i32
        %lt3A_852 = arith.cmpi slt, %add3A_850, %lt3A_851 : i32
        %convert_element_type3A_853 = arith.extui %lt3A_852 : i1 to i32
        %cond3A_854 = arith.constant 0 : i32
        %cond3A_855 = arith.cmpi ne, %convert_element_type3A_853, %cond3A_854 : i32
        scf.if %cond3A_855 {
          %add3A_892 = arith.constant 3 : i32
          %add3A_893 = arith.addi %add3A_848, %add3A_892 : i32
          %dma_start3A_894 = arith.constant 0 : i32
          %dma_start3A_895 = tpu.memref_slice %arg6[%add3A_893, %dma_start3A_894] : memref<32x32xi32, #tpu.memory_space<vmem>> -> memref<1x32xi32, #tpu.memory_space<vmem>>
          %dma_start3A_896 = tpu.memref_squeeze %dma_start3A_895 : memref<1x32xi32, #tpu.memory_space<vmem>> -> memref<32xi32, #tpu.memory_space<vmem>>
          %dma_start3A_897 = arith.constant 0 : i32
          %dma_start3A_898 = arith.constant 0 : i32
          %dma_start3A_899 = tpu.memref_slice %arg2[%dma_start3A_897, %dma_start3A_898] : memref<10240x128xf32, #tpu.memory_space<hbm>> -> memref<10240x128xf32, #tpu.memory_space<hbm>>
          tpu.enqueue_indirect_dma source(%dma_start3A_899 : memref<10240x128xf32, #tpu.memory_space<hbm>>) target(%arg8 : memref<32x128xf32, #tpu.memory_space<vmem>>) offsets(%dma_start3A_896 : memref<32xi32, #tpu.memory_space<vmem>>) semaphore(%arg14 : memref<!tpu.dma_semaphore, #tpu.memory_space<semaphore_mem>>)
        } else {
        }
        %dma_wait3A_856 = arith.constant 0 : i32
        %dma_wait3A_857 = tpu.memref_slice %arg6[%add3A_848, %dma_wait3A_856] : memref<32x32xi32, #tpu.memory_space<vmem>> -> memref<1x32xi32, #tpu.memory_space<vmem>>
        %dma_wait3A_858 = tpu.memref_squeeze %dma_wait3A_857 : memref<1x32xi32, #tpu.memory_space<vmem>> -> memref<32xi32, #tpu.memory_space<vmem>>
        %dma_wait3A_859 = arith.constant 0 : i32
        %dma_wait3A_860 = arith.constant 0 : i32
        %dma_wait3A_861 = tpu.memref_slice %arg2[%dma_wait3A_859, %dma_wait3A_860] : memref<10240x128xf32, #tpu.memory_space<hbm>> -> memref<10240x128xf32, #tpu.memory_space<hbm>>
        tpu.wait_indirect_dma semaphore(%arg15 : memref<!tpu.dma_semaphore, #tpu.memory_space<semaphore_mem>>) src(%dma_wait3A_861 : memref<10240x128xf32, #tpu.memory_space<hbm>>) dst(%arg9 : memref<32x128xf32, #tpu.memory_space<vmem>>)
        "tpu.region"() ({
          %run_scoped3A = tpu.sem_alloc : memref<!tpu.dma_semaphore, #tpu.memory_space<semaphore_mem>>
          %dma_start3A_892 = arith.constant 0 : i32
          %dma_start3A_893 = tpu.memref_slice %arg7[%add3A_848, %dma_start3A_892] : memref<32x32xi32, #tpu.memory_space<vmem>> -> memref<1x32xi32, #tpu.memory_space<vmem>>
          %dma_start3A_894 = tpu.memref_squeeze %dma_start3A_893 : memref<1x32xi32, #tpu.memory_space<vmem>> -> memref<32xi32, #tpu.memory_space<vmem>>
          %dma_start3A_895 = arith.constant 0 : i32
          %dma_start3A_896 = arith.constant 0 : i32
          %dma_start3A_897 = tpu.memref_slice %arg13[%dma_start3A_895, %dma_start3A_896] : memref<10240x128xf32, #tpu.memory_space<vmem_shared>> -> memref<10240x128xf32, #tpu.memory_space<vmem_shared>>
          tpu.enqueue_indirect_dma source(%arg9 : memref<32x128xf32, #tpu.memory_space<vmem>>) target(%dma_start3A_897 : memref<10240x128xf32, #tpu.memory_space<vmem_shared>>) offsets(%dma_start3A_894 : memref<32xi32, #tpu.memory_space<vmem>>) semaphore(%run_scoped3A : memref<!tpu.dma_semaphore, #tpu.memory_space<semaphore_mem>>) {add = true}
          %dma_wait3A_898 = arith.constant 0 : i32
          %dma_wait3A_899 = tpu.memref_slice %arg7[%add3A_848, %dma_wait3A_898] : memref<32x32xi32, #tpu.memory_space<vmem>> -> memref<1x32xi32, #tpu.memory_space<vmem>>
          %dma_wait3A_900 = tpu.memref_squeeze %dma_wait3A_899 : memref<1x32xi32, #tpu.memory_space<vmem>> -> memref<32xi32, #tpu.memory_space<vmem>>
          %dma_wait3A_901 = arith.constant 0 : i32
          %dma_wait3A_902 = arith.constant 0 : i32
          %dma_wait3A_903 = tpu.memref_slice %arg13[%dma_wait3A_901, %dma_wait3A_902] : memref<10240x128xf32, #tpu.memory_space<vmem_shared>> -> memref<10240x128xf32, #tpu.memory_space<vmem_shared>>
          tpu.wait_indirect_dma semaphore(%run_scoped3A : memref<!tpu.dma_semaphore, #tpu.memory_space<semaphore_mem>>) src(%arg9 : memref<32x128xf32, #tpu.memory_space<vmem>>) dst(%dma_wait3A_903 : memref<10240x128xf32, #tpu.memory_space<vmem_shared>>)
          tpu.yield
        }) : () -> ()
        %add3A_862 = arith.constant 2 : i32
        %add3A_863 = arith.addi %mul3A_835, %add3A_862 : i32
        %add3A_864 = arith.constant 3 : i32
        %add3A_865 = arith.addi %add3A_863, %add3A_864 : i32
        %lt3A_866 = arith.constant 32 : i32
        %lt3A_867 = arith.cmpi slt, %add3A_865, %lt3A_866 : i32
        %convert_element_type3A_868 = arith.extui %lt3A_867 : i1 to i32
        %cond3A_869 = arith.constant 0 : i32
        %cond3A_870 = arith.cmpi ne, %convert_element_type3A_868, %cond3A_869 : i32
        scf.if %cond3A_870 {
          %add3A_892 = arith.constant 3 : i32
          %add3A_893 = arith.addi %add3A_863, %add3A_892 : i32
          %dma_start3A_894 = arith.constant 0 : i32
          %dma_start3A_895 = tpu.memref_slice %arg6[%add3A_893, %dma_start3A_894] : memref<32x32xi32, #tpu.memory_space<vmem>> -> memref<1x32xi32, #tpu.memory_space<vmem>>
          %dma_start3A_896 = tpu.memref_squeeze %dma_start3A_895 : memref<1x32xi32, #tpu.memory_space<vmem>> -> memref<32xi32, #tpu.memory_space<vmem>>
          %dma_start3A_897 = arith.constant 0 : i32
          %dma_start3A_898 = arith.constant 0 : i32
          %dma_start3A_899 = tpu.memref_slice %arg2[%dma_start3A_897, %dma_start3A_898] : memref<10240x128xf32, #tpu.memory_space<hbm>> -> memref<10240x128xf32, #tpu.memory_space<hbm>>
          tpu.enqueue_indirect_dma source(%dma_start3A_899 : memref<10240x128xf32, #tpu.memory_space<hbm>>) target(%arg9 : memref<32x128xf32, #tpu.memory_space<vmem>>) offsets(%dma_start3A_896 : memref<32xi32, #tpu.memory_space<vmem>>) semaphore(%arg15 : memref<!tpu.dma_semaphore, #tpu.memory_space<semaphore_mem>>)
        } else {
        }
        %dma_wait3A_871 = arith.constant 0 : i32
        %dma_wait3A_872 = tpu.memref_slice %arg6[%add3A_863, %dma_wait3A_871] : memref<32x32xi32, #tpu.memory_space<vmem>> -> memref<1x32xi32, #tpu.memory_space<vmem>>
        %dma_wait3A_873 = tpu.memref_squeeze %dma_wait3A_872 : memref<1x32xi32, #tpu.memory_space<vmem>> -> memref<32xi32, #tpu.memory_space<vmem>>
        %dma_wait3A_874 = arith.constant 0 : i32
        %dma_wait3A_875 = arith.constant 0 : i32
        %dma_wait3A_876 = tpu.memref_slice %arg2[%dma_wait3A_874, %dma_wait3A_875] : memref<10240x128xf32, #tpu.memory_space<hbm>> -> memref<10240x128xf32, #tpu.memory_space<hbm>>
        tpu.wait_indirect_dma semaphore(%arg16 : memref<!tpu.dma_semaphore, #tpu.memory_space<semaphore_mem>>) src(%dma_wait3A_876 : memref<10240x128xf32, #tpu.memory_space<hbm>>) dst(%arg10 : memref<32x128xf32, #tpu.memory_space<vmem>>)
        "tpu.region"() ({
          %run_scoped3A = tpu.sem_alloc : memref<!tpu.dma_semaphore, #tpu.memory_space<semaphore_mem>>
          %dma_start3A_892 = arith.constant 0 : i32
          %dma_start3A_893 = tpu.memref_slice %arg7[%add3A_863, %dma_start3A_892] : memref<32x32xi32, #tpu.memory_space<vmem>> -> memref<1x32xi32, #tpu.memory_space<vmem>>
          %dma_start3A_894 = tpu.memref_squeeze %dma_start3A_893 : memref<1x32xi32, #tpu.memory_space<vmem>> -> memref<32xi32, #tpu.memory_space<vmem>>
          %dma_start3A_895 = arith.constant 0 : i32
          %dma_start3A_896 = arith.constant 0 : i32
          %dma_start3A_897 = tpu.memref_slice %arg13[%dma_start3A_895, %dma_start3A_896] : memref<10240x128xf32, #tpu.memory_space<vmem_shared>> -> memref<10240x128xf32, #tpu.memory_space<vmem_shared>>
          tpu.enqueue_indirect_dma source(%arg10 : memref<32x128xf32, #tpu.memory_space<vmem>>) target(%dma_start3A_897 : memref<10240x128xf32, #tpu.memory_space<vmem_shared>>) offsets(%dma_start3A_894 : memref<32xi32, #tpu.memory_space<vmem>>) semaphore(%run_scoped3A : memref<!tpu.dma_semaphore, #tpu.memory_space<semaphore_mem>>) {add = true}
          %dma_wait3A_898 = arith.constant 0 : i32
          %dma_wait3A_899 = tpu.memref_slice %arg7[%add3A_863, %dma_wait3A_898] : memref<32x32xi32, #tpu.memory_space<vmem>> -> memref<1x32xi32, #tpu.memory_space<vmem>>
          %dma_wait3A_900 = tpu.memref_squeeze %dma_wait3A_899 : memref<1x32xi32, #tpu.memory_space<vmem>> -> memref<32xi32, #tpu.memory_space<vmem>>
          %dma_wait3A_901 = arith.constant 0 : i32
          %dma_wait3A_902 = arith.constant 0 : i32
          %dma_wait3A_903 = tpu.memref_slice %arg13[%dma_wait3A_901, %dma_wait3A_902] : memref<10240x128xf32, #tpu.memory_space<vmem_shared>> -> memref<10240x128xf32, #tpu.memory_space<vmem_shared>>
          tpu.wait_indirect_dma semaphore(%run_scoped3A : memref<!tpu.dma_semaphore, #tpu.memory_space<semaphore_mem>>) src(%arg10 : memref<32x128xf32, #tpu.memory_space<vmem>>) dst(%dma_wait3A_903 : memref<10240x128xf32, #tpu.memory_space<vmem_shared>>)
          tpu.yield
        }) : () -> ()
        %add3A_877 = arith.constant 3 : i32
        %add3A_878 = arith.addi %mul3A_835, %add3A_877 : i32
        %add3A_879 = arith.constant 3 : i32
        %add3A_880 = arith.addi %add3A_878, %add3A_879 : i32
        %lt3A_881 = arith.constant 32 : i32
        %lt3A_882 = arith.cmpi slt, %add3A_880, %lt3A_881 : i32
        %convert_element_type3A_883 = arith.extui %lt3A_882 : i1 to i32
        %cond3A_884 = arith.constant 0 : i32
        %cond3A_885 = arith.cmpi ne, %convert_element_type3A_883, %cond3A_884 : i32
        scf.if %cond3A_885 {
          %add3A_892 = arith.constant 3 : i32
          %add3A_893 = arith.addi %add3A_878, %add3A_892 : i32
          %dma_start3A_894 = arith.constant 0 : i32
          %dma_start3A_895 = tpu.memref_slice %arg6[%add3A_893, %dma_start3A_894] : memref<32x32xi32, #tpu.memory_space<vmem>> -> memref<1x32xi32, #tpu.memory_space<vmem>>
          %dma_start3A_896 = tpu.memref_squeeze %dma_start3A_895 : memref<1x32xi32, #tpu.memory_space<vmem>> -> memref<32xi32, #tpu.memory_space<vmem>>
          %dma_start3A_897 = arith.constant 0 : i32
          %dma_start3A_898 = arith.constant 0 : i32
          %dma_start3A_899 = tpu.memref_slice %arg2[%dma_start3A_897, %dma_start3A_898] : memref<10240x128xf32, #tpu.memory_space<hbm>> -> memref<10240x128xf32, #tpu.memory_space<hbm>>
          tpu.enqueue_indirect_dma source(%dma_start3A_899 : memref<10240x128xf32, #tpu.memory_space<hbm>>) target(%arg10 : memref<32x128xf32, #tpu.memory_space<vmem>>) offsets(%dma_start3A_896 : memref<32xi32, #tpu.memory_space<vmem>>) semaphore(%arg16 : memref<!tpu.dma_semaphore, #tpu.memory_space<semaphore_mem>>)
        } else {
        }
        %dma_wait3A_886 = arith.constant 0 : i32
        %dma_wait3A_887 = tpu.memref_slice %arg6[%add3A_878, %dma_wait3A_886] : memref<32x32xi32, #tpu.memory_space<vmem>> -> memref<1x32xi32, #tpu.memory_space<vmem>>
        %dma_wait3A_888 = tpu.memref_squeeze %dma_wait3A_887 : memref<1x32xi32, #tpu.memory_space<vmem>> -> memref<32xi32, #tpu.memory_space<vmem>>
        %dma_wait3A_889 = arith.constant 0 : i32
        %dma_wait3A_890 = arith.constant 0 : i32
        %dma_wait3A_891 = tpu.memref_slice %arg2[%dma_wait3A_889, %dma_wait3A_890] : memref<10240x128xf32, #tpu.memory_space<hbm>> -> memref<10240x128xf32, #tpu.memory_space<hbm>>
        tpu.wait_indirect_dma semaphore(%arg17 : memref<!tpu.dma_semaphore, #tpu.memory_space<semaphore_mem>>) src(%dma_wait3A_891 : memref<10240x128xf32, #tpu.memory_space<hbm>>) dst(%arg11 : memref<32x128xf32, #tpu.memory_space<vmem>>)
        "tpu.region"() ({
          %run_scoped3A = tpu.sem_alloc : memref<!tpu.dma_semaphore, #tpu.memory_space<semaphore_mem>>
          %dma_start3A_892 = arith.constant 0 : i32
          %dma_start3A_893 = tpu.memref_slice %arg7[%add3A_878, %dma_start3A_892] : memref<32x32xi32, #tpu.memory_space<vmem>> -> memref<1x32xi32, #tpu.memory_space<vmem>>
          %dma_start3A_894 = tpu.memref_squeeze %dma_start3A_893 : memref<1x32xi32, #tpu.memory_space<vmem>> -> memref<32xi32, #tpu.memory_space<vmem>>
          %dma_start3A_895 = arith.constant 0 : i32
          %dma_start3A_896 = arith.constant 0 : i32
          %dma_start3A_897 = tpu.memref_slice %arg13[%dma_start3A_895, %dma_start3A_896] : memref<10240x128xf32, #tpu.memory_space<vmem_shared>> -> memref<10240x128xf32, #tpu.memory_space<vmem_shared>>
          tpu.enqueue_indirect_dma source(%arg11 : memref<32x128xf32, #tpu.memory_space<vmem>>) target(%dma_start3A_897 : memref<10240x128xf32, #tpu.memory_space<vmem_shared>>) offsets(%dma_start3A_894 : memref<32xi32, #tpu.memory_space<vmem>>) semaphore(%run_scoped3A : memref<!tpu.dma_semaphore, #tpu.memory_space<semaphore_mem>>) {add = true}
          %dma_wait3A_898 = arith.constant 0 : i32
          %dma_wait3A_899 = tpu.memref_slice %arg7[%add3A_878, %dma_wait3A_898] : memref<32x32xi32, #tpu.memory_space<vmem>> -> memref<1x32xi32, #tpu.memory_space<vmem>>
          %dma_wait3A_900 = tpu.memref_squeeze %dma_wait3A_899 : memref<1x32xi32, #tpu.memory_space<vmem>> -> memref<32xi32, #tpu.memory_space<vmem>>
          %dma_wait3A_901 = arith.constant 0 : i32
          %dma_wait3A_902 = arith.constant 0 : i32
          %dma_wait3A_903 = tpu.memref_slice %arg13[%dma_wait3A_901, %dma_wait3A_902] : memref<10240x128xf32, #tpu.memory_space<vmem_shared>> -> memref<10240x128xf32, #tpu.memory_space<vmem_shared>>
          tpu.wait_indirect_dma semaphore(%run_scoped3A : memref<!tpu.dma_semaphore, #tpu.memory_space<semaphore_mem>>) src(%arg11 : memref<32x128xf32, #tpu.memory_space<vmem>>) dst(%dma_wait3A_903 : memref<10240x128xf32, #tpu.memory_space<vmem_shared>>)
          tpu.yield
        }) : () -> ()
      }
      %scan3A_832 = arith.constant 8 : i32
    }
    %barrier3A_799 = arith.constant 0 : index
    tpu.barrier barrier_id(%barrier3A_799)
    "tpu.region"() ({
      %run_scoped3A = tpu.sem_alloc : memref<!tpu.dma_semaphore, #tpu.memory_space<semaphore_mem>>
      %dma_start3A = arith.constant 0 : i32
      %dma_start3A_800 = tpu.memref_slice %arg5[%arg0, %mul3A_16, %dma_start3A] : memref<2x10240x128xf32, #tpu.memory_space<hbm>> -> memref<1x640x128xf32, #tpu.memory_space<hbm>>
      %dma_start3A_801 = tpu.memref_squeeze %dma_start3A_800 : memref<1x640x128xf32, #tpu.memory_space<hbm>> -> memref<640x128xf32, #tpu.memory_space<hbm>>
      %dma_start3A_802 = arith.constant 0 : i32
      %dma_start3A_803 = tpu.memref_slice %arg13[%mul3A_16, %dma_start3A_802] : memref<10240x128xf32, #tpu.memory_space<vmem_shared>> -> memref<640x128xf32, #tpu.memory_space<vmem_shared>>
      tpu.enqueue_dma source(%dma_start3A_803 : memref<640x128xf32, #tpu.memory_space<vmem_shared>>) target(%dma_start3A_801 : memref<640x128xf32, #tpu.memory_space<hbm>>) target_semaphore(%run_scoped3A : memref<!tpu.dma_semaphore, #tpu.memory_space<semaphore_mem>>)
      %dma_wait3A = arith.constant 0 : i32
      %dma_wait3A_804 = tpu.memref_slice %arg5[%arg0, %mul3A_16, %dma_wait3A] : memref<2x10240x128xf32, #tpu.memory_space<hbm>> -> memref<1x640x128xf32, #tpu.memory_space<hbm>>
      %dma_wait3A_805 = tpu.memref_squeeze %dma_wait3A_804 : memref<1x640x128xf32, #tpu.memory_space<hbm>> -> memref<640x128xf32, #tpu.memory_space<hbm>>
      %dma_wait3A_806 = arith.constant 0 : i32
      %dma_wait3A_807 = tpu.memref_slice %arg13[%mul3A_16, %dma_wait3A_806] : memref<10240x128xf32, #tpu.memory_space<vmem_shared>> -> memref<640x128xf32, #tpu.memory_space<vmem_shared>>
      tpu.wait_dma2 semaphore(%run_scoped3A : memref<!tpu.dma_semaphore, #tpu.memory_space<semaphore_mem>>) src(%dma_wait3A_807 : memref<640x128xf32, #tpu.memory_space<vmem_shared>>) dst(%dma_wait3A_805 : memref<640x128xf32, #tpu.memory_space<hbm>>)
      tpu.yield
    }) : () -> ()
    return
  }
}

#map = affine_map<(d0, d1) -> (0, 0)>
#map1 = affine_map<(d0, d1) -> (0, 0, 0)>
module attributes {stable_mosaic.version = 14 : i64} {
  func.func @body(%arg0: i32, %arg1: i32, %arg2: memref<10240x128xf32, #tpu.memory_space<hbm>>, %arg3: memref<10240x32xi32, #tpu.memory_space<hbm>>, %arg4: memref<10240x32xi32, #tpu.memory_space<hbm>>, %arg5: memref<2x10240x128xf32, #tpu.memory_space<hbm>>, %arg6: memref<2x10240xf32, #tpu.memory_space<hbm>>, %arg7: memref<32x32xi32, #tpu.memory_space<vmem>>, %arg8: memref<32x32xi32, #tpu.memory_space<vmem>>, %arg9: memref<32x128xf32, #tpu.memory_space<vmem>>, %arg10: memref<32x128xf32, #tpu.memory_space<vmem>>, %arg11: memref<32x128xf32, #tpu.memory_space<vmem>>, %arg12: memref<32x128xf32, #tpu.memory_space<vmem>>, %arg13: memref<16x128xf32, #tpu.memory_space<vmem>>, %arg14: memref<10240x128xf32, #tpu.memory_space<vmem_shared>>, %arg15: memref<!tpu.dma_semaphore, #tpu.memory_space<semaphore_mem>>, %arg16: memref<!tpu.dma_semaphore, #tpu.memory_space<semaphore_mem>>, %arg17: memref<!tpu.dma_semaphore, #tpu.memory_space<semaphore_mem>>, %arg18: memref<!tpu.dma_semaphore, #tpu.memory_space<semaphore_mem>>, %arg19: memref<32xf32, #tpu.memory_space<vmem>>, %arg20: memref<640xf32, #tpu.memory_space<vmem>>, %arg21: memref<10240xf32, #tpu.memory_space<vmem_shared>>) attributes {dimension_semantics = [#tpu.dimension_semantics<core_parallel>, #tpu.dimension_semantics<subcore_parallel>], iteration_bounds = array<i64: 2, 16>, scalar_prefetch = 0 : i64, scratch_operands = 15 : i64, tpu.core_type = #tpu.core_type<sc_vector_subcore>, window_params = [{transform_indices = #map}, {transform_indices = #map}, {transform_indices = #map}, {transform_indices = #map1}, {transform_indices = #map}]} {
    %sub3A = arith.constant 1 : i32
    %sub3A_0 = arith.subi %sub3A, %arg0 : i32
    %mul3A = arith.constant 640 : i32
    %mul3A_1 = arith.muli %arg1, %mul3A : i32
    %mul3A_2 = arith.muli %sub3A_0, %mul3A_1 : i32
    %mul3A_3 = arith.constant 0 : i32
    %mul3A_4 = arith.muli %arg1, %mul3A_3 : i32
    %add3A = arith.constant 10240 : i32
    %add3A_5 = arith.addi %add3A, %mul3A_4 : i32
    %mul3A_6 = arith.muli %arg0, %add3A_5 : i32
    %add3A_7 = arith.addi %mul3A_2, %mul3A_6 : i32
    %sub3A_8 = arith.constant 1 : i32
    %sub3A_9 = arith.subi %sub3A_8, %arg0 : i32
    %mul3A_10 = arith.constant 20 : i32
    %mul3A_11 = arith.muli %sub3A_9, %mul3A_10 : i32
    %mul3A_12 = arith.constant 0 : i32
    %mul3A_13 = arith.muli %arg0, %mul3A_12 : i32
    %add3A_14 = arith.addi %mul3A_11, %mul3A_13 : i32
    %mul3A_15 = arith.constant 640 : i32
    %mul3A_16 = arith.muli %arg1, %mul3A_15 : i32
    %broadcast_in_dim3A = arith.constant 0.000000e+00 : f32
    %broadcast_in_dim3A_17 = vector.broadcast %broadcast_in_dim3A : f32 to vector<16xf32>
    %swap3A = arith.constant 0 : i32
    %swap3A_18 = arith.index_cast %swap3A : i32 to index
    %swap3A_19 = arith.constant 0 : index
    %swap3A_20 = tpu.vector_load %arg13[%swap3A_18, %swap3A_19] {strides = array<i32>} : memref<16x128xf32, #tpu.memory_space<vmem>>, vector<1x16xf32>,
    %swap3A_21 = vector.shape_cast %swap3A_20 : vector<1x16xf32> to vector<16xf32>
    %swap3A_22 = vector.shape_cast %broadcast_in_dim3A_17 : vector<16xf32> to vector<1x16xf32>
    tpu.vector_store %arg13[%swap3A_18, %swap3A_19], %swap3A_22 {strides = array<i32>} : memref<16x128xf32, #tpu.memory_space<vmem>>, vector<1x16xf32>,
    %swap3A_23 = arith.constant 0 : i32
    %swap3A_24 = arith.index_cast %swap3A_23 : i32 to index
    %swap3A_25 = arith.constant 16 : index
    %swap3A_26 = tpu.vector_load %arg13[%swap3A_24, %swap3A_25] {strides = array<i32>} : memref<16x128xf32, #tpu.memory_space<vmem>>, vector<1x16xf32>,
    %swap3A_27 = vector.shape_cast %swap3A_26 : vector<1x16xf32> to vector<16xf32>
    %swap3A_28 = vector.shape_cast %broadcast_in_dim3A_17 : vector<16xf32> to vector<1x16xf32>
    tpu.vector_store %arg13[%swap3A_24, %swap3A_25], %swap3A_28 {strides = array<i32>} : memref<16x128xf32, #tpu.memory_space<vmem>>, vector<1x16xf32>,
    %swap3A_29 = arith.constant 0 : i32
    %swap3A_30 = arith.index_cast %swap3A_29 : i32 to index
    %swap3A_31 = arith.constant 32 : index
    %swap3A_32 = tpu.vector_load %arg13[%swap3A_30, %swap3A_31] {strides = array<i32>} : memref<16x128xf32, #tpu.memory_space<vmem>>, vector<1x16xf32>,
    %swap3A_33 = vector.shape_cast %swap3A_32 : vector<1x16xf32> to vector<16xf32>
    %swap3A_34 = vector.shape_cast %broadcast_in_dim3A_17 : vector<16xf32> to vector<1x16xf32>
    tpu.vector_store %arg13[%swap3A_30, %swap3A_31], %swap3A_34 {strides = array<i32>} : memref<16x128xf32, #tpu.memory_space<vmem>>, vector<1x16xf32>,
    %swap3A_35 = arith.constant 0 : i32
    %swap3A_36 = arith.index_cast %swap3A_35 : i32 to index
    %swap3A_37 = arith.constant 48 : index
    %swap3A_38 = tpu.vector_load %arg13[%swap3A_36, %swap3A_37] {strides = array<i32>} : memref<16x128xf32, #tpu.memory_space<vmem>>, vector<1x16xf32>,
    %swap3A_39 = vector.shape_cast %swap3A_38 : vector<1x16xf32> to vector<16xf32>
    %swap3A_40 = vector.shape_cast %broadcast_in_dim3A_17 : vector<16xf32> to vector<1x16xf32>
    tpu.vector_store %arg13[%swap3A_36, %swap3A_37], %swap3A_40 {strides = array<i32>} : memref<16x128xf32, #tpu.memory_space<vmem>>, vector<1x16xf32>,
    %swap3A_41 = arith.constant 0 : i32
    %swap3A_42 = arith.index_cast %swap3A_41 : i32 to index
    %swap3A_43 = arith.constant 64 : index
    %swap3A_44 = tpu.vector_load %arg13[%swap3A_42, %swap3A_43] {strides = array<i32>} : memref<16x128xf32, #tpu.memory_space<vmem>>, vector<1x16xf32>,
    %swap3A_45 = vector.shape_cast %swap3A_44 : vector<1x16xf32> to vector<16xf32>
    %swap3A_46 = vector.shape_cast %broadcast_in_dim3A_17 : vector<16xf32> to vector<1x16xf32>
    tpu.vector_store %arg13[%swap3A_42, %swap3A_43], %swap3A_46 {strides = array<i32>} : memref<16x128xf32, #tpu.memory_space<vmem>>, vector<1x16xf32>,
    %swap3A_47 = arith.constant 0 : i32
    %swap3A_48 = arith.index_cast %swap3A_47 : i32 to index
    %swap3A_49 = arith.constant 80 : index
    %swap3A_50 = tpu.vector_load %arg13[%swap3A_48, %swap3A_49] {strides = array<i32>} : memref<16x128xf32, #tpu.memory_space<vmem>>, vector<1x16xf32>,
    %swap3A_51 = vector.shape_cast %swap3A_50 : vector<1x16xf32> to vector<16xf32>
    %swap3A_52 = vector.shape_cast %broadcast_in_dim3A_17 : vector<16xf32> to vector<1x16xf32>
    tpu.vector_store %arg13[%swap3A_48, %swap3A_49], %swap3A_52 {strides = array<i32>} : memref<16x128xf32, #tpu.memory_space<vmem>>, vector<1x16xf32>,
    %swap3A_53 = arith.constant 0 : i32
    %swap3A_54 = arith.index_cast %swap3A_53 : i32 to index
    %swap3A_55 = arith.constant 96 : index
    %swap3A_56 = tpu.vector_load %arg13[%swap3A_54, %swap3A_55] {strides = array<i32>} : memref<16x128xf32, #tpu.memory_space<vmem>>, vector<1x16xf32>,
    %swap3A_57 = vector.shape_cast %swap3A_56 : vector<1x16xf32> to vector<16xf32>
    %swap3A_58 = vector.shape_cast %broadcast_in_dim3A_17 : vector<16xf32> to vector<1x16xf32>
    tpu.vector_store %arg13[%swap3A_54, %swap3A_55], %swap3A_58 {strides = array<i32>} : memref<16x128xf32, #tpu.memory_space<vmem>>, vector<1x16xf32>,
    %swap3A_59 = arith.constant 0 : i32
    %swap3A_60 = arith.index_cast %swap3A_59 : i32 to index
    %swap3A_61 = arith.constant 112 : index
    %swap3A_62 = tpu.vector_load %arg13[%swap3A_60, %swap3A_61] {strides = array<i32>} : memref<16x128xf32, #tpu.memory_space<vmem>>, vector<1x16xf32>,
    %swap3A_63 = vector.shape_cast %swap3A_62 : vector<1x16xf32> to vector<16xf32>
    %swap3A_64 = vector.shape_cast %broadcast_in_dim3A_17 : vector<16xf32> to vector<1x16xf32>
    tpu.vector_store %arg13[%swap3A_60, %swap3A_61], %swap3A_64 {strides = array<i32>} : memref<16x128xf32, #tpu.memory_space<vmem>>, vector<1x16xf32>,
    %swap3A_65 = arith.constant 1 : i32
    %swap3A_66 = arith.index_cast %swap3A_65 : i32 to index
    %swap3A_67 = arith.constant 0 : index
    %swap3A_68 = tpu.vector_load %arg13[%swap3A_66, %swap3A_67] {strides = array<i32>} : memref<16x128xf32, #tpu.memory_space<vmem>>, vector<1x16xf32>,
    %swap3A_69 = vector.shape_cast %swap3A_68 : vector<1x16xf32> to vector<16xf32>
    %swap3A_70 = vector.shape_cast %broadcast_in_dim3A_17 : vector<16xf32> to vector<1x16xf32>
    tpu.vector_store %arg13[%swap3A_66, %swap3A_67], %swap3A_70 {strides = array<i32>} : memref<16x128xf32, #tpu.memory_space<vmem>>, vector<1x16xf32>,
    %swap3A_71 = arith.constant 1 : i32
    %swap3A_72 = arith.index_cast %swap3A_71 : i32 to index
    %swap3A_73 = arith.constant 16 : index
    %swap3A_74 = tpu.vector_load %arg13[%swap3A_72, %swap3A_73] {strides = array<i32>} : memref<16x128xf32, #tpu.memory_space<vmem>>, vector<1x16xf32>,
    %swap3A_75 = vector.shape_cast %swap3A_74 : vector<1x16xf32> to vector<16xf32>
    %swap3A_76 = vector.shape_cast %broadcast_in_dim3A_17 : vector<16xf32> to vector<1x16xf32>
    tpu.vector_store %arg13[%swap3A_72, %swap3A_73], %swap3A_76 {strides = array<i32>} : memref<16x128xf32, #tpu.memory_space<vmem>>, vector<1x16xf32>,
    %swap3A_77 = arith.constant 1 : i32
    %swap3A_78 = arith.index_cast %swap3A_77 : i32 to index
    %swap3A_79 = arith.constant 32 : index
    %swap3A_80 = tpu.vector_load %arg13[%swap3A_78, %swap3A_79] {strides = array<i32>} : memref<16x128xf32, #tpu.memory_space<vmem>>, vector<1x16xf32>,
    %swap3A_81 = vector.shape_cast %swap3A_80 : vector<1x16xf32> to vector<16xf32>
    %swap3A_82 = vector.shape_cast %broadcast_in_dim3A_17 : vector<16xf32> to vector<1x16xf32>
    tpu.vector_store %arg13[%swap3A_78, %swap3A_79], %swap3A_82 {strides = array<i32>} : memref<16x128xf32, #tpu.memory_space<vmem>>, vector<1x16xf32>,
    %swap3A_83 = arith.constant 1 : i32
    %swap3A_84 = arith.index_cast %swap3A_83 : i32 to index
    %swap3A_85 = arith.constant 48 : index
    %swap3A_86 = tpu.vector_load %arg13[%swap3A_84, %swap3A_85] {strides = array<i32>} : memref<16x128xf32, #tpu.memory_space<vmem>>, vector<1x16xf32>,
    %swap3A_87 = vector.shape_cast %swap3A_86 : vector<1x16xf32> to vector<16xf32>
    %swap3A_88 = vector.shape_cast %broadcast_in_dim3A_17 : vector<16xf32> to vector<1x16xf32>
    tpu.vector_store %arg13[%swap3A_84, %swap3A_85], %swap3A_88 {strides = array<i32>} : memref<16x128xf32, #tpu.memory_space<vmem>>, vector<1x16xf32>,
    %swap3A_89 = arith.constant 1 : i32
    %swap3A_90 = arith.index_cast %swap3A_89 : i32 to index
    %swap3A_91 = arith.constant 64 : index
    %swap3A_92 = tpu.vector_load %arg13[%swap3A_90, %swap3A_91] {strides = array<i32>} : memref<16x128xf32, #tpu.memory_space<vmem>>, vector<1x16xf32>,
    %swap3A_93 = vector.shape_cast %swap3A_92 : vector<1x16xf32> to vector<16xf32>
    %swap3A_94 = vector.shape_cast %broadcast_in_dim3A_17 : vector<16xf32> to vector<1x16xf32>
    tpu.vector_store %arg13[%swap3A_90, %swap3A_91], %swap3A_94 {strides = array<i32>} : memref<16x128xf32, #tpu.memory_space<vmem>>, vector<1x16xf32>,
    %swap3A_95 = arith.constant 1 : i32
    %swap3A_96 = arith.index_cast %swap3A_95 : i32 to index
    %swap3A_97 = arith.constant 80 : index
    %swap3A_98 = tpu.vector_load %arg13[%swap3A_96, %swap3A_97] {strides = array<i32>} : memref<16x128xf32, #tpu.memory_space<vmem>>, vector<1x16xf32>,
    %swap3A_99 = vector.shape_cast %swap3A_98 : vector<1x16xf32> to vector<16xf32>
    %swap3A_100 = vector.shape_cast %broadcast_in_dim3A_17 : vector<16xf32> to vector<1x16xf32>
    tpu.vector_store %arg13[%swap3A_96, %swap3A_97], %swap3A_100 {strides = array<i32>} : memref<16x128xf32, #tpu.memory_space<vmem>>, vector<1x16xf32>,
    %swap3A_101 = arith.constant 1 : i32
    %swap3A_102 = arith.index_cast %swap3A_101 : i32 to index
    %swap3A_103 = arith.constant 96 : index
    %swap3A_104 = tpu.vector_load %arg13[%swap3A_102, %swap3A_103] {strides = array<i32>} : memref<16x128xf32, #tpu.memory_space<vmem>>, vector<1x16xf32>,
    %swap3A_105 = vector.shape_cast %swap3A_104 : vector<1x16xf32> to vector<16xf32>
    %swap3A_106 = vector.shape_cast %broadcast_in_dim3A_17 : vector<16xf32> to vector<1x16xf32>
    tpu.vector_store %arg13[%swap3A_102, %swap3A_103], %swap3A_106 {strides = array<i32>} : memref<16x128xf32, #tpu.memory_space<vmem>>, vector<1x16xf32>,
    %swap3A_107 = arith.constant 1 : i32
    %swap3A_108 = arith.index_cast %swap3A_107 : i32 to index
    %swap3A_109 = arith.constant 112 : index
    %swap3A_110 = tpu.vector_load %arg13[%swap3A_108, %swap3A_109] {strides = array<i32>} : memref<16x128xf32, #tpu.memory_space<vmem>>, vector<1x16xf32>,
    %swap3A_111 = vector.shape_cast %swap3A_110 : vector<1x16xf32> to vector<16xf32>
    %swap3A_112 = vector.shape_cast %broadcast_in_dim3A_17 : vector<16xf32> to vector<1x16xf32>
    tpu.vector_store %arg13[%swap3A_108, %swap3A_109], %swap3A_112 {strides = array<i32>} : memref<16x128xf32, #tpu.memory_space<vmem>>, vector<1x16xf32>,
    %swap3A_113 = arith.constant 2 : i32
    %swap3A_114 = arith.index_cast %swap3A_113 : i32 to index
    %swap3A_115 = arith.constant 0 : index
    %swap3A_116 = tpu.vector_load %arg13[%swap3A_114, %swap3A_115] {strides = array<i32>} : memref<16x128xf32, #tpu.memory_space<vmem>>, vector<1x16xf32>,
    %swap3A_117 = vector.shape_cast %swap3A_116 : vector<1x16xf32> to vector<16xf32>
    %swap3A_118 = vector.shape_cast %broadcast_in_dim3A_17 : vector<16xf32> to vector<1x16xf32>
    tpu.vector_store %arg13[%swap3A_114, %swap3A_115], %swap3A_118 {strides = array<i32>} : memref<16x128xf32, #tpu.memory_space<vmem>>, vector<1x16xf32>,
    %swap3A_119 = arith.constant 2 : i32
    %swap3A_120 = arith.index_cast %swap3A_119 : i32 to index
    %swap3A_121 = arith.constant 16 : index
    %swap3A_122 = tpu.vector_load %arg13[%swap3A_120, %swap3A_121] {strides = array<i32>} : memref<16x128xf32, #tpu.memory_space<vmem>>, vector<1x16xf32>,
    %swap3A_123 = vector.shape_cast %swap3A_122 : vector<1x16xf32> to vector<16xf32>
    %swap3A_124 = vector.shape_cast %broadcast_in_dim3A_17 : vector<16xf32> to vector<1x16xf32>
    tpu.vector_store %arg13[%swap3A_120, %swap3A_121], %swap3A_124 {strides = array<i32>} : memref<16x128xf32, #tpu.memory_space<vmem>>, vector<1x16xf32>,
    %swap3A_125 = arith.constant 2 : i32
    %swap3A_126 = arith.index_cast %swap3A_125 : i32 to index
    %swap3A_127 = arith.constant 32 : index
    %swap3A_128 = tpu.vector_load %arg13[%swap3A_126, %swap3A_127] {strides = array<i32>} : memref<16x128xf32, #tpu.memory_space<vmem>>, vector<1x16xf32>,
    %swap3A_129 = vector.shape_cast %swap3A_128 : vector<1x16xf32> to vector<16xf32>
    %swap3A_130 = vector.shape_cast %broadcast_in_dim3A_17 : vector<16xf32> to vector<1x16xf32>
    tpu.vector_store %arg13[%swap3A_126, %swap3A_127], %swap3A_130 {strides = array<i32>} : memref<16x128xf32, #tpu.memory_space<vmem>>, vector<1x16xf32>,
    %swap3A_131 = arith.constant 2 : i32
    %swap3A_132 = arith.index_cast %swap3A_131 : i32 to index
    %swap3A_133 = arith.constant 48 : index
    %swap3A_134 = tpu.vector_load %arg13[%swap3A_132, %swap3A_133] {strides = array<i32>} : memref<16x128xf32, #tpu.memory_space<vmem>>, vector<1x16xf32>,
    %swap3A_135 = vector.shape_cast %swap3A_134 : vector<1x16xf32> to vector<16xf32>
    %swap3A_136 = vector.shape_cast %broadcast_in_dim3A_17 : vector<16xf32> to vector<1x16xf32>
    tpu.vector_store %arg13[%swap3A_132, %swap3A_133], %swap3A_136 {strides = array<i32>} : memref<16x128xf32, #tpu.memory_space<vmem>>, vector<1x16xf32>,
    %swap3A_137 = arith.constant 2 : i32
    %swap3A_138 = arith.index_cast %swap3A_137 : i32 to index
    %swap3A_139 = arith.constant 64 : index
    %swap3A_140 = tpu.vector_load %arg13[%swap3A_138, %swap3A_139] {strides = array<i32>} : memref<16x128xf32, #tpu.memory_space<vmem>>, vector<1x16xf32>,
    %swap3A_141 = vector.shape_cast %swap3A_140 : vector<1x16xf32> to vector<16xf32>
    %swap3A_142 = vector.shape_cast %broadcast_in_dim3A_17 : vector<16xf32> to vector<1x16xf32>
    tpu.vector_store %arg13[%swap3A_138, %swap3A_139], %swap3A_142 {strides = array<i32>} : memref<16x128xf32, #tpu.memory_space<vmem>>, vector<1x16xf32>,
    %swap3A_143 = arith.constant 2 : i32
    %swap3A_144 = arith.index_cast %swap3A_143 : i32 to index
    %swap3A_145 = arith.constant 80 : index
    %swap3A_146 = tpu.vector_load %arg13[%swap3A_144, %swap3A_145] {strides = array<i32>} : memref<16x128xf32, #tpu.memory_space<vmem>>, vector<1x16xf32>,
    %swap3A_147 = vector.shape_cast %swap3A_146 : vector<1x16xf32> to vector<16xf32>
    %swap3A_148 = vector.shape_cast %broadcast_in_dim3A_17 : vector<16xf32> to vector<1x16xf32>
    tpu.vector_store %arg13[%swap3A_144, %swap3A_145], %swap3A_148 {strides = array<i32>} : memref<16x128xf32, #tpu.memory_space<vmem>>, vector<1x16xf32>,
    %swap3A_149 = arith.constant 2 : i32
    %swap3A_150 = arith.index_cast %swap3A_149 : i32 to index
    %swap3A_151 = arith.constant 96 : index
    %swap3A_152 = tpu.vector_load %arg13[%swap3A_150, %swap3A_151] {strides = array<i32>} : memref<16x128xf32, #tpu.memory_space<vmem>>, vector<1x16xf32>,
    %swap3A_153 = vector.shape_cast %swap3A_152 : vector<1x16xf32> to vector<16xf32>
    %swap3A_154 = vector.shape_cast %broadcast_in_dim3A_17 : vector<16xf32> to vector<1x16xf32>
    tpu.vector_store %arg13[%swap3A_150, %swap3A_151], %swap3A_154 {strides = array<i32>} : memref<16x128xf32, #tpu.memory_space<vmem>>, vector<1x16xf32>,
    %swap3A_155 = arith.constant 2 : i32
    %swap3A_156 = arith.index_cast %swap3A_155 : i32 to index
    %swap3A_157 = arith.constant 112 : index
    %swap3A_158 = tpu.vector_load %arg13[%swap3A_156, %swap3A_157] {strides = array<i32>} : memref<16x128xf32, #tpu.memory_space<vmem>>, vector<1x16xf32>,
    %swap3A_159 = vector.shape_cast %swap3A_158 : vector<1x16xf32> to vector<16xf32>
    %swap3A_160 = vector.shape_cast %broadcast_in_dim3A_17 : vector<16xf32> to vector<1x16xf32>
    tpu.vector_store %arg13[%swap3A_156, %swap3A_157], %swap3A_160 {strides = array<i32>} : memref<16x128xf32, #tpu.memory_space<vmem>>, vector<1x16xf32>,
    %swap3A_161 = arith.constant 3 : i32
    %swap3A_162 = arith.index_cast %swap3A_161 : i32 to index
    %swap3A_163 = arith.constant 0 : index
    %swap3A_164 = tpu.vector_load %arg13[%swap3A_162, %swap3A_163] {strides = array<i32>} : memref<16x128xf32, #tpu.memory_space<vmem>>, vector<1x16xf32>,
    %swap3A_165 = vector.shape_cast %swap3A_164 : vector<1x16xf32> to vector<16xf32>
    %swap3A_166 = vector.shape_cast %broadcast_in_dim3A_17 : vector<16xf32> to vector<1x16xf32>
    tpu.vector_store %arg13[%swap3A_162, %swap3A_163], %swap3A_166 {strides = array<i32>} : memref<16x128xf32, #tpu.memory_space<vmem>>, vector<1x16xf32>,
    %swap3A_167 = arith.constant 3 : i32
    %swap3A_168 = arith.index_cast %swap3A_167 : i32 to index
    %swap3A_169 = arith.constant 16 : index
    %swap3A_170 = tpu.vector_load %arg13[%swap3A_168, %swap3A_169] {strides = array<i32>} : memref<16x128xf32, #tpu.memory_space<vmem>>, vector<1x16xf32>,
    %swap3A_171 = vector.shape_cast %swap3A_170 : vector<1x16xf32> to vector<16xf32>
    %swap3A_172 = vector.shape_cast %broadcast_in_dim3A_17 : vector<16xf32> to vector<1x16xf32>
    tpu.vector_store %arg13[%swap3A_168, %swap3A_169], %swap3A_172 {strides = array<i32>} : memref<16x128xf32, #tpu.memory_space<vmem>>, vector<1x16xf32>,
    %swap3A_173 = arith.constant 3 : i32
    %swap3A_174 = arith.index_cast %swap3A_173 : i32 to index
    %swap3A_175 = arith.constant 32 : index
    %swap3A_176 = tpu.vector_load %arg13[%swap3A_174, %swap3A_175] {strides = array<i32>} : memref<16x128xf32, #tpu.memory_space<vmem>>, vector<1x16xf32>,
    %swap3A_177 = vector.shape_cast %swap3A_176 : vector<1x16xf32> to vector<16xf32>
    %swap3A_178 = vector.shape_cast %broadcast_in_dim3A_17 : vector<16xf32> to vector<1x16xf32>
    tpu.vector_store %arg13[%swap3A_174, %swap3A_175], %swap3A_178 {strides = array<i32>} : memref<16x128xf32, #tpu.memory_space<vmem>>, vector<1x16xf32>,
    %swap3A_179 = arith.constant 3 : i32
    %swap3A_180 = arith.index_cast %swap3A_179 : i32 to index
    %swap3A_181 = arith.constant 48 : index
    %swap3A_182 = tpu.vector_load %arg13[%swap3A_180, %swap3A_181] {strides = array<i32>} : memref<16x128xf32, #tpu.memory_space<vmem>>, vector<1x16xf32>,
    %swap3A_183 = vector.shape_cast %swap3A_182 : vector<1x16xf32> to vector<16xf32>
    %swap3A_184 = vector.shape_cast %broadcast_in_dim3A_17 : vector<16xf32> to vector<1x16xf32>
    tpu.vector_store %arg13[%swap3A_180, %swap3A_181], %swap3A_184 {strides = array<i32>} : memref<16x128xf32, #tpu.memory_space<vmem>>, vector<1x16xf32>,
    %swap3A_185 = arith.constant 3 : i32
    %swap3A_186 = arith.index_cast %swap3A_185 : i32 to index
    %swap3A_187 = arith.constant 64 : index
    %swap3A_188 = tpu.vector_load %arg13[%swap3A_186, %swap3A_187] {strides = array<i32>} : memref<16x128xf32, #tpu.memory_space<vmem>>, vector<1x16xf32>,
    %swap3A_189 = vector.shape_cast %swap3A_188 : vector<1x16xf32> to vector<16xf32>
    %swap3A_190 = vector.shape_cast %broadcast_in_dim3A_17 : vector<16xf32> to vector<1x16xf32>
    tpu.vector_store %arg13[%swap3A_186, %swap3A_187], %swap3A_190 {strides = array<i32>} : memref<16x128xf32, #tpu.memory_space<vmem>>, vector<1x16xf32>,
    %swap3A_191 = arith.constant 3 : i32
    %swap3A_192 = arith.index_cast %swap3A_191 : i32 to index
    %swap3A_193 = arith.constant 80 : index
    %swap3A_194 = tpu.vector_load %arg13[%swap3A_192, %swap3A_193] {strides = array<i32>} : memref<16x128xf32, #tpu.memory_space<vmem>>, vector<1x16xf32>,
    %swap3A_195 = vector.shape_cast %swap3A_194 : vector<1x16xf32> to vector<16xf32>
    %swap3A_196 = vector.shape_cast %broadcast_in_dim3A_17 : vector<16xf32> to vector<1x16xf32>
    tpu.vector_store %arg13[%swap3A_192, %swap3A_193], %swap3A_196 {strides = array<i32>} : memref<16x128xf32, #tpu.memory_space<vmem>>, vector<1x16xf32>,
    %swap3A_197 = arith.constant 3 : i32
    %swap3A_198 = arith.index_cast %swap3A_197 : i32 to index
    %swap3A_199 = arith.constant 96 : index
    %swap3A_200 = tpu.vector_load %arg13[%swap3A_198, %swap3A_199] {strides = array<i32>} : memref<16x128xf32, #tpu.memory_space<vmem>>, vector<1x16xf32>,
    %swap3A_201 = vector.shape_cast %swap3A_200 : vector<1x16xf32> to vector<16xf32>
    %swap3A_202 = vector.shape_cast %broadcast_in_dim3A_17 : vector<16xf32> to vector<1x16xf32>
    tpu.vector_store %arg13[%swap3A_198, %swap3A_199], %swap3A_202 {strides = array<i32>} : memref<16x128xf32, #tpu.memory_space<vmem>>, vector<1x16xf32>,
    %swap3A_203 = arith.constant 3 : i32
    %swap3A_204 = arith.index_cast %swap3A_203 : i32 to index
    %swap3A_205 = arith.constant 112 : index
    %swap3A_206 = tpu.vector_load %arg13[%swap3A_204, %swap3A_205] {strides = array<i32>} : memref<16x128xf32, #tpu.memory_space<vmem>>, vector<1x16xf32>,
    %swap3A_207 = vector.shape_cast %swap3A_206 : vector<1x16xf32> to vector<16xf32>
    %swap3A_208 = vector.shape_cast %broadcast_in_dim3A_17 : vector<16xf32> to vector<1x16xf32>
    tpu.vector_store %arg13[%swap3A_204, %swap3A_205], %swap3A_208 {strides = array<i32>} : memref<16x128xf32, #tpu.memory_space<vmem>>, vector<1x16xf32>,
    %swap3A_209 = arith.constant 4 : i32
    %swap3A_210 = arith.index_cast %swap3A_209 : i32 to index
    %swap3A_211 = arith.constant 0 : index
    %swap3A_212 = tpu.vector_load %arg13[%swap3A_210, %swap3A_211] {strides = array<i32>} : memref<16x128xf32, #tpu.memory_space<vmem>>, vector<1x16xf32>,
    %swap3A_213 = vector.shape_cast %swap3A_212 : vector<1x16xf32> to vector<16xf32>
    %swap3A_214 = vector.shape_cast %broadcast_in_dim3A_17 : vector<16xf32> to vector<1x16xf32>
    tpu.vector_store %arg13[%swap3A_210, %swap3A_211], %swap3A_214 {strides = array<i32>} : memref<16x128xf32, #tpu.memory_space<vmem>>, vector<1x16xf32>,
    %swap3A_215 = arith.constant 4 : i32
    %swap3A_216 = arith.index_cast %swap3A_215 : i32 to index
    %swap3A_217 = arith.constant 16 : index
    %swap3A_218 = tpu.vector_load %arg13[%swap3A_216, %swap3A_217] {strides = array<i32>} : memref<16x128xf32, #tpu.memory_space<vmem>>, vector<1x16xf32>,
    %swap3A_219 = vector.shape_cast %swap3A_218 : vector<1x16xf32> to vector<16xf32>
    %swap3A_220 = vector.shape_cast %broadcast_in_dim3A_17 : vector<16xf32> to vector<1x16xf32>
    tpu.vector_store %arg13[%swap3A_216, %swap3A_217], %swap3A_220 {strides = array<i32>} : memref<16x128xf32, #tpu.memory_space<vmem>>, vector<1x16xf32>,
    %swap3A_221 = arith.constant 4 : i32
    %swap3A_222 = arith.index_cast %swap3A_221 : i32 to index
    %swap3A_223 = arith.constant 32 : index
    %swap3A_224 = tpu.vector_load %arg13[%swap3A_222, %swap3A_223] {strides = array<i32>} : memref<16x128xf32, #tpu.memory_space<vmem>>, vector<1x16xf32>,
    %swap3A_225 = vector.shape_cast %swap3A_224 : vector<1x16xf32> to vector<16xf32>
    %swap3A_226 = vector.shape_cast %broadcast_in_dim3A_17 : vector<16xf32> to vector<1x16xf32>
    tpu.vector_store %arg13[%swap3A_222, %swap3A_223], %swap3A_226 {strides = array<i32>} : memref<16x128xf32, #tpu.memory_space<vmem>>, vector<1x16xf32>,
    %swap3A_227 = arith.constant 4 : i32
    %swap3A_228 = arith.index_cast %swap3A_227 : i32 to index
    %swap3A_229 = arith.constant 48 : index
    %swap3A_230 = tpu.vector_load %arg13[%swap3A_228, %swap3A_229] {strides = array<i32>} : memref<16x128xf32, #tpu.memory_space<vmem>>, vector<1x16xf32>,
    %swap3A_231 = vector.shape_cast %swap3A_230 : vector<1x16xf32> to vector<16xf32>
    %swap3A_232 = vector.shape_cast %broadcast_in_dim3A_17 : vector<16xf32> to vector<1x16xf32>
    tpu.vector_store %arg13[%swap3A_228, %swap3A_229], %swap3A_232 {strides = array<i32>} : memref<16x128xf32, #tpu.memory_space<vmem>>, vector<1x16xf32>,
    %swap3A_233 = arith.constant 4 : i32
    %swap3A_234 = arith.index_cast %swap3A_233 : i32 to index
    %swap3A_235 = arith.constant 64 : index
    %swap3A_236 = tpu.vector_load %arg13[%swap3A_234, %swap3A_235] {strides = array<i32>} : memref<16x128xf32, #tpu.memory_space<vmem>>, vector<1x16xf32>,
    %swap3A_237 = vector.shape_cast %swap3A_236 : vector<1x16xf32> to vector<16xf32>
    %swap3A_238 = vector.shape_cast %broadcast_in_dim3A_17 : vector<16xf32> to vector<1x16xf32>
    tpu.vector_store %arg13[%swap3A_234, %swap3A_235], %swap3A_238 {strides = array<i32>} : memref<16x128xf32, #tpu.memory_space<vmem>>, vector<1x16xf32>,
    %swap3A_239 = arith.constant 4 : i32
    %swap3A_240 = arith.index_cast %swap3A_239 : i32 to index
    %swap3A_241 = arith.constant 80 : index
    %swap3A_242 = tpu.vector_load %arg13[%swap3A_240, %swap3A_241] {strides = array<i32>} : memref<16x128xf32, #tpu.memory_space<vmem>>, vector<1x16xf32>,
    %swap3A_243 = vector.shape_cast %swap3A_242 : vector<1x16xf32> to vector<16xf32>
    %swap3A_244 = vector.shape_cast %broadcast_in_dim3A_17 : vector<16xf32> to vector<1x16xf32>
    tpu.vector_store %arg13[%swap3A_240, %swap3A_241], %swap3A_244 {strides = array<i32>} : memref<16x128xf32, #tpu.memory_space<vmem>>, vector<1x16xf32>,
    %swap3A_245 = arith.constant 4 : i32
    %swap3A_246 = arith.index_cast %swap3A_245 : i32 to index
    %swap3A_247 = arith.constant 96 : index
    %swap3A_248 = tpu.vector_load %arg13[%swap3A_246, %swap3A_247] {strides = array<i32>} : memref<16x128xf32, #tpu.memory_space<vmem>>, vector<1x16xf32>,
    %swap3A_249 = vector.shape_cast %swap3A_248 : vector<1x16xf32> to vector<16xf32>
    %swap3A_250 = vector.shape_cast %broadcast_in_dim3A_17 : vector<16xf32> to vector<1x16xf32>
    tpu.vector_store %arg13[%swap3A_246, %swap3A_247], %swap3A_250 {strides = array<i32>} : memref<16x128xf32, #tpu.memory_space<vmem>>, vector<1x16xf32>,
    %swap3A_251 = arith.constant 4 : i32
    %swap3A_252 = arith.index_cast %swap3A_251 : i32 to index
    %swap3A_253 = arith.constant 112 : index
    %swap3A_254 = tpu.vector_load %arg13[%swap3A_252, %swap3A_253] {strides = array<i32>} : memref<16x128xf32, #tpu.memory_space<vmem>>, vector<1x16xf32>,
    %swap3A_255 = vector.shape_cast %swap3A_254 : vector<1x16xf32> to vector<16xf32>
    %swap3A_256 = vector.shape_cast %broadcast_in_dim3A_17 : vector<16xf32> to vector<1x16xf32>
    tpu.vector_store %arg13[%swap3A_252, %swap3A_253], %swap3A_256 {strides = array<i32>} : memref<16x128xf32, #tpu.memory_space<vmem>>, vector<1x16xf32>,
    %swap3A_257 = arith.constant 5 : i32
    %swap3A_258 = arith.index_cast %swap3A_257 : i32 to index
    %swap3A_259 = arith.constant 0 : index
    %swap3A_260 = tpu.vector_load %arg13[%swap3A_258, %swap3A_259] {strides = array<i32>} : memref<16x128xf32, #tpu.memory_space<vmem>>, vector<1x16xf32>,
    %swap3A_261 = vector.shape_cast %swap3A_260 : vector<1x16xf32> to vector<16xf32>
    %swap3A_262 = vector.shape_cast %broadcast_in_dim3A_17 : vector<16xf32> to vector<1x16xf32>
    tpu.vector_store %arg13[%swap3A_258, %swap3A_259], %swap3A_262 {strides = array<i32>} : memref<16x128xf32, #tpu.memory_space<vmem>>, vector<1x16xf32>,
    %swap3A_263 = arith.constant 5 : i32
    %swap3A_264 = arith.index_cast %swap3A_263 : i32 to index
    %swap3A_265 = arith.constant 16 : index
    %swap3A_266 = tpu.vector_load %arg13[%swap3A_264, %swap3A_265] {strides = array<i32>} : memref<16x128xf32, #tpu.memory_space<vmem>>, vector<1x16xf32>,
    %swap3A_267 = vector.shape_cast %swap3A_266 : vector<1x16xf32> to vector<16xf32>
    %swap3A_268 = vector.shape_cast %broadcast_in_dim3A_17 : vector<16xf32> to vector<1x16xf32>
    tpu.vector_store %arg13[%swap3A_264, %swap3A_265], %swap3A_268 {strides = array<i32>} : memref<16x128xf32, #tpu.memory_space<vmem>>, vector<1x16xf32>,
    %swap3A_269 = arith.constant 5 : i32
    %swap3A_270 = arith.index_cast %swap3A_269 : i32 to index
    %swap3A_271 = arith.constant 32 : index
    %swap3A_272 = tpu.vector_load %arg13[%swap3A_270, %swap3A_271] {strides = array<i32>} : memref<16x128xf32, #tpu.memory_space<vmem>>, vector<1x16xf32>,
    %swap3A_273 = vector.shape_cast %swap3A_272 : vector<1x16xf32> to vector<16xf32>
    %swap3A_274 = vector.shape_cast %broadcast_in_dim3A_17 : vector<16xf32> to vector<1x16xf32>
    tpu.vector_store %arg13[%swap3A_270, %swap3A_271], %swap3A_274 {strides = array<i32>} : memref<16x128xf32, #tpu.memory_space<vmem>>, vector<1x16xf32>,
    %swap3A_275 = arith.constant 5 : i32
    %swap3A_276 = arith.index_cast %swap3A_275 : i32 to index
    %swap3A_277 = arith.constant 48 : index
    %swap3A_278 = tpu.vector_load %arg13[%swap3A_276, %swap3A_277] {strides = array<i32>} : memref<16x128xf32, #tpu.memory_space<vmem>>, vector<1x16xf32>,
    %swap3A_279 = vector.shape_cast %swap3A_278 : vector<1x16xf32> to vector<16xf32>
    %swap3A_280 = vector.shape_cast %broadcast_in_dim3A_17 : vector<16xf32> to vector<1x16xf32>
    tpu.vector_store %arg13[%swap3A_276, %swap3A_277], %swap3A_280 {strides = array<i32>} : memref<16x128xf32, #tpu.memory_space<vmem>>, vector<1x16xf32>,
    %swap3A_281 = arith.constant 5 : i32
    %swap3A_282 = arith.index_cast %swap3A_281 : i32 to index
    %swap3A_283 = arith.constant 64 : index
    %swap3A_284 = tpu.vector_load %arg13[%swap3A_282, %swap3A_283] {strides = array<i32>} : memref<16x128xf32, #tpu.memory_space<vmem>>, vector<1x16xf32>,
    %swap3A_285 = vector.shape_cast %swap3A_284 : vector<1x16xf32> to vector<16xf32>
    %swap3A_286 = vector.shape_cast %broadcast_in_dim3A_17 : vector<16xf32> to vector<1x16xf32>
    tpu.vector_store %arg13[%swap3A_282, %swap3A_283], %swap3A_286 {strides = array<i32>} : memref<16x128xf32, #tpu.memory_space<vmem>>, vector<1x16xf32>,
    %swap3A_287 = arith.constant 5 : i32
    %swap3A_288 = arith.index_cast %swap3A_287 : i32 to index
    %swap3A_289 = arith.constant 80 : index
    %swap3A_290 = tpu.vector_load %arg13[%swap3A_288, %swap3A_289] {strides = array<i32>} : memref<16x128xf32, #tpu.memory_space<vmem>>, vector<1x16xf32>,
    %swap3A_291 = vector.shape_cast %swap3A_290 : vector<1x16xf32> to vector<16xf32>
    %swap3A_292 = vector.shape_cast %broadcast_in_dim3A_17 : vector<16xf32> to vector<1x16xf32>
    tpu.vector_store %arg13[%swap3A_288, %swap3A_289], %swap3A_292 {strides = array<i32>} : memref<16x128xf32, #tpu.memory_space<vmem>>, vector<1x16xf32>,
    %swap3A_293 = arith.constant 5 : i32
    %swap3A_294 = arith.index_cast %swap3A_293 : i32 to index
    %swap3A_295 = arith.constant 96 : index
    %swap3A_296 = tpu.vector_load %arg13[%swap3A_294, %swap3A_295] {strides = array<i32>} : memref<16x128xf32, #tpu.memory_space<vmem>>, vector<1x16xf32>,
    %swap3A_297 = vector.shape_cast %swap3A_296 : vector<1x16xf32> to vector<16xf32>
    %swap3A_298 = vector.shape_cast %broadcast_in_dim3A_17 : vector<16xf32> to vector<1x16xf32>
    tpu.vector_store %arg13[%swap3A_294, %swap3A_295], %swap3A_298 {strides = array<i32>} : memref<16x128xf32, #tpu.memory_space<vmem>>, vector<1x16xf32>,
    %swap3A_299 = arith.constant 5 : i32
    %swap3A_300 = arith.index_cast %swap3A_299 : i32 to index
    %swap3A_301 = arith.constant 112 : index
    %swap3A_302 = tpu.vector_load %arg13[%swap3A_300, %swap3A_301] {strides = array<i32>} : memref<16x128xf32, #tpu.memory_space<vmem>>, vector<1x16xf32>,
    %swap3A_303 = vector.shape_cast %swap3A_302 : vector<1x16xf32> to vector<16xf32>
    %swap3A_304 = vector.shape_cast %broadcast_in_dim3A_17 : vector<16xf32> to vector<1x16xf32>
    tpu.vector_store %arg13[%swap3A_300, %swap3A_301], %swap3A_304 {strides = array<i32>} : memref<16x128xf32, #tpu.memory_space<vmem>>, vector<1x16xf32>,
    %swap3A_305 = arith.constant 6 : i32
    %swap3A_306 = arith.index_cast %swap3A_305 : i32 to index
    %swap3A_307 = arith.constant 0 : index
    %swap3A_308 = tpu.vector_load %arg13[%swap3A_306, %swap3A_307] {strides = array<i32>} : memref<16x128xf32, #tpu.memory_space<vmem>>, vector<1x16xf32>,
    %swap3A_309 = vector.shape_cast %swap3A_308 : vector<1x16xf32> to vector<16xf32>
    %swap3A_310 = vector.shape_cast %broadcast_in_dim3A_17 : vector<16xf32> to vector<1x16xf32>
    tpu.vector_store %arg13[%swap3A_306, %swap3A_307], %swap3A_310 {strides = array<i32>} : memref<16x128xf32, #tpu.memory_space<vmem>>, vector<1x16xf32>,
    %swap3A_311 = arith.constant 6 : i32
    %swap3A_312 = arith.index_cast %swap3A_311 : i32 to index
    %swap3A_313 = arith.constant 16 : index
    %swap3A_314 = tpu.vector_load %arg13[%swap3A_312, %swap3A_313] {strides = array<i32>} : memref<16x128xf32, #tpu.memory_space<vmem>>, vector<1x16xf32>,
    %swap3A_315 = vector.shape_cast %swap3A_314 : vector<1x16xf32> to vector<16xf32>
    %swap3A_316 = vector.shape_cast %broadcast_in_dim3A_17 : vector<16xf32> to vector<1x16xf32>
    tpu.vector_store %arg13[%swap3A_312, %swap3A_313], %swap3A_316 {strides = array<i32>} : memref<16x128xf32, #tpu.memory_space<vmem>>, vector<1x16xf32>,
    %swap3A_317 = arith.constant 6 : i32
    %swap3A_318 = arith.index_cast %swap3A_317 : i32 to index
    %swap3A_319 = arith.constant 32 : index
    %swap3A_320 = tpu.vector_load %arg13[%swap3A_318, %swap3A_319] {strides = array<i32>} : memref<16x128xf32, #tpu.memory_space<vmem>>, vector<1x16xf32>,
    %swap3A_321 = vector.shape_cast %swap3A_320 : vector<1x16xf32> to vector<16xf32>
    %swap3A_322 = vector.shape_cast %broadcast_in_dim3A_17 : vector<16xf32> to vector<1x16xf32>
    tpu.vector_store %arg13[%swap3A_318, %swap3A_319], %swap3A_322 {strides = array<i32>} : memref<16x128xf32, #tpu.memory_space<vmem>>, vector<1x16xf32>,
    %swap3A_323 = arith.constant 6 : i32
    %swap3A_324 = arith.index_cast %swap3A_323 : i32 to index
    %swap3A_325 = arith.constant 48 : index
    %swap3A_326 = tpu.vector_load %arg13[%swap3A_324, %swap3A_325] {strides = array<i32>} : memref<16x128xf32, #tpu.memory_space<vmem>>, vector<1x16xf32>,
    %swap3A_327 = vector.shape_cast %swap3A_326 : vector<1x16xf32> to vector<16xf32>
    %swap3A_328 = vector.shape_cast %broadcast_in_dim3A_17 : vector<16xf32> to vector<1x16xf32>
    tpu.vector_store %arg13[%swap3A_324, %swap3A_325], %swap3A_328 {strides = array<i32>} : memref<16x128xf32, #tpu.memory_space<vmem>>, vector<1x16xf32>,
    %swap3A_329 = arith.constant 6 : i32
    %swap3A_330 = arith.index_cast %swap3A_329 : i32 to index
    %swap3A_331 = arith.constant 64 : index
    %swap3A_332 = tpu.vector_load %arg13[%swap3A_330, %swap3A_331] {strides = array<i32>} : memref<16x128xf32, #tpu.memory_space<vmem>>, vector<1x16xf32>,
    %swap3A_333 = vector.shape_cast %swap3A_332 : vector<1x16xf32> to vector<16xf32>
    %swap3A_334 = vector.shape_cast %broadcast_in_dim3A_17 : vector<16xf32> to vector<1x16xf32>
    tpu.vector_store %arg13[%swap3A_330, %swap3A_331], %swap3A_334 {strides = array<i32>} : memref<16x128xf32, #tpu.memory_space<vmem>>, vector<1x16xf32>,
    %swap3A_335 = arith.constant 6 : i32
    %swap3A_336 = arith.index_cast %swap3A_335 : i32 to index
    %swap3A_337 = arith.constant 80 : index
    %swap3A_338 = tpu.vector_load %arg13[%swap3A_336, %swap3A_337] {strides = array<i32>} : memref<16x128xf32, #tpu.memory_space<vmem>>, vector<1x16xf32>,
    %swap3A_339 = vector.shape_cast %swap3A_338 : vector<1x16xf32> to vector<16xf32>
    %swap3A_340 = vector.shape_cast %broadcast_in_dim3A_17 : vector<16xf32> to vector<1x16xf32>
    tpu.vector_store %arg13[%swap3A_336, %swap3A_337], %swap3A_340 {strides = array<i32>} : memref<16x128xf32, #tpu.memory_space<vmem>>, vector<1x16xf32>,
    %swap3A_341 = arith.constant 6 : i32
    %swap3A_342 = arith.index_cast %swap3A_341 : i32 to index
    %swap3A_343 = arith.constant 96 : index
    %swap3A_344 = tpu.vector_load %arg13[%swap3A_342, %swap3A_343] {strides = array<i32>} : memref<16x128xf32, #tpu.memory_space<vmem>>, vector<1x16xf32>,
    %swap3A_345 = vector.shape_cast %swap3A_344 : vector<1x16xf32> to vector<16xf32>
    %swap3A_346 = vector.shape_cast %broadcast_in_dim3A_17 : vector<16xf32> to vector<1x16xf32>
    tpu.vector_store %arg13[%swap3A_342, %swap3A_343], %swap3A_346 {strides = array<i32>} : memref<16x128xf32, #tpu.memory_space<vmem>>, vector<1x16xf32>,
    %swap3A_347 = arith.constant 6 : i32
    %swap3A_348 = arith.index_cast %swap3A_347 : i32 to index
    %swap3A_349 = arith.constant 112 : index
    %swap3A_350 = tpu.vector_load %arg13[%swap3A_348, %swap3A_349] {strides = array<i32>} : memref<16x128xf32, #tpu.memory_space<vmem>>, vector<1x16xf32>,
    %swap3A_351 = vector.shape_cast %swap3A_350 : vector<1x16xf32> to vector<16xf32>
    %swap3A_352 = vector.shape_cast %broadcast_in_dim3A_17 : vector<16xf32> to vector<1x16xf32>
    tpu.vector_store %arg13[%swap3A_348, %swap3A_349], %swap3A_352 {strides = array<i32>} : memref<16x128xf32, #tpu.memory_space<vmem>>, vector<1x16xf32>,
    %swap3A_353 = arith.constant 7 : i32
    %swap3A_354 = arith.index_cast %swap3A_353 : i32 to index
    %swap3A_355 = arith.constant 0 : index
    %swap3A_356 = tpu.vector_load %arg13[%swap3A_354, %swap3A_355] {strides = array<i32>} : memref<16x128xf32, #tpu.memory_space<vmem>>, vector<1x16xf32>,
    %swap3A_357 = vector.shape_cast %swap3A_356 : vector<1x16xf32> to vector<16xf32>
    %swap3A_358 = vector.shape_cast %broadcast_in_dim3A_17 : vector<16xf32> to vector<1x16xf32>
    tpu.vector_store %arg13[%swap3A_354, %swap3A_355], %swap3A_358 {strides = array<i32>} : memref<16x128xf32, #tpu.memory_space<vmem>>, vector<1x16xf32>,
    %swap3A_359 = arith.constant 7 : i32
    %swap3A_360 = arith.index_cast %swap3A_359 : i32 to index
    %swap3A_361 = arith.constant 16 : index
    %swap3A_362 = tpu.vector_load %arg13[%swap3A_360, %swap3A_361] {strides = array<i32>} : memref<16x128xf32, #tpu.memory_space<vmem>>, vector<1x16xf32>,
    %swap3A_363 = vector.shape_cast %swap3A_362 : vector<1x16xf32> to vector<16xf32>
    %swap3A_364 = vector.shape_cast %broadcast_in_dim3A_17 : vector<16xf32> to vector<1x16xf32>
    tpu.vector_store %arg13[%swap3A_360, %swap3A_361], %swap3A_364 {strides = array<i32>} : memref<16x128xf32, #tpu.memory_space<vmem>>, vector<1x16xf32>,
    %swap3A_365 = arith.constant 7 : i32
    %swap3A_366 = arith.index_cast %swap3A_365 : i32 to index
    %swap3A_367 = arith.constant 32 : index
    %swap3A_368 = tpu.vector_load %arg13[%swap3A_366, %swap3A_367] {strides = array<i32>} : memref<16x128xf32, #tpu.memory_space<vmem>>, vector<1x16xf32>,
    %swap3A_369 = vector.shape_cast %swap3A_368 : vector<1x16xf32> to vector<16xf32>
    %swap3A_370 = vector.shape_cast %broadcast_in_dim3A_17 : vector<16xf32> to vector<1x16xf32>
    tpu.vector_store %arg13[%swap3A_366, %swap3A_367], %swap3A_370 {strides = array<i32>} : memref<16x128xf32, #tpu.memory_space<vmem>>, vector<1x16xf32>,
    %swap3A_371 = arith.constant 7 : i32
    %swap3A_372 = arith.index_cast %swap3A_371 : i32 to index
    %swap3A_373 = arith.constant 48 : index
    %swap3A_374 = tpu.vector_load %arg13[%swap3A_372, %swap3A_373] {strides = array<i32>} : memref<16x128xf32, #tpu.memory_space<vmem>>, vector<1x16xf32>,
    %swap3A_375 = vector.shape_cast %swap3A_374 : vector<1x16xf32> to vector<16xf32>
    %swap3A_376 = vector.shape_cast %broadcast_in_dim3A_17 : vector<16xf32> to vector<1x16xf32>
    tpu.vector_store %arg13[%swap3A_372, %swap3A_373], %swap3A_376 {strides = array<i32>} : memref<16x128xf32, #tpu.memory_space<vmem>>, vector<1x16xf32>,
    %swap3A_377 = arith.constant 7 : i32
    %swap3A_378 = arith.index_cast %swap3A_377 : i32 to index
    %swap3A_379 = arith.constant 64 : index
    %swap3A_380 = tpu.vector_load %arg13[%swap3A_378, %swap3A_379] {strides = array<i32>} : memref<16x128xf32, #tpu.memory_space<vmem>>, vector<1x16xf32>,
    %swap3A_381 = vector.shape_cast %swap3A_380 : vector<1x16xf32> to vector<16xf32>
    %swap3A_382 = vector.shape_cast %broadcast_in_dim3A_17 : vector<16xf32> to vector<1x16xf32>
    tpu.vector_store %arg13[%swap3A_378, %swap3A_379], %swap3A_382 {strides = array<i32>} : memref<16x128xf32, #tpu.memory_space<vmem>>, vector<1x16xf32>,
    %swap3A_383 = arith.constant 7 : i32
    %swap3A_384 = arith.index_cast %swap3A_383 : i32 to index
    %swap3A_385 = arith.constant 80 : index
    %swap3A_386 = tpu.vector_load %arg13[%swap3A_384, %swap3A_385] {strides = array<i32>} : memref<16x128xf32, #tpu.memory_space<vmem>>, vector<1x16xf32>,
    %swap3A_387 = vector.shape_cast %swap3A_386 : vector<1x16xf32> to vector<16xf32>
    %swap3A_388 = vector.shape_cast %broadcast_in_dim3A_17 : vector<16xf32> to vector<1x16xf32>
    tpu.vector_store %arg13[%swap3A_384, %swap3A_385], %swap3A_388 {strides = array<i32>} : memref<16x128xf32, #tpu.memory_space<vmem>>, vector<1x16xf32>,
    %swap3A_389 = arith.constant 7 : i32
    %swap3A_390 = arith.index_cast %swap3A_389 : i32 to index
    %swap3A_391 = arith.constant 96 : index
    %swap3A_392 = tpu.vector_load %arg13[%swap3A_390, %swap3A_391] {strides = array<i32>} : memref<16x128xf32, #tpu.memory_space<vmem>>, vector<1x16xf32>,
    %swap3A_393 = vector.shape_cast %swap3A_392 : vector<1x16xf32> to vector<16xf32>
    %swap3A_394 = vector.shape_cast %broadcast_in_dim3A_17 : vector<16xf32> to vector<1x16xf32>
    tpu.vector_store %arg13[%swap3A_390, %swap3A_391], %swap3A_394 {strides = array<i32>} : memref<16x128xf32, #tpu.memory_space<vmem>>, vector<1x16xf32>,
    %swap3A_395 = arith.constant 7 : i32
    %swap3A_396 = arith.index_cast %swap3A_395 : i32 to index
    %swap3A_397 = arith.constant 112 : index
    %swap3A_398 = tpu.vector_load %arg13[%swap3A_396, %swap3A_397] {strides = array<i32>} : memref<16x128xf32, #tpu.memory_space<vmem>>, vector<1x16xf32>,
    %swap3A_399 = vector.shape_cast %swap3A_398 : vector<1x16xf32> to vector<16xf32>
    %swap3A_400 = vector.shape_cast %broadcast_in_dim3A_17 : vector<16xf32> to vector<1x16xf32>
    tpu.vector_store %arg13[%swap3A_396, %swap3A_397], %swap3A_400 {strides = array<i32>} : memref<16x128xf32, #tpu.memory_space<vmem>>, vector<1x16xf32>,
    %swap3A_401 = arith.constant 8 : i32
    %swap3A_402 = arith.index_cast %swap3A_401 : i32 to index
    %swap3A_403 = arith.constant 0 : index
    %swap3A_404 = tpu.vector_load %arg13[%swap3A_402, %swap3A_403] {strides = array<i32>} : memref<16x128xf32, #tpu.memory_space<vmem>>, vector<1x16xf32>,
    %swap3A_405 = vector.shape_cast %swap3A_404 : vector<1x16xf32> to vector<16xf32>
    %swap3A_406 = vector.shape_cast %broadcast_in_dim3A_17 : vector<16xf32> to vector<1x16xf32>
    tpu.vector_store %arg13[%swap3A_402, %swap3A_403], %swap3A_406 {strides = array<i32>} : memref<16x128xf32, #tpu.memory_space<vmem>>, vector<1x16xf32>,
    %swap3A_407 = arith.constant 8 : i32
    %swap3A_408 = arith.index_cast %swap3A_407 : i32 to index
    %swap3A_409 = arith.constant 16 : index
    %swap3A_410 = tpu.vector_load %arg13[%swap3A_408, %swap3A_409] {strides = array<i32>} : memref<16x128xf32, #tpu.memory_space<vmem>>, vector<1x16xf32>,
    %swap3A_411 = vector.shape_cast %swap3A_410 : vector<1x16xf32> to vector<16xf32>
    %swap3A_412 = vector.shape_cast %broadcast_in_dim3A_17 : vector<16xf32> to vector<1x16xf32>
    tpu.vector_store %arg13[%swap3A_408, %swap3A_409], %swap3A_412 {strides = array<i32>} : memref<16x128xf32, #tpu.memory_space<vmem>>, vector<1x16xf32>,
    %swap3A_413 = arith.constant 8 : i32
    %swap3A_414 = arith.index_cast %swap3A_413 : i32 to index
    %swap3A_415 = arith.constant 32 : index
    %swap3A_416 = tpu.vector_load %arg13[%swap3A_414, %swap3A_415] {strides = array<i32>} : memref<16x128xf32, #tpu.memory_space<vmem>>, vector<1x16xf32>,
    %swap3A_417 = vector.shape_cast %swap3A_416 : vector<1x16xf32> to vector<16xf32>
    %swap3A_418 = vector.shape_cast %broadcast_in_dim3A_17 : vector<16xf32> to vector<1x16xf32>
    tpu.vector_store %arg13[%swap3A_414, %swap3A_415], %swap3A_418 {strides = array<i32>} : memref<16x128xf32, #tpu.memory_space<vmem>>, vector<1x16xf32>,
    %swap3A_419 = arith.constant 8 : i32
    %swap3A_420 = arith.index_cast %swap3A_419 : i32 to index
    %swap3A_421 = arith.constant 48 : index
    %swap3A_422 = tpu.vector_load %arg13[%swap3A_420, %swap3A_421] {strides = array<i32>} : memref<16x128xf32, #tpu.memory_space<vmem>>, vector<1x16xf32>,
    %swap3A_423 = vector.shape_cast %swap3A_422 : vector<1x16xf32> to vector<16xf32>
    %swap3A_424 = vector.shape_cast %broadcast_in_dim3A_17 : vector<16xf32> to vector<1x16xf32>
    tpu.vector_store %arg13[%swap3A_420, %swap3A_421], %swap3A_424 {strides = array<i32>} : memref<16x128xf32, #tpu.memory_space<vmem>>, vector<1x16xf32>,
    %swap3A_425 = arith.constant 8 : i32
    %swap3A_426 = arith.index_cast %swap3A_425 : i32 to index
    %swap3A_427 = arith.constant 64 : index
    %swap3A_428 = tpu.vector_load %arg13[%swap3A_426, %swap3A_427] {strides = array<i32>} : memref<16x128xf32, #tpu.memory_space<vmem>>, vector<1x16xf32>,
    %swap3A_429 = vector.shape_cast %swap3A_428 : vector<1x16xf32> to vector<16xf32>
    %swap3A_430 = vector.shape_cast %broadcast_in_dim3A_17 : vector<16xf32> to vector<1x16xf32>
    tpu.vector_store %arg13[%swap3A_426, %swap3A_427], %swap3A_430 {strides = array<i32>} : memref<16x128xf32, #tpu.memory_space<vmem>>, vector<1x16xf32>,
    %swap3A_431 = arith.constant 8 : i32
    %swap3A_432 = arith.index_cast %swap3A_431 : i32 to index
    %swap3A_433 = arith.constant 80 : index
    %swap3A_434 = tpu.vector_load %arg13[%swap3A_432, %swap3A_433] {strides = array<i32>} : memref<16x128xf32, #tpu.memory_space<vmem>>, vector<1x16xf32>,
    %swap3A_435 = vector.shape_cast %swap3A_434 : vector<1x16xf32> to vector<16xf32>
    %swap3A_436 = vector.shape_cast %broadcast_in_dim3A_17 : vector<16xf32> to vector<1x16xf32>
    tpu.vector_store %arg13[%swap3A_432, %swap3A_433], %swap3A_436 {strides = array<i32>} : memref<16x128xf32, #tpu.memory_space<vmem>>, vector<1x16xf32>,
    %swap3A_437 = arith.constant 8 : i32
    %swap3A_438 = arith.index_cast %swap3A_437 : i32 to index
    %swap3A_439 = arith.constant 96 : index
    %swap3A_440 = tpu.vector_load %arg13[%swap3A_438, %swap3A_439] {strides = array<i32>} : memref<16x128xf32, #tpu.memory_space<vmem>>, vector<1x16xf32>,
    %swap3A_441 = vector.shape_cast %swap3A_440 : vector<1x16xf32> to vector<16xf32>
    %swap3A_442 = vector.shape_cast %broadcast_in_dim3A_17 : vector<16xf32> to vector<1x16xf32>
    tpu.vector_store %arg13[%swap3A_438, %swap3A_439], %swap3A_442 {strides = array<i32>} : memref<16x128xf32, #tpu.memory_space<vmem>>, vector<1x16xf32>,
    %swap3A_443 = arith.constant 8 : i32
    %swap3A_444 = arith.index_cast %swap3A_443 : i32 to index
    %swap3A_445 = arith.constant 112 : index
    %swap3A_446 = tpu.vector_load %arg13[%swap3A_444, %swap3A_445] {strides = array<i32>} : memref<16x128xf32, #tpu.memory_space<vmem>>, vector<1x16xf32>,
    %swap3A_447 = vector.shape_cast %swap3A_446 : vector<1x16xf32> to vector<16xf32>
    %swap3A_448 = vector.shape_cast %broadcast_in_dim3A_17 : vector<16xf32> to vector<1x16xf32>
    tpu.vector_store %arg13[%swap3A_444, %swap3A_445], %swap3A_448 {strides = array<i32>} : memref<16x128xf32, #tpu.memory_space<vmem>>, vector<1x16xf32>,
    %swap3A_449 = arith.constant 9 : i32
    %swap3A_450 = arith.index_cast %swap3A_449 : i32 to index
    %swap3A_451 = arith.constant 0 : index
    %swap3A_452 = tpu.vector_load %arg13[%swap3A_450, %swap3A_451] {strides = array<i32>} : memref<16x128xf32, #tpu.memory_space<vmem>>, vector<1x16xf32>,
    %swap3A_453 = vector.shape_cast %swap3A_452 : vector<1x16xf32> to vector<16xf32>
    %swap3A_454 = vector.shape_cast %broadcast_in_dim3A_17 : vector<16xf32> to vector<1x16xf32>
    tpu.vector_store %arg13[%swap3A_450, %swap3A_451], %swap3A_454 {strides = array<i32>} : memref<16x128xf32, #tpu.memory_space<vmem>>, vector<1x16xf32>,
    %swap3A_455 = arith.constant 9 : i32
    %swap3A_456 = arith.index_cast %swap3A_455 : i32 to index
    %swap3A_457 = arith.constant 16 : index
    %swap3A_458 = tpu.vector_load %arg13[%swap3A_456, %swap3A_457] {strides = array<i32>} : memref<16x128xf32, #tpu.memory_space<vmem>>, vector<1x16xf32>,
    %swap3A_459 = vector.shape_cast %swap3A_458 : vector<1x16xf32> to vector<16xf32>
    %swap3A_460 = vector.shape_cast %broadcast_in_dim3A_17 : vector<16xf32> to vector<1x16xf32>
    tpu.vector_store %arg13[%swap3A_456, %swap3A_457], %swap3A_460 {strides = array<i32>} : memref<16x128xf32, #tpu.memory_space<vmem>>, vector<1x16xf32>,
    %swap3A_461 = arith.constant 9 : i32
    %swap3A_462 = arith.index_cast %swap3A_461 : i32 to index
    %swap3A_463 = arith.constant 32 : index
    %swap3A_464 = tpu.vector_load %arg13[%swap3A_462, %swap3A_463] {strides = array<i32>} : memref<16x128xf32, #tpu.memory_space<vmem>>, vector<1x16xf32>,
    %swap3A_465 = vector.shape_cast %swap3A_464 : vector<1x16xf32> to vector<16xf32>
    %swap3A_466 = vector.shape_cast %broadcast_in_dim3A_17 : vector<16xf32> to vector<1x16xf32>
    tpu.vector_store %arg13[%swap3A_462, %swap3A_463], %swap3A_466 {strides = array<i32>} : memref<16x128xf32, #tpu.memory_space<vmem>>, vector<1x16xf32>,
    %swap3A_467 = arith.constant 9 : i32
    %swap3A_468 = arith.index_cast %swap3A_467 : i32 to index
    %swap3A_469 = arith.constant 48 : index
    %swap3A_470 = tpu.vector_load %arg13[%swap3A_468, %swap3A_469] {strides = array<i32>} : memref<16x128xf32, #tpu.memory_space<vmem>>, vector<1x16xf32>,
    %swap3A_471 = vector.shape_cast %swap3A_470 : vector<1x16xf32> to vector<16xf32>
    %swap3A_472 = vector.shape_cast %broadcast_in_dim3A_17 : vector<16xf32> to vector<1x16xf32>
    tpu.vector_store %arg13[%swap3A_468, %swap3A_469], %swap3A_472 {strides = array<i32>} : memref<16x128xf32, #tpu.memory_space<vmem>>, vector<1x16xf32>,
    %swap3A_473 = arith.constant 9 : i32
    %swap3A_474 = arith.index_cast %swap3A_473 : i32 to index
    %swap3A_475 = arith.constant 64 : index
    %swap3A_476 = tpu.vector_load %arg13[%swap3A_474, %swap3A_475] {strides = array<i32>} : memref<16x128xf32, #tpu.memory_space<vmem>>, vector<1x16xf32>,
    %swap3A_477 = vector.shape_cast %swap3A_476 : vector<1x16xf32> to vector<16xf32>
    %swap3A_478 = vector.shape_cast %broadcast_in_dim3A_17 : vector<16xf32> to vector<1x16xf32>
    tpu.vector_store %arg13[%swap3A_474, %swap3A_475], %swap3A_478 {strides = array<i32>} : memref<16x128xf32, #tpu.memory_space<vmem>>, vector<1x16xf32>,
    %swap3A_479 = arith.constant 9 : i32
    %swap3A_480 = arith.index_cast %swap3A_479 : i32 to index
    %swap3A_481 = arith.constant 80 : index
    %swap3A_482 = tpu.vector_load %arg13[%swap3A_480, %swap3A_481] {strides = array<i32>} : memref<16x128xf32, #tpu.memory_space<vmem>>, vector<1x16xf32>,
    %swap3A_483 = vector.shape_cast %swap3A_482 : vector<1x16xf32> to vector<16xf32>
    %swap3A_484 = vector.shape_cast %broadcast_in_dim3A_17 : vector<16xf32> to vector<1x16xf32>
    tpu.vector_store %arg13[%swap3A_480, %swap3A_481], %swap3A_484 {strides = array<i32>} : memref<16x128xf32, #tpu.memory_space<vmem>>, vector<1x16xf32>,
    %swap3A_485 = arith.constant 9 : i32
    %swap3A_486 = arith.index_cast %swap3A_485 : i32 to index
    %swap3A_487 = arith.constant 96 : index
    %swap3A_488 = tpu.vector_load %arg13[%swap3A_486, %swap3A_487] {strides = array<i32>} : memref<16x128xf32, #tpu.memory_space<vmem>>, vector<1x16xf32>,
    %swap3A_489 = vector.shape_cast %swap3A_488 : vector<1x16xf32> to vector<16xf32>
    %swap3A_490 = vector.shape_cast %broadcast_in_dim3A_17 : vector<16xf32> to vector<1x16xf32>
    tpu.vector_store %arg13[%swap3A_486, %swap3A_487], %swap3A_490 {strides = array<i32>} : memref<16x128xf32, #tpu.memory_space<vmem>>, vector<1x16xf32>,
    %swap3A_491 = arith.constant 9 : i32
    %swap3A_492 = arith.index_cast %swap3A_491 : i32 to index
    %swap3A_493 = arith.constant 112 : index
    %swap3A_494 = tpu.vector_load %arg13[%swap3A_492, %swap3A_493] {strides = array<i32>} : memref<16x128xf32, #tpu.memory_space<vmem>>, vector<1x16xf32>,
    %swap3A_495 = vector.shape_cast %swap3A_494 : vector<1x16xf32> to vector<16xf32>
    %swap3A_496 = vector.shape_cast %broadcast_in_dim3A_17 : vector<16xf32> to vector<1x16xf32>
    tpu.vector_store %arg13[%swap3A_492, %swap3A_493], %swap3A_496 {strides = array<i32>} : memref<16x128xf32, #tpu.memory_space<vmem>>, vector<1x16xf32>,
    %swap3A_497 = arith.constant 10 : i32
    %swap3A_498 = arith.index_cast %swap3A_497 : i32 to index
    %swap3A_499 = arith.constant 0 : index
    %swap3A_500 = tpu.vector_load %arg13[%swap3A_498, %swap3A_499] {strides = array<i32>} : memref<16x128xf32, #tpu.memory_space<vmem>>, vector<1x16xf32>,
    %swap3A_501 = vector.shape_cast %swap3A_500 : vector<1x16xf32> to vector<16xf32>
    %swap3A_502 = vector.shape_cast %broadcast_in_dim3A_17 : vector<16xf32> to vector<1x16xf32>
    tpu.vector_store %arg13[%swap3A_498, %swap3A_499], %swap3A_502 {strides = array<i32>} : memref<16x128xf32, #tpu.memory_space<vmem>>, vector<1x16xf32>,
    %swap3A_503 = arith.constant 10 : i32
    %swap3A_504 = arith.index_cast %swap3A_503 : i32 to index
    %swap3A_505 = arith.constant 16 : index
    %swap3A_506 = tpu.vector_load %arg13[%swap3A_504, %swap3A_505] {strides = array<i32>} : memref<16x128xf32, #tpu.memory_space<vmem>>, vector<1x16xf32>,
    %swap3A_507 = vector.shape_cast %swap3A_506 : vector<1x16xf32> to vector<16xf32>
    %swap3A_508 = vector.shape_cast %broadcast_in_dim3A_17 : vector<16xf32> to vector<1x16xf32>
    tpu.vector_store %arg13[%swap3A_504, %swap3A_505], %swap3A_508 {strides = array<i32>} : memref<16x128xf32, #tpu.memory_space<vmem>>, vector<1x16xf32>,
    %swap3A_509 = arith.constant 10 : i32
    %swap3A_510 = arith.index_cast %swap3A_509 : i32 to index
    %swap3A_511 = arith.constant 32 : index
    %swap3A_512 = tpu.vector_load %arg13[%swap3A_510, %swap3A_511] {strides = array<i32>} : memref<16x128xf32, #tpu.memory_space<vmem>>, vector<1x16xf32>,
    %swap3A_513 = vector.shape_cast %swap3A_512 : vector<1x16xf32> to vector<16xf32>
    %swap3A_514 = vector.shape_cast %broadcast_in_dim3A_17 : vector<16xf32> to vector<1x16xf32>
    tpu.vector_store %arg13[%swap3A_510, %swap3A_511], %swap3A_514 {strides = array<i32>} : memref<16x128xf32, #tpu.memory_space<vmem>>, vector<1x16xf32>,
    %swap3A_515 = arith.constant 10 : i32
    %swap3A_516 = arith.index_cast %swap3A_515 : i32 to index
    %swap3A_517 = arith.constant 48 : index
    %swap3A_518 = tpu.vector_load %arg13[%swap3A_516, %swap3A_517] {strides = array<i32>} : memref<16x128xf32, #tpu.memory_space<vmem>>, vector<1x16xf32>,
    %swap3A_519 = vector.shape_cast %swap3A_518 : vector<1x16xf32> to vector<16xf32>
    %swap3A_520 = vector.shape_cast %broadcast_in_dim3A_17 : vector<16xf32> to vector<1x16xf32>
    tpu.vector_store %arg13[%swap3A_516, %swap3A_517], %swap3A_520 {strides = array<i32>} : memref<16x128xf32, #tpu.memory_space<vmem>>, vector<1x16xf32>,
    %swap3A_521 = arith.constant 10 : i32
    %swap3A_522 = arith.index_cast %swap3A_521 : i32 to index
    %swap3A_523 = arith.constant 64 : index
    %swap3A_524 = tpu.vector_load %arg13[%swap3A_522, %swap3A_523] {strides = array<i32>} : memref<16x128xf32, #tpu.memory_space<vmem>>, vector<1x16xf32>,
    %swap3A_525 = vector.shape_cast %swap3A_524 : vector<1x16xf32> to vector<16xf32>
    %swap3A_526 = vector.shape_cast %broadcast_in_dim3A_17 : vector<16xf32> to vector<1x16xf32>
    tpu.vector_store %arg13[%swap3A_522, %swap3A_523], %swap3A_526 {strides = array<i32>} : memref<16x128xf32, #tpu.memory_space<vmem>>, vector<1x16xf32>,
    %swap3A_527 = arith.constant 10 : i32
    %swap3A_528 = arith.index_cast %swap3A_527 : i32 to index
    %swap3A_529 = arith.constant 80 : index
    %swap3A_530 = tpu.vector_load %arg13[%swap3A_528, %swap3A_529] {strides = array<i32>} : memref<16x128xf32, #tpu.memory_space<vmem>>, vector<1x16xf32>,
    %swap3A_531 = vector.shape_cast %swap3A_530 : vector<1x16xf32> to vector<16xf32>
    %swap3A_532 = vector.shape_cast %broadcast_in_dim3A_17 : vector<16xf32> to vector<1x16xf32>
    tpu.vector_store %arg13[%swap3A_528, %swap3A_529], %swap3A_532 {strides = array<i32>} : memref<16x128xf32, #tpu.memory_space<vmem>>, vector<1x16xf32>,
    %swap3A_533 = arith.constant 10 : i32
    %swap3A_534 = arith.index_cast %swap3A_533 : i32 to index
    %swap3A_535 = arith.constant 96 : index
    %swap3A_536 = tpu.vector_load %arg13[%swap3A_534, %swap3A_535] {strides = array<i32>} : memref<16x128xf32, #tpu.memory_space<vmem>>, vector<1x16xf32>,
    %swap3A_537 = vector.shape_cast %swap3A_536 : vector<1x16xf32> to vector<16xf32>
    %swap3A_538 = vector.shape_cast %broadcast_in_dim3A_17 : vector<16xf32> to vector<1x16xf32>
    tpu.vector_store %arg13[%swap3A_534, %swap3A_535], %swap3A_538 {strides = array<i32>} : memref<16x128xf32, #tpu.memory_space<vmem>>, vector<1x16xf32>,
    %swap3A_539 = arith.constant 10 : i32
    %swap3A_540 = arith.index_cast %swap3A_539 : i32 to index
    %swap3A_541 = arith.constant 112 : index
    %swap3A_542 = tpu.vector_load %arg13[%swap3A_540, %swap3A_541] {strides = array<i32>} : memref<16x128xf32, #tpu.memory_space<vmem>>, vector<1x16xf32>,
    %swap3A_543 = vector.shape_cast %swap3A_542 : vector<1x16xf32> to vector<16xf32>
    %swap3A_544 = vector.shape_cast %broadcast_in_dim3A_17 : vector<16xf32> to vector<1x16xf32>
    tpu.vector_store %arg13[%swap3A_540, %swap3A_541], %swap3A_544 {strides = array<i32>} : memref<16x128xf32, #tpu.memory_space<vmem>>, vector<1x16xf32>,
    %swap3A_545 = arith.constant 11 : i32
    %swap3A_546 = arith.index_cast %swap3A_545 : i32 to index
    %swap3A_547 = arith.constant 0 : index
    %swap3A_548 = tpu.vector_load %arg13[%swap3A_546, %swap3A_547] {strides = array<i32>} : memref<16x128xf32, #tpu.memory_space<vmem>>, vector<1x16xf32>,
    %swap3A_549 = vector.shape_cast %swap3A_548 : vector<1x16xf32> to vector<16xf32>
    %swap3A_550 = vector.shape_cast %broadcast_in_dim3A_17 : vector<16xf32> to vector<1x16xf32>
    tpu.vector_store %arg13[%swap3A_546, %swap3A_547], %swap3A_550 {strides = array<i32>} : memref<16x128xf32, #tpu.memory_space<vmem>>, vector<1x16xf32>,
    %swap3A_551 = arith.constant 11 : i32
    %swap3A_552 = arith.index_cast %swap3A_551 : i32 to index
    %swap3A_553 = arith.constant 16 : index
    %swap3A_554 = tpu.vector_load %arg13[%swap3A_552, %swap3A_553] {strides = array<i32>} : memref<16x128xf32, #tpu.memory_space<vmem>>, vector<1x16xf32>,
    %swap3A_555 = vector.shape_cast %swap3A_554 : vector<1x16xf32> to vector<16xf32>
    %swap3A_556 = vector.shape_cast %broadcast_in_dim3A_17 : vector<16xf32> to vector<1x16xf32>
    tpu.vector_store %arg13[%swap3A_552, %swap3A_553], %swap3A_556 {strides = array<i32>} : memref<16x128xf32, #tpu.memory_space<vmem>>, vector<1x16xf32>,
    %swap3A_557 = arith.constant 11 : i32
    %swap3A_558 = arith.index_cast %swap3A_557 : i32 to index
    %swap3A_559 = arith.constant 32 : index
    %swap3A_560 = tpu.vector_load %arg13[%swap3A_558, %swap3A_559] {strides = array<i32>} : memref<16x128xf32, #tpu.memory_space<vmem>>, vector<1x16xf32>,
    %swap3A_561 = vector.shape_cast %swap3A_560 : vector<1x16xf32> to vector<16xf32>
    %swap3A_562 = vector.shape_cast %broadcast_in_dim3A_17 : vector<16xf32> to vector<1x16xf32>
    tpu.vector_store %arg13[%swap3A_558, %swap3A_559], %swap3A_562 {strides = array<i32>} : memref<16x128xf32, #tpu.memory_space<vmem>>, vector<1x16xf32>,
    %swap3A_563 = arith.constant 11 : i32
    %swap3A_564 = arith.index_cast %swap3A_563 : i32 to index
    %swap3A_565 = arith.constant 48 : index
    %swap3A_566 = tpu.vector_load %arg13[%swap3A_564, %swap3A_565] {strides = array<i32>} : memref<16x128xf32, #tpu.memory_space<vmem>>, vector<1x16xf32>,
    %swap3A_567 = vector.shape_cast %swap3A_566 : vector<1x16xf32> to vector<16xf32>
    %swap3A_568 = vector.shape_cast %broadcast_in_dim3A_17 : vector<16xf32> to vector<1x16xf32>
    tpu.vector_store %arg13[%swap3A_564, %swap3A_565], %swap3A_568 {strides = array<i32>} : memref<16x128xf32, #tpu.memory_space<vmem>>, vector<1x16xf32>,
    %swap3A_569 = arith.constant 11 : i32
    %swap3A_570 = arith.index_cast %swap3A_569 : i32 to index
    %swap3A_571 = arith.constant 64 : index
    %swap3A_572 = tpu.vector_load %arg13[%swap3A_570, %swap3A_571] {strides = array<i32>} : memref<16x128xf32, #tpu.memory_space<vmem>>, vector<1x16xf32>,
    %swap3A_573 = vector.shape_cast %swap3A_572 : vector<1x16xf32> to vector<16xf32>
    %swap3A_574 = vector.shape_cast %broadcast_in_dim3A_17 : vector<16xf32> to vector<1x16xf32>
    tpu.vector_store %arg13[%swap3A_570, %swap3A_571], %swap3A_574 {strides = array<i32>} : memref<16x128xf32, #tpu.memory_space<vmem>>, vector<1x16xf32>,
    %swap3A_575 = arith.constant 11 : i32
    %swap3A_576 = arith.index_cast %swap3A_575 : i32 to index
    %swap3A_577 = arith.constant 80 : index
    %swap3A_578 = tpu.vector_load %arg13[%swap3A_576, %swap3A_577] {strides = array<i32>} : memref<16x128xf32, #tpu.memory_space<vmem>>, vector<1x16xf32>,
    %swap3A_579 = vector.shape_cast %swap3A_578 : vector<1x16xf32> to vector<16xf32>
    %swap3A_580 = vector.shape_cast %broadcast_in_dim3A_17 : vector<16xf32> to vector<1x16xf32>
    tpu.vector_store %arg13[%swap3A_576, %swap3A_577], %swap3A_580 {strides = array<i32>} : memref<16x128xf32, #tpu.memory_space<vmem>>, vector<1x16xf32>,
    %swap3A_581 = arith.constant 11 : i32
    %swap3A_582 = arith.index_cast %swap3A_581 : i32 to index
    %swap3A_583 = arith.constant 96 : index
    %swap3A_584 = tpu.vector_load %arg13[%swap3A_582, %swap3A_583] {strides = array<i32>} : memref<16x128xf32, #tpu.memory_space<vmem>>, vector<1x16xf32>,
    %swap3A_585 = vector.shape_cast %swap3A_584 : vector<1x16xf32> to vector<16xf32>
    %swap3A_586 = vector.shape_cast %broadcast_in_dim3A_17 : vector<16xf32> to vector<1x16xf32>
    tpu.vector_store %arg13[%swap3A_582, %swap3A_583], %swap3A_586 {strides = array<i32>} : memref<16x128xf32, #tpu.memory_space<vmem>>, vector<1x16xf32>,
    %swap3A_587 = arith.constant 11 : i32
    %swap3A_588 = arith.index_cast %swap3A_587 : i32 to index
    %swap3A_589 = arith.constant 112 : index
    %swap3A_590 = tpu.vector_load %arg13[%swap3A_588, %swap3A_589] {strides = array<i32>} : memref<16x128xf32, #tpu.memory_space<vmem>>, vector<1x16xf32>,
    %swap3A_591 = vector.shape_cast %swap3A_590 : vector<1x16xf32> to vector<16xf32>
    %swap3A_592 = vector.shape_cast %broadcast_in_dim3A_17 : vector<16xf32> to vector<1x16xf32>
    tpu.vector_store %arg13[%swap3A_588, %swap3A_589], %swap3A_592 {strides = array<i32>} : memref<16x128xf32, #tpu.memory_space<vmem>>, vector<1x16xf32>,
    %swap3A_593 = arith.constant 12 : i32
    %swap3A_594 = arith.index_cast %swap3A_593 : i32 to index
    %swap3A_595 = arith.constant 0 : index
    %swap3A_596 = tpu.vector_load %arg13[%swap3A_594, %swap3A_595] {strides = array<i32>} : memref<16x128xf32, #tpu.memory_space<vmem>>, vector<1x16xf32>,
    %swap3A_597 = vector.shape_cast %swap3A_596 : vector<1x16xf32> to vector<16xf32>
    %swap3A_598 = vector.shape_cast %broadcast_in_dim3A_17 : vector<16xf32> to vector<1x16xf32>
    tpu.vector_store %arg13[%swap3A_594, %swap3A_595], %swap3A_598 {strides = array<i32>} : memref<16x128xf32, #tpu.memory_space<vmem>>, vector<1x16xf32>,
    %swap3A_599 = arith.constant 12 : i32
    %swap3A_600 = arith.index_cast %swap3A_599 : i32 to index
    %swap3A_601 = arith.constant 16 : index
    %swap3A_602 = tpu.vector_load %arg13[%swap3A_600, %swap3A_601] {strides = array<i32>} : memref<16x128xf32, #tpu.memory_space<vmem>>, vector<1x16xf32>,
    %swap3A_603 = vector.shape_cast %swap3A_602 : vector<1x16xf32> to vector<16xf32>
    %swap3A_604 = vector.shape_cast %broadcast_in_dim3A_17 : vector<16xf32> to vector<1x16xf32>
    tpu.vector_store %arg13[%swap3A_600, %swap3A_601], %swap3A_604 {strides = array<i32>} : memref<16x128xf32, #tpu.memory_space<vmem>>, vector<1x16xf32>,
    %swap3A_605 = arith.constant 12 : i32
    %swap3A_606 = arith.index_cast %swap3A_605 : i32 to index
    %swap3A_607 = arith.constant 32 : index
    %swap3A_608 = tpu.vector_load %arg13[%swap3A_606, %swap3A_607] {strides = array<i32>} : memref<16x128xf32, #tpu.memory_space<vmem>>, vector<1x16xf32>,
    %swap3A_609 = vector.shape_cast %swap3A_608 : vector<1x16xf32> to vector<16xf32>
    %swap3A_610 = vector.shape_cast %broadcast_in_dim3A_17 : vector<16xf32> to vector<1x16xf32>
    tpu.vector_store %arg13[%swap3A_606, %swap3A_607], %swap3A_610 {strides = array<i32>} : memref<16x128xf32, #tpu.memory_space<vmem>>, vector<1x16xf32>,
    %swap3A_611 = arith.constant 12 : i32
    %swap3A_612 = arith.index_cast %swap3A_611 : i32 to index
    %swap3A_613 = arith.constant 48 : index
    %swap3A_614 = tpu.vector_load %arg13[%swap3A_612, %swap3A_613] {strides = array<i32>} : memref<16x128xf32, #tpu.memory_space<vmem>>, vector<1x16xf32>,
    %swap3A_615 = vector.shape_cast %swap3A_614 : vector<1x16xf32> to vector<16xf32>
    %swap3A_616 = vector.shape_cast %broadcast_in_dim3A_17 : vector<16xf32> to vector<1x16xf32>
    tpu.vector_store %arg13[%swap3A_612, %swap3A_613], %swap3A_616 {strides = array<i32>} : memref<16x128xf32, #tpu.memory_space<vmem>>, vector<1x16xf32>,
    %swap3A_617 = arith.constant 12 : i32
    %swap3A_618 = arith.index_cast %swap3A_617 : i32 to index
    %swap3A_619 = arith.constant 64 : index
    %swap3A_620 = tpu.vector_load %arg13[%swap3A_618, %swap3A_619] {strides = array<i32>} : memref<16x128xf32, #tpu.memory_space<vmem>>, vector<1x16xf32>,
    %swap3A_621 = vector.shape_cast %swap3A_620 : vector<1x16xf32> to vector<16xf32>
    %swap3A_622 = vector.shape_cast %broadcast_in_dim3A_17 : vector<16xf32> to vector<1x16xf32>
    tpu.vector_store %arg13[%swap3A_618, %swap3A_619], %swap3A_622 {strides = array<i32>} : memref<16x128xf32, #tpu.memory_space<vmem>>, vector<1x16xf32>,
    %swap3A_623 = arith.constant 12 : i32
    %swap3A_624 = arith.index_cast %swap3A_623 : i32 to index
    %swap3A_625 = arith.constant 80 : index
    %swap3A_626 = tpu.vector_load %arg13[%swap3A_624, %swap3A_625] {strides = array<i32>} : memref<16x128xf32, #tpu.memory_space<vmem>>, vector<1x16xf32>,
    %swap3A_627 = vector.shape_cast %swap3A_626 : vector<1x16xf32> to vector<16xf32>
    %swap3A_628 = vector.shape_cast %broadcast_in_dim3A_17 : vector<16xf32> to vector<1x16xf32>
    tpu.vector_store %arg13[%swap3A_624, %swap3A_625], %swap3A_628 {strides = array<i32>} : memref<16x128xf32, #tpu.memory_space<vmem>>, vector<1x16xf32>,
    %swap3A_629 = arith.constant 12 : i32
    %swap3A_630 = arith.index_cast %swap3A_629 : i32 to index
    %swap3A_631 = arith.constant 96 : index
    %swap3A_632 = tpu.vector_load %arg13[%swap3A_630, %swap3A_631] {strides = array<i32>} : memref<16x128xf32, #tpu.memory_space<vmem>>, vector<1x16xf32>,
    %swap3A_633 = vector.shape_cast %swap3A_632 : vector<1x16xf32> to vector<16xf32>
    %swap3A_634 = vector.shape_cast %broadcast_in_dim3A_17 : vector<16xf32> to vector<1x16xf32>
    tpu.vector_store %arg13[%swap3A_630, %swap3A_631], %swap3A_634 {strides = array<i32>} : memref<16x128xf32, #tpu.memory_space<vmem>>, vector<1x16xf32>,
    %swap3A_635 = arith.constant 12 : i32
    %swap3A_636 = arith.index_cast %swap3A_635 : i32 to index
    %swap3A_637 = arith.constant 112 : index
    %swap3A_638 = tpu.vector_load %arg13[%swap3A_636, %swap3A_637] {strides = array<i32>} : memref<16x128xf32, #tpu.memory_space<vmem>>, vector<1x16xf32>,
    %swap3A_639 = vector.shape_cast %swap3A_638 : vector<1x16xf32> to vector<16xf32>
    %swap3A_640 = vector.shape_cast %broadcast_in_dim3A_17 : vector<16xf32> to vector<1x16xf32>
    tpu.vector_store %arg13[%swap3A_636, %swap3A_637], %swap3A_640 {strides = array<i32>} : memref<16x128xf32, #tpu.memory_space<vmem>>, vector<1x16xf32>,
    %swap3A_641 = arith.constant 13 : i32
    %swap3A_642 = arith.index_cast %swap3A_641 : i32 to index
    %swap3A_643 = arith.constant 0 : index
    %swap3A_644 = tpu.vector_load %arg13[%swap3A_642, %swap3A_643] {strides = array<i32>} : memref<16x128xf32, #tpu.memory_space<vmem>>, vector<1x16xf32>,
    %swap3A_645 = vector.shape_cast %swap3A_644 : vector<1x16xf32> to vector<16xf32>
    %swap3A_646 = vector.shape_cast %broadcast_in_dim3A_17 : vector<16xf32> to vector<1x16xf32>
    tpu.vector_store %arg13[%swap3A_642, %swap3A_643], %swap3A_646 {strides = array<i32>} : memref<16x128xf32, #tpu.memory_space<vmem>>, vector<1x16xf32>,
    %swap3A_647 = arith.constant 13 : i32
    %swap3A_648 = arith.index_cast %swap3A_647 : i32 to index
    %swap3A_649 = arith.constant 16 : index
    %swap3A_650 = tpu.vector_load %arg13[%swap3A_648, %swap3A_649] {strides = array<i32>} : memref<16x128xf32, #tpu.memory_space<vmem>>, vector<1x16xf32>,
    %swap3A_651 = vector.shape_cast %swap3A_650 : vector<1x16xf32> to vector<16xf32>
    %swap3A_652 = vector.shape_cast %broadcast_in_dim3A_17 : vector<16xf32> to vector<1x16xf32>
    tpu.vector_store %arg13[%swap3A_648, %swap3A_649], %swap3A_652 {strides = array<i32>} : memref<16x128xf32, #tpu.memory_space<vmem>>, vector<1x16xf32>,
    %swap3A_653 = arith.constant 13 : i32
    %swap3A_654 = arith.index_cast %swap3A_653 : i32 to index
    %swap3A_655 = arith.constant 32 : index
    %swap3A_656 = tpu.vector_load %arg13[%swap3A_654, %swap3A_655] {strides = array<i32>} : memref<16x128xf32, #tpu.memory_space<vmem>>, vector<1x16xf32>,
    %swap3A_657 = vector.shape_cast %swap3A_656 : vector<1x16xf32> to vector<16xf32>
    %swap3A_658 = vector.shape_cast %broadcast_in_dim3A_17 : vector<16xf32> to vector<1x16xf32>
    tpu.vector_store %arg13[%swap3A_654, %swap3A_655], %swap3A_658 {strides = array<i32>} : memref<16x128xf32, #tpu.memory_space<vmem>>, vector<1x16xf32>,
    %swap3A_659 = arith.constant 13 : i32
    %swap3A_660 = arith.index_cast %swap3A_659 : i32 to index
    %swap3A_661 = arith.constant 48 : index
    %swap3A_662 = tpu.vector_load %arg13[%swap3A_660, %swap3A_661] {strides = array<i32>} : memref<16x128xf32, #tpu.memory_space<vmem>>, vector<1x16xf32>,
    %swap3A_663 = vector.shape_cast %swap3A_662 : vector<1x16xf32> to vector<16xf32>
    %swap3A_664 = vector.shape_cast %broadcast_in_dim3A_17 : vector<16xf32> to vector<1x16xf32>
    tpu.vector_store %arg13[%swap3A_660, %swap3A_661], %swap3A_664 {strides = array<i32>} : memref<16x128xf32, #tpu.memory_space<vmem>>, vector<1x16xf32>,
    %swap3A_665 = arith.constant 13 : i32
    %swap3A_666 = arith.index_cast %swap3A_665 : i32 to index
    %swap3A_667 = arith.constant 64 : index
    %swap3A_668 = tpu.vector_load %arg13[%swap3A_666, %swap3A_667] {strides = array<i32>} : memref<16x128xf32, #tpu.memory_space<vmem>>, vector<1x16xf32>,
    %swap3A_669 = vector.shape_cast %swap3A_668 : vector<1x16xf32> to vector<16xf32>
    %swap3A_670 = vector.shape_cast %broadcast_in_dim3A_17 : vector<16xf32> to vector<1x16xf32>
    tpu.vector_store %arg13[%swap3A_666, %swap3A_667], %swap3A_670 {strides = array<i32>} : memref<16x128xf32, #tpu.memory_space<vmem>>, vector<1x16xf32>,
    %swap3A_671 = arith.constant 13 : i32
    %swap3A_672 = arith.index_cast %swap3A_671 : i32 to index
    %swap3A_673 = arith.constant 80 : index
    %swap3A_674 = tpu.vector_load %arg13[%swap3A_672, %swap3A_673] {strides = array<i32>} : memref<16x128xf32, #tpu.memory_space<vmem>>, vector<1x16xf32>,
    %swap3A_675 = vector.shape_cast %swap3A_674 : vector<1x16xf32> to vector<16xf32>
    %swap3A_676 = vector.shape_cast %broadcast_in_dim3A_17 : vector<16xf32> to vector<1x16xf32>
    tpu.vector_store %arg13[%swap3A_672, %swap3A_673], %swap3A_676 {strides = array<i32>} : memref<16x128xf32, #tpu.memory_space<vmem>>, vector<1x16xf32>,
    %swap3A_677 = arith.constant 13 : i32
    %swap3A_678 = arith.index_cast %swap3A_677 : i32 to index
    %swap3A_679 = arith.constant 96 : index
    %swap3A_680 = tpu.vector_load %arg13[%swap3A_678, %swap3A_679] {strides = array<i32>} : memref<16x128xf32, #tpu.memory_space<vmem>>, vector<1x16xf32>,
    %swap3A_681 = vector.shape_cast %swap3A_680 : vector<1x16xf32> to vector<16xf32>
    %swap3A_682 = vector.shape_cast %broadcast_in_dim3A_17 : vector<16xf32> to vector<1x16xf32>
    tpu.vector_store %arg13[%swap3A_678, %swap3A_679], %swap3A_682 {strides = array<i32>} : memref<16x128xf32, #tpu.memory_space<vmem>>, vector<1x16xf32>,
    %swap3A_683 = arith.constant 13 : i32
    %swap3A_684 = arith.index_cast %swap3A_683 : i32 to index
    %swap3A_685 = arith.constant 112 : index
    %swap3A_686 = tpu.vector_load %arg13[%swap3A_684, %swap3A_685] {strides = array<i32>} : memref<16x128xf32, #tpu.memory_space<vmem>>, vector<1x16xf32>,
    %swap3A_687 = vector.shape_cast %swap3A_686 : vector<1x16xf32> to vector<16xf32>
    %swap3A_688 = vector.shape_cast %broadcast_in_dim3A_17 : vector<16xf32> to vector<1x16xf32>
    tpu.vector_store %arg13[%swap3A_684, %swap3A_685], %swap3A_688 {strides = array<i32>} : memref<16x128xf32, #tpu.memory_space<vmem>>, vector<1x16xf32>,
    %swap3A_689 = arith.constant 14 : i32
    %swap3A_690 = arith.index_cast %swap3A_689 : i32 to index
    %swap3A_691 = arith.constant 0 : index
    %swap3A_692 = tpu.vector_load %arg13[%swap3A_690, %swap3A_691] {strides = array<i32>} : memref<16x128xf32, #tpu.memory_space<vmem>>, vector<1x16xf32>,
    %swap3A_693 = vector.shape_cast %swap3A_692 : vector<1x16xf32> to vector<16xf32>
    %swap3A_694 = vector.shape_cast %broadcast_in_dim3A_17 : vector<16xf32> to vector<1x16xf32>
    tpu.vector_store %arg13[%swap3A_690, %swap3A_691], %swap3A_694 {strides = array<i32>} : memref<16x128xf32, #tpu.memory_space<vmem>>, vector<1x16xf32>,
    %swap3A_695 = arith.constant 14 : i32
    %swap3A_696 = arith.index_cast %swap3A_695 : i32 to index
    %swap3A_697 = arith.constant 16 : index
    %swap3A_698 = tpu.vector_load %arg13[%swap3A_696, %swap3A_697] {strides = array<i32>} : memref<16x128xf32, #tpu.memory_space<vmem>>, vector<1x16xf32>,
    %swap3A_699 = vector.shape_cast %swap3A_698 : vector<1x16xf32> to vector<16xf32>
    %swap3A_700 = vector.shape_cast %broadcast_in_dim3A_17 : vector<16xf32> to vector<1x16xf32>
    tpu.vector_store %arg13[%swap3A_696, %swap3A_697], %swap3A_700 {strides = array<i32>} : memref<16x128xf32, #tpu.memory_space<vmem>>, vector<1x16xf32>,
    %swap3A_701 = arith.constant 14 : i32
    %swap3A_702 = arith.index_cast %swap3A_701 : i32 to index
    %swap3A_703 = arith.constant 32 : index
    %swap3A_704 = tpu.vector_load %arg13[%swap3A_702, %swap3A_703] {strides = array<i32>} : memref<16x128xf32, #tpu.memory_space<vmem>>, vector<1x16xf32>,
    %swap3A_705 = vector.shape_cast %swap3A_704 : vector<1x16xf32> to vector<16xf32>
    %swap3A_706 = vector.shape_cast %broadcast_in_dim3A_17 : vector<16xf32> to vector<1x16xf32>
    tpu.vector_store %arg13[%swap3A_702, %swap3A_703], %swap3A_706 {strides = array<i32>} : memref<16x128xf32, #tpu.memory_space<vmem>>, vector<1x16xf32>,
    %swap3A_707 = arith.constant 14 : i32
    %swap3A_708 = arith.index_cast %swap3A_707 : i32 to index
    %swap3A_709 = arith.constant 48 : index
    %swap3A_710 = tpu.vector_load %arg13[%swap3A_708, %swap3A_709] {strides = array<i32>} : memref<16x128xf32, #tpu.memory_space<vmem>>, vector<1x16xf32>,
    %swap3A_711 = vector.shape_cast %swap3A_710 : vector<1x16xf32> to vector<16xf32>
    %swap3A_712 = vector.shape_cast %broadcast_in_dim3A_17 : vector<16xf32> to vector<1x16xf32>
    tpu.vector_store %arg13[%swap3A_708, %swap3A_709], %swap3A_712 {strides = array<i32>} : memref<16x128xf32, #tpu.memory_space<vmem>>, vector<1x16xf32>,
    %swap3A_713 = arith.constant 14 : i32
    %swap3A_714 = arith.index_cast %swap3A_713 : i32 to index
    %swap3A_715 = arith.constant 64 : index
    %swap3A_716 = tpu.vector_load %arg13[%swap3A_714, %swap3A_715] {strides = array<i32>} : memref<16x128xf32, #tpu.memory_space<vmem>>, vector<1x16xf32>,
    %swap3A_717 = vector.shape_cast %swap3A_716 : vector<1x16xf32> to vector<16xf32>
    %swap3A_718 = vector.shape_cast %broadcast_in_dim3A_17 : vector<16xf32> to vector<1x16xf32>
    tpu.vector_store %arg13[%swap3A_714, %swap3A_715], %swap3A_718 {strides = array<i32>} : memref<16x128xf32, #tpu.memory_space<vmem>>, vector<1x16xf32>,
    %swap3A_719 = arith.constant 14 : i32
    %swap3A_720 = arith.index_cast %swap3A_719 : i32 to index
    %swap3A_721 = arith.constant 80 : index
    %swap3A_722 = tpu.vector_load %arg13[%swap3A_720, %swap3A_721] {strides = array<i32>} : memref<16x128xf32, #tpu.memory_space<vmem>>, vector<1x16xf32>,
    %swap3A_723 = vector.shape_cast %swap3A_722 : vector<1x16xf32> to vector<16xf32>
    %swap3A_724 = vector.shape_cast %broadcast_in_dim3A_17 : vector<16xf32> to vector<1x16xf32>
    tpu.vector_store %arg13[%swap3A_720, %swap3A_721], %swap3A_724 {strides = array<i32>} : memref<16x128xf32, #tpu.memory_space<vmem>>, vector<1x16xf32>,
    %swap3A_725 = arith.constant 14 : i32
    %swap3A_726 = arith.index_cast %swap3A_725 : i32 to index
    %swap3A_727 = arith.constant 96 : index
    %swap3A_728 = tpu.vector_load %arg13[%swap3A_726, %swap3A_727] {strides = array<i32>} : memref<16x128xf32, #tpu.memory_space<vmem>>, vector<1x16xf32>,
    %swap3A_729 = vector.shape_cast %swap3A_728 : vector<1x16xf32> to vector<16xf32>
    %swap3A_730 = vector.shape_cast %broadcast_in_dim3A_17 : vector<16xf32> to vector<1x16xf32>
    tpu.vector_store %arg13[%swap3A_726, %swap3A_727], %swap3A_730 {strides = array<i32>} : memref<16x128xf32, #tpu.memory_space<vmem>>, vector<1x16xf32>,
    %swap3A_731 = arith.constant 14 : i32
    %swap3A_732 = arith.index_cast %swap3A_731 : i32 to index
    %swap3A_733 = arith.constant 112 : index
    %swap3A_734 = tpu.vector_load %arg13[%swap3A_732, %swap3A_733] {strides = array<i32>} : memref<16x128xf32, #tpu.memory_space<vmem>>, vector<1x16xf32>,
    %swap3A_735 = vector.shape_cast %swap3A_734 : vector<1x16xf32> to vector<16xf32>
    %swap3A_736 = vector.shape_cast %broadcast_in_dim3A_17 : vector<16xf32> to vector<1x16xf32>
    tpu.vector_store %arg13[%swap3A_732, %swap3A_733], %swap3A_736 {strides = array<i32>} : memref<16x128xf32, #tpu.memory_space<vmem>>, vector<1x16xf32>,
    %swap3A_737 = arith.constant 15 : i32
    %swap3A_738 = arith.index_cast %swap3A_737 : i32 to index
    %swap3A_739 = arith.constant 0 : index
    %swap3A_740 = tpu.vector_load %arg13[%swap3A_738, %swap3A_739] {strides = array<i32>} : memref<16x128xf32, #tpu.memory_space<vmem>>, vector<1x16xf32>,
    %swap3A_741 = vector.shape_cast %swap3A_740 : vector<1x16xf32> to vector<16xf32>
    %swap3A_742 = vector.shape_cast %broadcast_in_dim3A_17 : vector<16xf32> to vector<1x16xf32>
    tpu.vector_store %arg13[%swap3A_738, %swap3A_739], %swap3A_742 {strides = array<i32>} : memref<16x128xf32, #tpu.memory_space<vmem>>, vector<1x16xf32>,
    %swap3A_743 = arith.constant 15 : i32
    %swap3A_744 = arith.index_cast %swap3A_743 : i32 to index
    %swap3A_745 = arith.constant 16 : index
    %swap3A_746 = tpu.vector_load %arg13[%swap3A_744, %swap3A_745] {strides = array<i32>} : memref<16x128xf32, #tpu.memory_space<vmem>>, vector<1x16xf32>,
    %swap3A_747 = vector.shape_cast %swap3A_746 : vector<1x16xf32> to vector<16xf32>
    %swap3A_748 = vector.shape_cast %broadcast_in_dim3A_17 : vector<16xf32> to vector<1x16xf32>
    tpu.vector_store %arg13[%swap3A_744, %swap3A_745], %swap3A_748 {strides = array<i32>} : memref<16x128xf32, #tpu.memory_space<vmem>>, vector<1x16xf32>,
    %swap3A_749 = arith.constant 15 : i32
    %swap3A_750 = arith.index_cast %swap3A_749 : i32 to index
    %swap3A_751 = arith.constant 32 : index
    %swap3A_752 = tpu.vector_load %arg13[%swap3A_750, %swap3A_751] {strides = array<i32>} : memref<16x128xf32, #tpu.memory_space<vmem>>, vector<1x16xf32>,
    %swap3A_753 = vector.shape_cast %swap3A_752 : vector<1x16xf32> to vector<16xf32>
    %swap3A_754 = vector.shape_cast %broadcast_in_dim3A_17 : vector<16xf32> to vector<1x16xf32>
    tpu.vector_store %arg13[%swap3A_750, %swap3A_751], %swap3A_754 {strides = array<i32>} : memref<16x128xf32, #tpu.memory_space<vmem>>, vector<1x16xf32>,
    %swap3A_755 = arith.constant 15 : i32
    %swap3A_756 = arith.index_cast %swap3A_755 : i32 to index
    %swap3A_757 = arith.constant 48 : index
    %swap3A_758 = tpu.vector_load %arg13[%swap3A_756, %swap3A_757] {strides = array<i32>} : memref<16x128xf32, #tpu.memory_space<vmem>>, vector<1x16xf32>,
    %swap3A_759 = vector.shape_cast %swap3A_758 : vector<1x16xf32> to vector<16xf32>
    %swap3A_760 = vector.shape_cast %broadcast_in_dim3A_17 : vector<16xf32> to vector<1x16xf32>
    tpu.vector_store %arg13[%swap3A_756, %swap3A_757], %swap3A_760 {strides = array<i32>} : memref<16x128xf32, #tpu.memory_space<vmem>>, vector<1x16xf32>,
    %swap3A_761 = arith.constant 15 : i32
    %swap3A_762 = arith.index_cast %swap3A_761 : i32 to index
    %swap3A_763 = arith.constant 64 : index
    %swap3A_764 = tpu.vector_load %arg13[%swap3A_762, %swap3A_763] {strides = array<i32>} : memref<16x128xf32, #tpu.memory_space<vmem>>, vector<1x16xf32>,
    %swap3A_765 = vector.shape_cast %swap3A_764 : vector<1x16xf32> to vector<16xf32>
    %swap3A_766 = vector.shape_cast %broadcast_in_dim3A_17 : vector<16xf32> to vector<1x16xf32>
    tpu.vector_store %arg13[%swap3A_762, %swap3A_763], %swap3A_766 {strides = array<i32>} : memref<16x128xf32, #tpu.memory_space<vmem>>, vector<1x16xf32>,
    %swap3A_767 = arith.constant 15 : i32
    %swap3A_768 = arith.index_cast %swap3A_767 : i32 to index
    %swap3A_769 = arith.constant 80 : index
    %swap3A_770 = tpu.vector_load %arg13[%swap3A_768, %swap3A_769] {strides = array<i32>} : memref<16x128xf32, #tpu.memory_space<vmem>>, vector<1x16xf32>,
    %swap3A_771 = vector.shape_cast %swap3A_770 : vector<1x16xf32> to vector<16xf32>
    %swap3A_772 = vector.shape_cast %broadcast_in_dim3A_17 : vector<16xf32> to vector<1x16xf32>
    tpu.vector_store %arg13[%swap3A_768, %swap3A_769], %swap3A_772 {strides = array<i32>} : memref<16x128xf32, #tpu.memory_space<vmem>>, vector<1x16xf32>,
    %swap3A_773 = arith.constant 15 : i32
    %swap3A_774 = arith.index_cast %swap3A_773 : i32 to index
    %swap3A_775 = arith.constant 96 : index
    %swap3A_776 = tpu.vector_load %arg13[%swap3A_774, %swap3A_775] {strides = array<i32>} : memref<16x128xf32, #tpu.memory_space<vmem>>, vector<1x16xf32>,
    %swap3A_777 = vector.shape_cast %swap3A_776 : vector<1x16xf32> to vector<16xf32>
    %swap3A_778 = vector.shape_cast %broadcast_in_dim3A_17 : vector<16xf32> to vector<1x16xf32>
    tpu.vector_store %arg13[%swap3A_774, %swap3A_775], %swap3A_778 {strides = array<i32>} : memref<16x128xf32, #tpu.memory_space<vmem>>, vector<1x16xf32>,
    %swap3A_779 = arith.constant 15 : i32
    %swap3A_780 = arith.index_cast %swap3A_779 : i32 to index
    %swap3A_781 = arith.constant 112 : index
    %swap3A_782 = tpu.vector_load %arg13[%swap3A_780, %swap3A_781] {strides = array<i32>} : memref<16x128xf32, #tpu.memory_space<vmem>>, vector<1x16xf32>,
    %swap3A_783 = vector.shape_cast %swap3A_782 : vector<1x16xf32> to vector<16xf32>
    %swap3A_784 = vector.shape_cast %broadcast_in_dim3A_17 : vector<16xf32> to vector<1x16xf32>
    tpu.vector_store %arg13[%swap3A_780, %swap3A_781], %swap3A_784 {strides = array<i32>} : memref<16x128xf32, #tpu.memory_space<vmem>>, vector<1x16xf32>,
    %broadcast_in_dim3A_785 = arith.constant 1.000000e+00 : f32
    %broadcast_in_dim3A_786 = vector.broadcast %broadcast_in_dim3A_785 : f32 to vector<16xf32>
    %swap3A_787 = arith.constant 0 : index
    %swap3A_788 = tpu.vector_load %arg19[%swap3A_787] {strides = array<i32>} : memref<32xf32, #tpu.memory_space<vmem>>, vector<16xf32>,
    %swap3A_789 = vector.shape_cast %swap3A_788 : vector<16xf32> to vector<16xf32>
    %swap3A_790 = vector.shape_cast %broadcast_in_dim3A_786 : vector<16xf32> to vector<16xf32>
    tpu.vector_store %arg19[%swap3A_787], %swap3A_790 {strides = array<i32>} : memref<32xf32, #tpu.memory_space<vmem>>, vector<16xf32>,
    %swap3A_791 = arith.constant 16 : index
    %swap3A_792 = tpu.vector_load %arg19[%swap3A_791] {strides = array<i32>} : memref<32xf32, #tpu.memory_space<vmem>>, vector<16xf32>,
    %swap3A_793 = vector.shape_cast %swap3A_792 : vector<16xf32> to vector<16xf32>
    %swap3A_794 = vector.shape_cast %broadcast_in_dim3A_786 : vector<16xf32> to vector<16xf32>
    tpu.vector_store %arg19[%swap3A_791], %swap3A_794 {strides = array<i32>} : memref<32xf32, #tpu.memory_space<vmem>>, vector<16xf32>,
    %swap3A_795 = arith.constant 0 : index
    %swap3A_796 = tpu.vector_load %arg20[%swap3A_795] {strides = array<i32>} : memref<640xf32, #tpu.memory_space<vmem>>, vector<16xf32>,
    %swap3A_797 = vector.shape_cast %swap3A_796 : vector<16xf32> to vector<16xf32>
    %swap3A_798 = vector.shape_cast %broadcast_in_dim3A_17 : vector<16xf32> to vector<16xf32>
    tpu.vector_store %arg20[%swap3A_795], %swap3A_798 {strides = array<i32>} : memref<640xf32, #tpu.memory_space<vmem>>, vector<16xf32>,
    %swap3A_799 = arith.constant 16 : index
    %swap3A_800 = tpu.vector_load %arg20[%swap3A_799] {strides = array<i32>} : memref<640xf32, #tpu.memory_space<vmem>>, vector<16xf32>,
    %swap3A_801 = vector.shape_cast %swap3A_800 : vector<16xf32> to vector<16xf32>
    %swap3A_802 = vector.shape_cast %broadcast_in_dim3A_17 : vector<16xf32> to vector<16xf32>
    tpu.vector_store %arg20[%swap3A_799], %swap3A_802 {strides = array<i32>} : memref<640xf32, #tpu.memory_space<vmem>>, vector<16xf32>,
    %swap3A_803 = arith.constant 32 : index
    %swap3A_804 = tpu.vector_load %arg20[%swap3A_803] {strides = array<i32>} : memref<640xf32, #tpu.memory_space<vmem>>, vector<16xf32>,
    %swap3A_805 = vector.shape_cast %swap3A_804 : vector<16xf32> to vector<16xf32>
    %swap3A_806 = vector.shape_cast %broadcast_in_dim3A_17 : vector<16xf32> to vector<16xf32>
    tpu.vector_store %arg20[%swap3A_803], %swap3A_806 {strides = array<i32>} : memref<640xf32, #tpu.memory_space<vmem>>, vector<16xf32>,
    %swap3A_807 = arith.constant 48 : index
    %swap3A_808 = tpu.vector_load %arg20[%swap3A_807] {strides = array<i32>} : memref<640xf32, #tpu.memory_space<vmem>>, vector<16xf32>,
    %swap3A_809 = vector.shape_cast %swap3A_808 : vector<16xf32> to vector<16xf32>
    %swap3A_810 = vector.shape_cast %broadcast_in_dim3A_17 : vector<16xf32> to vector<16xf32>
    tpu.vector_store %arg20[%swap3A_807], %swap3A_810 {strides = array<i32>} : memref<640xf32, #tpu.memory_space<vmem>>, vector<16xf32>,
    %swap3A_811 = arith.constant 64 : index
    %swap3A_812 = tpu.vector_load %arg20[%swap3A_811] {strides = array<i32>} : memref<640xf32, #tpu.memory_space<vmem>>, vector<16xf32>,
    %swap3A_813 = vector.shape_cast %swap3A_812 : vector<16xf32> to vector<16xf32>
    %swap3A_814 = vector.shape_cast %broadcast_in_dim3A_17 : vector<16xf32> to vector<16xf32>
    tpu.vector_store %arg20[%swap3A_811], %swap3A_814 {strides = array<i32>} : memref<640xf32, #tpu.memory_space<vmem>>, vector<16xf32>,
    %swap3A_815 = arith.constant 80 : index
    %swap3A_816 = tpu.vector_load %arg20[%swap3A_815] {strides = array<i32>} : memref<640xf32, #tpu.memory_space<vmem>>, vector<16xf32>,
    %swap3A_817 = vector.shape_cast %swap3A_816 : vector<16xf32> to vector<16xf32>
    %swap3A_818 = vector.shape_cast %broadcast_in_dim3A_17 : vector<16xf32> to vector<16xf32>
    tpu.vector_store %arg20[%swap3A_815], %swap3A_818 {strides = array<i32>} : memref<640xf32, #tpu.memory_space<vmem>>, vector<16xf32>,
    %swap3A_819 = arith.constant 96 : index
    %swap3A_820 = tpu.vector_load %arg20[%swap3A_819] {strides = array<i32>} : memref<640xf32, #tpu.memory_space<vmem>>, vector<16xf32>,
    %swap3A_821 = vector.shape_cast %swap3A_820 : vector<16xf32> to vector<16xf32>
    %swap3A_822 = vector.shape_cast %broadcast_in_dim3A_17 : vector<16xf32> to vector<16xf32>
    tpu.vector_store %arg20[%swap3A_819], %swap3A_822 {strides = array<i32>} : memref<640xf32, #tpu.memory_space<vmem>>, vector<16xf32>,
    %swap3A_823 = arith.constant 112 : index
    %swap3A_824 = tpu.vector_load %arg20[%swap3A_823] {strides = array<i32>} : memref<640xf32, #tpu.memory_space<vmem>>, vector<16xf32>,
    %swap3A_825 = vector.shape_cast %swap3A_824 : vector<16xf32> to vector<16xf32>
    %swap3A_826 = vector.shape_cast %broadcast_in_dim3A_17 : vector<16xf32> to vector<16xf32>
    tpu.vector_store %arg20[%swap3A_823], %swap3A_826 {strides = array<i32>} : memref<640xf32, #tpu.memory_space<vmem>>, vector<16xf32>,
    %swap3A_827 = arith.constant 128 : index
    %swap3A_828 = tpu.vector_load %arg20[%swap3A_827] {strides = array<i32>} : memref<640xf32, #tpu.memory_space<vmem>>, vector<16xf32>,
    %swap3A_829 = vector.shape_cast %swap3A_828 : vector<16xf32> to vector<16xf32>
    %swap3A_830 = vector.shape_cast %broadcast_in_dim3A_17 : vector<16xf32> to vector<16xf32>
    tpu.vector_store %arg20[%swap3A_827], %swap3A_830 {strides = array<i32>} : memref<640xf32, #tpu.memory_space<vmem>>, vector<16xf32>,
    %swap3A_831 = arith.constant 144 : index
    %swap3A_832 = tpu.vector_load %arg20[%swap3A_831] {strides = array<i32>} : memref<640xf32, #tpu.memory_space<vmem>>, vector<16xf32>,
    %swap3A_833 = vector.shape_cast %swap3A_832 : vector<16xf32> to vector<16xf32>
    %swap3A_834 = vector.shape_cast %broadcast_in_dim3A_17 : vector<16xf32> to vector<16xf32>
    tpu.vector_store %arg20[%swap3A_831], %swap3A_834 {strides = array<i32>} : memref<640xf32, #tpu.memory_space<vmem>>, vector<16xf32>,
    %swap3A_835 = arith.constant 160 : index
    %swap3A_836 = tpu.vector_load %arg20[%swap3A_835] {strides = array<i32>} : memref<640xf32, #tpu.memory_space<vmem>>, vector<16xf32>,
    %swap3A_837 = vector.shape_cast %swap3A_836 : vector<16xf32> to vector<16xf32>
    %swap3A_838 = vector.shape_cast %broadcast_in_dim3A_17 : vector<16xf32> to vector<16xf32>
    tpu.vector_store %arg20[%swap3A_835], %swap3A_838 {strides = array<i32>} : memref<640xf32, #tpu.memory_space<vmem>>, vector<16xf32>,
    %swap3A_839 = arith.constant 176 : index
    %swap3A_840 = tpu.vector_load %arg20[%swap3A_839] {strides = array<i32>} : memref<640xf32, #tpu.memory_space<vmem>>, vector<16xf32>,
    %swap3A_841 = vector.shape_cast %swap3A_840 : vector<16xf32> to vector<16xf32>
    %swap3A_842 = vector.shape_cast %broadcast_in_dim3A_17 : vector<16xf32> to vector<16xf32>
    tpu.vector_store %arg20[%swap3A_839], %swap3A_842 {strides = array<i32>} : memref<640xf32, #tpu.memory_space<vmem>>, vector<16xf32>,
    %swap3A_843 = arith.constant 192 : index
    %swap3A_844 = tpu.vector_load %arg20[%swap3A_843] {strides = array<i32>} : memref<640xf32, #tpu.memory_space<vmem>>, vector<16xf32>,
    %swap3A_845 = vector.shape_cast %swap3A_844 : vector<16xf32> to vector<16xf32>
    %swap3A_846 = vector.shape_cast %broadcast_in_dim3A_17 : vector<16xf32> to vector<16xf32>
    tpu.vector_store %arg20[%swap3A_843], %swap3A_846 {strides = array<i32>} : memref<640xf32, #tpu.memory_space<vmem>>, vector<16xf32>,
    %swap3A_847 = arith.constant 208 : index
    %swap3A_848 = tpu.vector_load %arg20[%swap3A_847] {strides = array<i32>} : memref<640xf32, #tpu.memory_space<vmem>>, vector<16xf32>,
    %swap3A_849 = vector.shape_cast %swap3A_848 : vector<16xf32> to vector<16xf32>
    %swap3A_850 = vector.shape_cast %broadcast_in_dim3A_17 : vector<16xf32> to vector<16xf32>
    tpu.vector_store %arg20[%swap3A_847], %swap3A_850 {strides = array<i32>} : memref<640xf32, #tpu.memory_space<vmem>>, vector<16xf32>,
    %swap3A_851 = arith.constant 224 : index
    %swap3A_852 = tpu.vector_load %arg20[%swap3A_851] {strides = array<i32>} : memref<640xf32, #tpu.memory_space<vmem>>, vector<16xf32>,
    %swap3A_853 = vector.shape_cast %swap3A_852 : vector<16xf32> to vector<16xf32>
    %swap3A_854 = vector.shape_cast %broadcast_in_dim3A_17 : vector<16xf32> to vector<16xf32>
    tpu.vector_store %arg20[%swap3A_851], %swap3A_854 {strides = array<i32>} : memref<640xf32, #tpu.memory_space<vmem>>, vector<16xf32>,
    %swap3A_855 = arith.constant 240 : index
    %swap3A_856 = tpu.vector_load %arg20[%swap3A_855] {strides = array<i32>} : memref<640xf32, #tpu.memory_space<vmem>>, vector<16xf32>,
    %swap3A_857 = vector.shape_cast %swap3A_856 : vector<16xf32> to vector<16xf32>
    %swap3A_858 = vector.shape_cast %broadcast_in_dim3A_17 : vector<16xf32> to vector<16xf32>
    tpu.vector_store %arg20[%swap3A_855], %swap3A_858 {strides = array<i32>} : memref<640xf32, #tpu.memory_space<vmem>>, vector<16xf32>,
    %swap3A_859 = arith.constant 256 : index
    %swap3A_860 = tpu.vector_load %arg20[%swap3A_859] {strides = array<i32>} : memref<640xf32, #tpu.memory_space<vmem>>, vector<16xf32>,
    %swap3A_861 = vector.shape_cast %swap3A_860 : vector<16xf32> to vector<16xf32>
    %swap3A_862 = vector.shape_cast %broadcast_in_dim3A_17 : vector<16xf32> to vector<16xf32>
    tpu.vector_store %arg20[%swap3A_859], %swap3A_862 {strides = array<i32>} : memref<640xf32, #tpu.memory_space<vmem>>, vector<16xf32>,
    %swap3A_863 = arith.constant 272 : index
    %swap3A_864 = tpu.vector_load %arg20[%swap3A_863] {strides = array<i32>} : memref<640xf32, #tpu.memory_space<vmem>>, vector<16xf32>,
    %swap3A_865 = vector.shape_cast %swap3A_864 : vector<16xf32> to vector<16xf32>
    %swap3A_866 = vector.shape_cast %broadcast_in_dim3A_17 : vector<16xf32> to vector<16xf32>
    tpu.vector_store %arg20[%swap3A_863], %swap3A_866 {strides = array<i32>} : memref<640xf32, #tpu.memory_space<vmem>>, vector<16xf32>,
    %swap3A_867 = arith.constant 288 : index
    %swap3A_868 = tpu.vector_load %arg20[%swap3A_867] {strides = array<i32>} : memref<640xf32, #tpu.memory_space<vmem>>, vector<16xf32>,
    %swap3A_869 = vector.shape_cast %swap3A_868 : vector<16xf32> to vector<16xf32>
    %swap3A_870 = vector.shape_cast %broadcast_in_dim3A_17 : vector<16xf32> to vector<16xf32>
    tpu.vector_store %arg20[%swap3A_867], %swap3A_870 {strides = array<i32>} : memref<640xf32, #tpu.memory_space<vmem>>, vector<16xf32>,
    %swap3A_871 = arith.constant 304 : index
    %swap3A_872 = tpu.vector_load %arg20[%swap3A_871] {strides = array<i32>} : memref<640xf32, #tpu.memory_space<vmem>>, vector<16xf32>,
    %swap3A_873 = vector.shape_cast %swap3A_872 : vector<16xf32> to vector<16xf32>
    %swap3A_874 = vector.shape_cast %broadcast_in_dim3A_17 : vector<16xf32> to vector<16xf32>
    tpu.vector_store %arg20[%swap3A_871], %swap3A_874 {strides = array<i32>} : memref<640xf32, #tpu.memory_space<vmem>>, vector<16xf32>,
    %swap3A_875 = arith.constant 320 : index
    %swap3A_876 = tpu.vector_load %arg20[%swap3A_875] {strides = array<i32>} : memref<640xf32, #tpu.memory_space<vmem>>, vector<16xf32>,
    %swap3A_877 = vector.shape_cast %swap3A_876 : vector<16xf32> to vector<16xf32>
    %swap3A_878 = vector.shape_cast %broadcast_in_dim3A_17 : vector<16xf32> to vector<16xf32>
    tpu.vector_store %arg20[%swap3A_875], %swap3A_878 {strides = array<i32>} : memref<640xf32, #tpu.memory_space<vmem>>, vector<16xf32>,
    %swap3A_879 = arith.constant 336 : index
    %swap3A_880 = tpu.vector_load %arg20[%swap3A_879] {strides = array<i32>} : memref<640xf32, #tpu.memory_space<vmem>>, vector<16xf32>,
    %swap3A_881 = vector.shape_cast %swap3A_880 : vector<16xf32> to vector<16xf32>
    %swap3A_882 = vector.shape_cast %broadcast_in_dim3A_17 : vector<16xf32> to vector<16xf32>
    tpu.vector_store %arg20[%swap3A_879], %swap3A_882 {strides = array<i32>} : memref<640xf32, #tpu.memory_space<vmem>>, vector<16xf32>,
    %swap3A_883 = arith.constant 352 : index
    %swap3A_884 = tpu.vector_load %arg20[%swap3A_883] {strides = array<i32>} : memref<640xf32, #tpu.memory_space<vmem>>, vector<16xf32>,
    %swap3A_885 = vector.shape_cast %swap3A_884 : vector<16xf32> to vector<16xf32>
    %swap3A_886 = vector.shape_cast %broadcast_in_dim3A_17 : vector<16xf32> to vector<16xf32>
    tpu.vector_store %arg20[%swap3A_883], %swap3A_886 {strides = array<i32>} : memref<640xf32, #tpu.memory_space<vmem>>, vector<16xf32>,
    %swap3A_887 = arith.constant 368 : index
    %swap3A_888 = tpu.vector_load %arg20[%swap3A_887] {strides = array<i32>} : memref<640xf32, #tpu.memory_space<vmem>>, vector<16xf32>,
    %swap3A_889 = vector.shape_cast %swap3A_888 : vector<16xf32> to vector<16xf32>
    %swap3A_890 = vector.shape_cast %broadcast_in_dim3A_17 : vector<16xf32> to vector<16xf32>
    tpu.vector_store %arg20[%swap3A_887], %swap3A_890 {strides = array<i32>} : memref<640xf32, #tpu.memory_space<vmem>>, vector<16xf32>,
    %swap3A_891 = arith.constant 384 : index
    %swap3A_892 = tpu.vector_load %arg20[%swap3A_891] {strides = array<i32>} : memref<640xf32, #tpu.memory_space<vmem>>, vector<16xf32>,
    %swap3A_893 = vector.shape_cast %swap3A_892 : vector<16xf32> to vector<16xf32>
    %swap3A_894 = vector.shape_cast %broadcast_in_dim3A_17 : vector<16xf32> to vector<16xf32>
    tpu.vector_store %arg20[%swap3A_891], %swap3A_894 {strides = array<i32>} : memref<640xf32, #tpu.memory_space<vmem>>, vector<16xf32>,
    %swap3A_895 = arith.constant 400 : index
    %swap3A_896 = tpu.vector_load %arg20[%swap3A_895] {strides = array<i32>} : memref<640xf32, #tpu.memory_space<vmem>>, vector<16xf32>,
    %swap3A_897 = vector.shape_cast %swap3A_896 : vector<16xf32> to vector<16xf32>
    %swap3A_898 = vector.shape_cast %broadcast_in_dim3A_17 : vector<16xf32> to vector<16xf32>
    tpu.vector_store %arg20[%swap3A_895], %swap3A_898 {strides = array<i32>} : memref<640xf32, #tpu.memory_space<vmem>>, vector<16xf32>,
    %swap3A_899 = arith.constant 416 : index
    %swap3A_900 = tpu.vector_load %arg20[%swap3A_899] {strides = array<i32>} : memref<640xf32, #tpu.memory_space<vmem>>, vector<16xf32>,
    %swap3A_901 = vector.shape_cast %swap3A_900 : vector<16xf32> to vector<16xf32>
    %swap3A_902 = vector.shape_cast %broadcast_in_dim3A_17 : vector<16xf32> to vector<16xf32>
    tpu.vector_store %arg20[%swap3A_899], %swap3A_902 {strides = array<i32>} : memref<640xf32, #tpu.memory_space<vmem>>, vector<16xf32>,
    %swap3A_903 = arith.constant 432 : index
    %swap3A_904 = tpu.vector_load %arg20[%swap3A_903] {strides = array<i32>} : memref<640xf32, #tpu.memory_space<vmem>>, vector<16xf32>,
    %swap3A_905 = vector.shape_cast %swap3A_904 : vector<16xf32> to vector<16xf32>
    %swap3A_906 = vector.shape_cast %broadcast_in_dim3A_17 : vector<16xf32> to vector<16xf32>
    tpu.vector_store %arg20[%swap3A_903], %swap3A_906 {strides = array<i32>} : memref<640xf32, #tpu.memory_space<vmem>>, vector<16xf32>,
    %swap3A_907 = arith.constant 448 : index
    %swap3A_908 = tpu.vector_load %arg20[%swap3A_907] {strides = array<i32>} : memref<640xf32, #tpu.memory_space<vmem>>, vector<16xf32>,
    %swap3A_909 = vector.shape_cast %swap3A_908 : vector<16xf32> to vector<16xf32>
    %swap3A_910 = vector.shape_cast %broadcast_in_dim3A_17 : vector<16xf32> to vector<16xf32>
    tpu.vector_store %arg20[%swap3A_907], %swap3A_910 {strides = array<i32>} : memref<640xf32, #tpu.memory_space<vmem>>, vector<16xf32>,
    %swap3A_911 = arith.constant 464 : index
    %swap3A_912 = tpu.vector_load %arg20[%swap3A_911] {strides = array<i32>} : memref<640xf32, #tpu.memory_space<vmem>>, vector<16xf32>,
    %swap3A_913 = vector.shape_cast %swap3A_912 : vector<16xf32> to vector<16xf32>
    %swap3A_914 = vector.shape_cast %broadcast_in_dim3A_17 : vector<16xf32> to vector<16xf32>
    tpu.vector_store %arg20[%swap3A_911], %swap3A_914 {strides = array<i32>} : memref<640xf32, #tpu.memory_space<vmem>>, vector<16xf32>,
    %swap3A_915 = arith.constant 480 : index
    %swap3A_916 = tpu.vector_load %arg20[%swap3A_915] {strides = array<i32>} : memref<640xf32, #tpu.memory_space<vmem>>, vector<16xf32>,
    %swap3A_917 = vector.shape_cast %swap3A_916 : vector<16xf32> to vector<16xf32>
    %swap3A_918 = vector.shape_cast %broadcast_in_dim3A_17 : vector<16xf32> to vector<16xf32>
    tpu.vector_store %arg20[%swap3A_915], %swap3A_918 {strides = array<i32>} : memref<640xf32, #tpu.memory_space<vmem>>, vector<16xf32>,
    %swap3A_919 = arith.constant 496 : index
    %swap3A_920 = tpu.vector_load %arg20[%swap3A_919] {strides = array<i32>} : memref<640xf32, #tpu.memory_space<vmem>>, vector<16xf32>,
    %swap3A_921 = vector.shape_cast %swap3A_920 : vector<16xf32> to vector<16xf32>
    %swap3A_922 = vector.shape_cast %broadcast_in_dim3A_17 : vector<16xf32> to vector<16xf32>
    tpu.vector_store %arg20[%swap3A_919], %swap3A_922 {strides = array<i32>} : memref<640xf32, #tpu.memory_space<vmem>>, vector<16xf32>,
    %swap3A_923 = arith.constant 512 : index
    %swap3A_924 = tpu.vector_load %arg20[%swap3A_923] {strides = array<i32>} : memref<640xf32, #tpu.memory_space<vmem>>, vector<16xf32>,
    %swap3A_925 = vector.shape_cast %swap3A_924 : vector<16xf32> to vector<16xf32>
    %swap3A_926 = vector.shape_cast %broadcast_in_dim3A_17 : vector<16xf32> to vector<16xf32>
    tpu.vector_store %arg20[%swap3A_923], %swap3A_926 {strides = array<i32>} : memref<640xf32, #tpu.memory_space<vmem>>, vector<16xf32>,
    %swap3A_927 = arith.constant 528 : index
    %swap3A_928 = tpu.vector_load %arg20[%swap3A_927] {strides = array<i32>} : memref<640xf32, #tpu.memory_space<vmem>>, vector<16xf32>,
    %swap3A_929 = vector.shape_cast %swap3A_928 : vector<16xf32> to vector<16xf32>
    %swap3A_930 = vector.shape_cast %broadcast_in_dim3A_17 : vector<16xf32> to vector<16xf32>
    tpu.vector_store %arg20[%swap3A_927], %swap3A_930 {strides = array<i32>} : memref<640xf32, #tpu.memory_space<vmem>>, vector<16xf32>,
    %swap3A_931 = arith.constant 544 : index
    %swap3A_932 = tpu.vector_load %arg20[%swap3A_931] {strides = array<i32>} : memref<640xf32, #tpu.memory_space<vmem>>, vector<16xf32>,
    %swap3A_933 = vector.shape_cast %swap3A_932 : vector<16xf32> to vector<16xf32>
    %swap3A_934 = vector.shape_cast %broadcast_in_dim3A_17 : vector<16xf32> to vector<16xf32>
    tpu.vector_store %arg20[%swap3A_931], %swap3A_934 {strides = array<i32>} : memref<640xf32, #tpu.memory_space<vmem>>, vector<16xf32>,
    %swap3A_935 = arith.constant 560 : index
    %swap3A_936 = tpu.vector_load %arg20[%swap3A_935] {strides = array<i32>} : memref<640xf32, #tpu.memory_space<vmem>>, vector<16xf32>,
    %swap3A_937 = vector.shape_cast %swap3A_936 : vector<16xf32> to vector<16xf32>
    %swap3A_938 = vector.shape_cast %broadcast_in_dim3A_17 : vector<16xf32> to vector<16xf32>
    tpu.vector_store %arg20[%swap3A_935], %swap3A_938 {strides = array<i32>} : memref<640xf32, #tpu.memory_space<vmem>>, vector<16xf32>,
    %swap3A_939 = arith.constant 576 : index
    %swap3A_940 = tpu.vector_load %arg20[%swap3A_939] {strides = array<i32>} : memref<640xf32, #tpu.memory_space<vmem>>, vector<16xf32>,
    %swap3A_941 = vector.shape_cast %swap3A_940 : vector<16xf32> to vector<16xf32>
    %swap3A_942 = vector.shape_cast %broadcast_in_dim3A_17 : vector<16xf32> to vector<16xf32>
    tpu.vector_store %arg20[%swap3A_939], %swap3A_942 {strides = array<i32>} : memref<640xf32, #tpu.memory_space<vmem>>, vector<16xf32>,
    %swap3A_943 = arith.constant 592 : index
    %swap3A_944 = tpu.vector_load %arg20[%swap3A_943] {strides = array<i32>} : memref<640xf32, #tpu.memory_space<vmem>>, vector<16xf32>,
    %swap3A_945 = vector.shape_cast %swap3A_944 : vector<16xf32> to vector<16xf32>
    %swap3A_946 = vector.shape_cast %broadcast_in_dim3A_17 : vector<16xf32> to vector<16xf32>
    tpu.vector_store %arg20[%swap3A_943], %swap3A_946 {strides = array<i32>} : memref<640xf32, #tpu.memory_space<vmem>>, vector<16xf32>,
    %swap3A_947 = arith.constant 608 : index
    %swap3A_948 = tpu.vector_load %arg20[%swap3A_947] {strides = array<i32>} : memref<640xf32, #tpu.memory_space<vmem>>, vector<16xf32>,
    %swap3A_949 = vector.shape_cast %swap3A_948 : vector<16xf32> to vector<16xf32>
    %swap3A_950 = vector.shape_cast %broadcast_in_dim3A_17 : vector<16xf32> to vector<16xf32>
    tpu.vector_store %arg20[%swap3A_947], %swap3A_950 {strides = array<i32>} : memref<640xf32, #tpu.memory_space<vmem>>, vector<16xf32>,
    %swap3A_951 = arith.constant 624 : index
    %swap3A_952 = tpu.vector_load %arg20[%swap3A_951] {strides = array<i32>} : memref<640xf32, #tpu.memory_space<vmem>>, vector<16xf32>,
    %swap3A_953 = vector.shape_cast %swap3A_952 : vector<16xf32> to vector<16xf32>
    %swap3A_954 = vector.shape_cast %broadcast_in_dim3A_17 : vector<16xf32> to vector<16xf32>
    tpu.vector_store %arg20[%swap3A_951], %swap3A_954 {strides = array<i32>} : memref<640xf32, #tpu.memory_space<vmem>>, vector<16xf32>,
    %scan3A = arith.constant 0 : i32
    %scan3A_955 = arith.constant 0 : i32
    %scan3A_956 = arith.constant 40 : i32
    %scan3A_957 = arith.addi %scan3A_955, %scan3A_956 : i32
    %scan3A_958 = arith.constant 1 : i32
    scf.for %scan3A_970 = %scan3A_955 to %scan3A_957 step %scan3A_958  : i32 {
      %mul3A_971 = arith.constant 16 : i32
      %mul3A_972 = arith.muli %scan3A_970, %mul3A_971 : i32
      %add3A_973 = arith.addi %mul3A_16, %mul3A_972 : i32
      "tpu.region"() ({
        %run_scoped3A = tpu.sem_alloc : memref<!tpu.dma_semaphore, #tpu.memory_space<semaphore_mem>>
        %dma_start3A = arith.constant 0 : i32
        %dma_start3A_974 = tpu.memref_slice %arg14[%add3A_973, %dma_start3A] : memref<10240x128xf32, #tpu.memory_space<vmem_shared>> -> memref<16x128xf32, #tpu.memory_space<vmem_shared>>
        %dma_start3A_975 = arith.constant 0 : i32
        %dma_start3A_976 = tpu.memref_slice %arg14[%add3A_973, %dma_start3A_975] : memref<10240x128xf32, #tpu.memory_space<vmem_shared>> -> memref<16x128xf32, #tpu.memory_space<vmem_shared>>
        tpu.enqueue_dma source(%arg13 : memref<16x128xf32, #tpu.memory_space<vmem>>) target(%dma_start3A_976 : memref<16x128xf32, #tpu.memory_space<vmem_shared>>) target_semaphore(%run_scoped3A : memref<!tpu.dma_semaphore, #tpu.memory_space<semaphore_mem>>)
        %dma_wait3A = arith.constant 0 : i32
        %dma_wait3A_977 = tpu.memref_slice %arg14[%add3A_973, %dma_wait3A] : memref<10240x128xf32, #tpu.memory_space<vmem_shared>> -> memref<16x128xf32, #tpu.memory_space<vmem_shared>>
        %dma_wait3A_978 = arith.constant 0 : i32
        %dma_wait3A_979 = tpu.memref_slice %arg14[%add3A_973, %dma_wait3A_978] : memref<10240x128xf32, #tpu.memory_space<vmem_shared>> -> memref<16x128xf32, #tpu.memory_space<vmem_shared>>
        tpu.wait_dma2 semaphore(%run_scoped3A : memref<!tpu.dma_semaphore, #tpu.memory_space<semaphore_mem>>) src(%arg13 : memref<16x128xf32, #tpu.memory_space<vmem>>) dst(%dma_wait3A_979 : memref<16x128xf32, #tpu.memory_space<vmem_shared>>)
        tpu.yield
      }) : () -> ()
    }
    %scan3A_959 = arith.constant 40 : i32
    "tpu.region"() ({
      %run_scoped3A = tpu.sem_alloc : memref<!tpu.dma_semaphore, #tpu.memory_space<semaphore_mem>>
      %dma_start3A = tpu.memref_slice %arg21[%mul3A_16] : memref<10240xf32, #tpu.memory_space<vmem_shared>> -> memref<640xf32, #tpu.memory_space<vmem_shared>>
      %dma_start3A_970 = tpu.memref_slice %arg21[%mul3A_16] : memref<10240xf32, #tpu.memory_space<vmem_shared>> -> memref<640xf32, #tpu.memory_space<vmem_shared>>
      tpu.enqueue_dma source(%arg20 : memref<640xf32, #tpu.memory_space<vmem>>) target(%dma_start3A_970 : memref<640xf32, #tpu.memory_space<vmem_shared>>) target_semaphore(%run_scoped3A : memref<!tpu.dma_semaphore, #tpu.memory_space<semaphore_mem>>)
      %dma_wait3A = tpu.memref_slice %arg21[%mul3A_16] : memref<10240xf32, #tpu.memory_space<vmem_shared>> -> memref<640xf32, #tpu.memory_space<vmem_shared>>
      %dma_wait3A_971 = tpu.memref_slice %arg21[%mul3A_16] : memref<10240xf32, #tpu.memory_space<vmem_shared>> -> memref<640xf32, #tpu.memory_space<vmem_shared>>
      tpu.wait_dma2 semaphore(%run_scoped3A : memref<!tpu.dma_semaphore, #tpu.memory_space<semaphore_mem>>) src(%arg20 : memref<640xf32, #tpu.memory_space<vmem>>) dst(%dma_wait3A_971 : memref<640xf32, #tpu.memory_space<vmem_shared>>)
      tpu.yield
    }) : () -> ()
    %barrier3A = arith.constant 0 : index
    tpu.barrier barrier_id(%barrier3A)
    %while3A = arith.constant 0 : i32
    %while3A_960 = arith.constant 0 : i32
    %while3A_961 = arith.subi %add3A_14, %while3A_960 : i32
    %while3A_962 = arith.addi %while3A_960, %while3A_961 : i32
    %while3A_963 = arith.constant 1 : i32
    %while3A_964 = arith.divsi %while3A_961, %while3A_963 : i32
    %while3A_965 = arith.muli %while3A_964, %while3A_963 : i32
    %while3A_966 = arith.addi %while3A_960, %while3A_965 : i32
    %while3A_967 = arith.constant 1 : i32
    scf.for %while3A_970 = %while3A_960 to %while3A_966 step %while3A_967  : i32 {
      %mul3A_971 = arith.constant 32 : i32
      %mul3A_972 = arith.muli %while3A_970, %mul3A_971 : i32
      %add3A_973 = arith.addi %add3A_7, %mul3A_972 : i32
      "tpu.region"() ({
        %run_scoped3A = tpu.sem_alloc : memref<!tpu.dma_semaphore, #tpu.memory_space<semaphore_mem>>
        %dma_start3A_1003 = arith.constant 0 : i32
        %dma_start3A_1004 = tpu.memref_slice %arg3[%add3A_973, %dma_start3A_1003] : memref<10240x32xi32, #tpu.memory_space<hbm>> -> memref<32x32xi32, #tpu.memory_space<hbm>>
        %dma_start3A_1005 = arith.constant 0 : i32
        %dma_start3A_1006 = tpu.memref_slice %arg3[%add3A_973, %dma_start3A_1005] : memref<10240x32xi32, #tpu.memory_space<hbm>> -> memref<32x32xi32, #tpu.memory_space<hbm>>
        tpu.enqueue_dma source(%dma_start3A_1006 : memref<32x32xi32, #tpu.memory_space<hbm>>) target(%arg7 : memref<32x32xi32, #tpu.memory_space<vmem>>) target_semaphore(%run_scoped3A : memref<!tpu.dma_semaphore, #tpu.memory_space<semaphore_mem>>)
        %dma_wait3A = arith.constant 0 : i32
        %dma_wait3A_1007 = tpu.memref_slice %arg3[%add3A_973, %dma_wait3A] : memref<10240x32xi32, #tpu.memory_space<hbm>> -> memref<32x32xi32, #tpu.memory_space<hbm>>
        %dma_wait3A_1008 = arith.constant 0 : i32
        %dma_wait3A_1009 = tpu.memref_slice %arg3[%add3A_973, %dma_wait3A_1008] : memref<10240x32xi32, #tpu.memory_space<hbm>> -> memref<32x32xi32, #tpu.memory_space<hbm>>
        tpu.wait_dma2 semaphore(%run_scoped3A : memref<!tpu.dma_semaphore, #tpu.memory_space<semaphore_mem>>) src(%dma_wait3A_1009 : memref<32x32xi32, #tpu.memory_space<hbm>>) dst(%arg7 : memref<32x32xi32, #tpu.memory_space<vmem>>)
        tpu.yield
      }) : () -> ()
      %mul3A_974 = arith.constant 32 : i32
      %mul3A_975 = arith.muli %while3A_970, %mul3A_974 : i32
      %add3A_976 = arith.addi %add3A_7, %mul3A_975 : i32
      "tpu.region"() ({
        %run_scoped3A = tpu.sem_alloc : memref<!tpu.dma_semaphore, #tpu.memory_space<semaphore_mem>>
        %dma_start3A_1003 = arith.constant 0 : i32
        %dma_start3A_1004 = tpu.memref_slice %arg4[%add3A_976, %dma_start3A_1003] : memref<10240x32xi32, #tpu.memory_space<hbm>> -> memref<32x32xi32, #tpu.memory_space<hbm>>
        %dma_start3A_1005 = arith.constant 0 : i32
        %dma_start3A_1006 = tpu.memref_slice %arg4[%add3A_976, %dma_start3A_1005] : memref<10240x32xi32, #tpu.memory_space<hbm>> -> memref<32x32xi32, #tpu.memory_space<hbm>>
        tpu.enqueue_dma source(%dma_start3A_1006 : memref<32x32xi32, #tpu.memory_space<hbm>>) target(%arg8 : memref<32x32xi32, #tpu.memory_space<vmem>>) target_semaphore(%run_scoped3A : memref<!tpu.dma_semaphore, #tpu.memory_space<semaphore_mem>>)
        %dma_wait3A = arith.constant 0 : i32
        %dma_wait3A_1007 = tpu.memref_slice %arg4[%add3A_976, %dma_wait3A] : memref<10240x32xi32, #tpu.memory_space<hbm>> -> memref<32x32xi32, #tpu.memory_space<hbm>>
        %dma_wait3A_1008 = arith.constant 0 : i32
        %dma_wait3A_1009 = tpu.memref_slice %arg4[%add3A_976, %dma_wait3A_1008] : memref<10240x32xi32, #tpu.memory_space<hbm>> -> memref<32x32xi32, #tpu.memory_space<hbm>>
        tpu.wait_dma2 semaphore(%run_scoped3A : memref<!tpu.dma_semaphore, #tpu.memory_space<semaphore_mem>>) src(%dma_wait3A_1009 : memref<32x32xi32, #tpu.memory_space<hbm>>) dst(%arg8 : memref<32x32xi32, #tpu.memory_space<vmem>>)
        tpu.yield
      }) : () -> ()
      %dma_start3A = arith.constant 0 : i32
      %dma_start3A_977 = arith.constant 0 : i32
      %dma_start3A_978 = tpu.memref_slice %arg7[%dma_start3A, %dma_start3A_977] : memref<32x32xi32, #tpu.memory_space<vmem>> -> memref<1x32xi32, #tpu.memory_space<vmem>>
      %dma_start3A_979 = tpu.memref_squeeze %dma_start3A_978 : memref<1x32xi32, #tpu.memory_space<vmem>> -> memref<32xi32, #tpu.memory_space<vmem>>
      %dma_start3A_980 = arith.constant 0 : i32
      %dma_start3A_981 = arith.constant 0 : i32
      %dma_start3A_982 = tpu.memref_slice %arg2[%dma_start3A_980, %dma_start3A_981] : memref<10240x128xf32, #tpu.memory_space<hbm>> -> memref<10240x128xf32, #tpu.memory_space<hbm>>
      tpu.enqueue_indirect_dma source(%dma_start3A_982 : memref<10240x128xf32, #tpu.memory_space<hbm>>) target(%arg9 : memref<32x128xf32, #tpu.memory_space<vmem>>) offsets(%dma_start3A_979 : memref<32xi32, #tpu.memory_space<vmem>>) semaphore(%arg15 : memref<!tpu.dma_semaphore, #tpu.memory_space<semaphore_mem>>)
      %dma_start3A_983 = arith.constant 1 : i32
      %dma_start3A_984 = arith.constant 0 : i32
      %dma_start3A_985 = tpu.memref_slice %arg7[%dma_start3A_983, %dma_start3A_984] : memref<32x32xi32, #tpu.memory_space<vmem>> -> memref<1x32xi32, #tpu.memory_space<vmem>>
      %dma_start3A_986 = tpu.memref_squeeze %dma_start3A_985 : memref<1x32xi32, #tpu.memory_space<vmem>> -> memref<32xi32, #tpu.memory_space<vmem>>
      %dma_start3A_987 = arith.constant 0 : i32
      %dma_start3A_988 = arith.constant 0 : i32
      %dma_start3A_989 = tpu.memref_slice %arg2[%dma_start3A_987, %dma_start3A_988] : memref<10240x128xf32, #tpu.memory_space<hbm>> -> memref<10240x128xf32, #tpu.memory_space<hbm>>
      tpu.enqueue_indirect_dma source(%dma_start3A_989 : memref<10240x128xf32, #tpu.memory_space<hbm>>) target(%arg10 : memref<32x128xf32, #tpu.memory_space<vmem>>) offsets(%dma_start3A_986 : memref<32xi32, #tpu.memory_space<vmem>>) semaphore(%arg16 : memref<!tpu.dma_semaphore, #tpu.memory_space<semaphore_mem>>)
      %dma_start3A_990 = arith.constant 2 : i32
      %dma_start3A_991 = arith.constant 0 : i32
      %dma_start3A_992 = tpu.memref_slice %arg7[%dma_start3A_990, %dma_start3A_991] : memref<32x32xi32, #tpu.memory_space<vmem>> -> memref<1x32xi32, #tpu.memory_space<vmem>>
      %dma_start3A_993 = tpu.memref_squeeze %dma_start3A_992 : memref<1x32xi32, #tpu.memory_space<vmem>> -> memref<32xi32, #tpu.memory_space<vmem>>
      %dma_start3A_994 = arith.constant 0 : i32
      %dma_start3A_995 = arith.constant 0 : i32
      %dma_start3A_996 = tpu.memref_slice %arg2[%dma_start3A_994, %dma_start3A_995] : memref<10240x128xf32, #tpu.memory_space<hbm>> -> memref<10240x128xf32, #tpu.memory_space<hbm>>
      tpu.enqueue_indirect_dma source(%dma_start3A_996 : memref<10240x128xf32, #tpu.memory_space<hbm>>) target(%arg11 : memref<32x128xf32, #tpu.memory_space<vmem>>) offsets(%dma_start3A_993 : memref<32xi32, #tpu.memory_space<vmem>>) semaphore(%arg17 : memref<!tpu.dma_semaphore, #tpu.memory_space<semaphore_mem>>)
      %scan3A_997 = arith.constant 0 : i32
      %scan3A_998 = arith.constant 0 : i32
      %scan3A_999 = arith.constant 8 : i32
      %scan3A_1000 = arith.addi %scan3A_998, %scan3A_999 : i32
      %scan3A_1001 = arith.constant 1 : i32
      scf.for %scan3A_1003 = %scan3A_998 to %scan3A_1000 step %scan3A_1001  : i32 {
        %mul3A_1004 = arith.constant 4 : i32
        %mul3A_1005 = arith.muli %mul3A_1004, %scan3A_1003 : i32
        %add3A_1006 = arith.constant 0 : i32
        %add3A_1007 = arith.addi %mul3A_1005, %add3A_1006 : i32
        %add3A_1008 = arith.constant 3 : i32
        %add3A_1009 = arith.addi %add3A_1007, %add3A_1008 : i32
        %lt3A = arith.constant 32 : i32
        %lt3A_1010 = arith.cmpi slt, %add3A_1009, %lt3A : i32
        %convert_element_type3A = arith.extui %lt3A_1010 : i1 to i32
        %cond3A = arith.constant 0 : i32
        %cond3A_1011 = arith.cmpi ne, %convert_element_type3A, %cond3A : i32
        scf.if %cond3A_1011 {
          %add3A_1062 = arith.constant 3 : i32
          %add3A_1063 = arith.addi %add3A_1007, %add3A_1062 : i32
          %dma_start3A_1064 = arith.constant 0 : i32
          %dma_start3A_1065 = tpu.memref_slice %arg7[%add3A_1063, %dma_start3A_1064] : memref<32x32xi32, #tpu.memory_space<vmem>> -> memref<1x32xi32, #tpu.memory_space<vmem>>
          %dma_start3A_1066 = tpu.memref_squeeze %dma_start3A_1065 : memref<1x32xi32, #tpu.memory_space<vmem>> -> memref<32xi32, #tpu.memory_space<vmem>>
          %dma_start3A_1067 = arith.constant 0 : i32
          %dma_start3A_1068 = arith.constant 0 : i32
          %dma_start3A_1069 = tpu.memref_slice %arg2[%dma_start3A_1067, %dma_start3A_1068] : memref<10240x128xf32, #tpu.memory_space<hbm>> -> memref<10240x128xf32, #tpu.memory_space<hbm>>
          tpu.enqueue_indirect_dma source(%dma_start3A_1069 : memref<10240x128xf32, #tpu.memory_space<hbm>>) target(%arg12 : memref<32x128xf32, #tpu.memory_space<vmem>>) offsets(%dma_start3A_1066 : memref<32xi32, #tpu.memory_space<vmem>>) semaphore(%arg18 : memref<!tpu.dma_semaphore, #tpu.memory_space<semaphore_mem>>)
        } else {
        }
        %dma_wait3A = arith.constant 0 : i32
        %dma_wait3A_1012 = tpu.memref_slice %arg7[%add3A_1007, %dma_wait3A] : memref<32x32xi32, #tpu.memory_space<vmem>> -> memref<1x32xi32, #tpu.memory_space<vmem>>
        %dma_wait3A_1013 = tpu.memref_squeeze %dma_wait3A_1012 : memref<1x32xi32, #tpu.memory_space<vmem>> -> memref<32xi32, #tpu.memory_space<vmem>>
        %dma_wait3A_1014 = arith.constant 0 : i32
        %dma_wait3A_1015 = arith.constant 0 : i32
        %dma_wait3A_1016 = tpu.memref_slice %arg2[%dma_wait3A_1014, %dma_wait3A_1015] : memref<10240x128xf32, #tpu.memory_space<hbm>> -> memref<10240x128xf32, #tpu.memory_space<hbm>>
        tpu.wait_indirect_dma semaphore(%arg15 : memref<!tpu.dma_semaphore, #tpu.memory_space<semaphore_mem>>) src(%dma_wait3A_1016 : memref<10240x128xf32, #tpu.memory_space<hbm>>) dst(%arg9 : memref<32x128xf32, #tpu.memory_space<vmem>>)
        "tpu.region"() ({
          %run_scoped3A = tpu.sem_alloc : memref<!tpu.dma_semaphore, #tpu.memory_space<semaphore_mem>>
          %dma_start3A_1062 = arith.constant 0 : i32
          %dma_start3A_1063 = tpu.memref_slice %arg8[%add3A_1007, %dma_start3A_1062] : memref<32x32xi32, #tpu.memory_space<vmem>> -> memref<1x32xi32, #tpu.memory_space<vmem>>
          %dma_start3A_1064 = tpu.memref_squeeze %dma_start3A_1063 : memref<1x32xi32, #tpu.memory_space<vmem>> -> memref<32xi32, #tpu.memory_space<vmem>>
          %dma_start3A_1065 = arith.constant 0 : i32
          %dma_start3A_1066 = arith.constant 0 : i32
          %dma_start3A_1067 = tpu.memref_slice %arg14[%dma_start3A_1065, %dma_start3A_1066] : memref<10240x128xf32, #tpu.memory_space<vmem_shared>> -> memref<10240x128xf32, #tpu.memory_space<vmem_shared>>
          tpu.enqueue_indirect_dma source(%arg9 : memref<32x128xf32, #tpu.memory_space<vmem>>) target(%dma_start3A_1067 : memref<10240x128xf32, #tpu.memory_space<vmem_shared>>) offsets(%dma_start3A_1064 : memref<32xi32, #tpu.memory_space<vmem>>) semaphore(%run_scoped3A : memref<!tpu.dma_semaphore, #tpu.memory_space<semaphore_mem>>) {add = true}
          %dma_wait3A_1068 = arith.constant 0 : i32
          %dma_wait3A_1069 = tpu.memref_slice %arg8[%add3A_1007, %dma_wait3A_1068] : memref<32x32xi32, #tpu.memory_space<vmem>> -> memref<1x32xi32, #tpu.memory_space<vmem>>
          %dma_wait3A_1070 = tpu.memref_squeeze %dma_wait3A_1069 : memref<1x32xi32, #tpu.memory_space<vmem>> -> memref<32xi32, #tpu.memory_space<vmem>>
          %dma_wait3A_1071 = arith.constant 0 : i32
          %dma_wait3A_1072 = arith.constant 0 : i32
          %dma_wait3A_1073 = tpu.memref_slice %arg14[%dma_wait3A_1071, %dma_wait3A_1072] : memref<10240x128xf32, #tpu.memory_space<vmem_shared>> -> memref<10240x128xf32, #tpu.memory_space<vmem_shared>>
          tpu.wait_indirect_dma semaphore(%run_scoped3A : memref<!tpu.dma_semaphore, #tpu.memory_space<semaphore_mem>>) src(%arg9 : memref<32x128xf32, #tpu.memory_space<vmem>>) dst(%dma_wait3A_1073 : memref<10240x128xf32, #tpu.memory_space<vmem_shared>>)
          tpu.yield
        }) : () -> ()
        "tpu.region"() ({
          %run_scoped3A = tpu.sem_alloc : memref<!tpu.dma_semaphore, #tpu.memory_space<semaphore_mem>>
          %dma_start3A_1062 = arith.constant 0 : i32
          %dma_start3A_1063 = tpu.memref_slice %arg8[%add3A_1007, %dma_start3A_1062] : memref<32x32xi32, #tpu.memory_space<vmem>> -> memref<1x32xi32, #tpu.memory_space<vmem>>
          %dma_start3A_1064 = tpu.memref_squeeze %dma_start3A_1063 : memref<1x32xi32, #tpu.memory_space<vmem>> -> memref<32xi32, #tpu.memory_space<vmem>>
          %dma_start3A_1065 = arith.constant 0 : i32
          %dma_start3A_1066 = tpu.memref_slice %arg21[%dma_start3A_1065] : memref<10240xf32, #tpu.memory_space<vmem_shared>> -> memref<10240xf32, #tpu.memory_space<vmem_shared>>
          tpu.enqueue_indirect_dma source(%arg19 : memref<32xf32, #tpu.memory_space<vmem>>) target(%dma_start3A_1066 : memref<10240xf32, #tpu.memory_space<vmem_shared>>) offsets(%dma_start3A_1064 : memref<32xi32, #tpu.memory_space<vmem>>) semaphore(%run_scoped3A : memref<!tpu.dma_semaphore, #tpu.memory_space<semaphore_mem>>) {add = true}
          %dma_wait3A_1067 = arith.constant 0 : i32
          %dma_wait3A_1068 = tpu.memref_slice %arg8[%add3A_1007, %dma_wait3A_1067] : memref<32x32xi32, #tpu.memory_space<vmem>> -> memref<1x32xi32, #tpu.memory_space<vmem>>
          %dma_wait3A_1069 = tpu.memref_squeeze %dma_wait3A_1068 : memref<1x32xi32, #tpu.memory_space<vmem>> -> memref<32xi32, #tpu.memory_space<vmem>>
          %dma_wait3A_1070 = arith.constant 0 : i32
          %dma_wait3A_1071 = tpu.memref_slice %arg21[%dma_wait3A_1070] : memref<10240xf32, #tpu.memory_space<vmem_shared>> -> memref<10240xf32, #tpu.memory_space<vmem_shared>>
          tpu.wait_indirect_dma semaphore(%run_scoped3A : memref<!tpu.dma_semaphore, #tpu.memory_space<semaphore_mem>>) src(%arg19 : memref<32xf32, #tpu.memory_space<vmem>>) dst(%dma_wait3A_1071 : memref<10240xf32, #tpu.memory_space<vmem_shared>>)
          tpu.yield
        }) : () -> ()
        %add3A_1017 = arith.constant 1 : i32
        %add3A_1018 = arith.addi %mul3A_1005, %add3A_1017 : i32
        %add3A_1019 = arith.constant 3 : i32
        %add3A_1020 = arith.addi %add3A_1018, %add3A_1019 : i32
        %lt3A_1021 = arith.constant 32 : i32
        %lt3A_1022 = arith.cmpi slt, %add3A_1020, %lt3A_1021 : i32
        %convert_element_type3A_1023 = arith.extui %lt3A_1022 : i1 to i32
        %cond3A_1024 = arith.constant 0 : i32
        %cond3A_1025 = arith.cmpi ne, %convert_element_type3A_1023, %cond3A_1024 : i32
        scf.if %cond3A_1025 {
          %add3A_1062 = arith.constant 3 : i32
          %add3A_1063 = arith.addi %add3A_1018, %add3A_1062 : i32
          %dma_start3A_1064 = arith.constant 0 : i32
          %dma_start3A_1065 = tpu.memref_slice %arg7[%add3A_1063, %dma_start3A_1064] : memref<32x32xi32, #tpu.memory_space<vmem>> -> memref<1x32xi32, #tpu.memory_space<vmem>>
          %dma_start3A_1066 = tpu.memref_squeeze %dma_start3A_1065 : memref<1x32xi32, #tpu.memory_space<vmem>> -> memref<32xi32, #tpu.memory_space<vmem>>
          %dma_start3A_1067 = arith.constant 0 : i32
          %dma_start3A_1068 = arith.constant 0 : i32
          %dma_start3A_1069 = tpu.memref_slice %arg2[%dma_start3A_1067, %dma_start3A_1068] : memref<10240x128xf32, #tpu.memory_space<hbm>> -> memref<10240x128xf32, #tpu.memory_space<hbm>>
          tpu.enqueue_indirect_dma source(%dma_start3A_1069 : memref<10240x128xf32, #tpu.memory_space<hbm>>) target(%arg9 : memref<32x128xf32, #tpu.memory_space<vmem>>) offsets(%dma_start3A_1066 : memref<32xi32, #tpu.memory_space<vmem>>) semaphore(%arg15 : memref<!tpu.dma_semaphore, #tpu.memory_space<semaphore_mem>>)
        } else {
        }
        %dma_wait3A_1026 = arith.constant 0 : i32
        %dma_wait3A_1027 = tpu.memref_slice %arg7[%add3A_1018, %dma_wait3A_1026] : memref<32x32xi32, #tpu.memory_space<vmem>> -> memref<1x32xi32, #tpu.memory_space<vmem>>
        %dma_wait3A_1028 = tpu.memref_squeeze %dma_wait3A_1027 : memref<1x32xi32, #tpu.memory_space<vmem>> -> memref<32xi32, #tpu.memory_space<vmem>>
        %dma_wait3A_1029 = arith.constant 0 : i32
        %dma_wait3A_1030 = arith.constant 0 : i32
        %dma_wait3A_1031 = tpu.memref_slice %arg2[%dma_wait3A_1029, %dma_wait3A_1030] : memref<10240x128xf32, #tpu.memory_space<hbm>> -> memref<10240x128xf32, #tpu.memory_space<hbm>>
        tpu.wait_indirect_dma semaphore(%arg16 : memref<!tpu.dma_semaphore, #tpu.memory_space<semaphore_mem>>) src(%dma_wait3A_1031 : memref<10240x128xf32, #tpu.memory_space<hbm>>) dst(%arg10 : memref<32x128xf32, #tpu.memory_space<vmem>>)
        "tpu.region"() ({
          %run_scoped3A = tpu.sem_alloc : memref<!tpu.dma_semaphore, #tpu.memory_space<semaphore_mem>>
          %dma_start3A_1062 = arith.constant 0 : i32
          %dma_start3A_1063 = tpu.memref_slice %arg8[%add3A_1018, %dma_start3A_1062] : memref<32x32xi32, #tpu.memory_space<vmem>> -> memref<1x32xi32, #tpu.memory_space<vmem>>
          %dma_start3A_1064 = tpu.memref_squeeze %dma_start3A_1063 : memref<1x32xi32, #tpu.memory_space<vmem>> -> memref<32xi32, #tpu.memory_space<vmem>>
          %dma_start3A_1065 = arith.constant 0 : i32
          %dma_start3A_1066 = arith.constant 0 : i32
          %dma_start3A_1067 = tpu.memref_slice %arg14[%dma_start3A_1065, %dma_start3A_1066] : memref<10240x128xf32, #tpu.memory_space<vmem_shared>> -> memref<10240x128xf32, #tpu.memory_space<vmem_shared>>
          tpu.enqueue_indirect_dma source(%arg10 : memref<32x128xf32, #tpu.memory_space<vmem>>) target(%dma_start3A_1067 : memref<10240x128xf32, #tpu.memory_space<vmem_shared>>) offsets(%dma_start3A_1064 : memref<32xi32, #tpu.memory_space<vmem>>) semaphore(%run_scoped3A : memref<!tpu.dma_semaphore, #tpu.memory_space<semaphore_mem>>) {add = true}
          %dma_wait3A_1068 = arith.constant 0 : i32
          %dma_wait3A_1069 = tpu.memref_slice %arg8[%add3A_1018, %dma_wait3A_1068] : memref<32x32xi32, #tpu.memory_space<vmem>> -> memref<1x32xi32, #tpu.memory_space<vmem>>
          %dma_wait3A_1070 = tpu.memref_squeeze %dma_wait3A_1069 : memref<1x32xi32, #tpu.memory_space<vmem>> -> memref<32xi32, #tpu.memory_space<vmem>>
          %dma_wait3A_1071 = arith.constant 0 : i32
          %dma_wait3A_1072 = arith.constant 0 : i32
          %dma_wait3A_1073 = tpu.memref_slice %arg14[%dma_wait3A_1071, %dma_wait3A_1072] : memref<10240x128xf32, #tpu.memory_space<vmem_shared>> -> memref<10240x128xf32, #tpu.memory_space<vmem_shared>>
          tpu.wait_indirect_dma semaphore(%run_scoped3A : memref<!tpu.dma_semaphore, #tpu.memory_space<semaphore_mem>>) src(%arg10 : memref<32x128xf32, #tpu.memory_space<vmem>>) dst(%dma_wait3A_1073 : memref<10240x128xf32, #tpu.memory_space<vmem_shared>>)
          tpu.yield
        }) : () -> ()
        "tpu.region"() ({
          %run_scoped3A = tpu.sem_alloc : memref<!tpu.dma_semaphore, #tpu.memory_space<semaphore_mem>>
          %dma_start3A_1062 = arith.constant 0 : i32
          %dma_start3A_1063 = tpu.memref_slice %arg8[%add3A_1018, %dma_start3A_1062] : memref<32x32xi32, #tpu.memory_space<vmem>> -> memref<1x32xi32, #tpu.memory_space<vmem>>
          %dma_start3A_1064 = tpu.memref_squeeze %dma_start3A_1063 : memref<1x32xi32, #tpu.memory_space<vmem>> -> memref<32xi32, #tpu.memory_space<vmem>>
          %dma_start3A_1065 = arith.constant 0 : i32
          %dma_start3A_1066 = tpu.memref_slice %arg21[%dma_start3A_1065] : memref<10240xf32, #tpu.memory_space<vmem_shared>> -> memref<10240xf32, #tpu.memory_space<vmem_shared>>
          tpu.enqueue_indirect_dma source(%arg19 : memref<32xf32, #tpu.memory_space<vmem>>) target(%dma_start3A_1066 : memref<10240xf32, #tpu.memory_space<vmem_shared>>) offsets(%dma_start3A_1064 : memref<32xi32, #tpu.memory_space<vmem>>) semaphore(%run_scoped3A : memref<!tpu.dma_semaphore, #tpu.memory_space<semaphore_mem>>) {add = true}
          %dma_wait3A_1067 = arith.constant 0 : i32
          %dma_wait3A_1068 = tpu.memref_slice %arg8[%add3A_1018, %dma_wait3A_1067] : memref<32x32xi32, #tpu.memory_space<vmem>> -> memref<1x32xi32, #tpu.memory_space<vmem>>
          %dma_wait3A_1069 = tpu.memref_squeeze %dma_wait3A_1068 : memref<1x32xi32, #tpu.memory_space<vmem>> -> memref<32xi32, #tpu.memory_space<vmem>>
          %dma_wait3A_1070 = arith.constant 0 : i32
          %dma_wait3A_1071 = tpu.memref_slice %arg21[%dma_wait3A_1070] : memref<10240xf32, #tpu.memory_space<vmem_shared>> -> memref<10240xf32, #tpu.memory_space<vmem_shared>>
          tpu.wait_indirect_dma semaphore(%run_scoped3A : memref<!tpu.dma_semaphore, #tpu.memory_space<semaphore_mem>>) src(%arg19 : memref<32xf32, #tpu.memory_space<vmem>>) dst(%dma_wait3A_1071 : memref<10240xf32, #tpu.memory_space<vmem_shared>>)
          tpu.yield
        }) : () -> ()
        %add3A_1032 = arith.constant 2 : i32
        %add3A_1033 = arith.addi %mul3A_1005, %add3A_1032 : i32
        %add3A_1034 = arith.constant 3 : i32
        %add3A_1035 = arith.addi %add3A_1033, %add3A_1034 : i32
        %lt3A_1036 = arith.constant 32 : i32
        %lt3A_1037 = arith.cmpi slt, %add3A_1035, %lt3A_1036 : i32
        %convert_element_type3A_1038 = arith.extui %lt3A_1037 : i1 to i32
        %cond3A_1039 = arith.constant 0 : i32
        %cond3A_1040 = arith.cmpi ne, %convert_element_type3A_1038, %cond3A_1039 : i32
        scf.if %cond3A_1040 {
          %add3A_1062 = arith.constant 3 : i32
          %add3A_1063 = arith.addi %add3A_1033, %add3A_1062 : i32
          %dma_start3A_1064 = arith.constant 0 : i32
          %dma_start3A_1065 = tpu.memref_slice %arg7[%add3A_1063, %dma_start3A_1064] : memref<32x32xi32, #tpu.memory_space<vmem>> -> memref<1x32xi32, #tpu.memory_space<vmem>>
          %dma_start3A_1066 = tpu.memref_squeeze %dma_start3A_1065 : memref<1x32xi32, #tpu.memory_space<vmem>> -> memref<32xi32, #tpu.memory_space<vmem>>
          %dma_start3A_1067 = arith.constant 0 : i32
          %dma_start3A_1068 = arith.constant 0 : i32
          %dma_start3A_1069 = tpu.memref_slice %arg2[%dma_start3A_1067, %dma_start3A_1068] : memref<10240x128xf32, #tpu.memory_space<hbm>> -> memref<10240x128xf32, #tpu.memory_space<hbm>>
          tpu.enqueue_indirect_dma source(%dma_start3A_1069 : memref<10240x128xf32, #tpu.memory_space<hbm>>) target(%arg10 : memref<32x128xf32, #tpu.memory_space<vmem>>) offsets(%dma_start3A_1066 : memref<32xi32, #tpu.memory_space<vmem>>) semaphore(%arg16 : memref<!tpu.dma_semaphore, #tpu.memory_space<semaphore_mem>>)
        } else {
        }
        %dma_wait3A_1041 = arith.constant 0 : i32
        %dma_wait3A_1042 = tpu.memref_slice %arg7[%add3A_1033, %dma_wait3A_1041] : memref<32x32xi32, #tpu.memory_space<vmem>> -> memref<1x32xi32, #tpu.memory_space<vmem>>
        %dma_wait3A_1043 = tpu.memref_squeeze %dma_wait3A_1042 : memref<1x32xi32, #tpu.memory_space<vmem>> -> memref<32xi32, #tpu.memory_space<vmem>>
        %dma_wait3A_1044 = arith.constant 0 : i32
        %dma_wait3A_1045 = arith.constant 0 : i32
        %dma_wait3A_1046 = tpu.memref_slice %arg2[%dma_wait3A_1044, %dma_wait3A_1045] : memref<10240x128xf32, #tpu.memory_space<hbm>> -> memref<10240x128xf32, #tpu.memory_space<hbm>>
        tpu.wait_indirect_dma semaphore(%arg17 : memref<!tpu.dma_semaphore, #tpu.memory_space<semaphore_mem>>) src(%dma_wait3A_1046 : memref<10240x128xf32, #tpu.memory_space<hbm>>) dst(%arg11 : memref<32x128xf32, #tpu.memory_space<vmem>>)
        "tpu.region"() ({
          %run_scoped3A = tpu.sem_alloc : memref<!tpu.dma_semaphore, #tpu.memory_space<semaphore_mem>>
          %dma_start3A_1062 = arith.constant 0 : i32
          %dma_start3A_1063 = tpu.memref_slice %arg8[%add3A_1033, %dma_start3A_1062] : memref<32x32xi32, #tpu.memory_space<vmem>> -> memref<1x32xi32, #tpu.memory_space<vmem>>
          %dma_start3A_1064 = tpu.memref_squeeze %dma_start3A_1063 : memref<1x32xi32, #tpu.memory_space<vmem>> -> memref<32xi32, #tpu.memory_space<vmem>>
          %dma_start3A_1065 = arith.constant 0 : i32
          %dma_start3A_1066 = arith.constant 0 : i32
          %dma_start3A_1067 = tpu.memref_slice %arg14[%dma_start3A_1065, %dma_start3A_1066] : memref<10240x128xf32, #tpu.memory_space<vmem_shared>> -> memref<10240x128xf32, #tpu.memory_space<vmem_shared>>
          tpu.enqueue_indirect_dma source(%arg11 : memref<32x128xf32, #tpu.memory_space<vmem>>) target(%dma_start3A_1067 : memref<10240x128xf32, #tpu.memory_space<vmem_shared>>) offsets(%dma_start3A_1064 : memref<32xi32, #tpu.memory_space<vmem>>) semaphore(%run_scoped3A : memref<!tpu.dma_semaphore, #tpu.memory_space<semaphore_mem>>) {add = true}
          %dma_wait3A_1068 = arith.constant 0 : i32
          %dma_wait3A_1069 = tpu.memref_slice %arg8[%add3A_1033, %dma_wait3A_1068] : memref<32x32xi32, #tpu.memory_space<vmem>> -> memref<1x32xi32, #tpu.memory_space<vmem>>
          %dma_wait3A_1070 = tpu.memref_squeeze %dma_wait3A_1069 : memref<1x32xi32, #tpu.memory_space<vmem>> -> memref<32xi32, #tpu.memory_space<vmem>>
          %dma_wait3A_1071 = arith.constant 0 : i32
          %dma_wait3A_1072 = arith.constant 0 : i32
          %dma_wait3A_1073 = tpu.memref_slice %arg14[%dma_wait3A_1071, %dma_wait3A_1072] : memref<10240x128xf32, #tpu.memory_space<vmem_shared>> -> memref<10240x128xf32, #tpu.memory_space<vmem_shared>>
          tpu.wait_indirect_dma semaphore(%run_scoped3A : memref<!tpu.dma_semaphore, #tpu.memory_space<semaphore_mem>>) src(%arg11 : memref<32x128xf32, #tpu.memory_space<vmem>>) dst(%dma_wait3A_1073 : memref<10240x128xf32, #tpu.memory_space<vmem_shared>>)
          tpu.yield
        }) : () -> ()
        "tpu.region"() ({
          %run_scoped3A = tpu.sem_alloc : memref<!tpu.dma_semaphore, #tpu.memory_space<semaphore_mem>>
          %dma_start3A_1062 = arith.constant 0 : i32
          %dma_start3A_1063 = tpu.memref_slice %arg8[%add3A_1033, %dma_start3A_1062] : memref<32x32xi32, #tpu.memory_space<vmem>> -> memref<1x32xi32, #tpu.memory_space<vmem>>
          %dma_start3A_1064 = tpu.memref_squeeze %dma_start3A_1063 : memref<1x32xi32, #tpu.memory_space<vmem>> -> memref<32xi32, #tpu.memory_space<vmem>>
          %dma_start3A_1065 = arith.constant 0 : i32
          %dma_start3A_1066 = tpu.memref_slice %arg21[%dma_start3A_1065] : memref<10240xf32, #tpu.memory_space<vmem_shared>> -> memref<10240xf32, #tpu.memory_space<vmem_shared>>
          tpu.enqueue_indirect_dma source(%arg19 : memref<32xf32, #tpu.memory_space<vmem>>) target(%dma_start3A_1066 : memref<10240xf32, #tpu.memory_space<vmem_shared>>) offsets(%dma_start3A_1064 : memref<32xi32, #tpu.memory_space<vmem>>) semaphore(%run_scoped3A : memref<!tpu.dma_semaphore, #tpu.memory_space<semaphore_mem>>) {add = true}
          %dma_wait3A_1067 = arith.constant 0 : i32
          %dma_wait3A_1068 = tpu.memref_slice %arg8[%add3A_1033, %dma_wait3A_1067] : memref<32x32xi32, #tpu.memory_space<vmem>> -> memref<1x32xi32, #tpu.memory_space<vmem>>
          %dma_wait3A_1069 = tpu.memref_squeeze %dma_wait3A_1068 : memref<1x32xi32, #tpu.memory_space<vmem>> -> memref<32xi32, #tpu.memory_space<vmem>>
          %dma_wait3A_1070 = arith.constant 0 : i32
          %dma_wait3A_1071 = tpu.memref_slice %arg21[%dma_wait3A_1070] : memref<10240xf32, #tpu.memory_space<vmem_shared>> -> memref<10240xf32, #tpu.memory_space<vmem_shared>>
          tpu.wait_indirect_dma semaphore(%run_scoped3A : memref<!tpu.dma_semaphore, #tpu.memory_space<semaphore_mem>>) src(%arg19 : memref<32xf32, #tpu.memory_space<vmem>>) dst(%dma_wait3A_1071 : memref<10240xf32, #tpu.memory_space<vmem_shared>>)
          tpu.yield
        }) : () -> ()
        %add3A_1047 = arith.constant 3 : i32
        %add3A_1048 = arith.addi %mul3A_1005, %add3A_1047 : i32
        %add3A_1049 = arith.constant 3 : i32
        %add3A_1050 = arith.addi %add3A_1048, %add3A_1049 : i32
        %lt3A_1051 = arith.constant 32 : i32
        %lt3A_1052 = arith.cmpi slt, %add3A_1050, %lt3A_1051 : i32
        %convert_element_type3A_1053 = arith.extui %lt3A_1052 : i1 to i32
        %cond3A_1054 = arith.constant 0 : i32
        %cond3A_1055 = arith.cmpi ne, %convert_element_type3A_1053, %cond3A_1054 : i32
        scf.if %cond3A_1055 {
          %add3A_1062 = arith.constant 3 : i32
          %add3A_1063 = arith.addi %add3A_1048, %add3A_1062 : i32
          %dma_start3A_1064 = arith.constant 0 : i32
          %dma_start3A_1065 = tpu.memref_slice %arg7[%add3A_1063, %dma_start3A_1064] : memref<32x32xi32, #tpu.memory_space<vmem>> -> memref<1x32xi32, #tpu.memory_space<vmem>>
          %dma_start3A_1066 = tpu.memref_squeeze %dma_start3A_1065 : memref<1x32xi32, #tpu.memory_space<vmem>> -> memref<32xi32, #tpu.memory_space<vmem>>
          %dma_start3A_1067 = arith.constant 0 : i32
          %dma_start3A_1068 = arith.constant 0 : i32
          %dma_start3A_1069 = tpu.memref_slice %arg2[%dma_start3A_1067, %dma_start3A_1068] : memref<10240x128xf32, #tpu.memory_space<hbm>> -> memref<10240x128xf32, #tpu.memory_space<hbm>>
          tpu.enqueue_indirect_dma source(%dma_start3A_1069 : memref<10240x128xf32, #tpu.memory_space<hbm>>) target(%arg11 : memref<32x128xf32, #tpu.memory_space<vmem>>) offsets(%dma_start3A_1066 : memref<32xi32, #tpu.memory_space<vmem>>) semaphore(%arg17 : memref<!tpu.dma_semaphore, #tpu.memory_space<semaphore_mem>>)
        } else {
        }
        %dma_wait3A_1056 = arith.constant 0 : i32
        %dma_wait3A_1057 = tpu.memref_slice %arg7[%add3A_1048, %dma_wait3A_1056] : memref<32x32xi32, #tpu.memory_space<vmem>> -> memref<1x32xi32, #tpu.memory_space<vmem>>
        %dma_wait3A_1058 = tpu.memref_squeeze %dma_wait3A_1057 : memref<1x32xi32, #tpu.memory_space<vmem>> -> memref<32xi32, #tpu.memory_space<vmem>>
        %dma_wait3A_1059 = arith.constant 0 : i32
        %dma_wait3A_1060 = arith.constant 0 : i32
        %dma_wait3A_1061 = tpu.memref_slice %arg2[%dma_wait3A_1059, %dma_wait3A_1060] : memref<10240x128xf32, #tpu.memory_space<hbm>> -> memref<10240x128xf32, #tpu.memory_space<hbm>>
        tpu.wait_indirect_dma semaphore(%arg18 : memref<!tpu.dma_semaphore, #tpu.memory_space<semaphore_mem>>) src(%dma_wait3A_1061 : memref<10240x128xf32, #tpu.memory_space<hbm>>) dst(%arg12 : memref<32x128xf32, #tpu.memory_space<vmem>>)
        "tpu.region"() ({
          %run_scoped3A = tpu.sem_alloc : memref<!tpu.dma_semaphore, #tpu.memory_space<semaphore_mem>>
          %dma_start3A_1062 = arith.constant 0 : i32
          %dma_start3A_1063 = tpu.memref_slice %arg8[%add3A_1048, %dma_start3A_1062] : memref<32x32xi32, #tpu.memory_space<vmem>> -> memref<1x32xi32, #tpu.memory_space<vmem>>
          %dma_start3A_1064 = tpu.memref_squeeze %dma_start3A_1063 : memref<1x32xi32, #tpu.memory_space<vmem>> -> memref<32xi32, #tpu.memory_space<vmem>>
          %dma_start3A_1065 = arith.constant 0 : i32
          %dma_start3A_1066 = arith.constant 0 : i32
          %dma_start3A_1067 = tpu.memref_slice %arg14[%dma_start3A_1065, %dma_start3A_1066] : memref<10240x128xf32, #tpu.memory_space<vmem_shared>> -> memref<10240x128xf32, #tpu.memory_space<vmem_shared>>
          tpu.enqueue_indirect_dma source(%arg12 : memref<32x128xf32, #tpu.memory_space<vmem>>) target(%dma_start3A_1067 : memref<10240x128xf32, #tpu.memory_space<vmem_shared>>) offsets(%dma_start3A_1064 : memref<32xi32, #tpu.memory_space<vmem>>) semaphore(%run_scoped3A : memref<!tpu.dma_semaphore, #tpu.memory_space<semaphore_mem>>) {add = true}
          %dma_wait3A_1068 = arith.constant 0 : i32
          %dma_wait3A_1069 = tpu.memref_slice %arg8[%add3A_1048, %dma_wait3A_1068] : memref<32x32xi32, #tpu.memory_space<vmem>> -> memref<1x32xi32, #tpu.memory_space<vmem>>
          %dma_wait3A_1070 = tpu.memref_squeeze %dma_wait3A_1069 : memref<1x32xi32, #tpu.memory_space<vmem>> -> memref<32xi32, #tpu.memory_space<vmem>>
          %dma_wait3A_1071 = arith.constant 0 : i32
          %dma_wait3A_1072 = arith.constant 0 : i32
          %dma_wait3A_1073 = tpu.memref_slice %arg14[%dma_wait3A_1071, %dma_wait3A_1072] : memref<10240x128xf32, #tpu.memory_space<vmem_shared>> -> memref<10240x128xf32, #tpu.memory_space<vmem_shared>>
          tpu.wait_indirect_dma semaphore(%run_scoped3A : memref<!tpu.dma_semaphore, #tpu.memory_space<semaphore_mem>>) src(%arg12 : memref<32x128xf32, #tpu.memory_space<vmem>>) dst(%dma_wait3A_1073 : memref<10240x128xf32, #tpu.memory_space<vmem_shared>>)
          tpu.yield
        }) : () -> ()
        "tpu.region"() ({
          %run_scoped3A = tpu.sem_alloc : memref<!tpu.dma_semaphore, #tpu.memory_space<semaphore_mem>>
          %dma_start3A_1062 = arith.constant 0 : i32
          %dma_start3A_1063 = tpu.memref_slice %arg8[%add3A_1048, %dma_start3A_1062] : memref<32x32xi32, #tpu.memory_space<vmem>> -> memref<1x32xi32, #tpu.memory_space<vmem>>
          %dma_start3A_1064 = tpu.memref_squeeze %dma_start3A_1063 : memref<1x32xi32, #tpu.memory_space<vmem>> -> memref<32xi32, #tpu.memory_space<vmem>>
          %dma_start3A_1065 = arith.constant 0 : i32
          %dma_start3A_1066 = tpu.memref_slice %arg21[%dma_start3A_1065] : memref<10240xf32, #tpu.memory_space<vmem_shared>> -> memref<10240xf32, #tpu.memory_space<vmem_shared>>
          tpu.enqueue_indirect_dma source(%arg19 : memref<32xf32, #tpu.memory_space<vmem>>) target(%dma_start3A_1066 : memref<10240xf32, #tpu.memory_space<vmem_shared>>) offsets(%dma_start3A_1064 : memref<32xi32, #tpu.memory_space<vmem>>) semaphore(%run_scoped3A : memref<!tpu.dma_semaphore, #tpu.memory_space<semaphore_mem>>) {add = true}
          %dma_wait3A_1067 = arith.constant 0 : i32
          %dma_wait3A_1068 = tpu.memref_slice %arg8[%add3A_1048, %dma_wait3A_1067] : memref<32x32xi32, #tpu.memory_space<vmem>> -> memref<1x32xi32, #tpu.memory_space<vmem>>
          %dma_wait3A_1069 = tpu.memref_squeeze %dma_wait3A_1068 : memref<1x32xi32, #tpu.memory_space<vmem>> -> memref<32xi32, #tpu.memory_space<vmem>>
          %dma_wait3A_1070 = arith.constant 0 : i32
          %dma_wait3A_1071 = tpu.memref_slice %arg21[%dma_wait3A_1070] : memref<10240xf32, #tpu.memory_space<vmem_shared>> -> memref<10240xf32, #tpu.memory_space<vmem_shared>>
          tpu.wait_indirect_dma semaphore(%run_scoped3A : memref<!tpu.dma_semaphore, #tpu.memory_space<semaphore_mem>>) src(%arg19 : memref<32xf32, #tpu.memory_space<vmem>>) dst(%dma_wait3A_1071 : memref<10240xf32, #tpu.memory_space<vmem_shared>>)
          tpu.yield
        }) : () -> ()
      }
      %scan3A_1002 = arith.constant 8 : i32
    }
    %while3A_968 = arith.constant 1 : i32
    scf.for %while3A_970 = %while3A_966 to %while3A_962 step %while3A_968  : i32 {
      %mul3A_971 = arith.constant 32 : i32
      %mul3A_972 = arith.muli %while3A_970, %mul3A_971 : i32
      %add3A_973 = arith.addi %add3A_7, %mul3A_972 : i32
      "tpu.region"() ({
        %run_scoped3A = tpu.sem_alloc : memref<!tpu.dma_semaphore, #tpu.memory_space<semaphore_mem>>
        %dma_start3A_1003 = arith.constant 0 : i32
        %dma_start3A_1004 = tpu.memref_slice %arg3[%add3A_973, %dma_start3A_1003] : memref<10240x32xi32, #tpu.memory_space<hbm>> -> memref<32x32xi32, #tpu.memory_space<hbm>>
        %dma_start3A_1005 = arith.constant 0 : i32
        %dma_start3A_1006 = tpu.memref_slice %arg3[%add3A_973, %dma_start3A_1005] : memref<10240x32xi32, #tpu.memory_space<hbm>> -> memref<32x32xi32, #tpu.memory_space<hbm>>
        tpu.enqueue_dma source(%dma_start3A_1006 : memref<32x32xi32, #tpu.memory_space<hbm>>) target(%arg7 : memref<32x32xi32, #tpu.memory_space<vmem>>) target_semaphore(%run_scoped3A : memref<!tpu.dma_semaphore, #tpu.memory_space<semaphore_mem>>)
        %dma_wait3A = arith.constant 0 : i32
        %dma_wait3A_1007 = tpu.memref_slice %arg3[%add3A_973, %dma_wait3A] : memref<10240x32xi32, #tpu.memory_space<hbm>> -> memref<32x32xi32, #tpu.memory_space<hbm>>
        %dma_wait3A_1008 = arith.constant 0 : i32
        %dma_wait3A_1009 = tpu.memref_slice %arg3[%add3A_973, %dma_wait3A_1008] : memref<10240x32xi32, #tpu.memory_space<hbm>> -> memref<32x32xi32, #tpu.memory_space<hbm>>
        tpu.wait_dma2 semaphore(%run_scoped3A : memref<!tpu.dma_semaphore, #tpu.memory_space<semaphore_mem>>) src(%dma_wait3A_1009 : memref<32x32xi32, #tpu.memory_space<hbm>>) dst(%arg7 : memref<32x32xi32, #tpu.memory_space<vmem>>)
        tpu.yield
      }) : () -> ()
      %mul3A_974 = arith.constant 32 : i32
      %mul3A_975 = arith.muli %while3A_970, %mul3A_974 : i32
      %add3A_976 = arith.addi %add3A_7, %mul3A_975 : i32
      "tpu.region"() ({
        %run_scoped3A = tpu.sem_alloc : memref<!tpu.dma_semaphore, #tpu.memory_space<semaphore_mem>>
        %dma_start3A_1003 = arith.constant 0 : i32
        %dma_start3A_1004 = tpu.memref_slice %arg4[%add3A_976, %dma_start3A_1003] : memref<10240x32xi32, #tpu.memory_space<hbm>> -> memref<32x32xi32, #tpu.memory_space<hbm>>
        %dma_start3A_1005 = arith.constant 0 : i32
        %dma_start3A_1006 = tpu.memref_slice %arg4[%add3A_976, %dma_start3A_1005] : memref<10240x32xi32, #tpu.memory_space<hbm>> -> memref<32x32xi32, #tpu.memory_space<hbm>>
        tpu.enqueue_dma source(%dma_start3A_1006 : memref<32x32xi32, #tpu.memory_space<hbm>>) target(%arg8 : memref<32x32xi32, #tpu.memory_space<vmem>>) target_semaphore(%run_scoped3A : memref<!tpu.dma_semaphore, #tpu.memory_space<semaphore_mem>>)
        %dma_wait3A = arith.constant 0 : i32
        %dma_wait3A_1007 = tpu.memref_slice %arg4[%add3A_976, %dma_wait3A] : memref<10240x32xi32, #tpu.memory_space<hbm>> -> memref<32x32xi32, #tpu.memory_space<hbm>>
        %dma_wait3A_1008 = arith.constant 0 : i32
        %dma_wait3A_1009 = tpu.memref_slice %arg4[%add3A_976, %dma_wait3A_1008] : memref<10240x32xi32, #tpu.memory_space<hbm>> -> memref<32x32xi32, #tpu.memory_space<hbm>>
        tpu.wait_dma2 semaphore(%run_scoped3A : memref<!tpu.dma_semaphore, #tpu.memory_space<semaphore_mem>>) src(%dma_wait3A_1009 : memref<32x32xi32, #tpu.memory_space<hbm>>) dst(%arg8 : memref<32x32xi32, #tpu.memory_space<vmem>>)
        tpu.yield
      }) : () -> ()
      %dma_start3A = arith.constant 0 : i32
      %dma_start3A_977 = arith.constant 0 : i32
      %dma_start3A_978 = tpu.memref_slice %arg7[%dma_start3A, %dma_start3A_977] : memref<32x32xi32, #tpu.memory_space<vmem>> -> memref<1x32xi32, #tpu.memory_space<vmem>>
      %dma_start3A_979 = tpu.memref_squeeze %dma_start3A_978 : memref<1x32xi32, #tpu.memory_space<vmem>> -> memref<32xi32, #tpu.memory_space<vmem>>
      %dma_start3A_980 = arith.constant 0 : i32
      %dma_start3A_981 = arith.constant 0 : i32
      %dma_start3A_982 = tpu.memref_slice %arg2[%dma_start3A_980, %dma_start3A_981] : memref<10240x128xf32, #tpu.memory_space<hbm>> -> memref<10240x128xf32, #tpu.memory_space<hbm>>
      tpu.enqueue_indirect_dma source(%dma_start3A_982 : memref<10240x128xf32, #tpu.memory_space<hbm>>) target(%arg9 : memref<32x128xf32, #tpu.memory_space<vmem>>) offsets(%dma_start3A_979 : memref<32xi32, #tpu.memory_space<vmem>>) semaphore(%arg15 : memref<!tpu.dma_semaphore, #tpu.memory_space<semaphore_mem>>)
      %dma_start3A_983 = arith.constant 1 : i32
      %dma_start3A_984 = arith.constant 0 : i32
      %dma_start3A_985 = tpu.memref_slice %arg7[%dma_start3A_983, %dma_start3A_984] : memref<32x32xi32, #tpu.memory_space<vmem>> -> memref<1x32xi32, #tpu.memory_space<vmem>>
      %dma_start3A_986 = tpu.memref_squeeze %dma_start3A_985 : memref<1x32xi32, #tpu.memory_space<vmem>> -> memref<32xi32, #tpu.memory_space<vmem>>
      %dma_start3A_987 = arith.constant 0 : i32
      %dma_start3A_988 = arith.constant 0 : i32
      %dma_start3A_989 = tpu.memref_slice %arg2[%dma_start3A_987, %dma_start3A_988] : memref<10240x128xf32, #tpu.memory_space<hbm>> -> memref<10240x128xf32, #tpu.memory_space<hbm>>
      tpu.enqueue_indirect_dma source(%dma_start3A_989 : memref<10240x128xf32, #tpu.memory_space<hbm>>) target(%arg10 : memref<32x128xf32, #tpu.memory_space<vmem>>) offsets(%dma_start3A_986 : memref<32xi32, #tpu.memory_space<vmem>>) semaphore(%arg16 : memref<!tpu.dma_semaphore, #tpu.memory_space<semaphore_mem>>)
      %dma_start3A_990 = arith.constant 2 : i32
      %dma_start3A_991 = arith.constant 0 : i32
      %dma_start3A_992 = tpu.memref_slice %arg7[%dma_start3A_990, %dma_start3A_991] : memref<32x32xi32, #tpu.memory_space<vmem>> -> memref<1x32xi32, #tpu.memory_space<vmem>>
      %dma_start3A_993 = tpu.memref_squeeze %dma_start3A_992 : memref<1x32xi32, #tpu.memory_space<vmem>> -> memref<32xi32, #tpu.memory_space<vmem>>
      %dma_start3A_994 = arith.constant 0 : i32
      %dma_start3A_995 = arith.constant 0 : i32
      %dma_start3A_996 = tpu.memref_slice %arg2[%dma_start3A_994, %dma_start3A_995] : memref<10240x128xf32, #tpu.memory_space<hbm>> -> memref<10240x128xf32, #tpu.memory_space<hbm>>
      tpu.enqueue_indirect_dma source(%dma_start3A_996 : memref<10240x128xf32, #tpu.memory_space<hbm>>) target(%arg11 : memref<32x128xf32, #tpu.memory_space<vmem>>) offsets(%dma_start3A_993 : memref<32xi32, #tpu.memory_space<vmem>>) semaphore(%arg17 : memref<!tpu.dma_semaphore, #tpu.memory_space<semaphore_mem>>)
      %scan3A_997 = arith.constant 0 : i32
      %scan3A_998 = arith.constant 0 : i32
      %scan3A_999 = arith.constant 8 : i32
      %scan3A_1000 = arith.addi %scan3A_998, %scan3A_999 : i32
      %scan3A_1001 = arith.constant 1 : i32
      scf.for %scan3A_1003 = %scan3A_998 to %scan3A_1000 step %scan3A_1001  : i32 {
        %mul3A_1004 = arith.constant 4 : i32
        %mul3A_1005 = arith.muli %mul3A_1004, %scan3A_1003 : i32
        %add3A_1006 = arith.constant 0 : i32
        %add3A_1007 = arith.addi %mul3A_1005, %add3A_1006 : i32
        %add3A_1008 = arith.constant 3 : i32
        %add3A_1009 = arith.addi %add3A_1007, %add3A_1008 : i32
        %lt3A = arith.constant 32 : i32
        %lt3A_1010 = arith.cmpi slt, %add3A_1009, %lt3A : i32
        %convert_element_type3A = arith.extui %lt3A_1010 : i1 to i32
        %cond3A = arith.constant 0 : i32
        %cond3A_1011 = arith.cmpi ne, %convert_element_type3A, %cond3A : i32
        scf.if %cond3A_1011 {
          %add3A_1062 = arith.constant 3 : i32
          %add3A_1063 = arith.addi %add3A_1007, %add3A_1062 : i32
          %dma_start3A_1064 = arith.constant 0 : i32
          %dma_start3A_1065 = tpu.memref_slice %arg7[%add3A_1063, %dma_start3A_1064] : memref<32x32xi32, #tpu.memory_space<vmem>> -> memref<1x32xi32, #tpu.memory_space<vmem>>
          %dma_start3A_1066 = tpu.memref_squeeze %dma_start3A_1065 : memref<1x32xi32, #tpu.memory_space<vmem>> -> memref<32xi32, #tpu.memory_space<vmem>>
          %dma_start3A_1067 = arith.constant 0 : i32
          %dma_start3A_1068 = arith.constant 0 : i32
          %dma_start3A_1069 = tpu.memref_slice %arg2[%dma_start3A_1067, %dma_start3A_1068] : memref<10240x128xf32, #tpu.memory_space<hbm>> -> memref<10240x128xf32, #tpu.memory_space<hbm>>
          tpu.enqueue_indirect_dma source(%dma_start3A_1069 : memref<10240x128xf32, #tpu.memory_space<hbm>>) target(%arg12 : memref<32x128xf32, #tpu.memory_space<vmem>>) offsets(%dma_start3A_1066 : memref<32xi32, #tpu.memory_space<vmem>>) semaphore(%arg18 : memref<!tpu.dma_semaphore, #tpu.memory_space<semaphore_mem>>)
        } else {
        }
        %dma_wait3A = arith.constant 0 : i32
        %dma_wait3A_1012 = tpu.memref_slice %arg7[%add3A_1007, %dma_wait3A] : memref<32x32xi32, #tpu.memory_space<vmem>> -> memref<1x32xi32, #tpu.memory_space<vmem>>
        %dma_wait3A_1013 = tpu.memref_squeeze %dma_wait3A_1012 : memref<1x32xi32, #tpu.memory_space<vmem>> -> memref<32xi32, #tpu.memory_space<vmem>>
        %dma_wait3A_1014 = arith.constant 0 : i32
        %dma_wait3A_1015 = arith.constant 0 : i32
        %dma_wait3A_1016 = tpu.memref_slice %arg2[%dma_wait3A_1014, %dma_wait3A_1015] : memref<10240x128xf32, #tpu.memory_space<hbm>> -> memref<10240x128xf32, #tpu.memory_space<hbm>>
        tpu.wait_indirect_dma semaphore(%arg15 : memref<!tpu.dma_semaphore, #tpu.memory_space<semaphore_mem>>) src(%dma_wait3A_1016 : memref<10240x128xf32, #tpu.memory_space<hbm>>) dst(%arg9 : memref<32x128xf32, #tpu.memory_space<vmem>>)
        "tpu.region"() ({
          %run_scoped3A = tpu.sem_alloc : memref<!tpu.dma_semaphore, #tpu.memory_space<semaphore_mem>>
          %dma_start3A_1062 = arith.constant 0 : i32
          %dma_start3A_1063 = tpu.memref_slice %arg8[%add3A_1007, %dma_start3A_1062] : memref<32x32xi32, #tpu.memory_space<vmem>> -> memref<1x32xi32, #tpu.memory_space<vmem>>
          %dma_start3A_1064 = tpu.memref_squeeze %dma_start3A_1063 : memref<1x32xi32, #tpu.memory_space<vmem>> -> memref<32xi32, #tpu.memory_space<vmem>>
          %dma_start3A_1065 = arith.constant 0 : i32
          %dma_start3A_1066 = arith.constant 0 : i32
          %dma_start3A_1067 = tpu.memref_slice %arg14[%dma_start3A_1065, %dma_start3A_1066] : memref<10240x128xf32, #tpu.memory_space<vmem_shared>> -> memref<10240x128xf32, #tpu.memory_space<vmem_shared>>
          tpu.enqueue_indirect_dma source(%arg9 : memref<32x128xf32, #tpu.memory_space<vmem>>) target(%dma_start3A_1067 : memref<10240x128xf32, #tpu.memory_space<vmem_shared>>) offsets(%dma_start3A_1064 : memref<32xi32, #tpu.memory_space<vmem>>) semaphore(%run_scoped3A : memref<!tpu.dma_semaphore, #tpu.memory_space<semaphore_mem>>) {add = true}
          %dma_wait3A_1068 = arith.constant 0 : i32
          %dma_wait3A_1069 = tpu.memref_slice %arg8[%add3A_1007, %dma_wait3A_1068] : memref<32x32xi32, #tpu.memory_space<vmem>> -> memref<1x32xi32, #tpu.memory_space<vmem>>
          %dma_wait3A_1070 = tpu.memref_squeeze %dma_wait3A_1069 : memref<1x32xi32, #tpu.memory_space<vmem>> -> memref<32xi32, #tpu.memory_space<vmem>>
          %dma_wait3A_1071 = arith.constant 0 : i32
          %dma_wait3A_1072 = arith.constant 0 : i32
          %dma_wait3A_1073 = tpu.memref_slice %arg14[%dma_wait3A_1071, %dma_wait3A_1072] : memref<10240x128xf32, #tpu.memory_space<vmem_shared>> -> memref<10240x128xf32, #tpu.memory_space<vmem_shared>>
          tpu.wait_indirect_dma semaphore(%run_scoped3A : memref<!tpu.dma_semaphore, #tpu.memory_space<semaphore_mem>>) src(%arg9 : memref<32x128xf32, #tpu.memory_space<vmem>>) dst(%dma_wait3A_1073 : memref<10240x128xf32, #tpu.memory_space<vmem_shared>>)
          tpu.yield
        }) : () -> ()
        "tpu.region"() ({
          %run_scoped3A = tpu.sem_alloc : memref<!tpu.dma_semaphore, #tpu.memory_space<semaphore_mem>>
          %dma_start3A_1062 = arith.constant 0 : i32
          %dma_start3A_1063 = tpu.memref_slice %arg8[%add3A_1007, %dma_start3A_1062] : memref<32x32xi32, #tpu.memory_space<vmem>> -> memref<1x32xi32, #tpu.memory_space<vmem>>
          %dma_start3A_1064 = tpu.memref_squeeze %dma_start3A_1063 : memref<1x32xi32, #tpu.memory_space<vmem>> -> memref<32xi32, #tpu.memory_space<vmem>>
          %dma_start3A_1065 = arith.constant 0 : i32
          %dma_start3A_1066 = tpu.memref_slice %arg21[%dma_start3A_1065] : memref<10240xf32, #tpu.memory_space<vmem_shared>> -> memref<10240xf32, #tpu.memory_space<vmem_shared>>
          tpu.enqueue_indirect_dma source(%arg19 : memref<32xf32, #tpu.memory_space<vmem>>) target(%dma_start3A_1066 : memref<10240xf32, #tpu.memory_space<vmem_shared>>) offsets(%dma_start3A_1064 : memref<32xi32, #tpu.memory_space<vmem>>) semaphore(%run_scoped3A : memref<!tpu.dma_semaphore, #tpu.memory_space<semaphore_mem>>) {add = true}
          %dma_wait3A_1067 = arith.constant 0 : i32
          %dma_wait3A_1068 = tpu.memref_slice %arg8[%add3A_1007, %dma_wait3A_1067] : memref<32x32xi32, #tpu.memory_space<vmem>> -> memref<1x32xi32, #tpu.memory_space<vmem>>
          %dma_wait3A_1069 = tpu.memref_squeeze %dma_wait3A_1068 : memref<1x32xi32, #tpu.memory_space<vmem>> -> memref<32xi32, #tpu.memory_space<vmem>>
          %dma_wait3A_1070 = arith.constant 0 : i32
          %dma_wait3A_1071 = tpu.memref_slice %arg21[%dma_wait3A_1070] : memref<10240xf32, #tpu.memory_space<vmem_shared>> -> memref<10240xf32, #tpu.memory_space<vmem_shared>>
          tpu.wait_indirect_dma semaphore(%run_scoped3A : memref<!tpu.dma_semaphore, #tpu.memory_space<semaphore_mem>>) src(%arg19 : memref<32xf32, #tpu.memory_space<vmem>>) dst(%dma_wait3A_1071 : memref<10240xf32, #tpu.memory_space<vmem_shared>>)
          tpu.yield
        }) : () -> ()
        %add3A_1017 = arith.constant 1 : i32
        %add3A_1018 = arith.addi %mul3A_1005, %add3A_1017 : i32
        %add3A_1019 = arith.constant 3 : i32
        %add3A_1020 = arith.addi %add3A_1018, %add3A_1019 : i32
        %lt3A_1021 = arith.constant 32 : i32
        %lt3A_1022 = arith.cmpi slt, %add3A_1020, %lt3A_1021 : i32
        %convert_element_type3A_1023 = arith.extui %lt3A_1022 : i1 to i32
        %cond3A_1024 = arith.constant 0 : i32
        %cond3A_1025 = arith.cmpi ne, %convert_element_type3A_1023, %cond3A_1024 : i32
        scf.if %cond3A_1025 {
          %add3A_1062 = arith.constant 3 : i32
          %add3A_1063 = arith.addi %add3A_1018, %add3A_1062 : i32
          %dma_start3A_1064 = arith.constant 0 : i32
          %dma_start3A_1065 = tpu.memref_slice %arg7[%add3A_1063, %dma_start3A_1064] : memref<32x32xi32, #tpu.memory_space<vmem>> -> memref<1x32xi32, #tpu.memory_space<vmem>>
          %dma_start3A_1066 = tpu.memref_squeeze %dma_start3A_1065 : memref<1x32xi32, #tpu.memory_space<vmem>> -> memref<32xi32, #tpu.memory_space<vmem>>
          %dma_start3A_1067 = arith.constant 0 : i32
          %dma_start3A_1068 = arith.constant 0 : i32
          %dma_start3A_1069 = tpu.memref_slice %arg2[%dma_start3A_1067, %dma_start3A_1068] : memref<10240x128xf32, #tpu.memory_space<hbm>> -> memref<10240x128xf32, #tpu.memory_space<hbm>>
          tpu.enqueue_indirect_dma source(%dma_start3A_1069 : memref<10240x128xf32, #tpu.memory_space<hbm>>) target(%arg9 : memref<32x128xf32, #tpu.memory_space<vmem>>) offsets(%dma_start3A_1066 : memref<32xi32, #tpu.memory_space<vmem>>) semaphore(%arg15 : memref<!tpu.dma_semaphore, #tpu.memory_space<semaphore_mem>>)
        } else {
        }
        %dma_wait3A_1026 = arith.constant 0 : i32
        %dma_wait3A_1027 = tpu.memref_slice %arg7[%add3A_1018, %dma_wait3A_1026] : memref<32x32xi32, #tpu.memory_space<vmem>> -> memref<1x32xi32, #tpu.memory_space<vmem>>
        %dma_wait3A_1028 = tpu.memref_squeeze %dma_wait3A_1027 : memref<1x32xi32, #tpu.memory_space<vmem>> -> memref<32xi32, #tpu.memory_space<vmem>>
        %dma_wait3A_1029 = arith.constant 0 : i32
        %dma_wait3A_1030 = arith.constant 0 : i32
        %dma_wait3A_1031 = tpu.memref_slice %arg2[%dma_wait3A_1029, %dma_wait3A_1030] : memref<10240x128xf32, #tpu.memory_space<hbm>> -> memref<10240x128xf32, #tpu.memory_space<hbm>>
        tpu.wait_indirect_dma semaphore(%arg16 : memref<!tpu.dma_semaphore, #tpu.memory_space<semaphore_mem>>) src(%dma_wait3A_1031 : memref<10240x128xf32, #tpu.memory_space<hbm>>) dst(%arg10 : memref<32x128xf32, #tpu.memory_space<vmem>>)
        "tpu.region"() ({
          %run_scoped3A = tpu.sem_alloc : memref<!tpu.dma_semaphore, #tpu.memory_space<semaphore_mem>>
          %dma_start3A_1062 = arith.constant 0 : i32
          %dma_start3A_1063 = tpu.memref_slice %arg8[%add3A_1018, %dma_start3A_1062] : memref<32x32xi32, #tpu.memory_space<vmem>> -> memref<1x32xi32, #tpu.memory_space<vmem>>
          %dma_start3A_1064 = tpu.memref_squeeze %dma_start3A_1063 : memref<1x32xi32, #tpu.memory_space<vmem>> -> memref<32xi32, #tpu.memory_space<vmem>>
          %dma_start3A_1065 = arith.constant 0 : i32
          %dma_start3A_1066 = arith.constant 0 : i32
          %dma_start3A_1067 = tpu.memref_slice %arg14[%dma_start3A_1065, %dma_start3A_1066] : memref<10240x128xf32, #tpu.memory_space<vmem_shared>> -> memref<10240x128xf32, #tpu.memory_space<vmem_shared>>
          tpu.enqueue_indirect_dma source(%arg10 : memref<32x128xf32, #tpu.memory_space<vmem>>) target(%dma_start3A_1067 : memref<10240x128xf32, #tpu.memory_space<vmem_shared>>) offsets(%dma_start3A_1064 : memref<32xi32, #tpu.memory_space<vmem>>) semaphore(%run_scoped3A : memref<!tpu.dma_semaphore, #tpu.memory_space<semaphore_mem>>) {add = true}
          %dma_wait3A_1068 = arith.constant 0 : i32
          %dma_wait3A_1069 = tpu.memref_slice %arg8[%add3A_1018, %dma_wait3A_1068] : memref<32x32xi32, #tpu.memory_space<vmem>> -> memref<1x32xi32, #tpu.memory_space<vmem>>
          %dma_wait3A_1070 = tpu.memref_squeeze %dma_wait3A_1069 : memref<1x32xi32, #tpu.memory_space<vmem>> -> memref<32xi32, #tpu.memory_space<vmem>>
          %dma_wait3A_1071 = arith.constant 0 : i32
          %dma_wait3A_1072 = arith.constant 0 : i32
          %dma_wait3A_1073 = tpu.memref_slice %arg14[%dma_wait3A_1071, %dma_wait3A_1072] : memref<10240x128xf32, #tpu.memory_space<vmem_shared>> -> memref<10240x128xf32, #tpu.memory_space<vmem_shared>>
          tpu.wait_indirect_dma semaphore(%run_scoped3A : memref<!tpu.dma_semaphore, #tpu.memory_space<semaphore_mem>>) src(%arg10 : memref<32x128xf32, #tpu.memory_space<vmem>>) dst(%dma_wait3A_1073 : memref<10240x128xf32, #tpu.memory_space<vmem_shared>>)
          tpu.yield
        }) : () -> ()
        "tpu.region"() ({
          %run_scoped3A = tpu.sem_alloc : memref<!tpu.dma_semaphore, #tpu.memory_space<semaphore_mem>>
          %dma_start3A_1062 = arith.constant 0 : i32
          %dma_start3A_1063 = tpu.memref_slice %arg8[%add3A_1018, %dma_start3A_1062] : memref<32x32xi32, #tpu.memory_space<vmem>> -> memref<1x32xi32, #tpu.memory_space<vmem>>
          %dma_start3A_1064 = tpu.memref_squeeze %dma_start3A_1063 : memref<1x32xi32, #tpu.memory_space<vmem>> -> memref<32xi32, #tpu.memory_space<vmem>>
          %dma_start3A_1065 = arith.constant 0 : i32
          %dma_start3A_1066 = tpu.memref_slice %arg21[%dma_start3A_1065] : memref<10240xf32, #tpu.memory_space<vmem_shared>> -> memref<10240xf32, #tpu.memory_space<vmem_shared>>
          tpu.enqueue_indirect_dma source(%arg19 : memref<32xf32, #tpu.memory_space<vmem>>) target(%dma_start3A_1066 : memref<10240xf32, #tpu.memory_space<vmem_shared>>) offsets(%dma_start3A_1064 : memref<32xi32, #tpu.memory_space<vmem>>) semaphore(%run_scoped3A : memref<!tpu.dma_semaphore, #tpu.memory_space<semaphore_mem>>) {add = true}
          %dma_wait3A_1067 = arith.constant 0 : i32
          %dma_wait3A_1068 = tpu.memref_slice %arg8[%add3A_1018, %dma_wait3A_1067] : memref<32x32xi32, #tpu.memory_space<vmem>> -> memref<1x32xi32, #tpu.memory_space<vmem>>
          %dma_wait3A_1069 = tpu.memref_squeeze %dma_wait3A_1068 : memref<1x32xi32, #tpu.memory_space<vmem>> -> memref<32xi32, #tpu.memory_space<vmem>>
          %dma_wait3A_1070 = arith.constant 0 : i32
          %dma_wait3A_1071 = tpu.memref_slice %arg21[%dma_wait3A_1070] : memref<10240xf32, #tpu.memory_space<vmem_shared>> -> memref<10240xf32, #tpu.memory_space<vmem_shared>>
          tpu.wait_indirect_dma semaphore(%run_scoped3A : memref<!tpu.dma_semaphore, #tpu.memory_space<semaphore_mem>>) src(%arg19 : memref<32xf32, #tpu.memory_space<vmem>>) dst(%dma_wait3A_1071 : memref<10240xf32, #tpu.memory_space<vmem_shared>>)
          tpu.yield
        }) : () -> ()
        %add3A_1032 = arith.constant 2 : i32
        %add3A_1033 = arith.addi %mul3A_1005, %add3A_1032 : i32
        %add3A_1034 = arith.constant 3 : i32
        %add3A_1035 = arith.addi %add3A_1033, %add3A_1034 : i32
        %lt3A_1036 = arith.constant 32 : i32
        %lt3A_1037 = arith.cmpi slt, %add3A_1035, %lt3A_1036 : i32
        %convert_element_type3A_1038 = arith.extui %lt3A_1037 : i1 to i32
        %cond3A_1039 = arith.constant 0 : i32
        %cond3A_1040 = arith.cmpi ne, %convert_element_type3A_1038, %cond3A_1039 : i32
        scf.if %cond3A_1040 {
          %add3A_1062 = arith.constant 3 : i32
          %add3A_1063 = arith.addi %add3A_1033, %add3A_1062 : i32
          %dma_start3A_1064 = arith.constant 0 : i32
          %dma_start3A_1065 = tpu.memref_slice %arg7[%add3A_1063, %dma_start3A_1064] : memref<32x32xi32, #tpu.memory_space<vmem>> -> memref<1x32xi32, #tpu.memory_space<vmem>>
          %dma_start3A_1066 = tpu.memref_squeeze %dma_start3A_1065 : memref<1x32xi32, #tpu.memory_space<vmem>> -> memref<32xi32, #tpu.memory_space<vmem>>
          %dma_start3A_1067 = arith.constant 0 : i32
          %dma_start3A_1068 = arith.constant 0 : i32
          %dma_start3A_1069 = tpu.memref_slice %arg2[%dma_start3A_1067, %dma_start3A_1068] : memref<10240x128xf32, #tpu.memory_space<hbm>> -> memref<10240x128xf32, #tpu.memory_space<hbm>>
          tpu.enqueue_indirect_dma source(%dma_start3A_1069 : memref<10240x128xf32, #tpu.memory_space<hbm>>) target(%arg10 : memref<32x128xf32, #tpu.memory_space<vmem>>) offsets(%dma_start3A_1066 : memref<32xi32, #tpu.memory_space<vmem>>) semaphore(%arg16 : memref<!tpu.dma_semaphore, #tpu.memory_space<semaphore_mem>>)
        } else {
        }
        %dma_wait3A_1041 = arith.constant 0 : i32
        %dma_wait3A_1042 = tpu.memref_slice %arg7[%add3A_1033, %dma_wait3A_1041] : memref<32x32xi32, #tpu.memory_space<vmem>> -> memref<1x32xi32, #tpu.memory_space<vmem>>
        %dma_wait3A_1043 = tpu.memref_squeeze %dma_wait3A_1042 : memref<1x32xi32, #tpu.memory_space<vmem>> -> memref<32xi32, #tpu.memory_space<vmem>>
        %dma_wait3A_1044 = arith.constant 0 : i32
        %dma_wait3A_1045 = arith.constant 0 : i32
        %dma_wait3A_1046 = tpu.memref_slice %arg2[%dma_wait3A_1044, %dma_wait3A_1045] : memref<10240x128xf32, #tpu.memory_space<hbm>> -> memref<10240x128xf32, #tpu.memory_space<hbm>>
        tpu.wait_indirect_dma semaphore(%arg17 : memref<!tpu.dma_semaphore, #tpu.memory_space<semaphore_mem>>) src(%dma_wait3A_1046 : memref<10240x128xf32, #tpu.memory_space<hbm>>) dst(%arg11 : memref<32x128xf32, #tpu.memory_space<vmem>>)
        "tpu.region"() ({
          %run_scoped3A = tpu.sem_alloc : memref<!tpu.dma_semaphore, #tpu.memory_space<semaphore_mem>>
          %dma_start3A_1062 = arith.constant 0 : i32
          %dma_start3A_1063 = tpu.memref_slice %arg8[%add3A_1033, %dma_start3A_1062] : memref<32x32xi32, #tpu.memory_space<vmem>> -> memref<1x32xi32, #tpu.memory_space<vmem>>
          %dma_start3A_1064 = tpu.memref_squeeze %dma_start3A_1063 : memref<1x32xi32, #tpu.memory_space<vmem>> -> memref<32xi32, #tpu.memory_space<vmem>>
          %dma_start3A_1065 = arith.constant 0 : i32
          %dma_start3A_1066 = arith.constant 0 : i32
          %dma_start3A_1067 = tpu.memref_slice %arg14[%dma_start3A_1065, %dma_start3A_1066] : memref<10240x128xf32, #tpu.memory_space<vmem_shared>> -> memref<10240x128xf32, #tpu.memory_space<vmem_shared>>
          tpu.enqueue_indirect_dma source(%arg11 : memref<32x128xf32, #tpu.memory_space<vmem>>) target(%dma_start3A_1067 : memref<10240x128xf32, #tpu.memory_space<vmem_shared>>) offsets(%dma_start3A_1064 : memref<32xi32, #tpu.memory_space<vmem>>) semaphore(%run_scoped3A : memref<!tpu.dma_semaphore, #tpu.memory_space<semaphore_mem>>) {add = true}
          %dma_wait3A_1068 = arith.constant 0 : i32
          %dma_wait3A_1069 = tpu.memref_slice %arg8[%add3A_1033, %dma_wait3A_1068] : memref<32x32xi32, #tpu.memory_space<vmem>> -> memref<1x32xi32, #tpu.memory_space<vmem>>
          %dma_wait3A_1070 = tpu.memref_squeeze %dma_wait3A_1069 : memref<1x32xi32, #tpu.memory_space<vmem>> -> memref<32xi32, #tpu.memory_space<vmem>>
          %dma_wait3A_1071 = arith.constant 0 : i32
          %dma_wait3A_1072 = arith.constant 0 : i32
          %dma_wait3A_1073 = tpu.memref_slice %arg14[%dma_wait3A_1071, %dma_wait3A_1072] : memref<10240x128xf32, #tpu.memory_space<vmem_shared>> -> memref<10240x128xf32, #tpu.memory_space<vmem_shared>>
          tpu.wait_indirect_dma semaphore(%run_scoped3A : memref<!tpu.dma_semaphore, #tpu.memory_space<semaphore_mem>>) src(%arg11 : memref<32x128xf32, #tpu.memory_space<vmem>>) dst(%dma_wait3A_1073 : memref<10240x128xf32, #tpu.memory_space<vmem_shared>>)
          tpu.yield
        }) : () -> ()
        "tpu.region"() ({
          %run_scoped3A = tpu.sem_alloc : memref<!tpu.dma_semaphore, #tpu.memory_space<semaphore_mem>>
          %dma_start3A_1062 = arith.constant 0 : i32
          %dma_start3A_1063 = tpu.memref_slice %arg8[%add3A_1033, %dma_start3A_1062] : memref<32x32xi32, #tpu.memory_space<vmem>> -> memref<1x32xi32, #tpu.memory_space<vmem>>
          %dma_start3A_1064 = tpu.memref_squeeze %dma_start3A_1063 : memref<1x32xi32, #tpu.memory_space<vmem>> -> memref<32xi32, #tpu.memory_space<vmem>>
          %dma_start3A_1065 = arith.constant 0 : i32
          %dma_start3A_1066 = tpu.memref_slice %arg21[%dma_start3A_1065] : memref<10240xf32, #tpu.memory_space<vmem_shared>> -> memref<10240xf32, #tpu.memory_space<vmem_shared>>
          tpu.enqueue_indirect_dma source(%arg19 : memref<32xf32, #tpu.memory_space<vmem>>) target(%dma_start3A_1066 : memref<10240xf32, #tpu.memory_space<vmem_shared>>) offsets(%dma_start3A_1064 : memref<32xi32, #tpu.memory_space<vmem>>) semaphore(%run_scoped3A : memref<!tpu.dma_semaphore, #tpu.memory_space<semaphore_mem>>) {add = true}
          %dma_wait3A_1067 = arith.constant 0 : i32
          %dma_wait3A_1068 = tpu.memref_slice %arg8[%add3A_1033, %dma_wait3A_1067] : memref<32x32xi32, #tpu.memory_space<vmem>> -> memref<1x32xi32, #tpu.memory_space<vmem>>
          %dma_wait3A_1069 = tpu.memref_squeeze %dma_wait3A_1068 : memref<1x32xi32, #tpu.memory_space<vmem>> -> memref<32xi32, #tpu.memory_space<vmem>>
          %dma_wait3A_1070 = arith.constant 0 : i32
          %dma_wait3A_1071 = tpu.memref_slice %arg21[%dma_wait3A_1070] : memref<10240xf32, #tpu.memory_space<vmem_shared>> -> memref<10240xf32, #tpu.memory_space<vmem_shared>>
          tpu.wait_indirect_dma semaphore(%run_scoped3A : memref<!tpu.dma_semaphore, #tpu.memory_space<semaphore_mem>>) src(%arg19 : memref<32xf32, #tpu.memory_space<vmem>>) dst(%dma_wait3A_1071 : memref<10240xf32, #tpu.memory_space<vmem_shared>>)
          tpu.yield
        }) : () -> ()
        %add3A_1047 = arith.constant 3 : i32
        %add3A_1048 = arith.addi %mul3A_1005, %add3A_1047 : i32
        %add3A_1049 = arith.constant 3 : i32
        %add3A_1050 = arith.addi %add3A_1048, %add3A_1049 : i32
        %lt3A_1051 = arith.constant 32 : i32
        %lt3A_1052 = arith.cmpi slt, %add3A_1050, %lt3A_1051 : i32
        %convert_element_type3A_1053 = arith.extui %lt3A_1052 : i1 to i32
        %cond3A_1054 = arith.constant 0 : i32
        %cond3A_1055 = arith.cmpi ne, %convert_element_type3A_1053, %cond3A_1054 : i32
        scf.if %cond3A_1055 {
          %add3A_1062 = arith.constant 3 : i32
          %add3A_1063 = arith.addi %add3A_1048, %add3A_1062 : i32
          %dma_start3A_1064 = arith.constant 0 : i32
          %dma_start3A_1065 = tpu.memref_slice %arg7[%add3A_1063, %dma_start3A_1064] : memref<32x32xi32, #tpu.memory_space<vmem>> -> memref<1x32xi32, #tpu.memory_space<vmem>>
          %dma_start3A_1066 = tpu.memref_squeeze %dma_start3A_1065 : memref<1x32xi32, #tpu.memory_space<vmem>> -> memref<32xi32, #tpu.memory_space<vmem>>
          %dma_start3A_1067 = arith.constant 0 : i32
          %dma_start3A_1068 = arith.constant 0 : i32
          %dma_start3A_1069 = tpu.memref_slice %arg2[%dma_start3A_1067, %dma_start3A_1068] : memref<10240x128xf32, #tpu.memory_space<hbm>> -> memref<10240x128xf32, #tpu.memory_space<hbm>>
          tpu.enqueue_indirect_dma source(%dma_start3A_1069 : memref<10240x128xf32, #tpu.memory_space<hbm>>) target(%arg11 : memref<32x128xf32, #tpu.memory_space<vmem>>) offsets(%dma_start3A_1066 : memref<32xi32, #tpu.memory_space<vmem>>) semaphore(%arg17 : memref<!tpu.dma_semaphore, #tpu.memory_space<semaphore_mem>>)
        } else {
        }
        %dma_wait3A_1056 = arith.constant 0 : i32
        %dma_wait3A_1057 = tpu.memref_slice %arg7[%add3A_1048, %dma_wait3A_1056] : memref<32x32xi32, #tpu.memory_space<vmem>> -> memref<1x32xi32, #tpu.memory_space<vmem>>
        %dma_wait3A_1058 = tpu.memref_squeeze %dma_wait3A_1057 : memref<1x32xi32, #tpu.memory_space<vmem>> -> memref<32xi32, #tpu.memory_space<vmem>>
        %dma_wait3A_1059 = arith.constant 0 : i32
        %dma_wait3A_1060 = arith.constant 0 : i32
        %dma_wait3A_1061 = tpu.memref_slice %arg2[%dma_wait3A_1059, %dma_wait3A_1060] : memref<10240x128xf32, #tpu.memory_space<hbm>> -> memref<10240x128xf32, #tpu.memory_space<hbm>>
        tpu.wait_indirect_dma semaphore(%arg18 : memref<!tpu.dma_semaphore, #tpu.memory_space<semaphore_mem>>) src(%dma_wait3A_1061 : memref<10240x128xf32, #tpu.memory_space<hbm>>) dst(%arg12 : memref<32x128xf32, #tpu.memory_space<vmem>>)
        "tpu.region"() ({
          %run_scoped3A = tpu.sem_alloc : memref<!tpu.dma_semaphore, #tpu.memory_space<semaphore_mem>>
          %dma_start3A_1062 = arith.constant 0 : i32
          %dma_start3A_1063 = tpu.memref_slice %arg8[%add3A_1048, %dma_start3A_1062] : memref<32x32xi32, #tpu.memory_space<vmem>> -> memref<1x32xi32, #tpu.memory_space<vmem>>
          %dma_start3A_1064 = tpu.memref_squeeze %dma_start3A_1063 : memref<1x32xi32, #tpu.memory_space<vmem>> -> memref<32xi32, #tpu.memory_space<vmem>>
          %dma_start3A_1065 = arith.constant 0 : i32
          %dma_start3A_1066 = arith.constant 0 : i32
          %dma_start3A_1067 = tpu.memref_slice %arg14[%dma_start3A_1065, %dma_start3A_1066] : memref<10240x128xf32, #tpu.memory_space<vmem_shared>> -> memref<10240x128xf32, #tpu.memory_space<vmem_shared>>
          tpu.enqueue_indirect_dma source(%arg12 : memref<32x128xf32, #tpu.memory_space<vmem>>) target(%dma_start3A_1067 : memref<10240x128xf32, #tpu.memory_space<vmem_shared>>) offsets(%dma_start3A_1064 : memref<32xi32, #tpu.memory_space<vmem>>) semaphore(%run_scoped3A : memref<!tpu.dma_semaphore, #tpu.memory_space<semaphore_mem>>) {add = true}
          %dma_wait3A_1068 = arith.constant 0 : i32
          %dma_wait3A_1069 = tpu.memref_slice %arg8[%add3A_1048, %dma_wait3A_1068] : memref<32x32xi32, #tpu.memory_space<vmem>> -> memref<1x32xi32, #tpu.memory_space<vmem>>
          %dma_wait3A_1070 = tpu.memref_squeeze %dma_wait3A_1069 : memref<1x32xi32, #tpu.memory_space<vmem>> -> memref<32xi32, #tpu.memory_space<vmem>>
          %dma_wait3A_1071 = arith.constant 0 : i32
          %dma_wait3A_1072 = arith.constant 0 : i32
          %dma_wait3A_1073 = tpu.memref_slice %arg14[%dma_wait3A_1071, %dma_wait3A_1072] : memref<10240x128xf32, #tpu.memory_space<vmem_shared>> -> memref<10240x128xf32, #tpu.memory_space<vmem_shared>>
          tpu.wait_indirect_dma semaphore(%run_scoped3A : memref<!tpu.dma_semaphore, #tpu.memory_space<semaphore_mem>>) src(%arg12 : memref<32x128xf32, #tpu.memory_space<vmem>>) dst(%dma_wait3A_1073 : memref<10240x128xf32, #tpu.memory_space<vmem_shared>>)
          tpu.yield
        }) : () -> ()
        "tpu.region"() ({
          %run_scoped3A = tpu.sem_alloc : memref<!tpu.dma_semaphore, #tpu.memory_space<semaphore_mem>>
          %dma_start3A_1062 = arith.constant 0 : i32
          %dma_start3A_1063 = tpu.memref_slice %arg8[%add3A_1048, %dma_start3A_1062] : memref<32x32xi32, #tpu.memory_space<vmem>> -> memref<1x32xi32, #tpu.memory_space<vmem>>
          %dma_start3A_1064 = tpu.memref_squeeze %dma_start3A_1063 : memref<1x32xi32, #tpu.memory_space<vmem>> -> memref<32xi32, #tpu.memory_space<vmem>>
          %dma_start3A_1065 = arith.constant 0 : i32
          %dma_start3A_1066 = tpu.memref_slice %arg21[%dma_start3A_1065] : memref<10240xf32, #tpu.memory_space<vmem_shared>> -> memref<10240xf32, #tpu.memory_space<vmem_shared>>
          tpu.enqueue_indirect_dma source(%arg19 : memref<32xf32, #tpu.memory_space<vmem>>) target(%dma_start3A_1066 : memref<10240xf32, #tpu.memory_space<vmem_shared>>) offsets(%dma_start3A_1064 : memref<32xi32, #tpu.memory_space<vmem>>) semaphore(%run_scoped3A : memref<!tpu.dma_semaphore, #tpu.memory_space<semaphore_mem>>) {add = true}
          %dma_wait3A_1067 = arith.constant 0 : i32
          %dma_wait3A_1068 = tpu.memref_slice %arg8[%add3A_1048, %dma_wait3A_1067] : memref<32x32xi32, #tpu.memory_space<vmem>> -> memref<1x32xi32, #tpu.memory_space<vmem>>
          %dma_wait3A_1069 = tpu.memref_squeeze %dma_wait3A_1068 : memref<1x32xi32, #tpu.memory_space<vmem>> -> memref<32xi32, #tpu.memory_space<vmem>>
          %dma_wait3A_1070 = arith.constant 0 : i32
          %dma_wait3A_1071 = tpu.memref_slice %arg21[%dma_wait3A_1070] : memref<10240xf32, #tpu.memory_space<vmem_shared>> -> memref<10240xf32, #tpu.memory_space<vmem_shared>>
          tpu.wait_indirect_dma semaphore(%run_scoped3A : memref<!tpu.dma_semaphore, #tpu.memory_space<semaphore_mem>>) src(%arg19 : memref<32xf32, #tpu.memory_space<vmem>>) dst(%dma_wait3A_1071 : memref<10240xf32, #tpu.memory_space<vmem_shared>>)
          tpu.yield
        }) : () -> ()
      }
      %scan3A_1002 = arith.constant 8 : i32
    }
    %barrier3A_969 = arith.constant 0 : index
    tpu.barrier barrier_id(%barrier3A_969)
    "tpu.region"() ({
      %run_scoped3A = tpu.sem_alloc : memref<!tpu.dma_semaphore, #tpu.memory_space<semaphore_mem>>
      %dma_start3A = arith.constant 0 : i32
      %dma_start3A_970 = tpu.memref_slice %arg5[%arg0, %mul3A_16, %dma_start3A] : memref<2x10240x128xf32, #tpu.memory_space<hbm>> -> memref<1x640x128xf32, #tpu.memory_space<hbm>>
      %dma_start3A_971 = tpu.memref_squeeze %dma_start3A_970 : memref<1x640x128xf32, #tpu.memory_space<hbm>> -> memref<640x128xf32, #tpu.memory_space<hbm>>
      %dma_start3A_972 = arith.constant 0 : i32
      %dma_start3A_973 = tpu.memref_slice %arg14[%mul3A_16, %dma_start3A_972] : memref<10240x128xf32, #tpu.memory_space<vmem_shared>> -> memref<640x128xf32, #tpu.memory_space<vmem_shared>>
      tpu.enqueue_dma source(%dma_start3A_973 : memref<640x128xf32, #tpu.memory_space<vmem_shared>>) target(%dma_start3A_971 : memref<640x128xf32, #tpu.memory_space<hbm>>) target_semaphore(%run_scoped3A : memref<!tpu.dma_semaphore, #tpu.memory_space<semaphore_mem>>)
      %dma_wait3A = arith.constant 0 : i32
      %dma_wait3A_974 = tpu.memref_slice %arg5[%arg0, %mul3A_16, %dma_wait3A] : memref<2x10240x128xf32, #tpu.memory_space<hbm>> -> memref<1x640x128xf32, #tpu.memory_space<hbm>>
      %dma_wait3A_975 = tpu.memref_squeeze %dma_wait3A_974 : memref<1x640x128xf32, #tpu.memory_space<hbm>> -> memref<640x128xf32, #tpu.memory_space<hbm>>
      %dma_wait3A_976 = arith.constant 0 : i32
      %dma_wait3A_977 = tpu.memref_slice %arg14[%mul3A_16, %dma_wait3A_976] : memref<10240x128xf32, #tpu.memory_space<vmem_shared>> -> memref<640x128xf32, #tpu.memory_space<vmem_shared>>
      tpu.wait_dma2 semaphore(%run_scoped3A : memref<!tpu.dma_semaphore, #tpu.memory_space<semaphore_mem>>) src(%dma_wait3A_977 : memref<640x128xf32, #tpu.memory_space<vmem_shared>>) dst(%dma_wait3A_975 : memref<640x128xf32, #tpu.memory_space<hbm>>)
      tpu.yield
    }) : () -> ()
    "tpu.region"() ({
      %run_scoped3A = tpu.sem_alloc : memref<!tpu.dma_semaphore, #tpu.memory_space<semaphore_mem>>
      %dma_start3A = tpu.memref_slice %arg6[%arg0, %mul3A_16] : memref<2x10240xf32, #tpu.memory_space<hbm>> -> memref<1x640xf32, #tpu.memory_space<hbm>>
      %dma_start3A_970 = tpu.memref_squeeze %dma_start3A : memref<1x640xf32, #tpu.memory_space<hbm>> -> memref<640xf32, #tpu.memory_space<hbm>>
      %dma_start3A_971 = tpu.memref_slice %arg21[%mul3A_16] : memref<10240xf32, #tpu.memory_space<vmem_shared>> -> memref<640xf32, #tpu.memory_space<vmem_shared>>
      tpu.enqueue_dma source(%dma_start3A_971 : memref<640xf32, #tpu.memory_space<vmem_shared>>) target(%dma_start3A_970 : memref<640xf32, #tpu.memory_space<hbm>>) target_semaphore(%run_scoped3A : memref<!tpu.dma_semaphore, #tpu.memory_space<semaphore_mem>>)
      %dma_wait3A = tpu.memref_slice %arg6[%arg0, %mul3A_16] : memref<2x10240xf32, #tpu.memory_space<hbm>> -> memref<1x640xf32, #tpu.memory_space<hbm>>
      %dma_wait3A_972 = tpu.memref_squeeze %dma_wait3A : memref<1x640xf32, #tpu.memory_space<hbm>> -> memref<640xf32, #tpu.memory_space<hbm>>
      %dma_wait3A_973 = tpu.memref_slice %arg21[%mul3A_16] : memref<10240xf32, #tpu.memory_space<vmem_shared>> -> memref<640xf32, #tpu.memory_space<vmem_shared>>
      tpu.wait_dma2 semaphore(%run_scoped3A : memref<!tpu.dma_semaphore, #tpu.memory_space<semaphore_mem>>) src(%dma_wait3A_973 : memref<640xf32, #tpu.memory_space<vmem_shared>>) dst(%dma_wait3A_972 : memref<640xf32, #tpu.memory_space<hbm>>)
      tpu.yield
    }) : () -> ()
    return
  }
}

module attributes {stable_mosaic.version = 14 : i64} {
  func.func @body(%arg0: i32, %arg1: memref<1024x128xf32, #tpu.memory_space<vmem>>, %arg2: memref<2x1024x128xf32, #tpu.memory_space<vmem>>, %arg3: memref<2x1024x1xf32, #tpu.memory_space<vmem>>, %arg4: memref<128x128xf32, #tpu.memory_space<vmem>>, %arg5: memref<128x128xf32, #tpu.memory_space<vmem>>, %arg6: memref<1x128xf32, #tpu.memory_space<vmem>>, %arg7: memref<1024x128xf32, #tpu.memory_space<vmem>>) attributes {dimension_semantics = [#tpu.dimension_semantics<arbitrary>], iteration_bounds = array<i64: 10>, scalar_prefetch = 0 : i64, scratch_operands = 0 : i64, tpu.core_type = #tpu.core_type<tc>, window_params = [{transform_indices = @transform_0, window_bounds = array<i64: 1024, 128>}, {transform_indices = @transform_1, window_bounds = array<i64: 2, 1024, 128>}, {transform_indices = @transform_2, window_bounds = array<i64: 2, 1024, 1>}, {pipeline_mode = #tpu.pipeline_mode<synchronous>, transform_indices = @transform_3, window_bounds = array<i64: 128, 128>}, {pipeline_mode = #tpu.pipeline_mode<synchronous>, transform_indices = @transform_4, window_bounds = array<i64: 128, 128>}, {pipeline_mode = #tpu.pipeline_mode<synchronous>, transform_indices = @transform_5, window_bounds = array<i64: 1, 128>}, {transform_indices = @transform_6, window_bounds = array<i64: 1024, 128>}]} {
    %get3A = arith.constant 0 : index
    %get3A_0 = arith.constant 0 : index
    %get3A_1 = arith.constant 0 : index
    %get3A_2 = vector.load %arg3[%get3A, %get3A_0, %get3A_1] : memref<2x1024x1xf32, #tpu.memory_space<vmem>>, vector<1x1024x1xf32>
    %get3A_3 = vector.shape_cast %get3A_2 : vector<1x1024x1xf32> to vector<1024x1xf32>
    %get3A_4 = arith.constant 1 : index
    %get3A_5 = arith.constant 0 : index
    %get3A_6 = arith.constant 0 : index
    %get3A_7 = vector.load %arg3[%get3A_4, %get3A_5, %get3A_6] : memref<2x1024x1xf32, #tpu.memory_space<vmem>>, vector<1x1024x1xf32>
    %get3A_8 = vector.shape_cast %get3A_7 : vector<1x1024x1xf32> to vector<1024x1xf32>
    %add3A = arith.addf %get3A_3, %get3A_8 : vector<1024x1xf32>
    %max3A = arith.constant 1.000000e+00 : f32
    %max3A_9 = vector.broadcast %max3A : f32 to vector<1024x1xf32>
    %max3A_10 = arith.maximumf %add3A, %max3A_9 : vector<1024x1xf32>
    %get3A_11 = arith.constant 0 : index
    %get3A_12 = arith.constant 0 : index
    %get3A_13 = arith.constant 0 : index
    %get3A_14 = vector.load %arg2[%get3A_11, %get3A_12, %get3A_13] : memref<2x1024x128xf32, #tpu.memory_space<vmem>>, vector<1x1024x128xf32>
    %get3A_15 = vector.shape_cast %get3A_14 : vector<1x1024x128xf32> to vector<1024x128xf32>
    %get3A_16 = arith.constant 1 : index
    %get3A_17 = arith.constant 0 : index
    %get3A_18 = arith.constant 0 : index
    %get3A_19 = vector.load %arg2[%get3A_16, %get3A_17, %get3A_18] : memref<2x1024x128xf32, #tpu.memory_space<vmem>>, vector<1x1024x128xf32>
    %get3A_20 = vector.shape_cast %get3A_19 : vector<1x1024x128xf32> to vector<1024x128xf32>
    %add3A_21 = arith.addf %get3A_15, %get3A_20 : vector<1024x128xf32>
    %div3A = vector.broadcast %max3A_10 : vector<1024x1xf32> to vector<1024x128xf32>
    %div3A_22 = arith.divf %add3A_21, %div3A : vector<1024x128xf32>
    %get3A_23 = arith.constant 0 : index
    %get3A_24 = arith.constant 0 : index
    %get3A_25 = vector.load %arg1[%get3A_23, %get3A_24] : memref<1024x128xf32, #tpu.memory_space<vmem>>, vector<1024x128xf32>
    %get3A_26 = arith.constant 0 : index
    %get3A_27 = arith.constant 0 : index
    %get3A_28 = vector.load %arg4[%get3A_26, %get3A_27] : memref<128x128xf32, #tpu.memory_space<vmem>>, vector<128x128xf32>
    %dot_general3A = arith.constant dense<0.000000e+00> : vector<1024x128xf32>
    %dot_general3A_29 = tpu.matmul %get3A_25, %get3A_28, %dot_general3A {dimension_numbers = #tpu.dot_dimension_numbers<[1], [0], [0], [1], [0, 0, 1, 1], [], []>, transpose_lhs_hint = false} : vector<1024x128xf32>, vector<128x128xf32>, vector<1024x128xf32> -> vector<1024x128xf32>
    %get3A_30 = arith.constant 0 : index
    %get3A_31 = arith.constant 0 : index
    %get3A_32 = vector.load %arg5[%get3A_30, %get3A_31] : memref<128x128xf32, #tpu.memory_space<vmem>>, vector<128x128xf32>
    %dot_general3A_33 = arith.constant dense<0.000000e+00> : vector<1024x128xf32>
    %dot_general3A_34 = tpu.matmul %div3A_22, %get3A_32, %dot_general3A_33 {dimension_numbers = #tpu.dot_dimension_numbers<[1], [0], [0], [1], [0, 0, 1, 1], [], []>, transpose_lhs_hint = false} : vector<1024x128xf32>, vector<128x128xf32>, vector<1024x128xf32> -> vector<1024x128xf32>
    %add3A_35 = arith.addf %dot_general3A_29, %dot_general3A_34 : vector<1024x128xf32>
    %get3A_36 = arith.constant 0 : index
    %get3A_37 = arith.constant 0 : index
    %get3A_38 = vector.load %arg6[%get3A_36, %get3A_37] : memref<1x128xf32, #tpu.memory_space<vmem>>, vector<1x128xf32>
    %add3A_39 = vector.broadcast %get3A_38 : vector<1x128xf32> to vector<1024x128xf32>
    %add3A_40 = arith.addf %add3A_35, %add3A_39 : vector<1024x128xf32>
    %max3A_41 = arith.constant 0.000000e+00 : f32
    %max3A_42 = vector.broadcast %max3A_41 : f32 to vector<1024x128xf32>
    %max3A_43 = arith.maximumf %add3A_40, %max3A_42 : vector<1024x128xf32>
    %swap3A = arith.constant 0 : index
    %swap3A_44 = arith.constant 0 : index
    %swap3A_45 = vector.load %arg7[%swap3A, %swap3A_44] : memref<1024x128xf32, #tpu.memory_space<vmem>>, vector<1024x128xf32>
    tpu.vector_store %arg7[%swap3A, %swap3A_44], %max3A_43 {strides = array<i32>} : memref<1024x128xf32, #tpu.memory_space<vmem>>, vector<1024x128xf32>,
    return
  }
  func.func @transform_0(%arg0: i32) -> (i32, i32) {
    %c0_i32 = arith.constant 0 : i32
    %c0_i32_0 = arith.constant 0 : i32
    return %arg0, %c0_i32 : i32, i32
  }
  func.func @transform_1(%arg0: i32) -> (i32, i32, i32) {
    %c0_i32 = arith.constant 0 : i32
    %c0_i32_0 = arith.constant 0 : i32
    %c0_i32_1 = arith.constant 0 : i32
    return %c0_i32, %arg0, %c0_i32_0 : i32, i32, i32
  }
  func.func @transform_2(%arg0: i32) -> (i32, i32, i32) {
    %c0_i32 = arith.constant 0 : i32
    %c0_i32_0 = arith.constant 0 : i32
    %c0_i32_1 = arith.constant 0 : i32
    return %c0_i32, %arg0, %c0_i32_0 : i32, i32, i32
  }
  func.func @transform_3(%arg0: i32) -> (i32, i32) {
    %c0_i32 = arith.constant 0 : i32
    %c0_i32_0 = arith.constant 0 : i32
    %c0_i32_1 = arith.constant 0 : i32
    return %c0_i32, %c0_i32_0 : i32, i32
  }
  func.func @transform_4(%arg0: i32) -> (i32, i32) {
    %c0_i32 = arith.constant 0 : i32
    %c0_i32_0 = arith.constant 0 : i32
    %c0_i32_1 = arith.constant 0 : i32
    return %c0_i32, %c0_i32_0 : i32, i32
  }
  func.func @transform_5(%arg0: i32) -> (i32, i32) {
    %c0_i32 = arith.constant 0 : i32
    %c0_i32_0 = arith.constant 0 : i32
    %c0_i32_1 = arith.constant 0 : i32
    return %c0_i32, %c0_i32_0 : i32, i32
  }
  func.func @transform_6(%arg0: i32) -> (i32, i32) {
    %c0_i32 = arith.constant 0 : i32
    %c0_i32_0 = arith.constant 0 : i32
    return %arg0, %c0_i32 : i32, i32
  }
}

module attributes {stable_mosaic.version = 14 : i64} {
  func.func @body(%arg0: i32, %arg1: memref<1024x128xf32, #tpu.memory_space<vmem>>, %arg2: memref<2x1024x128xf32, #tpu.memory_space<vmem>>, %arg3: memref<2x1024x1xf32, #tpu.memory_space<vmem>>, %arg4: memref<128x128xf32, #tpu.memory_space<vmem>>, %arg5: memref<128x128xf32, #tpu.memory_space<vmem>>, %arg6: memref<1x128xf32, #tpu.memory_space<vmem>>, %arg7: memref<128x8xf32, #tpu.memory_space<vmem>>, %arg8: memref<1x8xf32, #tpu.memory_space<vmem>>, %arg9: memref<1024x8xf32, #tpu.memory_space<vmem>>) attributes {dimension_semantics = [#tpu.dimension_semantics<arbitrary>], iteration_bounds = array<i64: 10>, scalar_prefetch = 0 : i64, scratch_operands = 0 : i64, tpu.core_type = #tpu.core_type<tc>, window_params = [{transform_indices = @transform_0, window_bounds = array<i64: 1024, 128>}, {transform_indices = @transform_1, window_bounds = array<i64: 2, 1024, 128>}, {transform_indices = @transform_2, window_bounds = array<i64: 2, 1024, 1>}, {pipeline_mode = #tpu.pipeline_mode<synchronous>, transform_indices = @transform_3, window_bounds = array<i64: 128, 128>}, {pipeline_mode = #tpu.pipeline_mode<synchronous>, transform_indices = @transform_4, window_bounds = array<i64: 128, 128>}, {pipeline_mode = #tpu.pipeline_mode<synchronous>, transform_indices = @transform_5, window_bounds = array<i64: 1, 128>}, {pipeline_mode = #tpu.pipeline_mode<synchronous>, transform_indices = @transform_6, window_bounds = array<i64: 128, 8>}, {pipeline_mode = #tpu.pipeline_mode<synchronous>, transform_indices = @transform_7, window_bounds = array<i64: 1, 8>}, {transform_indices = @transform_8, window_bounds = array<i64: 1024, 8>}]} {
    %get3A = arith.constant 0 : index
    %get3A_0 = arith.constant 0 : index
    %get3A_1 = arith.constant 0 : index
    %get3A_2 = vector.load %arg3[%get3A, %get3A_0, %get3A_1] : memref<2x1024x1xf32, #tpu.memory_space<vmem>>, vector<1x1024x1xf32>
    %get3A_3 = vector.shape_cast %get3A_2 : vector<1x1024x1xf32> to vector<1024x1xf32>
    %get3A_4 = arith.constant 1 : index
    %get3A_5 = arith.constant 0 : index
    %get3A_6 = arith.constant 0 : index
    %get3A_7 = vector.load %arg3[%get3A_4, %get3A_5, %get3A_6] : memref<2x1024x1xf32, #tpu.memory_space<vmem>>, vector<1x1024x1xf32>
    %get3A_8 = vector.shape_cast %get3A_7 : vector<1x1024x1xf32> to vector<1024x1xf32>
    %add3A = arith.addf %get3A_3, %get3A_8 : vector<1024x1xf32>
    %max3A = arith.constant 1.000000e+00 : f32
    %max3A_9 = vector.broadcast %max3A : f32 to vector<1024x1xf32>
    %max3A_10 = arith.maximumf %add3A, %max3A_9 : vector<1024x1xf32>
    %get3A_11 = arith.constant 0 : index
    %get3A_12 = arith.constant 0 : index
    %get3A_13 = arith.constant 0 : index
    %get3A_14 = vector.load %arg2[%get3A_11, %get3A_12, %get3A_13] : memref<2x1024x128xf32, #tpu.memory_space<vmem>>, vector<1x1024x128xf32>
    %get3A_15 = vector.shape_cast %get3A_14 : vector<1x1024x128xf32> to vector<1024x128xf32>
    %get3A_16 = arith.constant 1 : index
    %get3A_17 = arith.constant 0 : index
    %get3A_18 = arith.constant 0 : index
    %get3A_19 = vector.load %arg2[%get3A_16, %get3A_17, %get3A_18] : memref<2x1024x128xf32, #tpu.memory_space<vmem>>, vector<1x1024x128xf32>
    %get3A_20 = vector.shape_cast %get3A_19 : vector<1x1024x128xf32> to vector<1024x128xf32>
    %add3A_21 = arith.addf %get3A_15, %get3A_20 : vector<1024x128xf32>
    %div3A = vector.broadcast %max3A_10 : vector<1024x1xf32> to vector<1024x128xf32>
    %div3A_22 = arith.divf %add3A_21, %div3A : vector<1024x128xf32>
    %get3A_23 = arith.constant 0 : index
    %get3A_24 = arith.constant 0 : index
    %get3A_25 = vector.load %arg1[%get3A_23, %get3A_24] : memref<1024x128xf32, #tpu.memory_space<vmem>>, vector<1024x128xf32>
    %get3A_26 = arith.constant 0 : index
    %get3A_27 = arith.constant 0 : index
    %get3A_28 = vector.load %arg4[%get3A_26, %get3A_27] : memref<128x128xf32, #tpu.memory_space<vmem>>, vector<128x128xf32>
    %dot_general3A = arith.constant dense<0.000000e+00> : vector<1024x128xf32>
    %dot_general3A_29 = tpu.matmul %get3A_25, %get3A_28, %dot_general3A {dimension_numbers = #tpu.dot_dimension_numbers<[1], [0], [0], [1], [0, 0, 1, 1], [], []>, transpose_lhs_hint = false} : vector<1024x128xf32>, vector<128x128xf32>, vector<1024x128xf32> -> vector<1024x128xf32>
    %get3A_30 = arith.constant 0 : index
    %get3A_31 = arith.constant 0 : index
    %get3A_32 = vector.load %arg5[%get3A_30, %get3A_31] : memref<128x128xf32, #tpu.memory_space<vmem>>, vector<128x128xf32>
    %dot_general3A_33 = arith.constant dense<0.000000e+00> : vector<1024x128xf32>
    %dot_general3A_34 = tpu.matmul %div3A_22, %get3A_32, %dot_general3A_33 {dimension_numbers = #tpu.dot_dimension_numbers<[1], [0], [0], [1], [0, 0, 1, 1], [], []>, transpose_lhs_hint = false} : vector<1024x128xf32>, vector<128x128xf32>, vector<1024x128xf32> -> vector<1024x128xf32>
    %add3A_35 = arith.addf %dot_general3A_29, %dot_general3A_34 : vector<1024x128xf32>
    %get3A_36 = arith.constant 0 : index
    %get3A_37 = arith.constant 0 : index
    %get3A_38 = vector.load %arg6[%get3A_36, %get3A_37] : memref<1x128xf32, #tpu.memory_space<vmem>>, vector<1x128xf32>
    %add3A_39 = vector.broadcast %get3A_38 : vector<1x128xf32> to vector<1024x128xf32>
    %add3A_40 = arith.addf %add3A_35, %add3A_39 : vector<1024x128xf32>
    %max3A_41 = arith.constant 0.000000e+00 : f32
    %max3A_42 = vector.broadcast %max3A_41 : f32 to vector<1024x128xf32>
    %max3A_43 = arith.maximumf %add3A_40, %max3A_42 : vector<1024x128xf32>
    %get3A_44 = arith.constant 0 : index
    %get3A_45 = arith.constant 0 : index
    %get3A_46 = vector.load %arg7[%get3A_44, %get3A_45] : memref<128x8xf32, #tpu.memory_space<vmem>>, vector<128x8xf32>
    %dot_general3A_47 = arith.constant dense<0.000000e+00> : vector<1024x8xf32>
    %dot_general3A_48 = tpu.matmul %max3A_43, %get3A_46, %dot_general3A_47 {dimension_numbers = #tpu.dot_dimension_numbers<[1], [0], [0], [1], [0, 0, 1, 1], [], []>, transpose_lhs_hint = false} : vector<1024x128xf32>, vector<128x8xf32>, vector<1024x8xf32> -> vector<1024x8xf32>
    %get3A_49 = arith.constant 0 : index
    %get3A_50 = arith.constant 0 : index
    %get3A_51 = vector.load %arg8[%get3A_49, %get3A_50] : memref<1x8xf32, #tpu.memory_space<vmem>>, vector<1x8xf32>
    %add3A_52 = vector.broadcast %get3A_51 : vector<1x8xf32> to vector<1024x8xf32>
    %add3A_53 = arith.addf %dot_general3A_48, %add3A_52 : vector<1024x8xf32>
    %sub3A = arith.constant 5.000000e-01 : f32
    %sub3A_54 = vector.broadcast %sub3A : f32 to vector<1024x8xf32>
    %sub3A_55 = arith.subf %add3A_53, %sub3A_54 : vector<1024x8xf32>
    %div3A_56 = arith.constant 1.000000e+00 : f32
    %div3A_57 = vector.broadcast %div3A_56 : f32 to vector<1024x8xf32>
    %div3A_58 = arith.divf %sub3A_55, %div3A_57 : vector<1024x8xf32>
    %mul3A = arith.constant -5.000000e-01 : f32
    %mul3A_59 = vector.broadcast %mul3A : f32 to vector<1024x8xf32>
    %mul3A_60 = arith.mulf %mul3A_59, %div3A_58 : vector<1024x8xf32>
    %mul3A_61 = arith.mulf %mul3A_60, %div3A_58 : vector<1024x8xf32>
    %exp3A = math.exp %mul3A_61 : vector<1024x8xf32>
    %swap3A = arith.constant 0 : index
    %swap3A_62 = arith.constant 0 : index
    %swap3A_63 = vector.load %arg9[%swap3A, %swap3A_62] : memref<1024x8xf32, #tpu.memory_space<vmem>>, vector<1024x8xf32>
    tpu.vector_store %arg9[%swap3A, %swap3A_62], %exp3A {strides = array<i32>} : memref<1024x8xf32, #tpu.memory_space<vmem>>, vector<1024x8xf32>,
    return
  }
  func.func @transform_0(%arg0: i32) -> (i32, i32) {
    %c0_i32 = arith.constant 0 : i32
    %c0_i32_0 = arith.constant 0 : i32
    return %arg0, %c0_i32 : i32, i32
  }
  func.func @transform_1(%arg0: i32) -> (i32, i32, i32) {
    %c0_i32 = arith.constant 0 : i32
    %c0_i32_0 = arith.constant 0 : i32
    %c0_i32_1 = arith.constant 0 : i32
    return %c0_i32, %arg0, %c0_i32_0 : i32, i32, i32
  }
  func.func @transform_2(%arg0: i32) -> (i32, i32, i32) {
    %c0_i32 = arith.constant 0 : i32
    %c0_i32_0 = arith.constant 0 : i32
    %c0_i32_1 = arith.constant 0 : i32
    return %c0_i32, %arg0, %c0_i32_0 : i32, i32, i32
  }
  func.func @transform_3(%arg0: i32) -> (i32, i32) {
    %c0_i32 = arith.constant 0 : i32
    %c0_i32_0 = arith.constant 0 : i32
    %c0_i32_1 = arith.constant 0 : i32
    return %c0_i32, %c0_i32_0 : i32, i32
  }
  func.func @transform_4(%arg0: i32) -> (i32, i32) {
    %c0_i32 = arith.constant 0 : i32
    %c0_i32_0 = arith.constant 0 : i32
    %c0_i32_1 = arith.constant 0 : i32
    return %c0_i32, %c0_i32_0 : i32, i32
  }
  func.func @transform_5(%arg0: i32) -> (i32, i32) {
    %c0_i32 = arith.constant 0 : i32
    %c0_i32_0 = arith.constant 0 : i32
    %c0_i32_1 = arith.constant 0 : i32
    return %c0_i32, %c0_i32_0 : i32, i32
  }
  func.func @transform_6(%arg0: i32) -> (i32, i32) {
    %c0_i32 = arith.constant 0 : i32
    %c0_i32_0 = arith.constant 0 : i32
    %c0_i32_1 = arith.constant 0 : i32
    return %c0_i32, %c0_i32_0 : i32, i32
  }
  func.func @transform_7(%arg0: i32) -> (i32, i32) {
    %c0_i32 = arith.constant 0 : i32
    %c0_i32_0 = arith.constant 0 : i32
    %c0_i32_1 = arith.constant 0 : i32
    return %c0_i32, %c0_i32_0 : i32, i32
  }
  func.func @transform_8(%arg0: i32) -> (i32, i32) {
    %c0_i32 = arith.constant 0 : i32
    %c0_i32_0 = arith.constant 0 : i32
    return %arg0, %c0_i32 : i32, i32
  }
}

</mosaic_0001>

<sc_bundles>
// kernel: kernel.6.cloned.1.call-start
scs
__scs_entry_jumppad:
0x0: {  	(pc) =	sbr.rel $0x88, $3  }
0x1: {  	(tag) =	ssettag $0x0;
	lr =	simm.s32 $0x1  }
0x2: {  	[smem:$0x3F97] =	sst lr;
	_ =	strace $0xD0000000  }
0x3: {  	_ = 	snop  }
0x4: {  	_ = 	snop  }
0x5: {  	_ = 	snop  }
0x6: {  	_ = 	snop  }
0x7: {  	_ = 	snop  }
__scs_overlays_trampoline_lowered:
0x8: {  	[smem:$0x3FA6] =	sst s0  }
0x9: {  	[smem:$0x3FA7] =	sst s1  }
0xa: {  	[smem:$0x3FA8] =	sst s2  }
0xb: {  	[smem:$0x3FA9] =	sst s3  }
0xc: {  	[smem:$0x3FAA] =	sst s4  }
0xd: {  	[smem:$0x3FAB] =	sst s5  }
0xe: {  	[smem:$0x3FAC] =	sst s6  }
0xf: {  	[smem:$0x3FAD] =	sst s7  }
0x10: {  	[smem:$0x3FAE] =	sst s8  }
0x11: {  	[smem:$0x3FAF] =	sst s9;
	s0 =	simm.s32 @!p0 $0x0  }
0x12: {  	s1 =	sld [smem:$0x3F95];
	s0 =	simm.s32 @p0 $0x1  }
0x13: {  	[smem:$0x3FB0] =	sst s0;
	s0 =	simm.s32 @!p1 $0x0  }
0x14: {  	s2 =	sld [smem:$0x3F94];
	s0 =	simm.s32 @p1 $0x1  }
0x15: {  	[smem:$0x3FB1] =	sst s0;
	s0 =	simm.s32 @!p2 $0x0  }
0x16: {  	s3 =	sld [smem:$0x3FDB];
	s0 =	simm.s32 @p2 $0x1  }
0x17: {  	s4 =	simm.s32 $0x1BF5;
	[smem:$0x3FB3] =	sst s0  }
0x18: {  	s0 =	sld [smem:$0x3F96];
	_ =	swait.ge [sflag:s4], $0x0  }
0x19: {  	s7 =	sld [smem:$0x3F97]  }
0x1a: {  	s8 =	sadd.s32 $0xFFFFE003, lr  }
0x1b: {  	s9 =	sadd.s32 $0xFFFFFEF7, lr;
	s5 =	simm.s32 $0xFFFFFFFF;
	p2 =	slt.u32 s8, $0xFFFFF086  }
0x1c: {  	p1 =	slt.u32 s9, $0xF7A;
	s5 =	simm.s32 @!p2 $0x0  }
0x1d: {  	s5 =	simm.s32 @p1 $0x1;
	p0 =	seq.s32 s7, s2  }
0x1e: {  	s7 =	smul.u32 @!p0 $0xF7A, s2;
	p2 =	seq.s32 @!p0 s5, $0x0  }
0x1f: {  	s9 =	smul.u32 $0xF7A, s1;
	s8 =	simm.s32 @!p0 $0x1BF5;
	p2 =	por !p2, p0  }
0x20: {  	[sflag:s8] =	ssyncset.s32 @!p0 $0xFFFFF086;
	s6 =	sadd.s32 @!p0 s3, s7;
	s7 =	simm.s32 @!p0 $0x108  }
0x21: {  	s3 =	sadd.s32 s3, s9;
	s6 =	sadd.s32 @!p0 $0x88, s6;
	s7 =	simm.s32 @p2 $0x1082  }
0x22: {  	[simem:s7], [sflag:s8] =	dma.local @!p0 [hbm:s6], $0xF7A  }
0x23: {  	s9 =	sor.u32 $0xD0000000, s2;
	s6 =	simm.s32 $0x108;
	_ =	swait.ge @!p0 [sflag:s8], $0x0  }
0x24: {  	s3 =	sadd.s32 $0x88, s3;
	s6 =	simm.s32 @!p1 $0x1082;
	[sflag:s4] =	ssyncset.s32 $0xFFFFF086  }
0x25: {  	[simem:s6], [sflag:s4] =	dma.local [hbm:s3], $0xF7A  }
0x26: {  	[smem:$0x3F97] =	sst s1;
	(tag) =	ssettag s2;
	_ =	strace s9  }
0x27: {  	s1 =	sld [smem:$0x3FA7]  }
0x28: {  	s2 =	sld [smem:$0x3FA8]  }
0x29: {  	s4 =	sld [smem:$0x3FAA]  }
0x2a: {  	p0 =	seq.s32 s5, $0x0;
	s5 =	sld [smem:$0x3FAB]  }
0x2b: {  	s6 =	sld [smem:$0x3FAC]  }
0x2c: {  	s7 =	sld [smem:$0x3FAD]  }
0x2d: {  	s3 =	simm.s32 $0x108;
	s8 =	sld [smem:$0x3FAE]  }
0x2e: {  	s3 =	simm.s32 @!p0 $0x1082;
	s9 =	sld [smem:$0x3FAF]  }
0x2f: {  	lr =	sadd.s32 s0, s3;
	s0 =	sld [smem:$0x3FA6]  }
0x30: {  	s3 =	sld [smem:$0x3FA9]  }
0x31: {  	[smem:$0x3FB2] =	sst s10  }
0x32: {  	s10 =	sld [smem:$0x3FB0];
	_ =	sdelay $0x3  }
0x33: {  	p0 =	seq.s32 s10, $0x1;
	s10 =	sld [smem:$0x3FB2];
	_ =	sdelay $0x3  }
0x34: {  	[smem:$0x3FB2] =	sst s10  }
0x35: {  	s10 =	sld [smem:$0x3FB1];
	_ =	sdelay $0x3  }
0x36: {  	p1 =	seq.s32 s10, $0x1;
	s10 =	sld [smem:$0x3FB2];
	_ =	sdelay $0x3  }
0x37: {  	[smem:$0x3FB2] =	sst s10  }
0x38: {  	s10 =	sld [smem:$0x3FB3]  }
0x39: {  	_ = 	snop;
	(pc) =	sbr.ind lr, $3  }
0x3a: {  	_ = 	snop  }
0x3b: {  	_ = 	snop  }
0x3c: {  	p2 =	seq.s32 s10, $0x1;
	s10 =	sld [smem:$0x3FB2]  }
0x3d: {  	_ =	shalt  }
0x3e: {  	_ =	shalt  }
0x3f: {  	_ =	shalt  }
0x40: {  	_ =	shalt  }
0x41: {  	_ =	shalt  }
0x42: {  	_ =	shalt  }
0x43: {  	_ =	shalt  }
0x44: {  	_ =	shalt  }
0x45: {  	_ =	shalt  }
0x46: {  	_ =	shalt  }
0x47: {  	_ =	shalt  }
0x48: {  	_ =	shalt  }
0x49: {  	_ =	shalt  }
0x4a: {  	_ =	shalt  }
0x4b: {  	_ =	shalt  }
0x4c: {  	_ =	shalt  }
0x4d: {  	_ =	shalt  }
0x4e: {  	_ =	shalt  }
0x4f: {  	_ =	shalt  }
0x50: {  	_ =	shalt  }
0x51: {  	_ =	shalt  }
0x52: {  	_ =	shalt  }
0x53: {  	_ =	shalt  }
0x54: {  	_ =	shalt  }
0x55: {  	_ =	shalt  }
0x56: {  	_ =	shalt  }
0x57: {  	_ =	shalt  }
0x58: {  	_ =	shalt  }
0x59: {  	_ =	shalt  }
0x5a: {  	_ =	shalt  }
0x5b: {  	_ =	shalt  }
0x5c: {  	_ =	shalt  }
0x5d: {  	_ =	shalt  }
0x5e: {  	_ =	shalt  }
0x5f: {  	_ =	shalt  }
0x60: {  	_ =	shalt  }
0x61: {  	_ =	shalt  }
0x62: {  	_ =	shalt  }
0x63: {  	_ =	shalt  }
0x64: {  	_ =	shalt  }
0x65: {  	_ =	shalt  }
0x66: {  	_ =	shalt  }
0x67: {  	_ =	shalt  }
0x68: {  	_ =	shalt  }
0x69: {  	_ =	shalt  }
0x6a: {  	_ =	shalt  }
0x6b: {  	_ =	shalt  }
0x6c: {  	_ =	shalt  }
0x6d: {  	_ =	shalt  }
0x6e: {  	_ =	shalt  }
0x6f: {  	_ =	shalt  }
0x70: {  	_ =	shalt  }
0x71: {  	_ =	shalt  }
0x72: {  	_ =	shalt  }
0x73: {  	_ =	shalt  }
0x74: {  	_ =	shalt  }
0x75: {  	_ =	shalt  }
0x76: {  	_ =	shalt  }
0x77: {  	_ =	shalt  }
0x78: {  	_ =	shalt  }
0x79: {  	_ =	shalt  }
0x7a: {  	_ =	shalt  }
0x7b: {  	_ =	shalt  }
0x7c: {  	_ =	shalt  }
0x7d: {  	_ =	shalt  }
0x7e: {  	_ =	shalt  }
0x7f: {  	_ =	shalt  }
0x80: {  	_ =	shalt  }
0x81: {  	_ =	shalt  }
0x82: {  	_ =	shalt  }
0x83: {  	_ =	shalt  }
0x84: {  	_ =	shalt  }
0x85: {  	_ =	shalt  }
0x86: {  	_ =	shalt  }
0x87: {  	_ =	shalt  }
.Lfunc_end0:
.L_simem_size_0:
called_computation_lowered:
.L_overlay_start_0:
0x88: {  	s2 =	sld [smem:$0x3FD9]  }
0x89: {  	s3 =	sld [smem:$0x3FFE];
	_ =	sdelay $0x1  }
0x8a: {  	s1 =	srdreg.scid  }
0x8b: {  	s0 =	sand.u32 $0x1, s1  }
0x8c: {  	s16 =	sshll.u32 s0, $0xA;
	s2 =	sadd.s32 s3, s2  }
0x8d: {  	s2 =	sadd.s32 s2, s16  }
0x8e: {  	[smem:$0x3FBE] =	sst s2  }
0x8f: {  	_ = 	snop  }
0x90: {  	(tm) =	ssettm $0x1  }
0x91: {  	s17 =	sld [smem:$0x3FFB];
	_ =	sdelay $0x3  }
0x92: {  	_ =	strace s17  }
0x93: {  	s2 =	sld [smem:$0x3FFC];
	_ =	sdelay $0x3  }
0x94: {  	_ =	strace s2  }
0x95: {  	s2 =	sld [smem:$0x3FFD];
	_ =	sdelay $0x3  }
0x96: {  	_ =	strace s2  }
0x97: {  	_ =	strace $0x8FFFFFFF  }
0x98: {  	s18 =	sld [smem:$0x3FDB];
	_ =	sdelay $0x1  }
0x99: {  	s19 =	simm.s32 $_scs_section_size  }
0x9a: {  	s4 =	simm.s32 $_size__tile_overlayer_lowered;
	s5 =	simm.s32 $_tile_overlayer_lowered  }
0x9b: {  	s22 =	simm.s32 $0x1BFF;
	s21 =	sshll.u32 s5, $0x1;
	s2 =	sadd.s32 s19, s18  }
0x9c: {  	s6 =	simm.s32 $0x0;
	s20 =	sshll.u32 s4, $0x1;
	s4 =	sadd.s32 s21, s2  }
0x9d: {  	[timem:s6], [sflag:s22] =	dma.local [hbm:s4], s20  }
0x9e: {  	_ =	swait.ge [sflag:s22], s20  }
0x9f: {  	s3 =	ssub.s32 $0x0, s20;
	[sflag:s22] =	ssyncset.done $0x0  }
0xa0: {  	[sflag:s22] =	ssyncadd.s32 s3;
	_ =	sdelay $0x1  }
0xa1: {  	s23 =	simm.s32 $0x1B8B  }
0xa2: {  	_ =	swait.ge [sflag:s23], $0x1  }
0xa3: {  	[sflag:s23] =	ssyncset.done $0x0  }
0xa4: {  	s25 =	simm.s32 $0x1B8E;
	s24 =	sld [smem:$0x3FFE];
	[sflag:s23] =	ssyncadd.s32 $0xFFFFFFFF  }
0xa5: {  	s26 =	simm.s32 $execute0_lowered;
	[smem:$0x3FD2] =	sst s25  }
0xa6: {  	s4 =	sshll.u32 s26, $0x1;
	_ =	strace $0x80000046;
	[dreg:$0x1] =	wrdreg $0xFFFFFFFF  }
0xa7: {  	s28 =	simm.s32 $_size_execute0_lowered;
	s2 =	sadd.s32 s2, s4;
	[dreg:$0x0] =	wrdreg $0x0  }
0xa8: {  	s4 =	sshll.u32 s28, $0x1;
	[dreg:$0x2] =	wrdreg s2  }
0xa9: {  	[dreg:$0x3] =	wrdreg s4  }
0xaa: {  	[dreg:$0x4] =	wrdreg $0xC0  }
0xab: {  	_ =	task [dreg:s6], $0x5FFFF  }
0xac: {  	[dreg:$0x1] =	wrdreg $0xFFFFFFFF  }
0xad: {  	[dreg:$0x0] =	wrdreg $0x60  }
0xae: {  	[dreg:$0x2] =	wrdreg s24  }
0xaf: {  	[dreg:$0x3] =	wrdreg $0x68000  }
0xb0: {  	[dreg:$0x4] =	wrdreg $0x1AB000  }
0xb1: {  	[dreg:$0x5] =	wrdreg $0x9  }
0xb2: {  	_ =	task.clear_ibuf [dreg:s6], $0x6FFFF;
	_ =	strace $0x90000046  }
0xb3: {  	s29 =	simm.s32 $0x9;
	_ =	strace $0x80000048  }
0xb4: {  	_ =	swait.ge [sflag:s29], $0x1  }
0xb5: {  	[sflag:s29] =	ssyncadd.s32 $0xFFFFFFFF  }
0xb6: {  	_ =	strace $0x90000048  }
0xb7: {  	_ =	sfence  }
0xb8: {  	s30 =	sld [smem:$0x0];
	_ =	sdelay $0x2  }
0xb9: {  	s31 =	sshll.u32 s1, $0xD;
	s1 =	sshrl.u32 s1, $0x2  }
0xba: {  	s3 =	sand.u32 $0x4000, s31;
	s1 =	sadd.s32 s1, s30  }
0xbb: {  	s0 =	sor.u32 s3, s0;
	s1 =	sshll.u32 s1, $0x11  }
0xbc: {  	s0 =	sor.u32 s1, s0  }
0xbd: {  	s0 =	sadd.s32 $0x8F2B, s0  }
0xbe: {  	[sflag:s0] =	ssyncadd.remote.s32 $0x1  }
0xbf: {  	_ =	sfence.sel $0xFFFF  }
0xc0: {  	[dreg:$0x0] =	wrdreg $0xFFFFFFFF;
	(pc) =	sbr.abs _section_cstart, $3  }
0xc1: {  	[dreg:$0x1] =	wrdreg $0xFFFFFFFF  }
0xc2: {  	_ =	task.clear_ibuf [dreg:s6], $0x2FFFF;
	_ =	strace $0x9FFFFFFF  }
0xc3: {  	(tm) =	ssettm $0x7FFFFFFF  }
tec
execute0_lowered:
.L_overlay_start_1:
0x0: {  	(tag) =	ssettag $0x1  }
0x1: {  	s0 =	rddreg [dreg:$0x0]  }
0x2: {  	s2 =	rddreg [dreg:$0x1]  }
0x3: {  	s3 =	rddreg [dreg:$0x2];
	s1 =	srdreg.scid  }
0x4: {  	s12 =	stileid.u32;
	s14 =	simm.s32 $0x0;
	s15 =	simm.s32 $0x6000  }
0x5: {  	s16 =	simm.s32 $0x5;
	s19 =	simm.s32 $0x20;
	s20 =	simm.s32 $0x2000  }
0x6: {  	s28 =	simm.s32 $0x1A800;
	s29 =	simm.s32 $0x2;
	s5 =	smul.u32 $0x14000, s12  }
0x7: {  	s30 =	simm.s32 $0x3;
	s31 =	simm.s32 $0x4;
	s9 =	smul.u32 $0x500, s12  }
0x8: {  	s17 =	simm.s32 $0x1E00;
	s1 =	sand.u32 $0x1, s1;
	s11 =	smul.u32 $0x50000, s12  }
0x9: {  	[smem:$0x7FF] =	sst s14;
	s6 =	sadd.s32 $0x52400, s0;
	s12 =	smul.u32 $0xA00, s12  }
0xa: {  	s7 =	sadd.s32 $0x2400, s0;
	s8 =	sadd.s32 $0x2A400, s0;
	s4 =	smul.u32 $0x140000, s1  }
0xb: {  	_ =	strace $0x80000047;
	s10 =	sshll.u32 s1, $0x7;
	s21 =	ssub.s32 $0x2, s1  }
0xc: {  	s23 =	sxor.u32 $0x1, s1;
	p0 =	sne.s32 s1, $0x0;
	s1 =	simm.s32 $0x1E80  }
0xd: {  	s9 =	sor.u32 s10, s9;
	s22 =	sshrl.u32 s21, $0x1;
	s24 =	sshrl.u32 s11, $0x2  }
0xe: {  	s25 =	sshrl.u32 s12, $0x2;
	s12 =	simm.s32 $0x1F00;
	s4 =	sadd.s32 s5, s4  }
0xf: {  	s9 =	sshrl.u32 s9, $0x3;
	s13 =	ssub.s32 s21, s22;
	s10 =	sadd.s32 s24, s2  }
0x10: {  	s18 =	sadd.s32 s25, s3;
	s22 =	simm.s32 $0x3000;
	s24 =	simm.s32 $0x4000  }
.Ltmp0:
0x11: {  	s25 =	simm.s32 $0x5000;
	s4 =	sshrl.u32 s4, $0x3;
	(pc) =	sbr.rel .LBB2_1-.Ltmp0, $4  }
0x12: {  	s26 =	smax.u32 s13, $0x1;
	[dreg:$0x5] =	wrdreg s18;
	s4 =	sadd.s32 s4, s0  }
0x13: {  	s0 =	sadd.s32 s9, s0;
	[dreg:$0x8] =	wrdreg s26;
	s4 =	sadd.s32 $0x7AE00, s4  }
0x14: {  	s13 =	simm.s32 $0x1F80;
	s0 =	sadd.s32 $0x7A400, s0;
	[dreg:$0x6] =	wrdreg s4  }
0x15: {  	v0 =	vimm.f32 $0.0e+00;
	v1 =	vimm.f32 $1.000000000e+00;
	s9 =	smul.u32 $0x14, s23;
	s26 =	simm.s32 $0x1;
	[dreg:$0x7] =	wrdreg s0  }
.LBB2_7:
0x16: {  	s0 =	stileid.u32  }
0x17: {  	[bflag:$0x0] =	sbarrier.arrive $0xFFFF;
	s0 =	sshll.u32 s0, $0x6  }
0x18: {  	s4 =	sshrl.u32 s10, $0x3;
	s11 =	rddreg [dreg:$0x6];
	s0 =	sor.u32 $0x1C05, s0  }
0x19: {  	[hbm:s11], [sflag:s0] =	dma.local [spmem:s4], $0x2800  }
0x1a: {  	_ =	swait.ge [sflag:s16], $0x2800  }
0x1b: {  	s14 =	simm.s32 $0x10;
	[sflag:s16] =	ssyncset.done $0x0;
	s18 =	rddreg [dreg:$0x5]  }
0x1c: {  	s23 =	rddreg [dreg:$0x7];
	[sflag:s16] =	ssyncadd.s32 $0xFFFFD800;
	s21 =	sshrl.u32 s18, $0x3  }
0x1d: {  	[hbm:s23@s19], [sflag:s0] =	dma.strided [spmem:s21@s14], $0x50, s26, $0x10   }
0x1e: {  	_ =	swait.ge [sflag:s16], $0x50  }
0x1f: {  	s21 =	rddreg [dreg:$0x4]  }
0x20: {  	s23 =	rddreg [dreg:$0x8];
	s14 =	sadd.s32 $0x1, s21  }
0x21: {  	p1 =	sne.s32 s14, s23  }
.Ltmp1:
0x22: {  	_ = 	snop;
	(pc) =	sbr.rel @!p1 .LBB2_8-.Ltmp1, $3  }
0x23: {  	_ =	sdelay $0x1  }
0x24: {  	[sflag:s16] =	ssyncset.done $0x0  }
0x25: {  	[sflag:s16] =	ssyncadd.s32 $0xFFFFFFB0  }
.LBB2_1:
0x26: {  	[tilespmem:$0x6000] =	vst v0  }
0x27: {  	[tilespmem:$0x6010] =	vst v0  }
0x28: {  	[tilespmem:$0x6020] =	vst v0  }
0x29: {  	[tilespmem:$0x6030] =	vst v0  }
0x2a: {  	[tilespmem:$0x6040] =	vst v0  }
0x2b: {  	[tilespmem:$0x6050] =	vst v0  }
0x2c: {  	[tilespmem:$0x6060] =	vst v0  }
0x2d: {  	[tilespmem:$0x6070] =	vst v0  }
0x2e: {  	[tilespmem:$0x6080] =	vst v0  }
0x2f: {  	[tilespmem:$0x6090] =	vst v0  }
0x30: {  	[tilespmem:$0x60A0] =	vst v0  }
0x31: {  	[tilespmem:$0x60B0] =	vst v0  }
0x32: {  	[tilespmem:$0x60C0] =	vst v0  }
0x33: {  	[tilespmem:$0x60D0] =	vst v0  }
0x34: {  	[tilespmem:$0x60E0] =	vst v0  }
0x35: {  	[tilespmem:$0x60F0] =	vst v0  }
0x36: {  	[tilespmem:$0x6100] =	vst v0  }
0x37: {  	[tilespmem:$0x6110] =	vst v0  }
0x38: {  	[tilespmem:$0x6120] =	vst v0  }
0x39: {  	[tilespmem:$0x6130] =	vst v0  }
0x3a: {  	[tilespmem:$0x6140] =	vst v0  }
0x3b: {  	[tilespmem:$0x6150] =	vst v0  }
0x3c: {  	[tilespmem:$0x6160] =	vst v0  }
0x3d: {  	[tilespmem:$0x6170] =	vst v0  }
0x3e: {  	[tilespmem:$0x6180] =	vst v0  }
0x3f: {  	[tilespmem:$0x6190] =	vst v0  }
0x40: {  	[tilespmem:$0x61A0] =	vst v0  }
0x41: {  	[tilespmem:$0x61B0] =	vst v0  }
0x42: {  	[tilespmem:$0x61C0] =	vst v0  }
0x43: {  	[tilespmem:$0x61D0] =	vst v0  }
0x44: {  	[tilespmem:$0x61E0] =	vst v0  }
0x45: {  	[tilespmem:$0x61F0] =	vst v0  }
0x46: {  	[tilespmem:$0x6200] =	vst v0  }
0x47: {  	[tilespmem:$0x6210] =	vst v0  }
0x48: {  	[tilespmem:$0x6220] =	vst v0  }
0x49: {  	[tilespmem:$0x6230] =	vst v0  }
0x4a: {  	[tilespmem:$0x6240] =	vst v0  }
0x4b: {  	[tilespmem:$0x6250] =	vst v0  }
0x4c: {  	[tilespmem:$0x6260] =	vst v0  }
0x4d: {  	[tilespmem:$0x6270] =	vst v0  }
0x4e: {  	[tilespmem:$0x6280] =	vst v0  }
0x4f: {  	[tilespmem:$0x6290] =	vst v0  }
0x50: {  	[tilespmem:$0x62A0] =	vst v0  }
0x51: {  	[tilespmem:$0x62B0] =	vst v0  }
0x52: {  	[tilespmem:$0x62C0] =	vst v0  }
0x53: {  	[tilespmem:$0x62D0] =	vst v0  }
0x54: {  	[tilespmem:$0x62E0] =	vst v0  }
0x55: {  	[tilespmem:$0x62F0] =	vst v0  }
0x56: {  	[tilespmem:$0x6300] =	vst v0  }
0x57: {  	[tilespmem:$0x6310] =	vst v0  }
0x58: {  	[tilespmem:$0x6320] =	vst v0  }
0x59: {  	[tilespmem:$0x6330] =	vst v0  }
0x5a: {  	[tilespmem:$0x6340] =	vst v0  }
0x5b: {  	[tilespmem:$0x6350] =	vst v0  }
0x5c: {  	[tilespmem:$0x6360] =	vst v0  }
0x5d: {  	[tilespmem:$0x6370] =	vst v0  }
0x5e: {  	[tilespmem:$0x6380] =	vst v0  }
0x5f: {  	[tilespmem:$0x6390] =	vst v0  }
0x60: {  	[tilespmem:$0x63A0] =	vst v0  }
0x61: {  	[tilespmem:$0x63B0] =	vst v0  }
0x62: {  	[tilespmem:$0x63C0] =	vst v0  }
0x63: {  	[tilespmem:$0x63D0] =	vst v0  }
0x64: {  	[tilespmem:$0x63E0] =	vst v0  }
0x65: {  	[tilespmem:$0x63F0] =	vst v0  }
0x66: {  	[tilespmem:$0x6400] =	vst v0  }
0x67: {  	[tilespmem:$0x6410] =	vst v0  }
0x68: {  	[tilespmem:$0x6420] =	vst v0  }
0x69: {  	[tilespmem:$0x6430] =	vst v0  }
0x6a: {  	[tilespmem:$0x6440] =	vst v0  }
0x6b: {  	[tilespmem:$0x6450] =	vst v0  }
0x6c: {  	[tilespmem:$0x6460] =	vst v0  }
0x6d: {  	[tilespmem:$0x6470] =	vst v0  }
0x6e: {  	[tilespmem:$0x6480] =	vst v0  }
0x6f: {  	[tilespmem:$0x6490] =	vst v0  }
0x70: {  	[tilespmem:$0x64A0] =	vst v0  }
0x71: {  	[tilespmem:$0x64B0] =	vst v0  }
0x72: {  	[tilespmem:$0x64C0] =	vst v0  }
0x73: {  	[tilespmem:$0x64D0] =	vst v0  }
0x74: {  	[tilespmem:$0x64E0] =	vst v0  }
0x75: {  	[tilespmem:$0x64F0] =	vst v0  }
0x76: {  	[tilespmem:$0x6500] =	vst v0  }
0x77: {  	[tilespmem:$0x6510] =	vst v0  }
0x78: {  	[tilespmem:$0x6520] =	vst v0  }
0x79: {  	[tilespmem:$0x6530] =	vst v0  }
0x7a: {  	[tilespmem:$0x6540] =	vst v0  }
0x7b: {  	[tilespmem:$0x6550] =	vst v0  }
0x7c: {  	[tilespmem:$0x6560] =	vst v0  }
0x7d: {  	[tilespmem:$0x6570] =	vst v0  }
0x7e: {  	[tilespmem:$0x6580] =	vst v0  }
0x7f: {  	[tilespmem:$0x6590] =	vst v0  }
0x80: {  	[tilespmem:$0x65A0] =	vst v0  }
0x81: {  	[tilespmem:$0x65B0] =	vst v0  }
0x82: {  	[tilespmem:$0x65C0] =	vst v0  }
0x83: {  	[tilespmem:$0x65D0] =	vst v0  }
0x84: {  	[tilespmem:$0x65E0] =	vst v0  }
0x85: {  	[tilespmem:$0x65F0] =	vst v0  }
0x86: {  	[tilespmem:$0x6600] =	vst v0  }
0x87: {  	[tilespmem:$0x6610] =	vst v0  }
0x88: {  	[tilespmem:$0x6620] =	vst v0  }
0x89: {  	[tilespmem:$0x6630] =	vst v0  }
0x8a: {  	[tilespmem:$0x6640] =	vst v0  }
0x8b: {  	[tilespmem:$0x6650] =	vst v0  }
0x8c: {  	[tilespmem:$0x6660] =	vst v0  }
0x8d: {  	[tilespmem:$0x6670] =	vst v0  }
0x8e: {  	[tilespmem:$0x6680] =	vst v0  }
0x8f: {  	[tilespmem:$0x6690] =	vst v0  }
0x90: {  	[tilespmem:$0x66A0] =	vst v0  }
0x91: {  	[tilespmem:$0x66B0] =	vst v0  }
0x92: {  	[tilespmem:$0x66C0] =	vst v0  }
0x93: {  	[tilespmem:$0x66D0] =	vst v0  }
0x94: {  	[tilespmem:$0x66E0] =	vst v0  }
0x95: {  	[tilespmem:$0x66F0] =	vst v0  }
0x96: {  	[tilespmem:$0x6700] =	vst v0  }
0x97: {  	[tilespmem:$0x6710] =	vst v0  }
0x98: {  	[tilespmem:$0x6720] =	vst v0  }
0x99: {  	[tilespmem:$0x6730] =	vst v0  }
0x9a: {  	[tilespmem:$0x6740] =	vst v0  }
0x9b: {  	[tilespmem:$0x6750] =	vst v0  }
0x9c: {  	[tilespmem:$0x6760] =	vst v0  }
0x9d: {  	[tilespmem:$0x6770] =	vst v0  }
0x9e: {  	[tilespmem:$0x6780] =	vst v0  }
0x9f: {  	[tilespmem:$0x6790] =	vst v0  }
0xa0: {  	[tilespmem:$0x67A0] =	vst v0  }
0xa1: {  	[tilespmem:$0x67B0] =	vst v0  }
0xa2: {  	[tilespmem:$0x67C0] =	vst v0  }
0xa3: {  	[tilespmem:$0x67D0] =	vst v0  }
0xa4: {  	[tilespmem:$0x67E0] =	vst v0  }
0xa5: {  	[tilespmem:$0x67F0] =	vst v0  }
0xa6: {  	[tilespmem:$0x1A800] =	vst v1  }
0xa7: {  	[tilespmem:$0x1A810] =	vst v1  }
0xa8: {  	[tilespmem:$0x1A880] =	vst v0  }
0xa9: {  	[tilespmem:$0x1A890] =	vst v0  }
0xaa: {  	[tilespmem:$0x1A8A0] =	vst v0  }
0xab: {  	[tilespmem:$0x1A8B0] =	vst v0  }
0xac: {  	[tilespmem:$0x1A8C0] =	vst v0  }
0xad: {  	[tilespmem:$0x1A8D0] =	vst v0  }
0xae: {  	[tilespmem:$0x1A8E0] =	vst v0  }
0xaf: {  	[tilespmem:$0x1A8F0] =	vst v0  }
0xb0: {  	[tilespmem:$0x1A900] =	vst v0  }
0xb1: {  	[tilespmem:$0x1A910] =	vst v0  }
0xb2: {  	[tilespmem:$0x1A920] =	vst v0  }
0xb3: {  	[tilespmem:$0x1A930] =	vst v0  }
0xb4: {  	[tilespmem:$0x1A940] =	vst v0  }
0xb5: {  	[tilespmem:$0x1A950] =	vst v0  }
0xb6: {  	[tilespmem:$0x1A960] =	vst v0  }
0xb7: {  	[tilespmem:$0x1A970] =	vst v0  }
0xb8: {  	[tilespmem:$0x1A980] =	vst v0  }
0xb9: {  	[tilespmem:$0x1A990] =	vst v0  }
0xba: {  	[tilespmem:$0x1A9A0] =	vst v0  }
0xbb: {  	[tilespmem:$0x1A9B0] =	vst v0  }
0xbc: {  	[tilespmem:$0x1A9C0] =	vst v0  }
0xbd: {  	[tilespmem:$0x1A9D0] =	vst v0  }
0xbe: {  	[tilespmem:$0x1A9E0] =	vst v0  }
0xbf: {  	[tilespmem:$0x1A9F0] =	vst v0  }
0xc0: {  	[tilespmem:$0x1AA00] =	vst v0  }
0xc1: {  	[tilespmem:$0x1AA10] =	vst v0  }
0xc2: {  	[tilespmem:$0x1AA20] =	vst v0  }
0xc3: {  	[tilespmem:$0x1AA30] =	vst v0  }
0xc4: {  	[tilespmem:$0x1AA40] =	vst v0  }
0xc5: {  	[tilespmem:$0x1AA50] =	vst v0  }
0xc6: {  	[tilespmem:$0x1AA60] =	vst v0  }
0xc7: {  	[tilespmem:$0x1AA70] =	vst v0  }
0xc8: {  	[tilespmem:$0x1AA80] =	vst v0  }
0xc9: {  	[tilespmem:$0x1AA90] =	vst v0  }
0xca: {  	[tilespmem:$0x1AAA0] =	vst v0  }
0xcb: {  	[tilespmem:$0x1AAB0] =	vst v0  }
0xcc: {  	[tilespmem:$0x1AAC0] =	vst v0  }
0xcd: {  	[tilespmem:$0x1AAD0] =	vst v0  }
0xce: {  	[tilespmem:$0x1AAE0] =	vst v0  }
0xcf: {  	[dreg:$0x4] =	wrdreg s14;
	[tilespmem:$0x1AAF0] =	vst v0;
	s4 =	sadd.s32 $0x0, s10  }
0xd0: {  	[spmem:s4] =	stream.linear.scatter [tilespmem:s15], [sflag:$0x5], $0x800, $0x38;
	[tilespmem:$0x1AD80] =	vst v63  }
0xd1: {  	s4 =	simm.s32 $0x2000;
	_ =	swait.ge [sflag:s16], $0x800  }
.LBB2_2:
0xd2: {  	s11 =	sshra.s32 s4, $0x2;
	[sflag:s16] =	ssyncset.done $0x0;
	p1 =	sne.s32 s4, $0x4E000  }
.Ltmp2:
0xd3: {  	s11 =	sadd.s32 s11, s10;
	[sflag:s16] =	ssyncadd.s32 $0xFFFFF800;
	(pc) =	sbr.rel @p1 .LBB2_2-.Ltmp2, $3  }
0xd4: {  	[spmem:s11] =	stream.linear.scatter [tilespmem:s15], [sflag:$0x5], $0x800, $0x38;
	[tilespmem:$0x1AD80] =	vst v63  }
0xd5: {  	s4 =	sadd.s32 $0x2000, s4;
	_ =	sdelay $0x1  }
0xd6: {  	_ =	swait.ge [sflag:s16], $0x800  }
0xd7: {  	[sflag:s16] =	ssyncset.done $0x0  }
0xd8: {  	s0 =	simm.s32 $0x1A880;
	[sflag:s16] =	ssyncadd.s32 $0xFFFFF800  }
0xd9: {  	[spmem:s18] =	stream.linear.scatter [tilespmem:s0], [sflag:$0x5], $0x280, $0x38;
	[tilespmem:$0x1AD80] =	vst v63  }
.Ltmp3:
0xda: {  	_ =	swait.ge [sflag:s16], $0x280;
	(pc) =	sbr.rel @p0 .LBB2_7-.Ltmp3, $4  }
0xdb: {  	[sflag:s16] =	ssyncset.done $0x0  }
0xdc: {  	[sflag:s16] =	ssyncadd.s32 $0xFFFFFD80  }
0xdd: {  	[bflag:$0x0] =	sbarrier.arrive $0xFFFF  }
0xde: {  	s14 =	simm.s32 $0x0;
	s11 =	simm.s32 $0x0  }
.LBB2_4:
0xdf: {  	s4 =	sshll.u32 s11, $0xC  }
0xe0: {  	s4 =	sadd.s32 s5, s4  }
0xe1: {  	s4 =	sshrl.u32 s4, $0x3  }
0xe2: {  	s18 =	sadd.s32 s7, s4  }
0xe3: {  	[tilespmem:s14], [sflag:$0x5] =	stream.linear.gather [hbm4b:s18+s14], $0x1000, $0x38;
	[tilespmem:$0x1AD80] =	vst v63  }
0xe4: {  	_ =	swait.ge [sflag:s16], $0x1000  }
0xe5: {  	[sflag:s16] =	ssyncset.done $0x0  }
0xe6: {  	s0 =	simm.s32 $0x1000;
	s4 =	sadd.s32 s8, s4;
	[sflag:s16] =	ssyncadd.s32 $0xFFFFF000  }
0xe7: {  	[tilespmem:s0], [sflag:$0x5] =	stream.linear.gather [hbm4b:s4+s14], $0x1000, $0x38;
	[tilespmem:$0x1AD80] =	vst v63  }
0xe8: {  	_ =	swait.ge [sflag:s16], $0x1000  }
0xe9: {  	[sflag:s16] =	ssyncset.done $0x0  }
0xea: {  	[sflag:s16] =	ssyncadd.s32 $0xFFFFF000  }
0xeb: {  	[tilespmem:s20], [sflag:$0x1] =	stream.indirect.gather [hbm4b:s6+s19], $0x80, s14, s19, $0xb8;
	[tilespmem:$0x1AD80] =	vst v63  }
0xec: {  	s21 =	simm.s32 $0x80  }
0xed: {  	[tilespmem:s22], [sflag:$0x2] =	stream.indirect.gather [hbm4b:s6+s19], $0x80, s21, s19, $0xb8;
	[tilespmem:$0x1AD80] =	vst v63  }
0xee: {  	s23 =	simm.s32 $0x100  }
0xef: {  	[tilespmem:s24], [sflag:$0x3] =	stream.indirect.gather [hbm4b:s6+s19], $0x80, s23, s19, $0xb8;
	[tilespmem:$0x1AD80] =	vst v63  }
0xf0: {  	s0 =	simm.s32 $0x180  }
0xf1: {  	[tilespmem:s25], [sflag:$0x4] =	stream.indirect.gather [hbm4b:s6+s19], $0x80, s0, s19, $0xb8;
	[tilespmem:$0x1AD80] =	vst v63  }
0xf2: {  	_ =	swait.ge [sflag:s26], $0x1000  }
0xf3: {  	[sflag:s26] =	ssyncset.done $0x0  }
0xf4: {  	s18 =	simm.s32 $0x1000;
	[sflag:s26] =	ssyncadd.s32 $0xFFFFF000  }
0xf5: {  	[spmem:s2] =	stream.indirect.scatter.add.f32 [tilespmem:s20], [sflag:$0x5], $0x80, s18, s19, $0xb8;
	[tilespmem:$0x1AD80] =	vst v63  }
0xf6: {  	_ =	swait.ge [sflag:s16], $0x1000  }
0xf7: {  	[sflag:s16] =	ssyncset.done $0x0  }
0xf8: {  	[sflag:s16] =	ssyncadd.s32 $0xFFFFF000  }
0xf9: {  	[spmem:s3] =	stream.indirect.scatter.add.f32 [tilespmem:s28], [sflag:$0x5], $0x1, s18, s19, $0xb8;
	[tilespmem:$0x1AD80] =	vst v63  }
0xfa: {  	_ =	swait.ge [sflag:s16], $0x20  }
0xfb: {  	[sflag:s16] =	ssyncset.done $0x0  }
0xfc: {  	s21 =	simm.s32 $0x200;
	[sflag:s16] =	ssyncadd.s32 $0xFFFFFFE0  }
0xfd: {  	[tilespmem:s20], [sflag:$0x1] =	stream.indirect.gather [hbm4b:s6+s19], $0x80, s21, s19, $0xb8;
	[tilespmem:$0x1AD80] =	vst v63  }
0xfe: {  	_ =	swait.ge [sflag:s29], $0x1000  }
0xff: {  	[sflag:s29] =	ssyncset.done $0x0  }
0x100: {  	s23 =	simm.s32 $0x1080;
	[sflag:s29] =	ssyncadd.s32 $0xFFFFF000  }
0x101: {  	[spmem:s2] =	stream.indirect.scatter.add.f32 [tilespmem:s22], [sflag:$0x5], $0x80, s23, s19, $0xb8;
	[tilespmem:$0x1AD80] =	vst v63  }
0x102: {  	_ =	swait.ge [sflag:s16], $0x1000  }
0x103: {  	[sflag:s16] =	ssyncset.done $0x0  }
0x104: {  	[sflag:s16] =	ssyncadd.s32 $0xFFFFF000  }
0x105: {  	[spmem:s3] =	stream.indirect.scatter.add.f32 [tilespmem:s28], [sflag:$0x5], $0x1, s23, s19, $0xb8;
	[tilespmem:$0x1AD80] =	vst v63  }
0x106: {  	_ =	swait.ge [sflag:s16], $0x20  }
0x107: {  	[sflag:s16] =	ssyncset.done $0x0  }
0x108: {  	s0 =	simm.s32 $0x280;
	[sflag:s16] =	ssyncadd.s32 $0xFFFFFFE0  }
0x109: {  	[tilespmem:s22], [sflag:$0x2] =	stream.indirect.gather [hbm4b:s6+s19], $0x80, s0, s19, $0xb8;
	[tilespmem:$0x1AD80] =	vst v63  }
0x10a: {  	_ =	swait.ge [sflag:s30], $0x1000  }
0x10b: {  	[sflag:s30] =	ssyncset.done $0x0  }
0x10c: {  	s18 =	simm.s32 $0x1100;
	[sflag:s30] =	ssyncadd.s32 $0xFFFFF000  }
0x10d: {  	[spmem:s2] =	stream.indirect.scatter.add.f32 [tilespmem:s24], [sflag:$0x5], $0x80, s18, s19, $0xb8;
	[tilespmem:$0x1AD80] =	vst v63  }
0x10e: {  	_ =	swait.ge [sflag:s16], $0x1000  }
0x10f: {  	[sflag:s16] =	ssyncset.done $0x0  }
0x110: {  	[sflag:s16] =	ssyncadd.s32 $0xFFFFF000  }
0x111: {  	[spmem:s3] =	stream.indirect.scatter.add.f32 [tilespmem:s28], [sflag:$0x5], $0x1, s18, s19, $0xb8;
	[tilespmem:$0x1AD80] =	vst v63  }
0x112: {  	_ =	swait.ge [sflag:s16], $0x20  }
0x113: {  	[sflag:s16] =	ssyncset.done $0x0  }
0x114: {  	s21 =	simm.s32 $0x300;
	[sflag:s16] =	ssyncadd.s32 $0xFFFFFFE0  }
0x115: {  	[tilespmem:s24], [sflag:$0x3] =	stream.indirect.gather [hbm4b:s6+s19], $0x80, s21, s19, $0xb8;
	[tilespmem:$0x1AD80] =	vst v63  }
0x116: {  	_ =	swait.ge [sflag:s31], $0x1000  }
0x117: {  	[sflag:s31] =	ssyncset.done $0x0  }
0x118: {  	s23 =	simm.s32 $0x1180;
	[sflag:s31] =	ssyncadd.s32 $0xFFFFF000  }
0x119: {  	[spmem:s2] =	stream.indirect.scatter.add.f32 [tilespmem:s25], [sflag:$0x5], $0x80, s23, s19, $0xb8;
	[tilespmem:$0x1AD80] =	vst v63  }
0x11a: {  	_ =	swait.ge [sflag:s16], $0x1000  }
0x11b: {  	[sflag:s16] =	ssyncset.done $0x0  }
0x11c: {  	[sflag:s16] =	ssyncadd.s32 $0xFFFFF000  }
0x11d: {  	[spmem:s3] =	stream.indirect.scatter.add.f32 [tilespmem:s28], [sflag:$0x5], $0x1, s23, s19, $0xb8;
	[tilespmem:$0x1AD80] =	vst v63  }
0x11e: {  	_ =	swait.ge [sflag:s16], $0x20  }
0x11f: {  	s4 =	simm.s32 $0x200;
	s18 =	simm.s32 $0x1000;
	[sflag:s16] =	ssyncset.done $0x0  }
.LBB2_5:
0x120: {  	s0 =	sadd.s32 $0x180, s4  }
0x121: {  	[sflag:s16] =	ssyncadd.s32 $0xFFFFFFE0;
	s21 =	smov.u32 s18;
	s23 =	sadd.s32 $0x800, s18  }
0x122: {  	[tilespmem:s25], [sflag:$0x4] =	stream.indirect.gather [hbm4b:s6+s19], $0x80, s0, s19, $0xb8;
	[tilespmem:$0x1AD80] =	vst v63  }
0x123: {  	p1 =	sne.s32 s18, $0x3000;
	_ =	swait.ge [sflag:s26], $0x1000  }
0x124: {  	[sflag:s26] =	ssyncset.done $0x0  }
0x125: {  	s0 =	sadd.s32 $0x1000, s4;
	[sflag:s26] =	ssyncadd.s32 $0xFFFFF000  }
0x126: {  	[spmem:s2] =	stream.indirect.scatter.add.f32 [tilespmem:s20], [sflag:$0x5], $0x80, s0, s19, $0xb8;
	[tilespmem:$0x1AD80] =	vst v63  }
0x127: {  	_ =	swait.ge [sflag:s16], $0x1000  }
0x128: {  	[sflag:s16] =	ssyncset.done $0x0  }
0x129: {  	[sflag:s16] =	ssyncadd.s32 $0xFFFFF000  }
0x12a: {  	[spmem:s3] =	stream.indirect.scatter.add.f32 [tilespmem:s28], [sflag:$0x5], $0x1, s0, s19, $0xb8;
	[tilespmem:$0x1AD80] =	vst v63  }
0x12b: {  	_ =	swait.ge [sflag:s16], $0x20  }
0x12c: {  	[sflag:s16] =	ssyncset.done $0x0  }
0x12d: {  	s0 =	sadd.s32 $0x200, s4;
	[sflag:s16] =	ssyncadd.s32 $0xFFFFFFE0  }
0x12e: {  	[tilespmem:s20], [sflag:$0x1] =	stream.indirect.gather [hbm4b:s6+s19], $0x80, s0, s19, $0xb8;
	[tilespmem:$0x1AD80] =	vst v63  }
0x12f: {  	_ =	swait.ge [sflag:s29], $0x1000  }
0x130: {  	[sflag:s29] =	ssyncset.done $0x0  }
0x131: {  	s0 =	sadd.s32 $0x1080, s4;
	[sflag:s29] =	ssyncadd.s32 $0xFFFFF000  }
0x132: {  	[spmem:s2] =	stream.indirect.scatter.add.f32 [tilespmem:s22], [sflag:$0x5], $0x80, s0, s19, $0xb8;
	[tilespmem:$0x1AD80] =	vst v63  }
0x133: {  	_ =	swait.ge [sflag:s16], $0x1000  }
0x134: {  	[sflag:s16] =	ssyncset.done $0x0  }
0x135: {  	[sflag:s16] =	ssyncadd.s32 $0xFFFFF000  }
0x136: {  	[spmem:s3] =	stream.indirect.scatter.add.f32 [tilespmem:s28], [sflag:$0x5], $0x1, s0, s19, $0xb8;
	[tilespmem:$0x1AD80] =	vst v63  }
0x137: {  	_ =	swait.ge [sflag:s16], $0x20  }
0x138: {  	[sflag:s16] =	ssyncset.done $0x0  }
0x139: {  	s0 =	sadd.s32 $0x280, s4;
	[sflag:s16] =	ssyncadd.s32 $0xFFFFFFE0  }
0x13a: {  	[tilespmem:s22], [sflag:$0x2] =	stream.indirect.gather [hbm4b:s6+s19], $0x80, s0, s19, $0xb8;
	[tilespmem:$0x1AD80] =	vst v63  }
0x13b: {  	_ =	swait.ge [sflag:s30], $0x1000  }
0x13c: {  	[sflag:s30] =	ssyncset.done $0x0  }
0x13d: {  	s0 =	sadd.s32 $0x1100, s4;
	[sflag:s30] =	ssyncadd.s32 $0xFFFFF000  }
0x13e: {  	[spmem:s2] =	stream.indirect.scatter.add.f32 [tilespmem:s24], [sflag:$0x5], $0x80, s0, s19, $0xb8;
	[tilespmem:$0x1AD80] =	vst v63  }
0x13f: {  	_ =	swait.ge [sflag:s16], $0x1000  }
0x140: {  	[sflag:s16] =	ssyncset.done $0x0  }
0x141: {  	[sflag:s16] =	ssyncadd.s32 $0xFFFFF000  }
0x142: {  	[spmem:s3] =	stream.indirect.scatter.add.f32 [tilespmem:s28], [sflag:$0x5], $0x1, s0, s19, $0xb8;
	[tilespmem:$0x1AD80] =	vst v63  }
0x143: {  	_ =	swait.ge [sflag:s16], $0x20  }
0x144: {  	[sflag:s16] =	ssyncset.done $0x0  }
0x145: {  	s0 =	sadd.s32 $0x300, s4;
	[sflag:s16] =	ssyncadd.s32 $0xFFFFFFE0  }
0x146: {  	[tilespmem:s24], [sflag:$0x3] =	stream.indirect.gather [hbm4b:s6+s19], $0x80, s0, s19, $0xb8;
	[tilespmem:$0x1AD80] =	vst v63  }
0x147: {  	_ =	swait.ge [sflag:s31], $0x1000  }
0x148: {  	[sflag:s31] =	ssyncset.done $0x0  }
0x149: {  	s0 =	sadd.s32 $0x1180, s4;
	[sflag:s31] =	ssyncadd.s32 $0xFFFFF000  }
0x14a: {  	[spmem:s2] =	stream.indirect.scatter.add.f32 [tilespmem:s25], [sflag:$0x5], $0x80, s0, s19, $0xb8;
	[tilespmem:$0x1AD80] =	vst v63  }
0x14b: {  	_ =	swait.ge [sflag:s16], $0x1000  }
.Ltmp4:
0x14c: {  	[sflag:s16] =	ssyncset.done $0x0;
	(pc) =	sbr.rel @p1 .LBB2_5-.Ltmp4, $4  }
0x14d: {  	[sflag:s16] =	ssyncadd.s32 $0xFFFFF000  }
0x14e: {  	[spmem:s3] =	stream.indirect.scatter.add.f32 [tilespmem:s28], [sflag:$0x5], $0x1, s0, s19, $0xb8;
	[tilespmem:$0x1AD80] =	vst v63  }
0x14f: {  	_ =	swait.ge [sflag:s16], $0x20  }
0x150: {  	s18 =	smov.u32 s23;
	s4 =	sshra.s32 s21, $0x2;
	[sflag:s16] =	ssyncset.done $0x0  }
0x151: {  	s0 =	sadd.s32 $0x180, s4;
	[sflag:s16] =	ssyncadd.s32 $0xFFFFFFE0  }
0x152: {  	[tilespmem:s25], [sflag:$0x4] =	stream.indirect.gather [hbm4b:s6+s19], $0x80, s0, s19, $0xb8;
	[tilespmem:$0x1AD80] =	vst v63  }
0x153: {  	_ =	swait.ge [sflag:s26], $0x1000  }
0x154: {  	[sflag:s26] =	ssyncset.done $0x0  }
0x155: {  	s21 =	sadd.s32 $0x1000, s4;
	[sflag:s26] =	ssyncadd.s32 $0xFFFFF000  }
0x156: {  	[spmem:s2] =	stream.indirect.scatter.add.f32 [tilespmem:s20], [sflag:$0x5], $0x80, s21, s19, $0xb8;
	[tilespmem:$0x1AD80] =	vst v63  }
0x157: {  	_ =	swait.ge [sflag:s16], $0x1000  }
0x158: {  	[sflag:s16] =	ssyncset.done $0x0  }
0x159: {  	[sflag:s16] =	ssyncadd.s32 $0xFFFFF000  }
0x15a: {  	[spmem:s3] =	stream.indirect.scatter.add.f32 [tilespmem:s28], [sflag:$0x5], $0x1, s21, s19, $0xb8;
	[tilespmem:$0x1AD80] =	vst v63  }
0x15b: {  	_ =	swait.ge [sflag:s16], $0x20  }
0x15c: {  	[sflag:s16] =	ssyncset.done $0x0  }
0x15d: {  	s23 =	sadd.s32 $0x200, s4;
	[sflag:s16] =	ssyncadd.s32 $0xFFFFFFE0  }
0x15e: {  	[tilespmem:s20], [sflag:$0x1] =	stream.indirect.gather [hbm4b:s6+s19], $0x80, s23, s19, $0xb8;
	[tilespmem:$0x1AD80] =	vst v63  }
0x15f: {  	_ =	swait.ge [sflag:s29], $0x1000  }
0x160: {  	[sflag:s29] =	ssyncset.done $0x0  }
0x161: {  	s18 =	sadd.s32 $0x1080, s4;
	[sflag:s29] =	ssyncadd.s32 $0xFFFFF000  }
0x162: {  	[spmem:s2] =	stream.indirect.scatter.add.f32 [tilespmem:s22], [sflag:$0x5], $0x80, s18, s19, $0xb8;
	[tilespmem:$0x1AD80] =	vst v63  }
0x163: {  	_ =	swait.ge [sflag:s16], $0x1000  }
0x164: {  	[sflag:s16] =	ssyncset.done $0x0  }
0x165: {  	[sflag:s16] =	ssyncadd.s32 $0xFFFFF000  }
0x166: {  	[spmem:s3] =	stream.indirect.scatter.add.f32 [tilespmem:s28], [sflag:$0x5], $0x1, s18, s19, $0xb8;
	[tilespmem:$0x1AD80] =	vst v63  }
0x167: {  	_ =	swait.ge [sflag:s16], $0x20  }
0x168: {  	[sflag:s16] =	ssyncset.done $0x0  }
0x169: {  	s21 =	sadd.s32 $0x280, s4;
	[sflag:s16] =	ssyncadd.s32 $0xFFFFFFE0  }
0x16a: {  	[tilespmem:s22], [sflag:$0x2] =	stream.indirect.gather [hbm4b:s6+s19], $0x80, s21, s19, $0xb8;
	[tilespmem:$0x1AD80] =	vst v63  }
0x16b: {  	_ =	swait.ge [sflag:s30], $0x1000  }
0x16c: {  	[sflag:s30] =	ssyncset.done $0x0  }
0x16d: {  	s23 =	sadd.s32 $0x1100, s4;
	[sflag:s30] =	ssyncadd.s32 $0xFFFFF000  }
0x16e: {  	[spmem:s2] =	stream.indirect.scatter.add.f32 [tilespmem:s24], [sflag:$0x5], $0x80, s23, s19, $0xb8;
	[tilespmem:$0x1AD80] =	vst v63  }
0x16f: {  	_ =	swait.ge [sflag:s16], $0x1000  }
0x170: {  	[sflag:s16] =	ssyncset.done $0x0  }
0x171: {  	[sflag:s16] =	ssyncadd.s32 $0xFFFFF000  }
0x172: {  	[spmem:s3] =	stream.indirect.scatter.add.f32 [tilespmem:s28], [sflag:$0x5], $0x1, s23, s19, $0xb8;
	[tilespmem:$0x1AD80] =	vst v63  }
0x173: {  	_ =	swait.ge [sflag:s16], $0x20  }
0x174: {  	[sflag:s16] =	ssyncset.done $0x0  }
0x175: {  	s18 =	sadd.s32 $0x300, s4;
	[sflag:s16] =	ssyncadd.s32 $0xFFFFFFE0  }
0x176: {  	[tilespmem:s24], [sflag:$0x3] =	stream.indirect.gather [hbm4b:s6+s19], $0x80, s18, s19, $0xb8;
	[tilespmem:$0x1AD80] =	vst v63  }
0x177: {  	_ =	swait.ge [sflag:s31], $0x1000  }
0x178: {  	[sflag:s31] =	ssyncset.done $0x0  }
0x179: {  	s21 =	sadd.s32 $0x1180, s4;
	[sflag:s31] =	ssyncadd.s32 $0xFFFFF000  }
0x17a: {  	[spmem:s2] =	stream.indirect.scatter.add.f32 [tilespmem:s25], [sflag:$0x5], $0x80, s21, s19, $0xb8;
	[tilespmem:$0x1AD80] =	vst v63  }
0x17b: {  	_ =	swait.ge [sflag:s16], $0x1000  }
0x17c: {  	[sflag:s16] =	ssyncset.done $0x0  }
0x17d: {  	[sflag:s16] =	ssyncadd.s32 $0xFFFFF000  }
0x17e: {  	[spmem:s3] =	stream.indirect.scatter.add.f32 [tilespmem:s28], [sflag:$0x5], $0x1, s21, s19, $0xb8;
	[tilespmem:$0x1AD80] =	vst v63  }
0x17f: {  	_ =	swait.ge [sflag:s16], $0x20  }
0x180: {  	[sflag:s16] =	ssyncset.done $0x0  }
0x181: {  	s23 =	simm.s32 $0xF80;
	[sflag:s16] =	ssyncadd.s32 $0xFFFFFFE0  }
0x182: {  	[tilespmem:s25], [sflag:$0x4] =	stream.indirect.gather [hbm4b:s6+s19], $0x80, s23, s19, $0xb8;
	[tilespmem:$0x1AD80] =	vst v63  }
0x183: {  	_ =	swait.ge [sflag:s26], $0x1000  }
0x184: {  	[sflag:s26] =	ssyncset.done $0x0  }
0x185: {  	[sflag:s26] =	ssyncadd.s32 $0xFFFFF000  }
0x186: {  	[spmem:s2] =	stream.indirect.scatter.add.f32 [tilespmem:s20], [sflag:$0x5], $0x80, s17, s19, $0xb8;
	[tilespmem:$0x1AD80] =	vst v63  }
0x187: {  	_ =	swait.ge [sflag:s16], $0x1000  }
0x188: {  	[sflag:s16] =	ssyncset.done $0x0  }
0x189: {  	[sflag:s16] =	ssyncadd.s32 $0xFFFFF000  }
0x18a: {  	[spmem:s3] =	stream.indirect.scatter.add.f32 [tilespmem:s28], [sflag:$0x5], $0x1, s17, s19, $0xb8;
	[tilespmem:$0x1AD80] =	vst v63  }
0x18b: {  	_ =	swait.ge [sflag:s16], $0x20  }
0x18c: {  	[sflag:s16] =	ssyncset.done $0x0  }
0x18d: {  	[sflag:s16] =	ssyncadd.s32 $0xFFFFFFE0  }
0x18e: {  	_ =	swait.ge [sflag:s29], $0x1000  }
0x18f: {  	[sflag:s29] =	ssyncset.done $0x0  }
0x190: {  	[sflag:s29] =	ssyncadd.s32 $0xFFFFF000  }
0x191: {  	[spmem:s2] =	stream.indirect.scatter.add.f32 [tilespmem:s22], [sflag:$0x5], $0x80, s1, s19, $0xb8;
	[tilespmem:$0x1AD80] =	vst v63  }
0x192: {  	_ =	swait.ge [sflag:s16], $0x1000  }
0x193: {  	[sflag:s16] =	ssyncset.done $0x0  }
0x194: {  	[sflag:s16] =	ssyncadd.s32 $0xFFFFF000  }
0x195: {  	[spmem:s3] =	stream.indirect.scatter.add.f32 [tilespmem:s28], [sflag:$0x5], $0x1, s1, s19, $0xb8;
	[tilespmem:$0x1AD80] =	vst v63  }
0x196: {  	_ =	swait.ge [sflag:s16], $0x20  }
0x197: {  	[sflag:s16] =	ssyncset.done $0x0  }
0x198: {  	[sflag:s16] =	ssyncadd.s32 $0xFFFFFFE0  }
0x199: {  	_ =	swait.ge [sflag:s30], $0x1000  }
0x19a: {  	[sflag:s30] =	ssyncset.done $0x0  }
0x19b: {  	[sflag:s30] =	ssyncadd.s32 $0xFFFFF000  }
0x19c: {  	[spmem:s2] =	stream.indirect.scatter.add.f32 [tilespmem:s24], [sflag:$0x5], $0x80, s12, s19, $0xb8;
	[tilespmem:$0x1AD80] =	vst v63  }
0x19d: {  	_ =	swait.ge [sflag:s16], $0x1000  }
0x19e: {  	[sflag:s16] =	ssyncset.done $0x0  }
0x19f: {  	[sflag:s16] =	ssyncadd.s32 $0xFFFFF000  }
0x1a0: {  	[spmem:s3] =	stream.indirect.scatter.add.f32 [tilespmem:s28], [sflag:$0x5], $0x1, s12, s19, $0xb8;
	[tilespmem:$0x1AD80] =	vst v63  }
0x1a1: {  	_ =	swait.ge [sflag:s16], $0x20  }
0x1a2: {  	[sflag:s16] =	ssyncset.done $0x0  }
0x1a3: {  	[sflag:s16] =	ssyncadd.s32 $0xFFFFFFE0  }
0x1a4: {  	_ =	swait.ge [sflag:s31], $0x1000  }
0x1a5: {  	[sflag:s31] =	ssyncset.done $0x0  }
0x1a6: {  	[sflag:s31] =	ssyncadd.s32 $0xFFFFF000  }
0x1a7: {  	[spmem:s2] =	stream.indirect.scatter.add.f32 [tilespmem:s25], [sflag:$0x5], $0x80, s13, s19, $0xb8;
	[tilespmem:$0x1AD80] =	vst v63  }
0x1a8: {  	_ =	swait.ge [sflag:s16], $0x1000  }
0x1a9: {  	s11 =	sadd.s32 $0x1, s11;
	[sflag:s16] =	ssyncset.done $0x0  }
0x1aa: {  	p1 =	sne.s32 s11, s9;
	[sflag:s16] =	ssyncadd.s32 $0xFFFFF000  }
0x1ab: {  	[spmem:s3] =	stream.indirect.scatter.add.f32 [tilespmem:s28], [sflag:$0x5], $0x1, s13, s19, $0xb8;
	[tilespmem:$0x1AD80] =	vst v63  }
.Ltmp5:
0x1ac: {  	_ = 	snop;
	(pc) =	sbr.rel @p1 .LBB2_4-.Ltmp5, $4  }
.Ltmp6:
0x1ad: {  	_ = 	snop;
	(pc) =	sbr.rel @!p1 .LBB2_7-.Ltmp6, $4  }
0x1ae: {  	_ =	swait.ge [sflag:s16], $0x20  }
0x1af: {  	[sflag:s16] =	ssyncset.done $0x0  }
0x1b0: {  	[sflag:s16] =	ssyncadd.s32 $0xFFFFFFE0  }
0x1b1: {  	_ = 	snop  }
.LBB2_8:
0x1b2: {  	_ =	sfence.sel $0x180000  }
0x1b3: {  	[bflag:$0x0] =	sbarrier.arrive $0xFFFF  }
0x1b4: {  	_ =	strace $0x90000047  }
0x1b5: {  	s0 =	stileid.u32;
	[bflag:$0x2] =	sbarrier.arrive $0xFFFF  }
0x1b6: {  	p0 =	sne.s32 s0, $0x0;
	s0 =	rddreg [dreg:$0x3]  }
0x1b7: {  	s0 =	sadd.s32 @!p0 $0x100000, s0  }
0x1b8: {  	[sflag:s0] =	ssyncadd.tile.s32 @!p0 $0x1;
	_ =	shalt  }
.Lfunc_end2:
_tile_overlayer_lowered:
.L_overlay_start_2:
0x1b9: {  	(tag) =	ssettag $0x2  }
0x1ba: {  	s0 =	rddreg [dreg:$0x0];
	s2 =	stileid.u32  }
0x1bb: {  	s1 =	rddreg [dreg:$0x1];
	p0 =	sne.s32 s2, $0x0  }
0x1bc: {  	s3 =	rddreg [dreg:$0x2];
	[bflag:$0x3] =	sbarrier.arrive $0xFFFF;
	s2 =	simm.s32 @!p0 $0x1C05  }
0x1bd: {  	[timem:s3], [sflag:s2] =	dma.local @!p0 [hbm:s0], s1  }
0x1be: {  	s0 =	simm.s32 @!p0 $0x5  }
0x1bf: {  	_ =	swait.ge @!p0 [sflag:s0], s1  }
0x1c0: {  	s1 =	ssub.s32 @!p0 $0x0, s1;
	[sflag:s0] =	ssyncset.done @!p0 $0x0  }
0x1c1: {  	[sflag:s0] =	ssyncadd.s32 @!p0 s1  }
0x1c2: {  	[bflag:$0x3] =	sbarrier.arrive $0xFFFF  }
0x1c3: {  	_ =	shalt  }

// kernel: kernel.9.cloned.1.call-start
scs
__scs_entry_jumppad:
0x0: {  	(pc) =	sbr.rel $0x88, $3  }
0x1: {  	(tag) =	ssettag $0x0;
	lr =	simm.s32 $0x1  }
0x2: {  	[smem:$0x3F97] =	sst lr;
	_ =	strace $0xD0000000  }
0x3: {  	_ = 	snop  }
0x4: {  	_ = 	snop  }
0x5: {  	_ = 	snop  }
0x6: {  	_ = 	snop  }
0x7: {  	_ = 	snop  }
__scs_overlays_trampoline_lowered:
0x8: {  	[smem:$0x3FA6] =	sst s0  }
0x9: {  	[smem:$0x3FA7] =	sst s1  }
0xa: {  	[smem:$0x3FA8] =	sst s2  }
0xb: {  	[smem:$0x3FA9] =	sst s3  }
0xc: {  	[smem:$0x3FAA] =	sst s4  }
0xd: {  	[smem:$0x3FAB] =	sst s5  }
0xe: {  	[smem:$0x3FAC] =	sst s6  }
0xf: {  	[smem:$0x3FAD] =	sst s7  }
0x10: {  	[smem:$0x3FAE] =	sst s8  }
0x11: {  	[smem:$0x3FAF] =	sst s9;
	s0 =	simm.s32 @!p0 $0x0  }
0x12: {  	s1 =	sld [smem:$0x3F95];
	s0 =	simm.s32 @p0 $0x1  }
0x13: {  	[smem:$0x3FB0] =	sst s0;
	s0 =	simm.s32 @!p1 $0x0  }
0x14: {  	s2 =	sld [smem:$0x3F94];
	s0 =	simm.s32 @p1 $0x1  }
0x15: {  	[smem:$0x3FB1] =	sst s0;
	s0 =	simm.s32 @!p2 $0x0  }
0x16: {  	s3 =	sld [smem:$0x3FDB];
	s0 =	simm.s32 @p2 $0x1  }
0x17: {  	s4 =	simm.s32 $0x1BF5;
	[smem:$0x3FB3] =	sst s0  }
0x18: {  	s0 =	sld [smem:$0x3F96];
	_ =	swait.ge [sflag:s4], $0x0  }
0x19: {  	s7 =	sld [smem:$0x3F97]  }
0x1a: {  	s8 =	sadd.s32 $0xFFFFE003, lr  }
0x1b: {  	s9 =	sadd.s32 $0xFFFFFEF7, lr;
	s5 =	simm.s32 $0xFFFFFFFF;
	p2 =	slt.u32 s8, $0xFFFFF086  }
0x1c: {  	p1 =	slt.u32 s9, $0xF7A;
	s5 =	simm.s32 @!p2 $0x0  }
0x1d: {  	s5 =	simm.s32 @p1 $0x1;
	p0 =	seq.s32 s7, s2  }
0x1e: {  	s7 =	smul.u32 @!p0 $0xF7A, s2;
	p2 =	seq.s32 @!p0 s5, $0x0  }
0x1f: {  	s9 =	smul.u32 $0xF7A, s1;
	s8 =	simm.s32 @!p0 $0x1BF5;
	p2 =	por !p2, p0  }
0x20: {  	[sflag:s8] =	ssyncset.s32 @!p0 $0xFFFFF086;
	s6 =	sadd.s32 @!p0 s3, s7;
	s7 =	simm.s32 @!p0 $0x108  }
0x21: {  	s3 =	sadd.s32 s3, s9;
	s6 =	sadd.s32 @!p0 $0x88, s6;
	s7 =	simm.s32 @p2 $0x1082  }
0x22: {  	[simem:s7], [sflag:s8] =	dma.local @!p0 [hbm:s6], $0xF7A  }
0x23: {  	s9 =	sor.u32 $0xD0000000, s2;
	s6 =	simm.s32 $0x108;
	_ =	swait.ge @!p0 [sflag:s8], $0x0  }
0x24: {  	s3 =	sadd.s32 $0x88, s3;
	s6 =	simm.s32 @!p1 $0x1082;
	[sflag:s4] =	ssyncset.s32 $0xFFFFF086  }
0x25: {  	[simem:s6], [sflag:s4] =	dma.local [hbm:s3], $0xF7A  }
0x26: {  	[smem:$0x3F97] =	sst s1;
	(tag) =	ssettag s2;
	_ =	strace s9  }
0x27: {  	s1 =	sld [smem:$0x3FA7]  }
0x28: {  	s2 =	sld [smem:$0x3FA8]  }
0x29: {  	s4 =	sld [smem:$0x3FAA]  }
0x2a: {  	p0 =	seq.s32 s5, $0x0;
	s5 =	sld [smem:$0x3FAB]  }
0x2b: {  	s6 =	sld [smem:$0x3FAC]  }
0x2c: {  	s7 =	sld [smem:$0x3FAD]  }
0x2d: {  	s3 =	simm.s32 $0x108;
	s8 =	sld [smem:$0x3FAE]  }
0x2e: {  	s3 =	simm.s32 @!p0 $0x1082;
	s9 =	sld [smem:$0x3FAF]  }
0x2f: {  	lr =	sadd.s32 s0, s3;
	s0 =	sld [smem:$0x3FA6]  }
0x30: {  	s3 =	sld [smem:$0x3FA9]  }
0x31: {  	[smem:$0x3FB2] =	sst s10  }
0x32: {  	s10 =	sld [smem:$0x3FB0];
	_ =	sdelay $0x3  }
0x33: {  	p0 =	seq.s32 s10, $0x1;
	s10 =	sld [smem:$0x3FB2];
	_ =	sdelay $0x3  }
0x34: {  	[smem:$0x3FB2] =	sst s10  }
0x35: {  	s10 =	sld [smem:$0x3FB1];
	_ =	sdelay $0x3  }
0x36: {  	p1 =	seq.s32 s10, $0x1;
	s10 =	sld [smem:$0x3FB2];
	_ =	sdelay $0x3  }
0x37: {  	[smem:$0x3FB2] =	sst s10  }
0x38: {  	s10 =	sld [smem:$0x3FB3]  }
0x39: {  	_ = 	snop;
	(pc) =	sbr.ind lr, $3  }
0x3a: {  	_ = 	snop  }
0x3b: {  	_ = 	snop  }
0x3c: {  	p2 =	seq.s32 s10, $0x1;
	s10 =	sld [smem:$0x3FB2]  }
0x3d: {  	_ =	shalt  }
0x3e: {  	_ =	shalt  }
0x3f: {  	_ =	shalt  }
0x40: {  	_ =	shalt  }
0x41: {  	_ =	shalt  }
0x42: {  	_ =	shalt  }
0x43: {  	_ =	shalt  }
0x44: {  	_ =	shalt  }
0x45: {  	_ =	shalt  }
0x46: {  	_ =	shalt  }
0x47: {  	_ =	shalt  }
0x48: {  	_ =	shalt  }
0x49: {  	_ =	shalt  }
0x4a: {  	_ =	shalt  }
0x4b: {  	_ =	shalt  }
0x4c: {  	_ =	shalt  }
0x4d: {  	_ =	shalt  }
0x4e: {  	_ =	shalt  }
0x4f: {  	_ =	shalt  }
0x50: {  	_ =	shalt  }
0x51: {  	_ =	shalt  }
0x52: {  	_ =	shalt  }
0x53: {  	_ =	shalt  }
0x54: {  	_ =	shalt  }
0x55: {  	_ =	shalt  }
0x56: {  	_ =	shalt  }
0x57: {  	_ =	shalt  }
0x58: {  	_ =	shalt  }
0x59: {  	_ =	shalt  }
0x5a: {  	_ =	shalt  }
0x5b: {  	_ =	shalt  }
0x5c: {  	_ =	shalt  }
0x5d: {  	_ =	shalt  }
0x5e: {  	_ =	shalt  }
0x5f: {  	_ =	shalt  }
0x60: {  	_ =	shalt  }
0x61: {  	_ =	shalt  }
0x62: {  	_ =	shalt  }
0x63: {  	_ =	shalt  }
0x64: {  	_ =	shalt  }
0x65: {  	_ =	shalt  }
0x66: {  	_ =	shalt  }
0x67: {  	_ =	shalt  }
0x68: {  	_ =	shalt  }
0x69: {  	_ =	shalt  }
0x6a: {  	_ =	shalt  }
0x6b: {  	_ =	shalt  }
0x6c: {  	_ =	shalt  }
0x6d: {  	_ =	shalt  }
0x6e: {  	_ =	shalt  }
0x6f: {  	_ =	shalt  }
0x70: {  	_ =	shalt  }
0x71: {  	_ =	shalt  }
0x72: {  	_ =	shalt  }
0x73: {  	_ =	shalt  }
0x74: {  	_ =	shalt  }
0x75: {  	_ =	shalt  }
0x76: {  	_ =	shalt  }
0x77: {  	_ =	shalt  }
0x78: {  	_ =	shalt  }
0x79: {  	_ =	shalt  }
0x7a: {  	_ =	shalt  }
0x7b: {  	_ =	shalt  }
0x7c: {  	_ =	shalt  }
0x7d: {  	_ =	shalt  }
0x7e: {  	_ =	shalt  }
0x7f: {  	_ =	shalt  }
0x80: {  	_ =	shalt  }
0x81: {  	_ =	shalt  }
0x82: {  	_ =	shalt  }
0x83: {  	_ =	shalt  }
0x84: {  	_ =	shalt  }
0x85: {  	_ =	shalt  }
0x86: {  	_ =	shalt  }
0x87: {  	_ =	shalt  }
.Lfunc_end0:
.L_simem_size_0:
called_computation.1_lowered:
.L_overlay_start_0:
0x88: {  	s2 =	sld [smem:$0x3FD9]  }
0x89: {  	s3 =	sld [smem:$0x3FFE];
	_ =	sdelay $0x1  }
0x8a: {  	s1 =	srdreg.scid  }
0x8b: {  	s0 =	sand.u32 $0x1, s1  }
0x8c: {  	s16 =	sshll.u32 s0, $0xA;
	s2 =	sadd.s32 s3, s2  }
0x8d: {  	s2 =	sadd.s32 s2, s16  }
0x8e: {  	[smem:$0x3FBE] =	sst s2  }
0x8f: {  	_ = 	snop  }
0x90: {  	(tm) =	ssettm $0x1  }
0x91: {  	s17 =	sld [smem:$0x3FFB];
	_ =	sdelay $0x3  }
0x92: {  	_ =	strace s17  }
0x93: {  	s2 =	sld [smem:$0x3FFC];
	_ =	sdelay $0x3  }
0x94: {  	_ =	strace s2  }
0x95: {  	s2 =	sld [smem:$0x3FFD];
	_ =	sdelay $0x3  }
0x96: {  	_ =	strace s2  }
0x97: {  	_ =	strace $0x8FFFFFFF  }
0x98: {  	s18 =	sld [smem:$0x3FDB];
	_ =	sdelay $0x1  }
0x99: {  	s19 =	simm.s32 $_scs_section_size  }
0x9a: {  	s4 =	simm.s32 $_size__tile_overlayer_lowered;
	s5 =	simm.s32 $_tile_overlayer_lowered  }
0x9b: {  	s22 =	simm.s32 $0x1BFF;
	s21 =	sshll.u32 s5, $0x1;
	s2 =	sadd.s32 s19, s18  }
0x9c: {  	s6 =	simm.s32 $0x0;
	s20 =	sshll.u32 s4, $0x1;
	s4 =	sadd.s32 s21, s2  }
0x9d: {  	[timem:s6], [sflag:s22] =	dma.local [hbm:s4], s20  }
0x9e: {  	_ =	swait.ge [sflag:s22], s20  }
0x9f: {  	s3 =	ssub.s32 $0x0, s20;
	[sflag:s22] =	ssyncset.done $0x0  }
0xa0: {  	[sflag:s22] =	ssyncadd.s32 s3;
	_ =	sdelay $0x1  }
0xa1: {  	s23 =	simm.s32 $0x1B8B  }
0xa2: {  	_ =	swait.ge [sflag:s23], $0x1  }
0xa3: {  	[sflag:s23] =	ssyncset.done $0x0  }
0xa4: {  	s25 =	simm.s32 $0x1B8E;
	s24 =	sld [smem:$0x3FFE];
	[sflag:s23] =	ssyncadd.s32 $0xFFFFFFFF  }
0xa5: {  	s26 =	simm.s32 $execute0_lowered;
	[smem:$0x3FD2] =	sst s25  }
0xa6: {  	s4 =	sshll.u32 s26, $0x1;
	_ =	strace $0x80000049;
	[dreg:$0x1] =	wrdreg $0xFFFFFFFF  }
0xa7: {  	s28 =	simm.s32 $_size_execute0_lowered;
	s2 =	sadd.s32 s2, s4;
	[dreg:$0x0] =	wrdreg $0x0  }
0xa8: {  	s4 =	sshll.u32 s28, $0x1;
	[dreg:$0x2] =	wrdreg s2  }
0xa9: {  	[dreg:$0x3] =	wrdreg s4  }
0xaa: {  	[dreg:$0x4] =	wrdreg $0xC0  }
0xab: {  	_ =	task [dreg:s6], $0x5FFFF  }
0xac: {  	[dreg:$0x1] =	wrdreg $0xFFFFFFFF  }
0xad: {  	[dreg:$0x0] =	wrdreg $0x60  }
0xae: {  	[dreg:$0x2] =	wrdreg s24  }
0xaf: {  	[dreg:$0x3] =	wrdreg $0x68000  }
0xb0: {  	[dreg:$0x4] =	wrdreg $0x9  }
0xb1: {  	_ =	task.clear_ibuf [dreg:s6], $0x5FFFF;
	_ =	strace $0x90000049  }
0xb2: {  	s29 =	simm.s32 $0x9;
	_ =	strace $0x8000004B  }
0xb3: {  	_ =	swait.ge [sflag:s29], $0x1  }
0xb4: {  	[sflag:s29] =	ssyncadd.s32 $0xFFFFFFFF  }
0xb5: {  	_ =	strace $0x9000004B  }
0xb6: {  	_ =	sfence  }
0xb7: {  	s30 =	sld [smem:$0x0];
	_ =	sdelay $0x2  }
0xb8: {  	s31 =	sshll.u32 s1, $0xD;
	s1 =	sshrl.u32 s1, $0x2  }
0xb9: {  	s3 =	sand.u32 $0x4000, s31;
	s1 =	sadd.s32 s1, s30  }
0xba: {  	s0 =	sor.u32 s3, s0;
	s1 =	sshll.u32 s1, $0x11  }
0xbb: {  	s0 =	sor.u32 s1, s0  }
0xbc: {  	s0 =	sadd.s32 $0x8F2B, s0  }
0xbd: {  	[sflag:s0] =	ssyncadd.remote.s32 $0x1  }
0xbe: {  	_ =	sfence.sel $0xFFFF  }
0xbf: {  	[dreg:$0x0] =	wrdreg $0xFFFFFFFF;
	(pc) =	sbr.abs _section_cstart, $3  }
0xc0: {  	[dreg:$0x1] =	wrdreg $0xFFFFFFFF  }
0xc1: {  	_ =	task.clear_ibuf [dreg:s6], $0x2FFFF;
	_ =	strace $0x9FFFFFFF  }
0xc2: {  	(tm) =	ssettm $0x7FFFFFFF  }
0xc3: {  	_ =	shalt  }
tec
execute0_lowered:
.L_overlay_start_1:
0x0: {  	(tag) =	ssettag $0x1  }
0x1: {  	s0 =	rddreg [dreg:$0x0]  }
0x2: {  	s2 =	rddreg [dreg:$0x1]  }
0x3: {  	s1 =	srdreg.scid;
	s7 =	stileid.u32;
	s10 =	simm.s32 $0x0  }
0x4: {  	s12 =	simm.s32 $0x6000;
	s13 =	simm.s32 $0x5;
	s15 =	simm.s32 $0x20  }
0x5: {  	s16 =	simm.s32 $0x2000;
	s18 =	simm.s32 $0x3000;
	s19 =	simm.s32 $0x100  }
0x6: {  	s20 =	simm.s32 $0x4000;
	s21 =	simm.s32 $0x5000;
	s22 =	simm.s32 $0x1  }
0x7: {  	s23 =	simm.s32 $0x2;
	s28 =	simm.s32 $0x1E00;
	s29 =	simm.s32 $0x1E80  }
0x8: {  	s30 =	simm.s32 $0x1F00;
	s31 =	simm.s32 $0x1F80;
	s4 =	smul.u32 $0x14000, s7  }
0x9: {  	s1 =	sand.u32 $0x1, s1;
	[smem:$0x7FF] =	sst s10;
	s9 =	smul.u32 $0x50000, s7  }
0xa: {  	s5 =	sadd.s32 $0x52400, s0;
	s6 =	sadd.s32 $0x2400, s0;
	s3 =	smul.u32 $0x140000, s1  }
0xb: {  	s7 =	sadd.s32 $0x2A400, s0;
	_ =	strace $0x8000004A;
	s8 =	ssub.s32 $0x2, s1  }
0xc: {  	s25 =	sxor.u32 $0x1, s1;
	p0 =	sne.s32 s1, $0x0;
	s3 =	sadd.s32 s4, s3  }
.Ltmp0:
0xd: {  	s9 =	sshrl.u32 s9, $0x2;
	s3 =	sshrl.u32 s3, $0x3;
	(pc) =	sbr.rel .LBB2_1-.Ltmp0, $4  }
0xe: {  	s24 =	sshrl.u32 s8, $0x1;
	s9 =	sadd.s32 s9, s2;
	s0 =	sadd.s32 s3, s0  }
0xf: {  	s3 =	ssub.s32 s8, s24;
	s8 =	smul.u32 $0x14, s25;
	s0 =	sadd.s32 $0x7A400, s0  }
0x10: {  	s24 =	simm.s32 $0x3;
	s26 =	smax.u32 s3, $0x1;
	[dreg:$0x4] =	wrdreg s0  }
0x11: {  	v0 =	vimm.f32 $0.0e+00;
	s25 =	simm.s32 $0x4;
	[dreg:$0x5] =	wrdreg s26;
	s26 =	simm.s32 $0xF80  }
.LBB2_7:
0x12: {  	s0 =	stileid.u32  }
0x13: {  	[bflag:$0x0] =	sbarrier.arrive $0xFFFF;
	s0 =	sshll.u32 s0, $0x6  }
0x14: {  	s1 =	sshrl.u32 s9, $0x3;
	s3 =	rddreg [dreg:$0x4];
	s0 =	sor.u32 $0x1C05, s0  }
0x15: {  	[hbm:s3], [sflag:s0] =	dma.local [spmem:s1], $0x2800  }
0x16: {  	_ =	swait.ge [sflag:s13], $0x2800  }
0x17: {  	s10 =	rddreg [dreg:$0x3]  }
0x18: {  	s17 =	rddreg [dreg:$0x5];
	s10 =	sadd.s32 $0x1, s10  }
0x19: {  	p1 =	sne.s32 s10, s17  }
.Ltmp1:
0x1a: {  	_ = 	snop;
	(pc) =	sbr.rel @!p1 .LBB2_8-.Ltmp1, $3  }
0x1b: {  	_ =	sdelay $0x1  }
0x1c: {  	[sflag:s13] =	ssyncset.done $0x0  }
0x1d: {  	[sflag:s13] =	ssyncadd.s32 $0xFFFFD800  }
.LBB2_1:
0x1e: {  	[tilespmem:$0x6000] =	vst v0  }
0x1f: {  	[tilespmem:$0x6010] =	vst v0  }
0x20: {  	[tilespmem:$0x6020] =	vst v0  }
0x21: {  	[tilespmem:$0x6030] =	vst v0  }
0x22: {  	[tilespmem:$0x6040] =	vst v0  }
0x23: {  	[tilespmem:$0x6050] =	vst v0  }
0x24: {  	[tilespmem:$0x6060] =	vst v0  }
0x25: {  	[tilespmem:$0x6070] =	vst v0  }
0x26: {  	[tilespmem:$0x6080] =	vst v0  }
0x27: {  	[tilespmem:$0x6090] =	vst v0  }
0x28: {  	[tilespmem:$0x60A0] =	vst v0  }
0x29: {  	[tilespmem:$0x60B0] =	vst v0  }
0x2a: {  	[tilespmem:$0x60C0] =	vst v0  }
0x2b: {  	[tilespmem:$0x60D0] =	vst v0  }
0x2c: {  	[tilespmem:$0x60E0] =	vst v0  }
0x2d: {  	[tilespmem:$0x60F0] =	vst v0  }
0x2e: {  	[tilespmem:$0x6100] =	vst v0  }
0x2f: {  	[tilespmem:$0x6110] =	vst v0  }
0x30: {  	[tilespmem:$0x6120] =	vst v0  }
0x31: {  	[tilespmem:$0x6130] =	vst v0  }
0x32: {  	[tilespmem:$0x6140] =	vst v0  }
0x33: {  	[tilespmem:$0x6150] =	vst v0  }
0x34: {  	[tilespmem:$0x6160] =	vst v0  }
0x35: {  	[tilespmem:$0x6170] =	vst v0  }
0x36: {  	[tilespmem:$0x6180] =	vst v0  }
0x37: {  	[tilespmem:$0x6190] =	vst v0  }
0x38: {  	[tilespmem:$0x61A0] =	vst v0  }
0x39: {  	[tilespmem:$0x61B0] =	vst v0  }
0x3a: {  	[tilespmem:$0x61C0] =	vst v0  }
0x3b: {  	[tilespmem:$0x61D0] =	vst v0  }
0x3c: {  	[tilespmem:$0x61E0] =	vst v0  }
0x3d: {  	[tilespmem:$0x61F0] =	vst v0  }
0x3e: {  	[tilespmem:$0x6200] =	vst v0  }
0x3f: {  	[tilespmem:$0x6210] =	vst v0  }
0x40: {  	[tilespmem:$0x6220] =	vst v0  }
0x41: {  	[tilespmem:$0x6230] =	vst v0  }
0x42: {  	[tilespmem:$0x6240] =	vst v0  }
0x43: {  	[tilespmem:$0x6250] =	vst v0  }
0x44: {  	[tilespmem:$0x6260] =	vst v0  }
0x45: {  	[tilespmem:$0x6270] =	vst v0  }
0x46: {  	[tilespmem:$0x6280] =	vst v0  }
0x47: {  	[tilespmem:$0x6290] =	vst v0  }
0x48: {  	[tilespmem:$0x62A0] =	vst v0  }
0x49: {  	[tilespmem:$0x62B0] =	vst v0  }
0x4a: {  	[tilespmem:$0x62C0] =	vst v0  }
0x4b: {  	[tilespmem:$0x62D0] =	vst v0  }
0x4c: {  	[tilespmem:$0x62E0] =	vst v0  }
0x4d: {  	[tilespmem:$0x62F0] =	vst v0  }
0x4e: {  	[tilespmem:$0x6300] =	vst v0  }
0x4f: {  	[tilespmem:$0x6310] =	vst v0  }
0x50: {  	[tilespmem:$0x6320] =	vst v0  }
0x51: {  	[tilespmem:$0x6330] =	vst v0  }
0x52: {  	[tilespmem:$0x6340] =	vst v0  }
0x53: {  	[tilespmem:$0x6350] =	vst v0  }
0x54: {  	[tilespmem:$0x6360] =	vst v0  }
0x55: {  	[tilespmem:$0x6370] =	vst v0  }
0x56: {  	[tilespmem:$0x6380] =	vst v0  }
0x57: {  	[tilespmem:$0x6390] =	vst v0  }
0x58: {  	[tilespmem:$0x63A0] =	vst v0  }
0x59: {  	[tilespmem:$0x63B0] =	vst v0  }
0x5a: {  	[tilespmem:$0x63C0] =	vst v0  }
0x5b: {  	[tilespmem:$0x63D0] =	vst v0  }
0x5c: {  	[tilespmem:$0x63E0] =	vst v0  }
0x5d: {  	[tilespmem:$0x63F0] =	vst v0  }
0x5e: {  	[tilespmem:$0x6400] =	vst v0  }
0x5f: {  	[tilespmem:$0x6410] =	vst v0  }
0x60: {  	[tilespmem:$0x6420] =	vst v0  }
0x61: {  	[tilespmem:$0x6430] =	vst v0  }
0x62: {  	[tilespmem:$0x6440] =	vst v0  }
0x63: {  	[tilespmem:$0x6450] =	vst v0  }
0x64: {  	[tilespmem:$0x6460] =	vst v0  }
0x65: {  	[tilespmem:$0x6470] =	vst v0  }
0x66: {  	[tilespmem:$0x6480] =	vst v0  }
0x67: {  	[tilespmem:$0x6490] =	vst v0  }
0x68: {  	[tilespmem:$0x64A0] =	vst v0  }
0x69: {  	[tilespmem:$0x64B0] =	vst v0  }
0x6a: {  	[tilespmem:$0x64C0] =	vst v0  }
0x6b: {  	[tilespmem:$0x64D0] =	vst v0  }
0x6c: {  	[tilespmem:$0x64E0] =	vst v0  }
0x6d: {  	[tilespmem:$0x64F0] =	vst v0  }
0x6e: {  	[tilespmem:$0x6500] =	vst v0  }
0x6f: {  	[tilespmem:$0x6510] =	vst v0  }
0x70: {  	[tilespmem:$0x6520] =	vst v0  }
0x71: {  	[tilespmem:$0x6530] =	vst v0  }
0x72: {  	[tilespmem:$0x6540] =	vst v0  }
0x73: {  	[tilespmem:$0x6550] =	vst v0  }
0x74: {  	[tilespmem:$0x6560] =	vst v0  }
0x75: {  	[tilespmem:$0x6570] =	vst v0  }
0x76: {  	[tilespmem:$0x6580] =	vst v0  }
0x77: {  	[tilespmem:$0x6590] =	vst v0  }
0x78: {  	[tilespmem:$0x65A0] =	vst v0  }
0x79: {  	[tilespmem:$0x65B0] =	vst v0  }
0x7a: {  	[tilespmem:$0x65C0] =	vst v0  }
0x7b: {  	[tilespmem:$0x65D0] =	vst v0  }
0x7c: {  	[tilespmem:$0x65E0] =	vst v0  }
0x7d: {  	[tilespmem:$0x65F0] =	vst v0  }
0x7e: {  	[tilespmem:$0x6600] =	vst v0  }
0x7f: {  	[tilespmem:$0x6610] =	vst v0  }
0x80: {  	[tilespmem:$0x6620] =	vst v0  }
0x81: {  	[tilespmem:$0x6630] =	vst v0  }
0x82: {  	[tilespmem:$0x6640] =	vst v0  }
0x83: {  	[tilespmem:$0x6650] =	vst v0  }
0x84: {  	[tilespmem:$0x6660] =	vst v0  }
0x85: {  	[tilespmem:$0x6670] =	vst v0  }
0x86: {  	[tilespmem:$0x6680] =	vst v0  }
0x87: {  	[tilespmem:$0x6690] =	vst v0  }
0x88: {  	[tilespmem:$0x66A0] =	vst v0  }
0x89: {  	[tilespmem:$0x66B0] =	vst v0  }
0x8a: {  	[tilespmem:$0x66C0] =	vst v0  }
0x8b: {  	[tilespmem:$0x66D0] =	vst v0  }
0x8c: {  	[tilespmem:$0x66E0] =	vst v0  }
0x8d: {  	[tilespmem:$0x66F0] =	vst v0  }
0x8e: {  	[tilespmem:$0x6700] =	vst v0  }
0x8f: {  	[tilespmem:$0x6710] =	vst v0  }
0x90: {  	[tilespmem:$0x6720] =	vst v0  }
0x91: {  	[tilespmem:$0x6730] =	vst v0  }
0x92: {  	[tilespmem:$0x6740] =	vst v0  }
0x93: {  	[tilespmem:$0x6750] =	vst v0  }
0x94: {  	[tilespmem:$0x6760] =	vst v0  }
0x95: {  	[tilespmem:$0x6770] =	vst v0  }
0x96: {  	[tilespmem:$0x6780] =	vst v0  }
0x97: {  	[tilespmem:$0x6790] =	vst v0  }
0x98: {  	[tilespmem:$0x67A0] =	vst v0  }
0x99: {  	[tilespmem:$0x67B0] =	vst v0  }
0x9a: {  	[tilespmem:$0x67C0] =	vst v0  }
0x9b: {  	[tilespmem:$0x67D0] =	vst v0  }
0x9c: {  	[tilespmem:$0x67E0] =	vst v0  }
0x9d: {  	[dreg:$0x3] =	wrdreg s10;
	[tilespmem:$0x67F0] =	vst v0;
	s0 =	sadd.s32 $0x0, s9  }
0x9e: {  	[spmem:s0] =	stream.linear.scatter [tilespmem:s12], [sflag:$0x5], $0x800, $0x38;
	[tilespmem:$0x1A800] =	vst v63  }
0x9f: {  	s0 =	simm.s32 $0x2000;
	_ =	swait.ge [sflag:s13], $0x800  }
.LBB2_2:
0xa0: {  	s1 =	sshra.s32 s0, $0x2;
	[sflag:s13] =	ssyncset.done $0x0;
	p1 =	sne.s32 s0, $0x4E000  }
.Ltmp2:
0xa1: {  	s1 =	sadd.s32 s1, s9;
	[sflag:s13] =	ssyncadd.s32 $0xFFFFF800;
	(pc) =	sbr.rel @p1 .LBB2_2-.Ltmp2, $3  }
0xa2: {  	[spmem:s1] =	stream.linear.scatter [tilespmem:s12], [sflag:$0x5], $0x800, $0x38;
	[tilespmem:$0x1A800] =	vst v63  }
0xa3: {  	s0 =	sadd.s32 $0x2000, s0;
	_ =	sdelay $0x1  }
0xa4: {  	_ =	swait.ge [sflag:s13], $0x800  }
.Ltmp3:
0xa5: {  	(pc) =	sbr.rel @p0 .LBB2_7-.Ltmp3, $4  }
0xa6: {  	[sflag:s13] =	ssyncset.done $0x0  }
0xa7: {  	[sflag:s13] =	ssyncadd.s32 $0xFFFFF800  }
0xa8: {  	[bflag:$0x0] =	sbarrier.arrive $0xFFFF  }
0xa9: {  	s0 =	simm.s32 $0x0;
	s1 =	simm.s32 $0x0  }
.LBB2_4:
0xaa: {  	s3 =	sshll.u32 s1, $0xC  }
0xab: {  	s3 =	sadd.s32 s4, s3  }
0xac: {  	s3 =	sshrl.u32 s3, $0x3  }
0xad: {  	s10 =	sadd.s32 s6, s3  }
0xae: {  	[tilespmem:s0], [sflag:$0x5] =	stream.linear.gather [hbm4b:s10+s0], $0x1000, $0x38;
	[tilespmem:$0x1A800] =	vst v63  }
0xaf: {  	_ =	swait.ge [sflag:s13], $0x1000  }
0xb0: {  	[sflag:s13] =	ssyncset.done $0x0  }
0xb1: {  	s14 =	simm.s32 $0x1000;
	s3 =	sadd.s32 s7, s3;
	[sflag:s13] =	ssyncadd.s32 $0xFFFFF000  }
0xb2: {  	[tilespmem:s14], [sflag:$0x5] =	stream.linear.gather [hbm4b:s3+s0], $0x1000, $0x38;
	[tilespmem:$0x1A800] =	vst v63  }
0xb3: {  	_ =	swait.ge [sflag:s13], $0x1000  }
0xb4: {  	[sflag:s13] =	ssyncset.done $0x0  }
0xb5: {  	[sflag:s13] =	ssyncadd.s32 $0xFFFFF000  }
0xb6: {  	[tilespmem:s16], [sflag:$0x1] =	stream.indirect.gather [hbm4b:s5+s15], $0x80, s0, s15, $0xb8;
	[tilespmem:$0x1A800] =	vst v63  }
0xb7: {  	s17 =	simm.s32 $0x80  }
0xb8: {  	[tilespmem:s18], [sflag:$0x2] =	stream.indirect.gather [hbm4b:s5+s15], $0x80, s17, s15, $0xb8;
	[tilespmem:$0x1A800] =	vst v63  }
0xb9: {  	_ = 	snop  }
0xba: {  	[tilespmem:s20], [sflag:$0x3] =	stream.indirect.gather [hbm4b:s5+s15], $0x80, s19, s15, $0xb8;
	[tilespmem:$0x1A800] =	vst v63  }
0xbb: {  	s10 =	simm.s32 $0x180  }
0xbc: {  	[tilespmem:s21], [sflag:$0x4] =	stream.indirect.gather [hbm4b:s5+s15], $0x80, s10, s15, $0xb8;
	[tilespmem:$0x1A800] =	vst v63  }
0xbd: {  	_ =	swait.ge [sflag:s22], $0x1000  }
0xbe: {  	[sflag:s22] =	ssyncset.done $0x0  }
0xbf: {  	s11 =	simm.s32 $0x1000;
	[sflag:s22] =	ssyncadd.s32 $0xFFFFF000  }
0xc0: {  	[spmem:s2] =	stream.indirect.scatter.add.f32 [tilespmem:s16], [sflag:$0x5], $0x80, s11, s15, $0xb8;
	[tilespmem:$0x1A800] =	vst v63  }
0xc1: {  	_ =	swait.ge [sflag:s13], $0x1000  }
0xc2: {  	[sflag:s13] =	ssyncset.done $0x0  }
0xc3: {  	s14 =	simm.s32 $0x200;
	[sflag:s13] =	ssyncadd.s32 $0xFFFFF000  }
0xc4: {  	[tilespmem:s16], [sflag:$0x1] =	stream.indirect.gather [hbm4b:s5+s15], $0x80, s14, s15, $0xb8;
	[tilespmem:$0x1A800] =	vst v63  }
0xc5: {  	_ =	swait.ge [sflag:s23], $0x1000  }
0xc6: {  	[sflag:s23] =	ssyncset.done $0x0  }
0xc7: {  	s17 =	simm.s32 $0x1080;
	[sflag:s23] =	ssyncadd.s32 $0xFFFFF000  }
0xc8: {  	[spmem:s2] =	stream.indirect.scatter.add.f32 [tilespmem:s18], [sflag:$0x5], $0x80, s17, s15, $0xb8;
	[tilespmem:$0x1A800] =	vst v63  }
0xc9: {  	_ =	swait.ge [sflag:s13], $0x1000  }
0xca: {  	[sflag:s13] =	ssyncset.done $0x0  }
0xcb: {  	s10 =	simm.s32 $0x280;
	[sflag:s13] =	ssyncadd.s32 $0xFFFFF000  }
0xcc: {  	[tilespmem:s18], [sflag:$0x2] =	stream.indirect.gather [hbm4b:s5+s15], $0x80, s10, s15, $0xb8;
	[tilespmem:$0x1A800] =	vst v63  }
0xcd: {  	_ =	swait.ge [sflag:s24], $0x1000  }
0xce: {  	[sflag:s24] =	ssyncset.done $0x0  }
0xcf: {  	s11 =	simm.s32 $0x1100;
	[sflag:s24] =	ssyncadd.s32 $0xFFFFF000  }
0xd0: {  	[spmem:s2] =	stream.indirect.scatter.add.f32 [tilespmem:s20], [sflag:$0x5], $0x80, s11, s15, $0xb8;
	[tilespmem:$0x1A800] =	vst v63  }
0xd1: {  	_ =	swait.ge [sflag:s13], $0x1000  }
0xd2: {  	[sflag:s13] =	ssyncset.done $0x0  }
0xd3: {  	s14 =	simm.s32 $0x300;
	[sflag:s13] =	ssyncadd.s32 $0xFFFFF000  }
0xd4: {  	[tilespmem:s20], [sflag:$0x3] =	stream.indirect.gather [hbm4b:s5+s15], $0x80, s14, s15, $0xb8;
	[tilespmem:$0x1A800] =	vst v63  }
0xd5: {  	_ =	swait.ge [sflag:s25], $0x1000  }
0xd6: {  	[sflag:s25] =	ssyncset.done $0x0  }
0xd7: {  	s17 =	simm.s32 $0x1180;
	[sflag:s25] =	ssyncadd.s32 $0xFFFFF000  }
0xd8: {  	[spmem:s2] =	stream.indirect.scatter.add.f32 [tilespmem:s21], [sflag:$0x5], $0x80, s17, s15, $0xb8;
	[tilespmem:$0x1A800] =	vst v63  }
0xd9: {  	_ =	swait.ge [sflag:s13], $0x1000  }
0xda: {  	s10 =	simm.s32 $0x200;
	s11 =	simm.s32 $0x1000;
	[sflag:s13] =	ssyncset.done $0x0  }
.LBB2_5:
0xdb: {  	s17 =	sadd.s32 $0x180, s10  }
0xdc: {  	[sflag:s13] =	ssyncadd.s32 $0xFFFFF000;
	s3 =	smov.u32 s11;
	s14 =	sadd.s32 $0x800, s11  }
0xdd: {  	[tilespmem:s21], [sflag:$0x4] =	stream.indirect.gather [hbm4b:s5+s15], $0x80, s17, s15, $0xb8;
	[tilespmem:$0x1A800] =	vst v63  }
0xde: {  	p1 =	sne.s32 s11, $0x3000;
	_ =	swait.ge [sflag:s22], $0x1000  }
0xdf: {  	[sflag:s22] =	ssyncset.done $0x0  }
0xe0: {  	s11 =	sadd.s32 $0x1000, s10;
	[sflag:s22] =	ssyncadd.s32 $0xFFFFF000  }
0xe1: {  	[spmem:s2] =	stream.indirect.scatter.add.f32 [tilespmem:s16], [sflag:$0x5], $0x80, s11, s15, $0xb8;
	[tilespmem:$0x1A800] =	vst v63  }
0xe2: {  	_ =	swait.ge [sflag:s13], $0x1000  }
0xe3: {  	[sflag:s13] =	ssyncset.done $0x0  }
0xe4: {  	s11 =	sadd.s32 $0x200, s10;
	[sflag:s13] =	ssyncadd.s32 $0xFFFFF000  }
0xe5: {  	[tilespmem:s16], [sflag:$0x1] =	stream.indirect.gather [hbm4b:s5+s15], $0x80, s11, s15, $0xb8;
	[tilespmem:$0x1A800] =	vst v63  }
0xe6: {  	_ =	swait.ge [sflag:s23], $0x1000  }
0xe7: {  	[sflag:s23] =	ssyncset.done $0x0  }
0xe8: {  	s11 =	sadd.s32 $0x1080, s10;
	[sflag:s23] =	ssyncadd.s32 $0xFFFFF000  }
0xe9: {  	[spmem:s2] =	stream.indirect.scatter.add.f32 [tilespmem:s18], [sflag:$0x5], $0x80, s11, s15, $0xb8;
	[tilespmem:$0x1A800] =	vst v63  }
0xea: {  	_ =	swait.ge [sflag:s13], $0x1000  }
0xeb: {  	[sflag:s13] =	ssyncset.done $0x0  }
0xec: {  	s11 =	sadd.s32 $0x280, s10;
	[sflag:s13] =	ssyncadd.s32 $0xFFFFF000  }
0xed: {  	[tilespmem:s18], [sflag:$0x2] =	stream.indirect.gather [hbm4b:s5+s15], $0x80, s11, s15, $0xb8;
	[tilespmem:$0x1A800] =	vst v63  }
0xee: {  	_ =	swait.ge [sflag:s24], $0x1000  }
0xef: {  	[sflag:s24] =	ssyncset.done $0x0  }
0xf0: {  	s11 =	sadd.s32 $0x1100, s10;
	[sflag:s24] =	ssyncadd.s32 $0xFFFFF000  }
0xf1: {  	[spmem:s2] =	stream.indirect.scatter.add.f32 [tilespmem:s20], [sflag:$0x5], $0x80, s11, s15, $0xb8;
	[tilespmem:$0x1A800] =	vst v63  }
0xf2: {  	_ =	swait.ge [sflag:s13], $0x1000  }
0xf3: {  	[sflag:s13] =	ssyncset.done $0x0  }
0xf4: {  	s11 =	sadd.s32 $0x300, s10;
	[sflag:s13] =	ssyncadd.s32 $0xFFFFF000  }
0xf5: {  	[tilespmem:s20], [sflag:$0x3] =	stream.indirect.gather [hbm4b:s5+s15], $0x80, s11, s15, $0xb8;
	[tilespmem:$0x1A800] =	vst v63  }
0xf6: {  	_ =	swait.ge [sflag:s25], $0x1000  }
.Ltmp4:
0xf7: {  	[sflag:s25] =	ssyncset.done $0x0;
	(pc) =	sbr.rel @p1 .LBB2_5-.Ltmp4, $4  }
0xf8: {  	s10 =	sadd.s32 $0x1180, s10;
	[sflag:s25] =	ssyncadd.s32 $0xFFFFF000  }
0xf9: {  	[spmem:s2] =	stream.indirect.scatter.add.f32 [tilespmem:s21], [sflag:$0x5], $0x80, s10, s15, $0xb8;
	[tilespmem:$0x1A800] =	vst v63  }
0xfa: {  	_ =	swait.ge [sflag:s13], $0x1000  }
0xfb: {  	s11 =	smov.u32 s14;
	s10 =	sshra.s32 s3, $0x2;
	[sflag:s13] =	ssyncset.done $0x0  }
0xfc: {  	s3 =	sadd.s32 $0x180, s10;
	[sflag:s13] =	ssyncadd.s32 $0xFFFFF000  }
0xfd: {  	[tilespmem:s21], [sflag:$0x4] =	stream.indirect.gather [hbm4b:s5+s15], $0x80, s3, s15, $0xb8;
	[tilespmem:$0x1A800] =	vst v63  }
0xfe: {  	_ =	swait.ge [sflag:s22], $0x1000  }
0xff: {  	[sflag:s22] =	ssyncset.done $0x0  }
0x100: {  	s17 =	sadd.s32 $0x1000, s10;
	[sflag:s22] =	ssyncadd.s32 $0xFFFFF000  }
0x101: {  	[spmem:s2] =	stream.indirect.scatter.add.f32 [tilespmem:s16], [sflag:$0x5], $0x80, s17, s15, $0xb8;
	[tilespmem:$0x1A800] =	vst v63  }
0x102: {  	_ =	swait.ge [sflag:s13], $0x1000  }
0x103: {  	[sflag:s13] =	ssyncset.done $0x0  }
0x104: {  	s11 =	sadd.s32 $0x200, s10;
	[sflag:s13] =	ssyncadd.s32 $0xFFFFF000  }
0x105: {  	[tilespmem:s16], [sflag:$0x1] =	stream.indirect.gather [hbm4b:s5+s15], $0x80, s11, s15, $0xb8;
	[tilespmem:$0x1A800] =	vst v63  }
0x106: {  	_ =	swait.ge [sflag:s23], $0x1000  }
0x107: {  	[sflag:s23] =	ssyncset.done $0x0  }
0x108: {  	s14 =	sadd.s32 $0x1080, s10;
	[sflag:s23] =	ssyncadd.s32 $0xFFFFF000  }
0x109: {  	[spmem:s2] =	stream.indirect.scatter.add.f32 [tilespmem:s18], [sflag:$0x5], $0x80, s14, s15, $0xb8;
	[tilespmem:$0x1A800] =	vst v63  }
0x10a: {  	_ =	swait.ge [sflag:s13], $0x1000  }
0x10b: {  	[sflag:s13] =	ssyncset.done $0x0  }
0x10c: {  	s17 =	sadd.s32 $0x280, s10;
	[sflag:s13] =	ssyncadd.s32 $0xFFFFF000  }
0x10d: {  	[tilespmem:s18], [sflag:$0x2] =	stream.indirect.gather [hbm4b:s5+s15], $0x80, s17, s15, $0xb8;
	[tilespmem:$0x1A800] =	vst v63  }
0x10e: {  	_ =	swait.ge [sflag:s24], $0x1000  }
0x10f: {  	[sflag:s24] =	ssyncset.done $0x0  }
0x110: {  	s11 =	sadd.s32 $0x1100, s10;
	[sflag:s24] =	ssyncadd.s32 $0xFFFFF000  }
0x111: {  	[spmem:s2] =	stream.indirect.scatter.add.f32 [tilespmem:s20], [sflag:$0x5], $0x80, s11, s15, $0xb8;
	[tilespmem:$0x1A800] =	vst v63  }
0x112: {  	_ =	swait.ge [sflag:s13], $0x1000  }
0x113: {  	[sflag:s13] =	ssyncset.done $0x0  }
0x114: {  	s14 =	sadd.s32 $0x300, s10;
	[sflag:s13] =	ssyncadd.s32 $0xFFFFF000  }
0x115: {  	[tilespmem:s20], [sflag:$0x3] =	stream.indirect.gather [hbm4b:s5+s15], $0x80, s14, s15, $0xb8;
	[tilespmem:$0x1A800] =	vst v63  }
0x116: {  	_ =	swait.ge [sflag:s25], $0x1000  }
0x117: {  	[sflag:s25] =	ssyncset.done $0x0  }
0x118: {  	s17 =	sadd.s32 $0x1180, s10;
	[sflag:s25] =	ssyncadd.s32 $0xFFFFF000  }
0x119: {  	[spmem:s2] =	stream.indirect.scatter.add.f32 [tilespmem:s21], [sflag:$0x5], $0x80, s17, s15, $0xb8;
	[tilespmem:$0x1A800] =	vst v63  }
0x11a: {  	_ =	swait.ge [sflag:s13], $0x1000  }
0x11b: {  	[sflag:s13] =	ssyncset.done $0x0  }
0x11c: {  	[sflag:s13] =	ssyncadd.s32 $0xFFFFF000  }
0x11d: {  	[tilespmem:s21], [sflag:$0x4] =	stream.indirect.gather [hbm4b:s5+s15], $0x80, s26, s15, $0xb8;
	[tilespmem:$0x1A800] =	vst v63  }
0x11e: {  	_ =	swait.ge [sflag:s22], $0x1000  }
0x11f: {  	[sflag:s22] =	ssyncset.done $0x0  }
0x120: {  	[sflag:s22] =	ssyncadd.s32 $0xFFFFF000  }
0x121: {  	[spmem:s2] =	stream.indirect.scatter.add.f32 [tilespmem:s16], [sflag:$0x5], $0x80, s28, s15, $0xb8;
	[tilespmem:$0x1A800] =	vst v63  }
0x122: {  	_ =	swait.ge [sflag:s13], $0x1000  }
0x123: {  	[sflag:s13] =	ssyncset.done $0x0  }
0x124: {  	[sflag:s13] =	ssyncadd.s32 $0xFFFFF000  }
0x125: {  	_ =	swait.ge [sflag:s23], $0x1000  }
0x126: {  	[sflag:s23] =	ssyncset.done $0x0  }
0x127: {  	[sflag:s23] =	ssyncadd.s32 $0xFFFFF000  }
0x128: {  	[spmem:s2] =	stream.indirect.scatter.add.f32 [tilespmem:s18], [sflag:$0x5], $0x80, s29, s15, $0xb8;
	[tilespmem:$0x1A800] =	vst v63  }
0x129: {  	_ =	swait.ge [sflag:s13], $0x1000  }
0x12a: {  	[sflag:s13] =	ssyncset.done $0x0  }
0x12b: {  	[sflag:s13] =	ssyncadd.s32 $0xFFFFF000  }
0x12c: {  	_ =	swait.ge [sflag:s24], $0x1000  }
0x12d: {  	[sflag:s24] =	ssyncset.done $0x0  }
0x12e: {  	[sflag:s24] =	ssyncadd.s32 $0xFFFFF000  }
0x12f: {  	[spmem:s2] =	stream.indirect.scatter.add.f32 [tilespmem:s20], [sflag:$0x5], $0x80, s30, s15, $0xb8;
	[tilespmem:$0x1A800] =	vst v63  }
0x130: {  	_ =	swait.ge [sflag:s13], $0x1000  }
0x131: {  	[sflag:s13] =	ssyncset.done $0x0  }
0x132: {  	[sflag:s13] =	ssyncadd.s32 $0xFFFFF000  }
0x133: {  	_ =	swait.ge [sflag:s25], $0x1000  }
0x134: {  	s1 =	sadd.s32 $0x1, s1;
	[sflag:s25] =	ssyncset.done $0x0  }
0x135: {  	p1 =	sne.s32 s1, s8;
	[sflag:s25] =	ssyncadd.s32 $0xFFFFF000  }
0x136: {  	[spmem:s2] =	stream.indirect.scatter.add.f32 [tilespmem:s21], [sflag:$0x5], $0x80, s31, s15, $0xb8;
	[tilespmem:$0x1A800] =	vst v63  }
.Ltmp5:
0x137: {  	_ = 	snop;
	(pc) =	sbr.rel @p1 .LBB2_4-.Ltmp5, $4  }
.Ltmp6:
0x138: {  	_ = 	snop;
	(pc) =	sbr.rel @!p1 .LBB2_7-.Ltmp6, $4  }
0x139: {  	_ =	swait.ge [sflag:s13], $0x1000  }
0x13a: {  	[sflag:s13] =	ssyncset.done $0x0  }
0x13b: {  	[sflag:s13] =	ssyncadd.s32 $0xFFFFF000  }
0x13c: {  	_ = 	snop  }
.LBB2_8:
0x13d: {  	_ =	sfence.sel $0x180000  }
0x13e: {  	[bflag:$0x0] =	sbarrier.arrive $0xFFFF  }
0x13f: {  	_ =	strace $0x9000004A  }
0x140: {  	s0 =	stileid.u32;
	[bflag:$0x2] =	sbarrier.arrive $0xFFFF  }
0x141: {  	p0 =	sne.s32 s0, $0x0;
	s0 =	rddreg [dreg:$0x2]  }
0x142: {  	s0 =	sadd.s32 @!p0 $0x100000, s0  }
0x143: {  	[sflag:s0] =	ssyncadd.tile.s32 @!p0 $0x1;
	_ =	shalt  }
.Lfunc_end2:
_tile_overlayer_lowered:
.L_overlay_start_2:
0x144: {  	(tag) =	ssettag $0x2  }
0x145: {  	s0 =	rddreg [dreg:$0x0];
	s2 =	stileid.u32  }
0x146: {  	s1 =	rddreg [dreg:$0x1];
	p0 =	sne.s32 s2, $0x0  }
0x147: {  	s3 =	rddreg [dreg:$0x2];
	[bflag:$0x3] =	sbarrier.arrive $0xFFFF;
	s2 =	simm.s32 @!p0 $0x1C05  }
0x148: {  	[timem:s3], [sflag:s2] =	dma.local @!p0 [hbm:s0], s1  }
0x149: {  	s0 =	simm.s32 @!p0 $0x5  }
0x14a: {  	_ =	swait.ge @!p0 [sflag:s0], s1  }
0x14b: {  	s1 =	ssub.s32 @!p0 $0x0, s1;
	[sflag:s0] =	ssyncset.done @!p0 $0x0  }
0x14c: {  	[sflag:s0] =	ssyncadd.s32 @!p0 s1  }
0x14d: {  	[bflag:$0x3] =	sbarrier.arrive $0xFFFF  }
0x14e: {  	_ =	shalt  }

</sc_bundles>
